<compile_context>
chip_gen: v7x
topology: tpu7x:2x2x1
jax: 0.10.2.dev20260603
libtpu: 0.0.44.dev20260713+nightly
codegen_flags: <defaults>
</compile_context>

<pallas_src>
import functools

import jax
import jax.numpy as jnp
from jax import lax
from jax.experimental import pallas as pl
from jax.experimental.pallas import tpu as pltpu
from jax.experimental.pallas import tpu_sc as plsc

N = 10000
E = 320000
HID = 128
HEADS = 8
HDIM = 16
ROW = 144
BLK = 1000
GRID = N // BLK

NC = 2
NS = 16
NW = NC * NS
EPW = E // NW
K = 80
NCHUNK = EPW // K
NP = 10240
RPT = NP // NS

_F32 = jnp.float32



def _pack(h, asm, adm, repm, src_ref, dst_ref, acc_ref):
    a_s = jnp.dot(h, asm, preferred_element_type=_F32, precision=jax.lax.Precision.HIGHEST)
    a_d = jnp.dot(h, adm, preferred_element_type=_F32, precision=jax.lax.Precision.HIGHEST)
    u = a_s + a_d
    es = jnp.exp(jnp.where(u > 0.0, u, 0.2 * u))
    esr = jnp.dot(es, repm, preferred_element_type=_F32, precision=jax.lax.Precision.HIGHEST)
    z8 = jnp.zeros((h.shape[0], HEADS), _F32)
    src_ref[...] = jnp.concatenate(
        [h, jnp.exp(a_s), jnp.exp(0.2 * a_s)], axis=1)
    dst_ref[...] = jnp.concatenate(
        [jnp.exp(a_d), jnp.exp(0.2 * a_d)], axis=1)
    acc_ref[...] = jnp.concatenate([0.5 * h * esr, 0.5 * es, z8], axis=1)


def _prep1_body(x_ref, wp_ref, b_ref, w1_ref, asm_ref, adm_ref, rep_ref,
                src_ref, dst_ref, acc_ref):
    h0 = jnp.dot(x_ref[...], wp_ref[...], preferred_element_type=_F32, precision=jax.lax.Precision.HIGHEST) + b_ref[...]
    h = jnp.dot(h0, w1_ref[...], preferred_element_type=_F32, precision=jax.lax.Precision.HIGHEST)
    _pack(h, asm_ref[...], adm_ref[...], rep_ref[...], src_ref, dst_ref, acc_ref)


def _prep2_body(p_ref, bias_ref, w_ref, asm_ref, adm_ref, rep_ref,
                src_ref, dst_ref, acc_ref):
    acc = p_ref[0] + p_ref[1]
    dinv = 1.0 / (acc[:, HID:HID + HEADS] + 1e-16)
    hin = jnp.maximum(
        acc[:, :HID] * jnp.dot(dinv, rep_ref[...], preferred_element_type=_F32, precision=jax.lax.Precision.HIGHEST)
        + bias_ref[...], 0.0)
    h = jnp.dot(hin, w_ref[...], preferred_element_type=_F32, precision=jax.lax.Precision.HIGHEST)
    _pack(h, asm_ref[...], adm_ref[...], rep_ref[...], src_ref, dst_ref, acc_ref)


def _final_body(p_ref, bias_ref, rep_ref, fw1_ref, fb1_ref, fw2_ref, fb2_ref,
                out_ref):
    acc = p_ref[0] + p_ref[1]
    dinv = 1.0 / (acc[:, HID:HID + HEADS] + 1e-16)
    h2 = jnp.maximum(
        acc[:, :HID] * jnp.dot(dinv, rep_ref[...], preferred_element_type=_F32, precision=jax.lax.Precision.HIGHEST)
        + bias_ref[...], 0.0)
    h3 = jnp.maximum(
        jnp.dot(h2, fw1_ref[...], preferred_element_type=_F32, precision=jax.lax.Precision.HIGHEST) + fb1_ref[...], 0.0)
    out_ref[...] = jnp.dot(h3, fw2_ref[...], preferred_element_type=_F32, precision=jax.lax.Precision.HIGHEST) + fb2_ref[...]


def _full(shape):
    return pl.BlockSpec(shape, lambda i: tuple(0 for _ in shape))


def _tc_prep1(xpad, wp, b, w1, asm, adm, repm):
    return pl.pallas_call(
        _prep1_body,
        grid=(GRID,),
        in_specs=[
            pl.BlockSpec((BLK, 8), lambda i: (i, 0)),
            _full((8, HID)), _full((1, HID)), _full((HID, HID)),
            _full((HID, HEADS)), _full((HID, HEADS)), _full((HEADS, HID)),
        ],
        out_specs=[
            pl.BlockSpec((BLK, ROW), lambda i: (i, 0)),
            pl.BlockSpec((BLK, 16), lambda i: (i, 0)),
            pl.BlockSpec((BLK, ROW), lambda i: (i, 0)),
        ],
        out_shape=[
            jax.ShapeDtypeStruct((N, ROW), _F32),
            jax.ShapeDtypeStruct((N, 16), _F32),
            jax.ShapeDtypeStruct((N, ROW), _F32),
        ],
    )(xpad, wp, b, w1, asm, adm, repm)


def _tc_prep2(partials, bias, w, asm, adm, repm):
    return pl.pallas_call(
        _prep2_body,
        grid=(GRID,),
        in_specs=[
            pl.BlockSpec((NC, BLK, ROW), lambda i: (0, i, 0)),
            _full((1, HID)), _full((HID, HID)),
            _full((HID, HEADS)), _full((HID, HEADS)), _full((HEADS, HID)),
        ],
        out_specs=[
            pl.BlockSpec((BLK, ROW), lambda i: (i, 0)),
            pl.BlockSpec((BLK, 16), lambda i: (i, 0)),
            pl.BlockSpec((BLK, ROW), lambda i: (i, 0)),
        ],
        out_shape=[
            jax.ShapeDtypeStruct((N, ROW), _F32),
            jax.ShapeDtypeStruct((N, 16), _F32),
            jax.ShapeDtypeStruct((N, ROW), _F32),
        ],
    )(partials, bias, w, asm, adm, repm)


def _tc_final(partials, bias, repm, fw1, fb1, fw2p, fb2p):
    return pl.pallas_call(
        _final_body,
        grid=(GRID,),
        in_specs=[
            pl.BlockSpec((NC, BLK, ROW), lambda i: (0, i, 0)),
            _full((1, HID)), _full((HEADS, HID)),
            _full((HID, HID // 2)), _full((1, HID // 2)),
            _full((HID // 2, 8)), _full((1, 8)),
        ],
        out_specs=pl.BlockSpec((BLK, 8), lambda i: (i, 0)),
        out_shape=jax.ShapeDtypeStruct((N, 8), _F32),
    )(partials, bias, repm, fw1, fb1, fw2p, fb2p)



def _sc_edge_kernel(srcpack_hbm, dstpack_hbm, srcids_hbm, dstids_hbm,
                    accinit_hbm, out_hbm,
                    acc_sh, sidx, didx, srows, drows, sidx2, didx2,
                    srows2, drows2, sem1, sem2, sem3, sem4):
    c = lax.axis_index("c")
    s = lax.axis_index("s")
    base_r = s * RPT
    pltpu.sync_copy(accinit_hbm.at[pl.ds(base_r, RPT)],
                    acc_sh.at[pl.ds(base_r, RPT)])
    plsc.subcore_barrier()

    wid = c * NS + s
    ebase = wid * EPW

    def copy_idx(i, sidx_b, didx_b):
        off = ebase + i * K
        pltpu.sync_copy(srcids_hbm.at[pl.ds(off, K)], sidx_b)
        pltpu.sync_copy(dstids_hbm.at[pl.ds(off, K)], didx_b)

    def start_gather(b):
        sidx_b, didx_b, srows_b, drows_b, s1, s2 = b
        pltpu.async_copy(srcpack_hbm.at[sidx_b], srows_b, s1)
        pltpu.async_copy(dstpack_hbm.at[didx_b], drows_b, s2)

    def wait_gather(b):
        sidx_b, didx_b, srows_b, drows_b, s1, s2 = b
        pltpu.make_async_copy(srcpack_hbm.at[sidx_b], srows_b, s1).wait()
        pltpu.make_async_copy(dstpack_hbm.at[didx_b], drows_b, s2).wait()

    def compute_scatter(b):
        sidx_b, didx_b, srows_b, drows_b, s1, s2 = b

        idx_hi = (lax.iota(jnp.int32, 16) & 7) + 8

        def edge(e, carry2):
            tail = srows_b[e, pl.ds(HID, 16)]
            drow = drows_b[e, :]
            t = tail * drow
            r = jnp.take_along_axis(t, idx_hi, axis=0)
            ex = jnp.where(t > 1.0, t, r)
            srows_b[e, pl.ds(HID, 16)] = ex
            for j in range(HEADS):
                sj = jnp.take_along_axis(
                    ex, jnp.full((16,), j, jnp.int32), axis=0)
                srows_b[e, pl.ds(j * HDIM, HDIM)] = (
                    srows_b[e, pl.ds(j * HDIM, HDIM)] * sj)
            return carry2

        def edge2(e2, carry2):
            edge(2 * e2, carry2)
            edge(2 * e2 + 1, carry2)
            return carry2

        lax.fori_loop(0, K // 2, edge2, 0)
        pltpu.sync_copy(srows_b, acc_sh.at[didx_b], add=True)

    buf_a = (sidx, didx, srows, drows, sem1, sem2)
    buf_b = (sidx2, didx2, srows2, drows2, sem3, sem4)

    copy_idx(0, sidx, didx)
    start_gather(buf_a)

    def pair(t, carry):
        copy_idx(2 * t + 1, sidx2, didx2)
        start_gather(buf_b)
        wait_gather(buf_a)
        compute_scatter(buf_a)
        copy_idx(2 * t + 2, sidx, didx)
        start_gather(buf_a)
        wait_gather(buf_b)
        compute_scatter(buf_b)
        return carry

    lax.fori_loop(0, (NCHUNK - 1) // 2, pair, 0)
    wait_gather(buf_a)
    compute_scatter(buf_a)
    plsc.subcore_barrier()
    pltpu.sync_copy(acc_sh.at[pl.ds(base_r, RPT)],
                    out_hbm.at[c, pl.ds(base_r, RPT)])


def _sc_edge(srcpack, dstpack, srcids, dstids, accinit):
    mesh = plsc.VectorSubcoreMesh(core_axis_name="c", subcore_axis_name="s",
                                  num_cores=NC, num_subcores=NS)
    accinit = jnp.pad(accinit, ((0, NP - N), (0, 0)))
    f = functools.partial(
        pl.kernel,
        out_type=jax.ShapeDtypeStruct((NC, NP, ROW), _F32),
        mesh=mesh,
        scratch_types=[
            pltpu.VMEM_SHARED((NP, ROW), _F32),
            pltpu.VMEM((K,), jnp.int32),
            pltpu.VMEM((K,), jnp.int32),
            pltpu.VMEM((K, ROW), _F32),
            pltpu.VMEM((K, 16), _F32),
            pltpu.VMEM((K,), jnp.int32),
            pltpu.VMEM((K,), jnp.int32),
            pltpu.VMEM((K, ROW), _F32),
            pltpu.VMEM((K, 16), _F32),
            pltpu.SemaphoreType.DMA,
            pltpu.SemaphoreType.DMA,
            pltpu.SemaphoreType.DMA,
            pltpu.SemaphoreType.DMA,
        ],
        compiler_params=pltpu.CompilerParams(use_tc_tiling_on_sc=False),
    )(_sc_edge_kernel)
    return f(srcpack, dstpack, srcids, dstids, accinit)[:, :N, :]



def kernel(x, edge_index, W_in, b_in, W1, att_src1, att_dst1, bias1,
           W2, att_src2, att_dst2, bias2, fe_W1, fe_b1, fe_W2, fe_b2):
    srcids = edge_index[0]
    dstids = edge_index[1]

    xpad = jnp.pad(x, ((0, 0), (0, 1)))
    wp = jnp.pad(W_in, ((0, 1), (0, 0)))

    eye = jnp.eye(HEADS, dtype=_F32)
    repcol = jnp.repeat(eye, HDIM, axis=0)
    repm = repcol.T
    asm1 = repcol * att_src1.reshape(HID, 1)
    adm1 = repcol * att_dst1.reshape(HID, 1)
    asm2 = repcol * att_src2.reshape(HID, 1)
    adm2 = repcol * att_dst2.reshape(HID, 1)

    sp1, dp1, ai1 = _tc_prep1(xpad, wp, b_in.reshape(1, HID), W1,
                              asm1, adm1, repm)
    part1 = _sc_edge(sp1, dp1, srcids, dstids, ai1)
    sp2, dp2, ai2 = _tc_prep2(part1, bias1.reshape(1, HID), W2,
                              asm2, adm2, repm)
    part2 = _sc_edge(sp2, dp2, srcids, dstids, ai2)
    ypad = _tc_final(part2, bias2.reshape(1, HID), repm,
                     fe_W1, fe_b1.reshape(1, HID // 2),
                     jnp.pad(fe_W2, ((0, 0), (0, 1))),
                     jnp.pad(fe_b2, (0, 1)).reshape(1, 8))
    return ypad[:, :7]

# --- scband reference (transcript-rebuilt; emitter-appended) ---
"""Pipeline reference for scband-graph-transformer-feature-extractor-6219112644670 (READ-ONLY COPY).

The authoritative reference and input builder live on the scoring server;
editing this copy changes nothing except your own understanding.
"""

import jax, jax.numpy as jnp
import numpy as np

N = 10000
E = 320000
IN_DIM = 7
HID = 128
HEADS = 8
HDIM = HID // HEADS


def gat_layer(x, src, dst, W, att_src, att_dst, bias):
    # PyG GATConv with concat=True: per-head linear, additive attention,
    # leaky_relu(0.2), softmax over incoming edges per dst, sum-aggregate.
    n = x.shape[0]
    h = (x @ W).reshape(n, HEADS, HDIM)
    a_src = (h * att_src[None, :, :]).sum(-1)  # [n, heads]
    a_dst = (h * att_dst[None, :, :]).sum(-1)  # [n, heads]
    e = jax.nn.leaky_relu(a_src[src] + a_dst[dst], 0.2)  # [E', heads]
    e_max = jax.ops.segment_max(e, dst, num_segments=n)
    e_max = jnp.where(jnp.isfinite(e_max), e_max, 0.0)
    e_exp = jnp.exp(e - e_max[dst])
    denom = jax.ops.segment_sum(e_exp, dst, num_segments=n)
    alpha = e_exp / (denom[dst] + 1e-16)
    out = jax.ops.segment_sum(h[src] * alpha[:, :, None], dst, num_segments=n)
    return out.reshape(n, HID) + bias


def setup_inputs(seed: int = 0) -> dict:
    key = jax.random.key(seed)
    ks = jax.random.split(key, 16)
    x = jax.random.normal(ks[0], (N, IN_DIM), dtype=jnp.float32)
    edge_index = jax.random.randint(ks[1], (2, E), 0, N, dtype=jnp.int32)
    s_in = 1.0 / np.sqrt(IN_DIM)
    s_h = 1.0 / np.sqrt(HID)
    return {
        'x': x,
        'edge_index': edge_index,
        'W_in': jax.random.normal(ks[2], (IN_DIM, HID), dtype=jnp.float32) * s_in,
        'b_in': jnp.zeros((HID,), dtype=jnp.float32),
        'W1': jax.random.normal(ks[3], (HID, HID), dtype=jnp.float32) * s_h,
        'att_src1': jax.random.normal(ks[4], (HEADS, HDIM), dtype=jnp.float32) * 0.1,
        'att_dst1': jax.random.normal(ks[5], (HEADS, HDIM), dtype=jnp.float32) * 0.1,
        'bias1': jnp.zeros((HID,), dtype=jnp.float32),
        'W2': jax.random.normal(ks[6], (HID, HID), dtype=jnp.float32) * s_h,
        'att_src2': jax.random.normal(ks[7], (HEADS, HDIM), dtype=jnp.float32) * 0.1,
        'att_dst2': jax.random.normal(ks[8], (HEADS, HDIM), dtype=jnp.float32) * 0.1,
        'bias2': jnp.zeros((HID,), dtype=jnp.float32),
        'fe_W1': jax.random.normal(ks[9], (HID, HID // 2), dtype=jnp.float32) * s_h,
        'fe_b1': jnp.zeros((HID // 2,), dtype=jnp.float32),
        'fe_W2': jax.random.normal(ks[10], (HID // 2, 7), dtype=jnp.float32) * (1.0 / np.sqrt(HID // 2)),
        'fe_b2': jnp.zeros((7,), dtype=jnp.float32),
    }


def reference(x, edge_index, W_in, b_in, W1, att_src1, att_dst1, bias1,
              W2, att_src2, att_dst2, bias2, fe_W1, fe_b1, fe_W2, fe_b2):
    n = x.shape[0]
    # PyG GATConv adds self-loops by default
    loop = jnp.arange(n, dtype=edge_index.dtype)
    src = jnp.concatenate([edge_index[0], loop])
    dst = jnp.concatenate([edge_index[1], loop])
    h = x @ W_in + b_in
    h = jax.nn.relu(gat_layer(h, src, dst, W1, att_src1, att_dst1, bias1))
    h = jax.nn.relu(gat_layer(h, src, dst, W2, att_src2, att_dst2, bias2))
    h2 = jax.nn.relu(h @ fe_W1 + fe_b1)
    return h2 @ fe_W2 + fe_b2

if __name__ == "__main__":
    import jax
    _d = setup_inputs()
    print(jax.jit(kernel)(*tuple(_d.values())))

</pallas_src>

<mosaic_0001>
#map = affine_map<(d0, d1) -> (0, 0)>
#map1 = affine_map<(d0, d1) -> (0)>
#map2 = affine_map<(d0, d1) -> (0, 0, 0)>
module attributes {stable_mosaic.version = 14 : i64} {
  func.func @_sc_edge_kernel(%arg0: i32, %arg1: i32, %arg2: memref<10000x144xf32, #tpu.memory_space<hbm>>, %arg3: memref<10000x16xf32, #tpu.memory_space<hbm>>, %arg4: memref<320000xi32, #tpu.memory_space<hbm>>, %arg5: memref<320000xi32, #tpu.memory_space<hbm>>, %arg6: memref<10240x144xf32, #tpu.memory_space<hbm>>, %arg7: memref<2x10240x144xf32, #tpu.memory_space<hbm>>, %arg8: memref<10240x144xf32, #tpu.memory_space<vmem_shared>>, %arg9: memref<80xi32, #tpu.memory_space<vmem>>, %arg10: memref<80xi32, #tpu.memory_space<vmem>>, %arg11: memref<80x144xf32, #tpu.memory_space<vmem>>, %arg12: memref<80x16xf32, #tpu.memory_space<vmem>>, %arg13: memref<80xi32, #tpu.memory_space<vmem>>, %arg14: memref<80xi32, #tpu.memory_space<vmem>>, %arg15: memref<80x144xf32, #tpu.memory_space<vmem>>, %arg16: memref<80x16xf32, #tpu.memory_space<vmem>>, %arg17: memref<!tpu.dma_semaphore, #tpu.memory_space<semaphore_mem>>, %arg18: memref<!tpu.dma_semaphore, #tpu.memory_space<semaphore_mem>>, %arg19: memref<!tpu.dma_semaphore, #tpu.memory_space<semaphore_mem>>, %arg20: memref<!tpu.dma_semaphore, #tpu.memory_space<semaphore_mem>>) attributes {dimension_semantics = [#tpu.dimension_semantics<core_parallel>, #tpu.dimension_semantics<subcore_parallel>], iteration_bounds = array<i64: 2, 16>, scalar_prefetch = 0 : i64, scratch_operands = 13 : i64, tpu.core_type = #tpu.core_type<sc_vector_subcore>, window_params = [{transform_indices = #map}, {transform_indices = #map}, {transform_indices = #map1}, {transform_indices = #map1}, {transform_indices = #map}, {transform_indices = #map2}]} {
    %mul3A = arith.constant 640 : i32
    %mul3A_0 = arith.muli %arg1, %mul3A : i32
    "tpu.region"() ({
      %run_scoped3A = tpu.sem_alloc : memref<!tpu.dma_semaphore, #tpu.memory_space<semaphore_mem>>
      %dma_start3A_34 = arith.constant 0 : i32
      %dma_start3A_35 = tpu.memref_slice %arg8[%mul3A_0, %dma_start3A_34] : memref<10240x144xf32, #tpu.memory_space<vmem_shared>> -> memref<640x144xf32, #tpu.memory_space<vmem_shared>>
      %dma_start3A_36 = arith.constant 0 : i32
      %dma_start3A_37 = tpu.memref_slice %arg6[%mul3A_0, %dma_start3A_36] : memref<10240x144xf32, #tpu.memory_space<hbm>> -> memref<640x144xf32, #tpu.memory_space<hbm>>
      tpu.enqueue_dma source(%dma_start3A_37 : memref<640x144xf32, #tpu.memory_space<hbm>>) target(%dma_start3A_35 : memref<640x144xf32, #tpu.memory_space<vmem_shared>>) target_semaphore(%run_scoped3A : memref<!tpu.dma_semaphore, #tpu.memory_space<semaphore_mem>>)
      %dma_wait3A_38 = arith.constant 0 : i32
      %dma_wait3A_39 = tpu.memref_slice %arg8[%mul3A_0, %dma_wait3A_38] : memref<10240x144xf32, #tpu.memory_space<vmem_shared>> -> memref<640x144xf32, #tpu.memory_space<vmem_shared>>
      %dma_wait3A_40 = arith.constant 0 : i32
      %dma_wait3A_41 = tpu.memref_slice %arg6[%mul3A_0, %dma_wait3A_40] : memref<10240x144xf32, #tpu.memory_space<hbm>> -> memref<640x144xf32, #tpu.memory_space<hbm>>
      tpu.wait_dma2 semaphore(%run_scoped3A : memref<!tpu.dma_semaphore, #tpu.memory_space<semaphore_mem>>) src(%dma_wait3A_41 : memref<640x144xf32, #tpu.memory_space<hbm>>) dst(%dma_wait3A_39 : memref<640x144xf32, #tpu.memory_space<vmem_shared>>)
      tpu.yield
    }) : () -> ()
    %barrier3A = arith.constant 0 : index
    tpu.barrier barrier_id(%barrier3A)
    %mul3A_1 = arith.constant 16 : i32
    %mul3A_2 = arith.muli %arg0, %mul3A_1 : i32
    %add3A = arith.addi %mul3A_2, %arg1 : i32
    %mul3A_3 = arith.constant 10000 : i32
    %mul3A_4 = arith.muli %add3A, %mul3A_3 : i32
    %add3A_5 = arith.constant 0 : i32
    %add3A_6 = arith.addi %mul3A_4, %add3A_5 : i32
    "tpu.region"() ({
      %run_scoped3A = tpu.sem_alloc : memref<!tpu.dma_semaphore, #tpu.memory_space<semaphore_mem>>
      %dma_start3A_34 = tpu.memref_slice %arg4[%add3A_6] : memref<320000xi32, #tpu.memory_space<hbm>> -> memref<80xi32, #tpu.memory_space<hbm>>
      %dma_start3A_35 = tpu.memref_slice %arg4[%add3A_6] : memref<320000xi32, #tpu.memory_space<hbm>> -> memref<80xi32, #tpu.memory_space<hbm>>
      tpu.enqueue_dma source(%dma_start3A_35 : memref<80xi32, #tpu.memory_space<hbm>>) target(%arg9 : memref<80xi32, #tpu.memory_space<vmem>>) target_semaphore(%run_scoped3A : memref<!tpu.dma_semaphore, #tpu.memory_space<semaphore_mem>>)
      %dma_wait3A_36 = tpu.memref_slice %arg4[%add3A_6] : memref<320000xi32, #tpu.memory_space<hbm>> -> memref<80xi32, #tpu.memory_space<hbm>>
      %dma_wait3A_37 = tpu.memref_slice %arg4[%add3A_6] : memref<320000xi32, #tpu.memory_space<hbm>> -> memref<80xi32, #tpu.memory_space<hbm>>
      tpu.wait_dma2 semaphore(%run_scoped3A : memref<!tpu.dma_semaphore, #tpu.memory_space<semaphore_mem>>) src(%dma_wait3A_37 : memref<80xi32, #tpu.memory_space<hbm>>) dst(%arg9 : memref<80xi32, #tpu.memory_space<vmem>>)
      tpu.yield
    }) : () -> ()
    "tpu.region"() ({
      %run_scoped3A = tpu.sem_alloc : memref<!tpu.dma_semaphore, #tpu.memory_space<semaphore_mem>>
      %dma_start3A_34 = tpu.memref_slice %arg5[%add3A_6] : memref<320000xi32, #tpu.memory_space<hbm>> -> memref<80xi32, #tpu.memory_space<hbm>>
      %dma_start3A_35 = tpu.memref_slice %arg5[%add3A_6] : memref<320000xi32, #tpu.memory_space<hbm>> -> memref<80xi32, #tpu.memory_space<hbm>>
      tpu.enqueue_dma source(%dma_start3A_35 : memref<80xi32, #tpu.memory_space<hbm>>) target(%arg10 : memref<80xi32, #tpu.memory_space<vmem>>) target_semaphore(%run_scoped3A : memref<!tpu.dma_semaphore, #tpu.memory_space<semaphore_mem>>)
      %dma_wait3A_36 = tpu.memref_slice %arg5[%add3A_6] : memref<320000xi32, #tpu.memory_space<hbm>> -> memref<80xi32, #tpu.memory_space<hbm>>
      %dma_wait3A_37 = tpu.memref_slice %arg5[%add3A_6] : memref<320000xi32, #tpu.memory_space<hbm>> -> memref<80xi32, #tpu.memory_space<hbm>>
      tpu.wait_dma2 semaphore(%run_scoped3A : memref<!tpu.dma_semaphore, #tpu.memory_space<semaphore_mem>>) src(%dma_wait3A_37 : memref<80xi32, #tpu.memory_space<hbm>>) dst(%arg10 : memref<80xi32, #tpu.memory_space<vmem>>)
      tpu.yield
    }) : () -> ()
    %dma_start3A = arith.constant 0 : i32
    %dma_start3A_7 = arith.constant 0 : i32
    %dma_start3A_8 = tpu.memref_slice %arg2[%dma_start3A, %dma_start3A_7] : memref<10000x144xf32, #tpu.memory_space<hbm>> -> memref<10000x144xf32, #tpu.memory_space<hbm>>
    tpu.enqueue_indirect_dma source(%dma_start3A_8 : memref<10000x144xf32, #tpu.memory_space<hbm>>) target(%arg11 : memref<80x144xf32, #tpu.memory_space<vmem>>) offsets(%arg9 : memref<80xi32, #tpu.memory_space<vmem>>) semaphore(%arg17 : memref<!tpu.dma_semaphore, #tpu.memory_space<semaphore_mem>>)
    %dma_start3A_9 = arith.constant 0 : i32
    %dma_start3A_10 = arith.constant 0 : i32
    %dma_start3A_11 = tpu.memref_slice %arg3[%dma_start3A_9, %dma_start3A_10] : memref<10000x16xf32, #tpu.memory_space<hbm>> -> memref<10000x16xf32, #tpu.memory_space<hbm>>
    tpu.enqueue_indirect_dma source(%dma_start3A_11 : memref<10000x16xf32, #tpu.memory_space<hbm>>) target(%arg12 : memref<80x16xf32, #tpu.memory_space<vmem>>) offsets(%arg10 : memref<80xi32, #tpu.memory_space<vmem>>) semaphore(%arg18 : memref<!tpu.dma_semaphore, #tpu.memory_space<semaphore_mem>>)
    %scan3A = arith.constant 0 : i32
    %scan3A_12 = arith.constant 0 : i32
    %scan3A_13 = arith.constant 62 : i32
    %scan3A_14 = arith.addi %scan3A_12, %scan3A_13 : i32
    %scan3A_15 = arith.constant 1 : i32
    scf.for %scan3A_34 = %scan3A_12 to %scan3A_14 step %scan3A_15  : i32 {
      %mul3A_35 = arith.constant 2 : i32
      %mul3A_36 = arith.muli %mul3A_35, %scan3A_34 : i32
      %add3A_37 = arith.constant 1 : i32
      %add3A_38 = arith.addi %mul3A_36, %add3A_37 : i32
      %mul3A_39 = arith.constant 80 : i32
      %mul3A_40 = arith.muli %add3A_38, %mul3A_39 : i32
      %add3A_41 = arith.addi %mul3A_4, %mul3A_40 : i32
      "tpu.region"() ({
        %run_scoped3A = tpu.sem_alloc : memref<!tpu.dma_semaphore, #tpu.memory_space<semaphore_mem>>
        %dma_start3A_99 = tpu.memref_slice %arg4[%add3A_41] : memref<320000xi32, #tpu.memory_space<hbm>> -> memref<80xi32, #tpu.memory_space<hbm>>
        %dma_start3A_100 = tpu.memref_slice %arg4[%add3A_41] : memref<320000xi32, #tpu.memory_space<hbm>> -> memref<80xi32, #tpu.memory_space<hbm>>
        tpu.enqueue_dma source(%dma_start3A_100 : memref<80xi32, #tpu.memory_space<hbm>>) target(%arg13 : memref<80xi32, #tpu.memory_space<vmem>>) target_semaphore(%run_scoped3A : memref<!tpu.dma_semaphore, #tpu.memory_space<semaphore_mem>>)
        %dma_wait3A_101 = tpu.memref_slice %arg4[%add3A_41] : memref<320000xi32, #tpu.memory_space<hbm>> -> memref<80xi32, #tpu.memory_space<hbm>>
        %dma_wait3A_102 = tpu.memref_slice %arg4[%add3A_41] : memref<320000xi32, #tpu.memory_space<hbm>> -> memref<80xi32, #tpu.memory_space<hbm>>
        tpu.wait_dma2 semaphore(%run_scoped3A : memref<!tpu.dma_semaphore, #tpu.memory_space<semaphore_mem>>) src(%dma_wait3A_102 : memref<80xi32, #tpu.memory_space<hbm>>) dst(%arg13 : memref<80xi32, #tpu.memory_space<vmem>>)
        tpu.yield
      }) : () -> ()
      "tpu.region"() ({
        %run_scoped3A = tpu.sem_alloc : memref<!tpu.dma_semaphore, #tpu.memory_space<semaphore_mem>>
        %dma_start3A_99 = tpu.memref_slice %arg5[%add3A_41] : memref<320000xi32, #tpu.memory_space<hbm>> -> memref<80xi32, #tpu.memory_space<hbm>>
        %dma_start3A_100 = tpu.memref_slice %arg5[%add3A_41] : memref<320000xi32, #tpu.memory_space<hbm>> -> memref<80xi32, #tpu.memory_space<hbm>>
        tpu.enqueue_dma source(%dma_start3A_100 : memref<80xi32, #tpu.memory_space<hbm>>) target(%arg14 : memref<80xi32, #tpu.memory_space<vmem>>) target_semaphore(%run_scoped3A : memref<!tpu.dma_semaphore, #tpu.memory_space<semaphore_mem>>)
        %dma_wait3A_101 = tpu.memref_slice %arg5[%add3A_41] : memref<320000xi32, #tpu.memory_space<hbm>> -> memref<80xi32, #tpu.memory_space<hbm>>
        %dma_wait3A_102 = tpu.memref_slice %arg5[%add3A_41] : memref<320000xi32, #tpu.memory_space<hbm>> -> memref<80xi32, #tpu.memory_space<hbm>>
        tpu.wait_dma2 semaphore(%run_scoped3A : memref<!tpu.dma_semaphore, #tpu.memory_space<semaphore_mem>>) src(%dma_wait3A_102 : memref<80xi32, #tpu.memory_space<hbm>>) dst(%arg14 : memref<80xi32, #tpu.memory_space<vmem>>)
        tpu.yield
      }) : () -> ()
      %dma_start3A_42 = arith.constant 0 : i32
      %dma_start3A_43 = arith.constant 0 : i32
      %dma_start3A_44 = tpu.memref_slice %arg2[%dma_start3A_42, %dma_start3A_43] : memref<10000x144xf32, #tpu.memory_space<hbm>> -> memref<10000x144xf32, #tpu.memory_space<hbm>>
      tpu.enqueue_indirect_dma source(%dma_start3A_44 : memref<10000x144xf32, #tpu.memory_space<hbm>>) target(%arg15 : memref<80x144xf32, #tpu.memory_space<vmem>>) offsets(%arg13 : memref<80xi32, #tpu.memory_space<vmem>>) semaphore(%arg19 : memref<!tpu.dma_semaphore, #tpu.memory_space<semaphore_mem>>)
      %dma_start3A_45 = arith.constant 0 : i32
      %dma_start3A_46 = arith.constant 0 : i32
      %dma_start3A_47 = tpu.memref_slice %arg3[%dma_start3A_45, %dma_start3A_46] : memref<10000x16xf32, #tpu.memory_space<hbm>> -> memref<10000x16xf32, #tpu.memory_space<hbm>>
      tpu.enqueue_indirect_dma source(%dma_start3A_47 : memref<10000x16xf32, #tpu.memory_space<hbm>>) target(%arg16 : memref<80x16xf32, #tpu.memory_space<vmem>>) offsets(%arg14 : memref<80xi32, #tpu.memory_space<vmem>>) semaphore(%arg20 : memref<!tpu.dma_semaphore, #tpu.memory_space<semaphore_mem>>)
      %dma_wait3A_48 = arith.constant 0 : i32
      %dma_wait3A_49 = arith.constant 0 : i32
      %dma_wait3A_50 = tpu.memref_slice %arg2[%dma_wait3A_48, %dma_wait3A_49] : memref<10000x144xf32, #tpu.memory_space<hbm>> -> memref<10000x144xf32, #tpu.memory_space<hbm>>
      tpu.wait_indirect_dma semaphore(%arg17 : memref<!tpu.dma_semaphore, #tpu.memory_space<semaphore_mem>>) src(%dma_wait3A_50 : memref<10000x144xf32, #tpu.memory_space<hbm>>) dst(%arg11 : memref<80x144xf32, #tpu.memory_space<vmem>>)
      %dma_wait3A_51 = arith.constant 0 : i32
      %dma_wait3A_52 = arith.constant 0 : i32
      %dma_wait3A_53 = tpu.memref_slice %arg3[%dma_wait3A_51, %dma_wait3A_52] : memref<10000x16xf32, #tpu.memory_space<hbm>> -> memref<10000x16xf32, #tpu.memory_space<hbm>>
      tpu.wait_indirect_dma semaphore(%arg18 : memref<!tpu.dma_semaphore, #tpu.memory_space<semaphore_mem>>) src(%dma_wait3A_53 : memref<10000x16xf32, #tpu.memory_space<hbm>>) dst(%arg12 : memref<80x16xf32, #tpu.memory_space<vmem>>)
      %iota3A_54 = tpu.iota {dimensions = array<i32: 0>} : vector<16xi32>
      %and3A_55 = arith.constant 7 : i32
      %and3A_56 = vector.broadcast %and3A_55 : i32 to vector<16xi32>
      %and3A_57 = arith.andi %iota3A_54, %and3A_56 : vector<16xi32>
      %add3A_58 = arith.constant 8 : i32
      %add3A_59 = vector.broadcast %add3A_58 : i32 to vector<16xi32>
      %add3A_60 = arith.addi %and3A_57, %add3A_59 : vector<16xi32>
      %scan3A_61 = arith.constant 0 : i32
      %scan3A_62 = arith.constant 0 : i32
      %scan3A_63 = arith.constant 40 : i32
      %scan3A_64 = arith.addi %scan3A_62, %scan3A_63 : i32
      %scan3A_65 = arith.constant 1 : i32
      scf.for %scan3A_99 = %scan3A_62 to %scan3A_64 step %scan3A_65  : i32 {
        %mul3A_100 = arith.constant 2 : i32
        %mul3A_101 = arith.muli %mul3A_100, %scan3A_99 : i32
        %get3A = arith.index_cast %mul3A_101 : i32 to index
        %get3A_102 = arith.constant 128 : index
        %get3A_103 = tpu.vector_load %arg11[%get3A, %get3A_102] {strides = array<i32>} : memref<80x144xf32, #tpu.memory_space<vmem>>, vector<1x16xf32>,
        %get3A_104 = vector.shape_cast %get3A_103 : vector<1x16xf32> to vector<16xf32>
        %get3A_105 = arith.index_cast %mul3A_101 : i32 to index
        %get3A_106 = arith.constant 0 : index
        %get3A_107 = tpu.vector_load %arg12[%get3A_105, %get3A_106] {strides = array<i32>} : memref<80x16xf32, #tpu.memory_space<vmem>>, vector<1x16xf32>,
        %get3A_108 = vector.shape_cast %get3A_107 : vector<1x16xf32> to vector<16xf32>
        %mul3A_109 = arith.mulf %get3A_104, %get3A_108 : vector<16xf32>
        %lt3A = arith.constant 0 : i32
        %lt3A_110 = vector.broadcast %lt3A : i32 to vector<16xi32>
        %lt3A_111 = arith.cmpi slt, %add3A_60, %lt3A_110 : vector<16xi32>
        %add3A_112 = arith.constant 16 : i32
        %add3A_113 = vector.broadcast %add3A_112 : i32 to vector<16xi32>
        %add3A_114 = arith.addi %add3A_60, %add3A_113 : vector<16xi32>
        %select_n3A = arith.select %lt3A_111, %add3A_114, %add3A_60 : vector<16xi1>, vector<16xi32>
        %reshape3A = vector.shape_cast %select_n3A : vector<16xi32> to vector<16x1xi32>
        %gather3A = vector.shape_cast %reshape3A : vector<16x1xi32> to vector<16xi32>
        %gather3A_115 = tpu.dynamic_gather %mul3A_109[%gather3A] in [0] : vector<16xf32>, vector<16xi32> -> vector<16xf32>
        %gt3A = arith.constant 1.000000e+00 : f32
        %gt3A_116 = vector.broadcast %gt3A : f32 to vector<16xf32>
        %gt3A_117 = arith.cmpf ogt, %mul3A_109, %gt3A_116 : vector<16xf32>
        %select_n3A_118 = arith.select %gt3A_117, %mul3A_109, %gather3A_115 : vector<16xi1>, vector<16xf32>
        %swap3A = arith.index_cast %mul3A_101 : i32 to index
        %swap3A_119 = arith.constant 128 : index
        %swap3A_120 = tpu.vector_load %arg11[%swap3A, %swap3A_119] {strides = array<i32>} : memref<80x144xf32, #tpu.memory_space<vmem>>, vector<1x16xf32>,
        %swap3A_121 = vector.shape_cast %swap3A_120 : vector<1x16xf32> to vector<16xf32>
        %swap3A_122 = vector.shape_cast %select_n3A_118 : vector<16xf32> to vector<1x16xf32>
        tpu.vector_store %arg11[%swap3A, %swap3A_119], %swap3A_122 {strides = array<i32>} : memref<80x144xf32, #tpu.memory_space<vmem>>, vector<1x16xf32>,
        %broadcast_in_dim3A = arith.constant 0 : i32
        %broadcast_in_dim3A_123 = vector.broadcast %broadcast_in_dim3A : i32 to vector<16xi32>
        %lt3A_124 = arith.constant 0 : i32
        %lt3A_125 = vector.broadcast %lt3A_124 : i32 to vector<16xi32>
        %lt3A_126 = arith.cmpi slt, %broadcast_in_dim3A_123, %lt3A_125 : vector<16xi32>
        %add3A_127 = arith.constant 16 : i32
        %add3A_128 = vector.broadcast %add3A_127 : i32 to vector<16xi32>
        %add3A_129 = arith.addi %broadcast_in_dim3A_123, %add3A_128 : vector<16xi32>
        %select_n3A_130 = arith.select %lt3A_126, %add3A_129, %broadcast_in_dim3A_123 : vector<16xi1>, vector<16xi32>
        %reshape3A_131 = vector.shape_cast %select_n3A_130 : vector<16xi32> to vector<16x1xi32>
        %gather3A_132 = vector.shape_cast %reshape3A_131 : vector<16x1xi32> to vector<16xi32>
        %gather3A_133 = tpu.dynamic_gather %select_n3A_118[%gather3A_132] in [0] : vector<16xf32>, vector<16xi32> -> vector<16xf32>
        %get3A_134 = arith.index_cast %mul3A_101 : i32 to index
        %get3A_135 = arith.constant 0 : index
        %get3A_136 = tpu.vector_load %arg11[%get3A_134, %get3A_135] {strides = array<i32>} : memref<80x144xf32, #tpu.memory_space<vmem>>, vector<1x16xf32>,
        %get3A_137 = vector.shape_cast %get3A_136 : vector<1x16xf32> to vector<16xf32>
        %mul3A_138 = arith.mulf %get3A_137, %gather3A_133 : vector<16xf32>
        %swap3A_139 = arith.index_cast %mul3A_101 : i32 to index
        %swap3A_140 = arith.constant 0 : index
        %swap3A_141 = tpu.vector_load %arg11[%swap3A_139, %swap3A_140] {strides = array<i32>} : memref<80x144xf32, #tpu.memory_space<vmem>>, vector<1x16xf32>,
        %swap3A_142 = vector.shape_cast %swap3A_141 : vector<1x16xf32> to vector<16xf32>
        %swap3A_143 = vector.shape_cast %mul3A_138 : vector<16xf32> to vector<1x16xf32>
        tpu.vector_store %arg11[%swap3A_139, %swap3A_140], %swap3A_143 {strides = array<i32>} : memref<80x144xf32, #tpu.memory_space<vmem>>, vector<1x16xf32>,
        %broadcast_in_dim3A_144 = arith.constant 1 : i32
        %broadcast_in_dim3A_145 = vector.broadcast %broadcast_in_dim3A_144 : i32 to vector<16xi32>
        %lt3A_146 = arith.constant 0 : i32
        %lt3A_147 = vector.broadcast %lt3A_146 : i32 to vector<16xi32>
        %lt3A_148 = arith.cmpi slt, %broadcast_in_dim3A_145, %lt3A_147 : vector<16xi32>
        %add3A_149 = arith.constant 16 : i32
        %add3A_150 = vector.broadcast %add3A_149 : i32 to vector<16xi32>
        %add3A_151 = arith.addi %broadcast_in_dim3A_145, %add3A_150 : vector<16xi32>
        %select_n3A_152 = arith.select %lt3A_148, %add3A_151, %broadcast_in_dim3A_145 : vector<16xi1>, vector<16xi32>
        %reshape3A_153 = vector.shape_cast %select_n3A_152 : vector<16xi32> to vector<16x1xi32>
        %gather3A_154 = vector.shape_cast %reshape3A_153 : vector<16x1xi32> to vector<16xi32>
        %gather3A_155 = tpu.dynamic_gather %select_n3A_118[%gather3A_154] in [0] : vector<16xf32>, vector<16xi32> -> vector<16xf32>
        %get3A_156 = arith.index_cast %mul3A_101 : i32 to index
        %get3A_157 = arith.constant 16 : index
        %get3A_158 = tpu.vector_load %arg11[%get3A_156, %get3A_157] {strides = array<i32>} : memref<80x144xf32, #tpu.memory_space<vmem>>, vector<1x16xf32>,
        %get3A_159 = vector.shape_cast %get3A_158 : vector<1x16xf32> to vector<16xf32>
        %mul3A_160 = arith.mulf %get3A_159, %gather3A_155 : vector<16xf32>
        %swap3A_161 = arith.index_cast %mul3A_101 : i32 to index
        %swap3A_162 = arith.constant 16 : index
        %swap3A_163 = tpu.vector_load %arg11[%swap3A_161, %swap3A_162] {strides = array<i32>} : memref<80x144xf32, #tpu.memory_space<vmem>>, vector<1x16xf32>,
        %swap3A_164 = vector.shape_cast %swap3A_163 : vector<1x16xf32> to vector<16xf32>
        %swap3A_165 = vector.shape_cast %mul3A_160 : vector<16xf32> to vector<1x16xf32>
        tpu.vector_store %arg11[%swap3A_161, %swap3A_162], %swap3A_165 {strides = array<i32>} : memref<80x144xf32, #tpu.memory_space<vmem>>, vector<1x16xf32>,
        %broadcast_in_dim3A_166 = arith.constant 2 : i32
        %broadcast_in_dim3A_167 = vector.broadcast %broadcast_in_dim3A_166 : i32 to vector<16xi32>
        %lt3A_168 = arith.constant 0 : i32
        %lt3A_169 = vector.broadcast %lt3A_168 : i32 to vector<16xi32>
        %lt3A_170 = arith.cmpi slt, %broadcast_in_dim3A_167, %lt3A_169 : vector<16xi32>
        %add3A_171 = arith.constant 16 : i32
        %add3A_172 = vector.broadcast %add3A_171 : i32 to vector<16xi32>
        %add3A_173 = arith.addi %broadcast_in_dim3A_167, %add3A_172 : vector<16xi32>
        %select_n3A_174 = arith.select %lt3A_170, %add3A_173, %broadcast_in_dim3A_167 : vector<16xi1>, vector<16xi32>
        %reshape3A_175 = vector.shape_cast %select_n3A_174 : vector<16xi32> to vector<16x1xi32>
        %gather3A_176 = vector.shape_cast %reshape3A_175 : vector<16x1xi32> to vector<16xi32>
        %gather3A_177 = tpu.dynamic_gather %select_n3A_118[%gather3A_176] in [0] : vector<16xf32>, vector<16xi32> -> vector<16xf32>
        %get3A_178 = arith.index_cast %mul3A_101 : i32 to index
        %get3A_179 = arith.constant 32 : index
        %get3A_180 = tpu.vector_load %arg11[%get3A_178, %get3A_179] {strides = array<i32>} : memref<80x144xf32, #tpu.memory_space<vmem>>, vector<1x16xf32>,
        %get3A_181 = vector.shape_cast %get3A_180 : vector<1x16xf32> to vector<16xf32>
        %mul3A_182 = arith.mulf %get3A_181, %gather3A_177 : vector<16xf32>
        %swap3A_183 = arith.index_cast %mul3A_101 : i32 to index
        %swap3A_184 = arith.constant 32 : index
        %swap3A_185 = tpu.vector_load %arg11[%swap3A_183, %swap3A_184] {strides = array<i32>} : memref<80x144xf32, #tpu.memory_space<vmem>>, vector<1x16xf32>,
        %swap3A_186 = vector.shape_cast %swap3A_185 : vector<1x16xf32> to vector<16xf32>
        %swap3A_187 = vector.shape_cast %mul3A_182 : vector<16xf32> to vector<1x16xf32>
        tpu.vector_store %arg11[%swap3A_183, %swap3A_184], %swap3A_187 {strides = array<i32>} : memref<80x144xf32, #tpu.memory_space<vmem>>, vector<1x16xf32>,
        %broadcast_in_dim3A_188 = arith.constant 3 : i32
        %broadcast_in_dim3A_189 = vector.broadcast %broadcast_in_dim3A_188 : i32 to vector<16xi32>
        %lt3A_190 = arith.constant 0 : i32
        %lt3A_191 = vector.broadcast %lt3A_190 : i32 to vector<16xi32>
        %lt3A_192 = arith.cmpi slt, %broadcast_in_dim3A_189, %lt3A_191 : vector<16xi32>
        %add3A_193 = arith.constant 16 : i32
        %add3A_194 = vector.broadcast %add3A_193 : i32 to vector<16xi32>
        %add3A_195 = arith.addi %broadcast_in_dim3A_189, %add3A_194 : vector<16xi32>
        %select_n3A_196 = arith.select %lt3A_192, %add3A_195, %broadcast_in_dim3A_189 : vector<16xi1>, vector<16xi32>
        %reshape3A_197 = vector.shape_cast %select_n3A_196 : vector<16xi32> to vector<16x1xi32>
        %gather3A_198 = vector.shape_cast %reshape3A_197 : vector<16x1xi32> to vector<16xi32>
        %gather3A_199 = tpu.dynamic_gather %select_n3A_118[%gather3A_198] in [0] : vector<16xf32>, vector<16xi32> -> vector<16xf32>
        %get3A_200 = arith.index_cast %mul3A_101 : i32 to index
        %get3A_201 = arith.constant 48 : index
        %get3A_202 = tpu.vector_load %arg11[%get3A_200, %get3A_201] {strides = array<i32>} : memref<80x144xf32, #tpu.memory_space<vmem>>, vector<1x16xf32>,
        %get3A_203 = vector.shape_cast %get3A_202 : vector<1x16xf32> to vector<16xf32>
        %mul3A_204 = arith.mulf %get3A_203, %gather3A_199 : vector<16xf32>
        %swap3A_205 = arith.index_cast %mul3A_101 : i32 to index
        %swap3A_206 = arith.constant 48 : index
        %swap3A_207 = tpu.vector_load %arg11[%swap3A_205, %swap3A_206] {strides = array<i32>} : memref<80x144xf32, #tpu.memory_space<vmem>>, vector<1x16xf32>,
        %swap3A_208 = vector.shape_cast %swap3A_207 : vector<1x16xf32> to vector<16xf32>
        %swap3A_209 = vector.shape_cast %mul3A_204 : vector<16xf32> to vector<1x16xf32>
        tpu.vector_store %arg11[%swap3A_205, %swap3A_206], %swap3A_209 {strides = array<i32>} : memref<80x144xf32, #tpu.memory_space<vmem>>, vector<1x16xf32>,
        %broadcast_in_dim3A_210 = arith.constant 4 : i32
        %broadcast_in_dim3A_211 = vector.broadcast %broadcast_in_dim3A_210 : i32 to vector<16xi32>
        %lt3A_212 = arith.constant 0 : i32
        %lt3A_213 = vector.broadcast %lt3A_212 : i32 to vector<16xi32>
        %lt3A_214 = arith.cmpi slt, %broadcast_in_dim3A_211, %lt3A_213 : vector<16xi32>
        %add3A_215 = arith.constant 16 : i32
        %add3A_216 = vector.broadcast %add3A_215 : i32 to vector<16xi32>
        %add3A_217 = arith.addi %broadcast_in_dim3A_211, %add3A_216 : vector<16xi32>
        %select_n3A_218 = arith.select %lt3A_214, %add3A_217, %broadcast_in_dim3A_211 : vector<16xi1>, vector<16xi32>
        %reshape3A_219 = vector.shape_cast %select_n3A_218 : vector<16xi32> to vector<16x1xi32>
        %gather3A_220 = vector.shape_cast %reshape3A_219 : vector<16x1xi32> to vector<16xi32>
        %gather3A_221 = tpu.dynamic_gather %select_n3A_118[%gather3A_220] in [0] : vector<16xf32>, vector<16xi32> -> vector<16xf32>
        %get3A_222 = arith.index_cast %mul3A_101 : i32 to index
        %get3A_223 = arith.constant 64 : index
        %get3A_224 = tpu.vector_load %arg11[%get3A_222, %get3A_223] {strides = array<i32>} : memref<80x144xf32, #tpu.memory_space<vmem>>, vector<1x16xf32>,
        %get3A_225 = vector.shape_cast %get3A_224 : vector<1x16xf32> to vector<16xf32>
        %mul3A_226 = arith.mulf %get3A_225, %gather3A_221 : vector<16xf32>
        %swap3A_227 = arith.index_cast %mul3A_101 : i32 to index
        %swap3A_228 = arith.constant 64 : index
        %swap3A_229 = tpu.vector_load %arg11[%swap3A_227, %swap3A_228] {strides = array<i32>} : memref<80x144xf32, #tpu.memory_space<vmem>>, vector<1x16xf32>,
        %swap3A_230 = vector.shape_cast %swap3A_229 : vector<1x16xf32> to vector<16xf32>
        %swap3A_231 = vector.shape_cast %mul3A_226 : vector<16xf32> to vector<1x16xf32>
        tpu.vector_store %arg11[%swap3A_227, %swap3A_228], %swap3A_231 {strides = array<i32>} : memref<80x144xf32, #tpu.memory_space<vmem>>, vector<1x16xf32>,
        %broadcast_in_dim3A_232 = arith.constant 5 : i32
        %broadcast_in_dim3A_233 = vector.broadcast %broadcast_in_dim3A_232 : i32 to vector<16xi32>
        %lt3A_234 = arith.constant 0 : i32
        %lt3A_235 = vector.broadcast %lt3A_234 : i32 to vector<16xi32>
        %lt3A_236 = arith.cmpi slt, %broadcast_in_dim3A_233, %lt3A_235 : vector<16xi32>
        %add3A_237 = arith.constant 16 : i32
        %add3A_238 = vector.broadcast %add3A_237 : i32 to vector<16xi32>
        %add3A_239 = arith.addi %broadcast_in_dim3A_233, %add3A_238 : vector<16xi32>
        %select_n3A_240 = arith.select %lt3A_236, %add3A_239, %broadcast_in_dim3A_233 : vector<16xi1>, vector<16xi32>
        %reshape3A_241 = vector.shape_cast %select_n3A_240 : vector<16xi32> to vector<16x1xi32>
        %gather3A_242 = vector.shape_cast %reshape3A_241 : vector<16x1xi32> to vector<16xi32>
        %gather3A_243 = tpu.dynamic_gather %select_n3A_118[%gather3A_242] in [0] : vector<16xf32>, vector<16xi32> -> vector<16xf32>
        %get3A_244 = arith.index_cast %mul3A_101 : i32 to index
        %get3A_245 = arith.constant 80 : index
        %get3A_246 = tpu.vector_load %arg11[%get3A_244, %get3A_245] {strides = array<i32>} : memref<80x144xf32, #tpu.memory_space<vmem>>, vector<1x16xf32>,
        %get3A_247 = vector.shape_cast %get3A_246 : vector<1x16xf32> to vector<16xf32>
        %mul3A_248 = arith.mulf %get3A_247, %gather3A_243 : vector<16xf32>
        %swap3A_249 = arith.index_cast %mul3A_101 : i32 to index
        %swap3A_250 = arith.constant 80 : index
        %swap3A_251 = tpu.vector_load %arg11[%swap3A_249, %swap3A_250] {strides = array<i32>} : memref<80x144xf32, #tpu.memory_space<vmem>>, vector<1x16xf32>,
        %swap3A_252 = vector.shape_cast %swap3A_251 : vector<1x16xf32> to vector<16xf32>
        %swap3A_253 = vector.shape_cast %mul3A_248 : vector<16xf32> to vector<1x16xf32>
        tpu.vector_store %arg11[%swap3A_249, %swap3A_250], %swap3A_253 {strides = array<i32>} : memref<80x144xf32, #tpu.memory_space<vmem>>, vector<1x16xf32>,
        %broadcast_in_dim3A_254 = arith.constant 6 : i32
        %broadcast_in_dim3A_255 = vector.broadcast %broadcast_in_dim3A_254 : i32 to vector<16xi32>
        %lt3A_256 = arith.constant 0 : i32
        %lt3A_257 = vector.broadcast %lt3A_256 : i32 to vector<16xi32>
        %lt3A_258 = arith.cmpi slt, %broadcast_in_dim3A_255, %lt3A_257 : vector<16xi32>
        %add3A_259 = arith.constant 16 : i32
        %add3A_260 = vector.broadcast %add3A_259 : i32 to vector<16xi32>
        %add3A_261 = arith.addi %broadcast_in_dim3A_255, %add3A_260 : vector<16xi32>
        %select_n3A_262 = arith.select %lt3A_258, %add3A_261, %broadcast_in_dim3A_255 : vector<16xi1>, vector<16xi32>
        %reshape3A_263 = vector.shape_cast %select_n3A_262 : vector<16xi32> to vector<16x1xi32>
        %gather3A_264 = vector.shape_cast %reshape3A_263 : vector<16x1xi32> to vector<16xi32>
        %gather3A_265 = tpu.dynamic_gather %select_n3A_118[%gather3A_264] in [0] : vector<16xf32>, vector<16xi32> -> vector<16xf32>
        %get3A_266 = arith.index_cast %mul3A_101 : i32 to index
        %get3A_267 = arith.constant 96 : index
        %get3A_268 = tpu.vector_load %arg11[%get3A_266, %get3A_267] {strides = array<i32>} : memref<80x144xf32, #tpu.memory_space<vmem>>, vector<1x16xf32>,
        %get3A_269 = vector.shape_cast %get3A_268 : vector<1x16xf32> to vector<16xf32>
        %mul3A_270 = arith.mulf %get3A_269, %gather3A_265 : vector<16xf32>
        %swap3A_271 = arith.index_cast %mul3A_101 : i32 to index
        %swap3A_272 = arith.constant 96 : index
        %swap3A_273 = tpu.vector_load %arg11[%swap3A_271, %swap3A_272] {strides = array<i32>} : memref<80x144xf32, #tpu.memory_space<vmem>>, vector<1x16xf32>,
        %swap3A_274 = vector.shape_cast %swap3A_273 : vector<1x16xf32> to vector<16xf32>
        %swap3A_275 = vector.shape_cast %mul3A_270 : vector<16xf32> to vector<1x16xf32>
        tpu.vector_store %arg11[%swap3A_271, %swap3A_272], %swap3A_275 {strides = array<i32>} : memref<80x144xf32, #tpu.memory_space<vmem>>, vector<1x16xf32>,
        %broadcast_in_dim3A_276 = arith.constant 7 : i32
        %broadcast_in_dim3A_277 = vector.broadcast %broadcast_in_dim3A_276 : i32 to vector<16xi32>
        %lt3A_278 = arith.constant 0 : i32
        %lt3A_279 = vector.broadcast %lt3A_278 : i32 to vector<16xi32>
        %lt3A_280 = arith.cmpi slt, %broadcast_in_dim3A_277, %lt3A_279 : vector<16xi32>
        %add3A_281 = arith.constant 16 : i32
        %add3A_282 = vector.broadcast %add3A_281 : i32 to vector<16xi32>
        %add3A_283 = arith.addi %broadcast_in_dim3A_277, %add3A_282 : vector<16xi32>
        %select_n3A_284 = arith.select %lt3A_280, %add3A_283, %broadcast_in_dim3A_277 : vector<16xi1>, vector<16xi32>
        %reshape3A_285 = vector.shape_cast %select_n3A_284 : vector<16xi32> to vector<16x1xi32>
        %gather3A_286 = vector.shape_cast %reshape3A_285 : vector<16x1xi32> to vector<16xi32>
        %gather3A_287 = tpu.dynamic_gather %select_n3A_118[%gather3A_286] in [0] : vector<16xf32>, vector<16xi32> -> vector<16xf32>
        %get3A_288 = arith.index_cast %mul3A_101 : i32 to index
        %get3A_289 = arith.constant 112 : index
        %get3A_290 = tpu.vector_load %arg11[%get3A_288, %get3A_289] {strides = array<i32>} : memref<80x144xf32, #tpu.memory_space<vmem>>, vector<1x16xf32>,
        %get3A_291 = vector.shape_cast %get3A_290 : vector<1x16xf32> to vector<16xf32>
        %mul3A_292 = arith.mulf %get3A_291, %gather3A_287 : vector<16xf32>
        %swap3A_293 = arith.index_cast %mul3A_101 : i32 to index
        %swap3A_294 = arith.constant 112 : index
        %swap3A_295 = tpu.vector_load %arg11[%swap3A_293, %swap3A_294] {strides = array<i32>} : memref<80x144xf32, #tpu.memory_space<vmem>>, vector<1x16xf32>,
        %swap3A_296 = vector.shape_cast %swap3A_295 : vector<1x16xf32> to vector<16xf32>
        %swap3A_297 = vector.shape_cast %mul3A_292 : vector<16xf32> to vector<1x16xf32>
        tpu.vector_store %arg11[%swap3A_293, %swap3A_294], %swap3A_297 {strides = array<i32>} : memref<80x144xf32, #tpu.memory_space<vmem>>, vector<1x16xf32>,
        %mul3A_298 = arith.constant 2 : i32
        %mul3A_299 = arith.muli %mul3A_298, %scan3A_99 : i32
        %add3A_300 = arith.constant 1 : i32
        %add3A_301 = arith.addi %mul3A_299, %add3A_300 : i32
        %get3A_302 = arith.index_cast %add3A_301 : i32 to index
        %get3A_303 = arith.constant 128 : index
        %get3A_304 = tpu.vector_load %arg11[%get3A_302, %get3A_303] {strides = array<i32>} : memref<80x144xf32, #tpu.memory_space<vmem>>, vector<1x16xf32>,
        %get3A_305 = vector.shape_cast %get3A_304 : vector<1x16xf32> to vector<16xf32>
        %get3A_306 = arith.index_cast %add3A_301 : i32 to index
        %get3A_307 = arith.constant 0 : index
        %get3A_308 = tpu.vector_load %arg12[%get3A_306, %get3A_307] {strides = array<i32>} : memref<80x16xf32, #tpu.memory_space<vmem>>, vector<1x16xf32>,
        %get3A_309 = vector.shape_cast %get3A_308 : vector<1x16xf32> to vector<16xf32>
        %mul3A_310 = arith.mulf %get3A_305, %get3A_309 : vector<16xf32>
        %lt3A_311 = arith.constant 0 : i32
        %lt3A_312 = vector.broadcast %lt3A_311 : i32 to vector<16xi32>
        %lt3A_313 = arith.cmpi slt, %add3A_60, %lt3A_312 : vector<16xi32>
        %add3A_314 = arith.constant 16 : i32
        %add3A_315 = vector.broadcast %add3A_314 : i32 to vector<16xi32>
        %add3A_316 = arith.addi %add3A_60, %add3A_315 : vector<16xi32>
        %select_n3A_317 = arith.select %lt3A_313, %add3A_316, %add3A_60 : vector<16xi1>, vector<16xi32>
        %reshape3A_318 = vector.shape_cast %select_n3A_317 : vector<16xi32> to vector<16x1xi32>
        %gather3A_319 = vector.shape_cast %reshape3A_318 : vector<16x1xi32> to vector<16xi32>
        %gather3A_320 = tpu.dynamic_gather %mul3A_310[%gather3A_319] in [0] : vector<16xf32>, vector<16xi32> -> vector<16xf32>
        %gt3A_321 = arith.constant 1.000000e+00 : f32
        %gt3A_322 = vector.broadcast %gt3A_321 : f32 to vector<16xf32>
        %gt3A_323 = arith.cmpf ogt, %mul3A_310, %gt3A_322 : vector<16xf32>
        %select_n3A_324 = arith.select %gt3A_323, %mul3A_310, %gather3A_320 : vector<16xi1>, vector<16xf32>
        %swap3A_325 = arith.index_cast %add3A_301 : i32 to index
        %swap3A_326 = arith.constant 128 : index
        %swap3A_327 = tpu.vector_load %arg11[%swap3A_325, %swap3A_326] {strides = array<i32>} : memref<80x144xf32, #tpu.memory_space<vmem>>, vector<1x16xf32>,
        %swap3A_328 = vector.shape_cast %swap3A_327 : vector<1x16xf32> to vector<16xf32>
        %swap3A_329 = vector.shape_cast %select_n3A_324 : vector<16xf32> to vector<1x16xf32>
        tpu.vector_store %arg11[%swap3A_325, %swap3A_326], %swap3A_329 {strides = array<i32>} : memref<80x144xf32, #tpu.memory_space<vmem>>, vector<1x16xf32>,
        %broadcast_in_dim3A_330 = arith.constant 0 : i32
        %broadcast_in_dim3A_331 = vector.broadcast %broadcast_in_dim3A_330 : i32 to vector<16xi32>
        %lt3A_332 = arith.constant 0 : i32
        %lt3A_333 = vector.broadcast %lt3A_332 : i32 to vector<16xi32>
        %lt3A_334 = arith.cmpi slt, %broadcast_in_dim3A_331, %lt3A_333 : vector<16xi32>
        %add3A_335 = arith.constant 16 : i32
        %add3A_336 = vector.broadcast %add3A_335 : i32 to vector<16xi32>
        %add3A_337 = arith.addi %broadcast_in_dim3A_331, %add3A_336 : vector<16xi32>
        %select_n3A_338 = arith.select %lt3A_334, %add3A_337, %broadcast_in_dim3A_331 : vector<16xi1>, vector<16xi32>
        %reshape3A_339 = vector.shape_cast %select_n3A_338 : vector<16xi32> to vector<16x1xi32>
        %gather3A_340 = vector.shape_cast %reshape3A_339 : vector<16x1xi32> to vector<16xi32>
        %gather3A_341 = tpu.dynamic_gather %select_n3A_324[%gather3A_340] in [0] : vector<16xf32>, vector<16xi32> -> vector<16xf32>
        %get3A_342 = arith.index_cast %add3A_301 : i32 to index
        %get3A_343 = arith.constant 0 : index
        %get3A_344 = tpu.vector_load %arg11[%get3A_342, %get3A_343] {strides = array<i32>} : memref<80x144xf32, #tpu.memory_space<vmem>>, vector<1x16xf32>,
        %get3A_345 = vector.shape_cast %get3A_344 : vector<1x16xf32> to vector<16xf32>
        %mul3A_346 = arith.mulf %get3A_345, %gather3A_341 : vector<16xf32>
        %swap3A_347 = arith.index_cast %add3A_301 : i32 to index
        %swap3A_348 = arith.constant 0 : index
        %swap3A_349 = tpu.vector_load %arg11[%swap3A_347, %swap3A_348] {strides = array<i32>} : memref<80x144xf32, #tpu.memory_space<vmem>>, vector<1x16xf32>,
        %swap3A_350 = vector.shape_cast %swap3A_349 : vector<1x16xf32> to vector<16xf32>
        %swap3A_351 = vector.shape_cast %mul3A_346 : vector<16xf32> to vector<1x16xf32>
        tpu.vector_store %arg11[%swap3A_347, %swap3A_348], %swap3A_351 {strides = array<i32>} : memref<80x144xf32, #tpu.memory_space<vmem>>, vector<1x16xf32>,
        %broadcast_in_dim3A_352 = arith.constant 1 : i32
        %broadcast_in_dim3A_353 = vector.broadcast %broadcast_in_dim3A_352 : i32 to vector<16xi32>
        %lt3A_354 = arith.constant 0 : i32
        %lt3A_355 = vector.broadcast %lt3A_354 : i32 to vector<16xi32>
        %lt3A_356 = arith.cmpi slt, %broadcast_in_dim3A_353, %lt3A_355 : vector<16xi32>
        %add3A_357 = arith.constant 16 : i32
        %add3A_358 = vector.broadcast %add3A_357 : i32 to vector<16xi32>
        %add3A_359 = arith.addi %broadcast_in_dim3A_353, %add3A_358 : vector<16xi32>
        %select_n3A_360 = arith.select %lt3A_356, %add3A_359, %broadcast_in_dim3A_353 : vector<16xi1>, vector<16xi32>
        %reshape3A_361 = vector.shape_cast %select_n3A_360 : vector<16xi32> to vector<16x1xi32>
        %gather3A_362 = vector.shape_cast %reshape3A_361 : vector<16x1xi32> to vector<16xi32>
        %gather3A_363 = tpu.dynamic_gather %select_n3A_324[%gather3A_362] in [0] : vector<16xf32>, vector<16xi32> -> vector<16xf32>
        %get3A_364 = arith.index_cast %add3A_301 : i32 to index
        %get3A_365 = arith.constant 16 : index
        %get3A_366 = tpu.vector_load %arg11[%get3A_364, %get3A_365] {strides = array<i32>} : memref<80x144xf32, #tpu.memory_space<vmem>>, vector<1x16xf32>,
        %get3A_367 = vector.shape_cast %get3A_366 : vector<1x16xf32> to vector<16xf32>
        %mul3A_368 = arith.mulf %get3A_367, %gather3A_363 : vector<16xf32>
        %swap3A_369 = arith.index_cast %add3A_301 : i32 to index
        %swap3A_370 = arith.constant 16 : index
        %swap3A_371 = tpu.vector_load %arg11[%swap3A_369, %swap3A_370] {strides = array<i32>} : memref<80x144xf32, #tpu.memory_space<vmem>>, vector<1x16xf32>,
        %swap3A_372 = vector.shape_cast %swap3A_371 : vector<1x16xf32> to vector<16xf32>
        %swap3A_373 = vector.shape_cast %mul3A_368 : vector<16xf32> to vector<1x16xf32>
        tpu.vector_store %arg11[%swap3A_369, %swap3A_370], %swap3A_373 {strides = array<i32>} : memref<80x144xf32, #tpu.memory_space<vmem>>, vector<1x16xf32>,
        %broadcast_in_dim3A_374 = arith.constant 2 : i32
        %broadcast_in_dim3A_375 = vector.broadcast %broadcast_in_dim3A_374 : i32 to vector<16xi32>
        %lt3A_376 = arith.constant 0 : i32
        %lt3A_377 = vector.broadcast %lt3A_376 : i32 to vector<16xi32>
        %lt3A_378 = arith.cmpi slt, %broadcast_in_dim3A_375, %lt3A_377 : vector<16xi32>
        %add3A_379 = arith.constant 16 : i32
        %add3A_380 = vector.broadcast %add3A_379 : i32 to vector<16xi32>
        %add3A_381 = arith.addi %broadcast_in_dim3A_375, %add3A_380 : vector<16xi32>
        %select_n3A_382 = arith.select %lt3A_378, %add3A_381, %broadcast_in_dim3A_375 : vector<16xi1>, vector<16xi32>
        %reshape3A_383 = vector.shape_cast %select_n3A_382 : vector<16xi32> to vector<16x1xi32>
        %gather3A_384 = vector.shape_cast %reshape3A_383 : vector<16x1xi32> to vector<16xi32>
        %gather3A_385 = tpu.dynamic_gather %select_n3A_324[%gather3A_384] in [0] : vector<16xf32>, vector<16xi32> -> vector<16xf32>
        %get3A_386 = arith.index_cast %add3A_301 : i32 to index
        %get3A_387 = arith.constant 32 : index
        %get3A_388 = tpu.vector_load %arg11[%get3A_386, %get3A_387] {strides = array<i32>} : memref<80x144xf32, #tpu.memory_space<vmem>>, vector<1x16xf32>,
        %get3A_389 = vector.shape_cast %get3A_388 : vector<1x16xf32> to vector<16xf32>
        %mul3A_390 = arith.mulf %get3A_389, %gather3A_385 : vector<16xf32>
        %swap3A_391 = arith.index_cast %add3A_301 : i32 to index
        %swap3A_392 = arith.constant 32 : index
        %swap3A_393 = tpu.vector_load %arg11[%swap3A_391, %swap3A_392] {strides = array<i32>} : memref<80x144xf32, #tpu.memory_space<vmem>>, vector<1x16xf32>,
        %swap3A_394 = vector.shape_cast %swap3A_393 : vector<1x16xf32> to vector<16xf32>
        %swap3A_395 = vector.shape_cast %mul3A_390 : vector<16xf32> to vector<1x16xf32>
        tpu.vector_store %arg11[%swap3A_391, %swap3A_392], %swap3A_395 {strides = array<i32>} : memref<80x144xf32, #tpu.memory_space<vmem>>, vector<1x16xf32>,
        %broadcast_in_dim3A_396 = arith.constant 3 : i32
        %broadcast_in_dim3A_397 = vector.broadcast %broadcast_in_dim3A_396 : i32 to vector<16xi32>
        %lt3A_398 = arith.constant 0 : i32
        %lt3A_399 = vector.broadcast %lt3A_398 : i32 to vector<16xi32>
        %lt3A_400 = arith.cmpi slt, %broadcast_in_dim3A_397, %lt3A_399 : vector<16xi32>
        %add3A_401 = arith.constant 16 : i32
        %add3A_402 = vector.broadcast %add3A_401 : i32 to vector<16xi32>
        %add3A_403 = arith.addi %broadcast_in_dim3A_397, %add3A_402 : vector<16xi32>
        %select_n3A_404 = arith.select %lt3A_400, %add3A_403, %broadcast_in_dim3A_397 : vector<16xi1>, vector<16xi32>
        %reshape3A_405 = vector.shape_cast %select_n3A_404 : vector<16xi32> to vector<16x1xi32>
        %gather3A_406 = vector.shape_cast %reshape3A_405 : vector<16x1xi32> to vector<16xi32>
        %gather3A_407 = tpu.dynamic_gather %select_n3A_324[%gather3A_406] in [0] : vector<16xf32>, vector<16xi32> -> vector<16xf32>
        %get3A_408 = arith.index_cast %add3A_301 : i32 to index
        %get3A_409 = arith.constant 48 : index
        %get3A_410 = tpu.vector_load %arg11[%get3A_408, %get3A_409] {strides = array<i32>} : memref<80x144xf32, #tpu.memory_space<vmem>>, vector<1x16xf32>,
        %get3A_411 = vector.shape_cast %get3A_410 : vector<1x16xf32> to vector<16xf32>
        %mul3A_412 = arith.mulf %get3A_411, %gather3A_407 : vector<16xf32>
        %swap3A_413 = arith.index_cast %add3A_301 : i32 to index
        %swap3A_414 = arith.constant 48 : index
        %swap3A_415 = tpu.vector_load %arg11[%swap3A_413, %swap3A_414] {strides = array<i32>} : memref<80x144xf32, #tpu.memory_space<vmem>>, vector<1x16xf32>,
        %swap3A_416 = vector.shape_cast %swap3A_415 : vector<1x16xf32> to vector<16xf32>
        %swap3A_417 = vector.shape_cast %mul3A_412 : vector<16xf32> to vector<1x16xf32>
        tpu.vector_store %arg11[%swap3A_413, %swap3A_414], %swap3A_417 {strides = array<i32>} : memref<80x144xf32, #tpu.memory_space<vmem>>, vector<1x16xf32>,
        %broadcast_in_dim3A_418 = arith.constant 4 : i32
        %broadcast_in_dim3A_419 = vector.broadcast %broadcast_in_dim3A_418 : i32 to vector<16xi32>
        %lt3A_420 = arith.constant 0 : i32
        %lt3A_421 = vector.broadcast %lt3A_420 : i32 to vector<16xi32>
        %lt3A_422 = arith.cmpi slt, %broadcast_in_dim3A_419, %lt3A_421 : vector<16xi32>
        %add3A_423 = arith.constant 16 : i32
        %add3A_424 = vector.broadcast %add3A_423 : i32 to vector<16xi32>
        %add3A_425 = arith.addi %broadcast_in_dim3A_419, %add3A_424 : vector<16xi32>
        %select_n3A_426 = arith.select %lt3A_422, %add3A_425, %broadcast_in_dim3A_419 : vector<16xi1>, vector<16xi32>
        %reshape3A_427 = vector.shape_cast %select_n3A_426 : vector<16xi32> to vector<16x1xi32>
        %gather3A_428 = vector.shape_cast %reshape3A_427 : vector<16x1xi32> to vector<16xi32>
        %gather3A_429 = tpu.dynamic_gather %select_n3A_324[%gather3A_428] in [0] : vector<16xf32>, vector<16xi32> -> vector<16xf32>
        %get3A_430 = arith.index_cast %add3A_301 : i32 to index
        %get3A_431 = arith.constant 64 : index
        %get3A_432 = tpu.vector_load %arg11[%get3A_430, %get3A_431] {strides = array<i32>} : memref<80x144xf32, #tpu.memory_space<vmem>>, vector<1x16xf32>,
        %get3A_433 = vector.shape_cast %get3A_432 : vector<1x16xf32> to vector<16xf32>
        %mul3A_434 = arith.mulf %get3A_433, %gather3A_429 : vector<16xf32>
        %swap3A_435 = arith.index_cast %add3A_301 : i32 to index
        %swap3A_436 = arith.constant 64 : index
        %swap3A_437 = tpu.vector_load %arg11[%swap3A_435, %swap3A_436] {strides = array<i32>} : memref<80x144xf32, #tpu.memory_space<vmem>>, vector<1x16xf32>,
        %swap3A_438 = vector.shape_cast %swap3A_437 : vector<1x16xf32> to vector<16xf32>
        %swap3A_439 = vector.shape_cast %mul3A_434 : vector<16xf32> to vector<1x16xf32>
        tpu.vector_store %arg11[%swap3A_435, %swap3A_436], %swap3A_439 {strides = array<i32>} : memref<80x144xf32, #tpu.memory_space<vmem>>, vector<1x16xf32>,
        %broadcast_in_dim3A_440 = arith.constant 5 : i32
        %broadcast_in_dim3A_441 = vector.broadcast %broadcast_in_dim3A_440 : i32 to vector<16xi32>
        %lt3A_442 = arith.constant 0 : i32
        %lt3A_443 = vector.broadcast %lt3A_442 : i32 to vector<16xi32>
        %lt3A_444 = arith.cmpi slt, %broadcast_in_dim3A_441, %lt3A_443 : vector<16xi32>
        %add3A_445 = arith.constant 16 : i32
        %add3A_446 = vector.broadcast %add3A_445 : i32 to vector<16xi32>
        %add3A_447 = arith.addi %broadcast_in_dim3A_441, %add3A_446 : vector<16xi32>
        %select_n3A_448 = arith.select %lt3A_444, %add3A_447, %broadcast_in_dim3A_441 : vector<16xi1>, vector<16xi32>
        %reshape3A_449 = vector.shape_cast %select_n3A_448 : vector<16xi32> to vector<16x1xi32>
        %gather3A_450 = vector.shape_cast %reshape3A_449 : vector<16x1xi32> to vector<16xi32>
        %gather3A_451 = tpu.dynamic_gather %select_n3A_324[%gather3A_450] in [0] : vector<16xf32>, vector<16xi32> -> vector<16xf32>
        %get3A_452 = arith.index_cast %add3A_301 : i32 to index
        %get3A_453 = arith.constant 80 : index
        %get3A_454 = tpu.vector_load %arg11[%get3A_452, %get3A_453] {strides = array<i32>} : memref<80x144xf32, #tpu.memory_space<vmem>>, vector<1x16xf32>,
        %get3A_455 = vector.shape_cast %get3A_454 : vector<1x16xf32> to vector<16xf32>
        %mul3A_456 = arith.mulf %get3A_455, %gather3A_451 : vector<16xf32>
        %swap3A_457 = arith.index_cast %add3A_301 : i32 to index
        %swap3A_458 = arith.constant 80 : index
        %swap3A_459 = tpu.vector_load %arg11[%swap3A_457, %swap3A_458] {strides = array<i32>} : memref<80x144xf32, #tpu.memory_space<vmem>>, vector<1x16xf32>,
        %swap3A_460 = vector.shape_cast %swap3A_459 : vector<1x16xf32> to vector<16xf32>
        %swap3A_461 = vector.shape_cast %mul3A_456 : vector<16xf32> to vector<1x16xf32>
        tpu.vector_store %arg11[%swap3A_457, %swap3A_458], %swap3A_461 {strides = array<i32>} : memref<80x144xf32, #tpu.memory_space<vmem>>, vector<1x16xf32>,
        %broadcast_in_dim3A_462 = arith.constant 6 : i32
        %broadcast_in_dim3A_463 = vector.broadcast %broadcast_in_dim3A_462 : i32 to vector<16xi32>
        %lt3A_464 = arith.constant 0 : i32
        %lt3A_465 = vector.broadcast %lt3A_464 : i32 to vector<16xi32>
        %lt3A_466 = arith.cmpi slt, %broadcast_in_dim3A_463, %lt3A_465 : vector<16xi32>
        %add3A_467 = arith.constant 16 : i32
        %add3A_468 = vector.broadcast %add3A_467 : i32 to vector<16xi32>
        %add3A_469 = arith.addi %broadcast_in_dim3A_463, %add3A_468 : vector<16xi32>
        %select_n3A_470 = arith.select %lt3A_466, %add3A_469, %broadcast_in_dim3A_463 : vector<16xi1>, vector<16xi32>
        %reshape3A_471 = vector.shape_cast %select_n3A_470 : vector<16xi32> to vector<16x1xi32>
        %gather3A_472 = vector.shape_cast %reshape3A_471 : vector<16x1xi32> to vector<16xi32>
        %gather3A_473 = tpu.dynamic_gather %select_n3A_324[%gather3A_472] in [0] : vector<16xf32>, vector<16xi32> -> vector<16xf32>
        %get3A_474 = arith.index_cast %add3A_301 : i32 to index
        %get3A_475 = arith.constant 96 : index
        %get3A_476 = tpu.vector_load %arg11[%get3A_474, %get3A_475] {strides = array<i32>} : memref<80x144xf32, #tpu.memory_space<vmem>>, vector<1x16xf32>,
        %get3A_477 = vector.shape_cast %get3A_476 : vector<1x16xf32> to vector<16xf32>
        %mul3A_478 = arith.mulf %get3A_477, %gather3A_473 : vector<16xf32>
        %swap3A_479 = arith.index_cast %add3A_301 : i32 to index
        %swap3A_480 = arith.constant 96 : index
        %swap3A_481 = tpu.vector_load %arg11[%swap3A_479, %swap3A_480] {strides = array<i32>} : memref<80x144xf32, #tpu.memory_space<vmem>>, vector<1x16xf32>,
        %swap3A_482 = vector.shape_cast %swap3A_481 : vector<1x16xf32> to vector<16xf32>
        %swap3A_483 = vector.shape_cast %mul3A_478 : vector<16xf32> to vector<1x16xf32>
        tpu.vector_store %arg11[%swap3A_479, %swap3A_480], %swap3A_483 {strides = array<i32>} : memref<80x144xf32, #tpu.memory_space<vmem>>, vector<1x16xf32>,
        %broadcast_in_dim3A_484 = arith.constant 7 : i32
        %broadcast_in_dim3A_485 = vector.broadcast %broadcast_in_dim3A_484 : i32 to vector<16xi32>
        %lt3A_486 = arith.constant 0 : i32
        %lt3A_487 = vector.broadcast %lt3A_486 : i32 to vector<16xi32>
        %lt3A_488 = arith.cmpi slt, %broadcast_in_dim3A_485, %lt3A_487 : vector<16xi32>
        %add3A_489 = arith.constant 16 : i32
        %add3A_490 = vector.broadcast %add3A_489 : i32 to vector<16xi32>
        %add3A_491 = arith.addi %broadcast_in_dim3A_485, %add3A_490 : vector<16xi32>
        %select_n3A_492 = arith.select %lt3A_488, %add3A_491, %broadcast_in_dim3A_485 : vector<16xi1>, vector<16xi32>
        %reshape3A_493 = vector.shape_cast %select_n3A_492 : vector<16xi32> to vector<16x1xi32>
        %gather3A_494 = vector.shape_cast %reshape3A_493 : vector<16x1xi32> to vector<16xi32>
        %gather3A_495 = tpu.dynamic_gather %select_n3A_324[%gather3A_494] in [0] : vector<16xf32>, vector<16xi32> -> vector<16xf32>
        %get3A_496 = arith.index_cast %add3A_301 : i32 to index
        %get3A_497 = arith.constant 112 : index
        %get3A_498 = tpu.vector_load %arg11[%get3A_496, %get3A_497] {strides = array<i32>} : memref<80x144xf32, #tpu.memory_space<vmem>>, vector<1x16xf32>,
        %get3A_499 = vector.shape_cast %get3A_498 : vector<1x16xf32> to vector<16xf32>
        %mul3A_500 = arith.mulf %get3A_499, %gather3A_495 : vector<16xf32>
        %swap3A_501 = arith.index_cast %add3A_301 : i32 to index
        %swap3A_502 = arith.constant 112 : index
        %swap3A_503 = tpu.vector_load %arg11[%swap3A_501, %swap3A_502] {strides = array<i32>} : memref<80x144xf32, #tpu.memory_space<vmem>>, vector<1x16xf32>,
        %swap3A_504 = vector.shape_cast %swap3A_503 : vector<1x16xf32> to vector<16xf32>
        %swap3A_505 = vector.shape_cast %mul3A_500 : vector<16xf32> to vector<1x16xf32>
        tpu.vector_store %arg11[%swap3A_501, %swap3A_502], %swap3A_505 {strides = array<i32>} : memref<80x144xf32, #tpu.memory_space<vmem>>, vector<1x16xf32>,
      }
      %scan3A_66 = arith.constant 40 : i32
      "tpu.region"() ({
        %run_scoped3A = tpu.sem_alloc : memref<!tpu.dma_semaphore, #tpu.memory_space<semaphore_mem>>
        %dma_start3A_99 = arith.constant 0 : i32
        %dma_start3A_100 = arith.constant 0 : i32
        %dma_start3A_101 = tpu.memref_slice %arg8[%dma_start3A_99, %dma_start3A_100] : memref<10240x144xf32, #tpu.memory_space<vmem_shared>> -> memref<10240x144xf32, #tpu.memory_space<vmem_shared>>
        tpu.enqueue_indirect_dma source(%arg11 : memref<80x144xf32, #tpu.memory_space<vmem>>) target(%dma_start3A_101 : memref<10240x144xf32, #tpu.memory_space<vmem_shared>>) offsets(%arg10 : memref<80xi32, #tpu.memory_space<vmem>>) semaphore(%run_scoped3A : memref<!tpu.dma_semaphore, #tpu.memory_space<semaphore_mem>>) {add = true}
        %dma_wait3A_102 = arith.constant 0 : i32
        %dma_wait3A_103 = arith.constant 0 : i32
        %dma_wait3A_104 = tpu.memref_slice %arg8[%dma_wait3A_102, %dma_wait3A_103] : memref<10240x144xf32, #tpu.memory_space<vmem_shared>> -> memref<10240x144xf32, #tpu.memory_space<vmem_shared>>
        tpu.wait_indirect_dma semaphore(%run_scoped3A : memref<!tpu.dma_semaphore, #tpu.memory_space<semaphore_mem>>) src(%arg11 : memref<80x144xf32, #tpu.memory_space<vmem>>) dst(%dma_wait3A_104 : memref<10240x144xf32, #tpu.memory_space<vmem_shared>>)
        tpu.yield
      }) : () -> ()
      %mul3A_67 = arith.constant 2 : i32
      %mul3A_68 = arith.muli %mul3A_67, %scan3A_34 : i32
      %add3A_69 = arith.constant 2 : i32
      %add3A_70 = arith.addi %mul3A_68, %add3A_69 : i32
      %mul3A_71 = arith.constant 80 : i32
      %mul3A_72 = arith.muli %add3A_70, %mul3A_71 : i32
      %add3A_73 = arith.addi %mul3A_4, %mul3A_72 : i32
      "tpu.region"() ({
        %run_scoped3A = tpu.sem_alloc : memref<!tpu.dma_semaphore, #tpu.memory_space<semaphore_mem>>
        %dma_start3A_99 = tpu.memref_slice %arg4[%add3A_73] : memref<320000xi32, #tpu.memory_space<hbm>> -> memref<80xi32, #tpu.memory_space<hbm>>
        %dma_start3A_100 = tpu.memref_slice %arg4[%add3A_73] : memref<320000xi32, #tpu.memory_space<hbm>> -> memref<80xi32, #tpu.memory_space<hbm>>
        tpu.enqueue_dma source(%dma_start3A_100 : memref<80xi32, #tpu.memory_space<hbm>>) target(%arg9 : memref<80xi32, #tpu.memory_space<vmem>>) target_semaphore(%run_scoped3A : memref<!tpu.dma_semaphore, #tpu.memory_space<semaphore_mem>>)
        %dma_wait3A_101 = tpu.memref_slice %arg4[%add3A_73] : memref<320000xi32, #tpu.memory_space<hbm>> -> memref<80xi32, #tpu.memory_space<hbm>>
        %dma_wait3A_102 = tpu.memref_slice %arg4[%add3A_73] : memref<320000xi32, #tpu.memory_space<hbm>> -> memref<80xi32, #tpu.memory_space<hbm>>
        tpu.wait_dma2 semaphore(%run_scoped3A : memref<!tpu.dma_semaphore, #tpu.memory_space<semaphore_mem>>) src(%dma_wait3A_102 : memref<80xi32, #tpu.memory_space<hbm>>) dst(%arg9 : memref<80xi32, #tpu.memory_space<vmem>>)
        tpu.yield
      }) : () -> ()
      "tpu.region"() ({
        %run_scoped3A = tpu.sem_alloc : memref<!tpu.dma_semaphore, #tpu.memory_space<semaphore_mem>>
        %dma_start3A_99 = tpu.memref_slice %arg5[%add3A_73] : memref<320000xi32, #tpu.memory_space<hbm>> -> memref<80xi32, #tpu.memory_space<hbm>>
        %dma_start3A_100 = tpu.memref_slice %arg5[%add3A_73] : memref<320000xi32, #tpu.memory_space<hbm>> -> memref<80xi32, #tpu.memory_space<hbm>>
        tpu.enqueue_dma source(%dma_start3A_100 : memref<80xi32, #tpu.memory_space<hbm>>) target(%arg10 : memref<80xi32, #tpu.memory_space<vmem>>) target_semaphore(%run_scoped3A : memref<!tpu.dma_semaphore, #tpu.memory_space<semaphore_mem>>)
        %dma_wait3A_101 = tpu.memref_slice %arg5[%add3A_73] : memref<320000xi32, #tpu.memory_space<hbm>> -> memref<80xi32, #tpu.memory_space<hbm>>
        %dma_wait3A_102 = tpu.memref_slice %arg5[%add3A_73] : memref<320000xi32, #tpu.memory_space<hbm>> -> memref<80xi32, #tpu.memory_space<hbm>>
        tpu.wait_dma2 semaphore(%run_scoped3A : memref<!tpu.dma_semaphore, #tpu.memory_space<semaphore_mem>>) src(%dma_wait3A_102 : memref<80xi32, #tpu.memory_space<hbm>>) dst(%arg10 : memref<80xi32, #tpu.memory_space<vmem>>)
        tpu.yield
      }) : () -> ()
      %dma_start3A_74 = arith.constant 0 : i32
      %dma_start3A_75 = arith.constant 0 : i32
      %dma_start3A_76 = tpu.memref_slice %arg2[%dma_start3A_74, %dma_start3A_75] : memref<10000x144xf32, #tpu.memory_space<hbm>> -> memref<10000x144xf32, #tpu.memory_space<hbm>>
      tpu.enqueue_indirect_dma source(%dma_start3A_76 : memref<10000x144xf32, #tpu.memory_space<hbm>>) target(%arg11 : memref<80x144xf32, #tpu.memory_space<vmem>>) offsets(%arg9 : memref<80xi32, #tpu.memory_space<vmem>>) semaphore(%arg17 : memref<!tpu.dma_semaphore, #tpu.memory_space<semaphore_mem>>)
      %dma_start3A_77 = arith.constant 0 : i32
      %dma_start3A_78 = arith.constant 0 : i32
      %dma_start3A_79 = tpu.memref_slice %arg3[%dma_start3A_77, %dma_start3A_78] : memref<10000x16xf32, #tpu.memory_space<hbm>> -> memref<10000x16xf32, #tpu.memory_space<hbm>>
      tpu.enqueue_indirect_dma source(%dma_start3A_79 : memref<10000x16xf32, #tpu.memory_space<hbm>>) target(%arg12 : memref<80x16xf32, #tpu.memory_space<vmem>>) offsets(%arg10 : memref<80xi32, #tpu.memory_space<vmem>>) semaphore(%arg18 : memref<!tpu.dma_semaphore, #tpu.memory_space<semaphore_mem>>)
      %dma_wait3A_80 = arith.constant 0 : i32
      %dma_wait3A_81 = arith.constant 0 : i32
      %dma_wait3A_82 = tpu.memref_slice %arg2[%dma_wait3A_80, %dma_wait3A_81] : memref<10000x144xf32, #tpu.memory_space<hbm>> -> memref<10000x144xf32, #tpu.memory_space<hbm>>
      tpu.wait_indirect_dma semaphore(%arg19 : memref<!tpu.dma_semaphore, #tpu.memory_space<semaphore_mem>>) src(%dma_wait3A_82 : memref<10000x144xf32, #tpu.memory_space<hbm>>) dst(%arg15 : memref<80x144xf32, #tpu.memory_space<vmem>>)
      %dma_wait3A_83 = arith.constant 0 : i32
      %dma_wait3A_84 = arith.constant 0 : i32
      %dma_wait3A_85 = tpu.memref_slice %arg3[%dma_wait3A_83, %dma_wait3A_84] : memref<10000x16xf32, #tpu.memory_space<hbm>> -> memref<10000x16xf32, #tpu.memory_space<hbm>>
      tpu.wait_indirect_dma semaphore(%arg20 : memref<!tpu.dma_semaphore, #tpu.memory_space<semaphore_mem>>) src(%dma_wait3A_85 : memref<10000x16xf32, #tpu.memory_space<hbm>>) dst(%arg16 : memref<80x16xf32, #tpu.memory_space<vmem>>)
      %iota3A_86 = tpu.iota {dimensions = array<i32: 0>} : vector<16xi32>
      %and3A_87 = arith.constant 7 : i32
      %and3A_88 = vector.broadcast %and3A_87 : i32 to vector<16xi32>
      %and3A_89 = arith.andi %iota3A_86, %and3A_88 : vector<16xi32>
      %add3A_90 = arith.constant 8 : i32
      %add3A_91 = vector.broadcast %add3A_90 : i32 to vector<16xi32>
      %add3A_92 = arith.addi %and3A_89, %add3A_91 : vector<16xi32>
      %scan3A_93 = arith.constant 0 : i32
      %scan3A_94 = arith.constant 0 : i32
      %scan3A_95 = arith.constant 40 : i32
      %scan3A_96 = arith.addi %scan3A_94, %scan3A_95 : i32
      %scan3A_97 = arith.constant 1 : i32
      scf.for %scan3A_99 = %scan3A_94 to %scan3A_96 step %scan3A_97  : i32 {
        %mul3A_100 = arith.constant 2 : i32
        %mul3A_101 = arith.muli %mul3A_100, %scan3A_99 : i32
        %get3A = arith.index_cast %mul3A_101 : i32 to index
        %get3A_102 = arith.constant 128 : index
        %get3A_103 = tpu.vector_load %arg15[%get3A, %get3A_102] {strides = array<i32>} : memref<80x144xf32, #tpu.memory_space<vmem>>, vector<1x16xf32>,
        %get3A_104 = vector.shape_cast %get3A_103 : vector<1x16xf32> to vector<16xf32>
        %get3A_105 = arith.index_cast %mul3A_101 : i32 to index
        %get3A_106 = arith.constant 0 : index
        %get3A_107 = tpu.vector_load %arg16[%get3A_105, %get3A_106] {strides = array<i32>} : memref<80x16xf32, #tpu.memory_space<vmem>>, vector<1x16xf32>,
        %get3A_108 = vector.shape_cast %get3A_107 : vector<1x16xf32> to vector<16xf32>
        %mul3A_109 = arith.mulf %get3A_104, %get3A_108 : vector<16xf32>
        %lt3A = arith.constant 0 : i32
        %lt3A_110 = vector.broadcast %lt3A : i32 to vector<16xi32>
        %lt3A_111 = arith.cmpi slt, %add3A_92, %lt3A_110 : vector<16xi32>
        %add3A_112 = arith.constant 16 : i32
        %add3A_113 = vector.broadcast %add3A_112 : i32 to vector<16xi32>
        %add3A_114 = arith.addi %add3A_92, %add3A_113 : vector<16xi32>
        %select_n3A = arith.select %lt3A_111, %add3A_114, %add3A_92 : vector<16xi1>, vector<16xi32>
        %reshape3A = vector.shape_cast %select_n3A : vector<16xi32> to vector<16x1xi32>
        %gather3A = vector.shape_cast %reshape3A : vector<16x1xi32> to vector<16xi32>
        %gather3A_115 = tpu.dynamic_gather %mul3A_109[%gather3A] in [0] : vector<16xf32>, vector<16xi32> -> vector<16xf32>
        %gt3A = arith.constant 1.000000e+00 : f32
        %gt3A_116 = vector.broadcast %gt3A : f32 to vector<16xf32>
        %gt3A_117 = arith.cmpf ogt, %mul3A_109, %gt3A_116 : vector<16xf32>
        %select_n3A_118 = arith.select %gt3A_117, %mul3A_109, %gather3A_115 : vector<16xi1>, vector<16xf32>
        %swap3A = arith.index_cast %mul3A_101 : i32 to index
        %swap3A_119 = arith.constant 128 : index
        %swap3A_120 = tpu.vector_load %arg15[%swap3A, %swap3A_119] {strides = array<i32>} : memref<80x144xf32, #tpu.memory_space<vmem>>, vector<1x16xf32>,
        %swap3A_121 = vector.shape_cast %swap3A_120 : vector<1x16xf32> to vector<16xf32>
        %swap3A_122 = vector.shape_cast %select_n3A_118 : vector<16xf32> to vector<1x16xf32>
        tpu.vector_store %arg15[%swap3A, %swap3A_119], %swap3A_122 {strides = array<i32>} : memref<80x144xf32, #tpu.memory_space<vmem>>, vector<1x16xf32>,
        %broadcast_in_dim3A = arith.constant 0 : i32
        %broadcast_in_dim3A_123 = vector.broadcast %broadcast_in_dim3A : i32 to vector<16xi32>
        %lt3A_124 = arith.constant 0 : i32
        %lt3A_125 = vector.broadcast %lt3A_124 : i32 to vector<16xi32>
        %lt3A_126 = arith.cmpi slt, %broadcast_in_dim3A_123, %lt3A_125 : vector<16xi32>
        %add3A_127 = arith.constant 16 : i32
        %add3A_128 = vector.broadcast %add3A_127 : i32 to vector<16xi32>
        %add3A_129 = arith.addi %broadcast_in_dim3A_123, %add3A_128 : vector<16xi32>
        %select_n3A_130 = arith.select %lt3A_126, %add3A_129, %broadcast_in_dim3A_123 : vector<16xi1>, vector<16xi32>
        %reshape3A_131 = vector.shape_cast %select_n3A_130 : vector<16xi32> to vector<16x1xi32>
        %gather3A_132 = vector.shape_cast %reshape3A_131 : vector<16x1xi32> to vector<16xi32>
        %gather3A_133 = tpu.dynamic_gather %select_n3A_118[%gather3A_132] in [0] : vector<16xf32>, vector<16xi32> -> vector<16xf32>
        %get3A_134 = arith.index_cast %mul3A_101 : i32 to index
        %get3A_135 = arith.constant 0 : index
        %get3A_136 = tpu.vector_load %arg15[%get3A_134, %get3A_135] {strides = array<i32>} : memref<80x144xf32, #tpu.memory_space<vmem>>, vector<1x16xf32>,
        %get3A_137 = vector.shape_cast %get3A_136 : vector<1x16xf32> to vector<16xf32>
        %mul3A_138 = arith.mulf %get3A_137, %gather3A_133 : vector<16xf32>
        %swap3A_139 = arith.index_cast %mul3A_101 : i32 to index
        %swap3A_140 = arith.constant 0 : index
        %swap3A_141 = tpu.vector_load %arg15[%swap3A_139, %swap3A_140] {strides = array<i32>} : memref<80x144xf32, #tpu.memory_space<vmem>>, vector<1x16xf32>,
        %swap3A_142 = vector.shape_cast %swap3A_141 : vector<1x16xf32> to vector<16xf32>
        %swap3A_143 = vector.shape_cast %mul3A_138 : vector<16xf32> to vector<1x16xf32>
        tpu.vector_store %arg15[%swap3A_139, %swap3A_140], %swap3A_143 {strides = array<i32>} : memref<80x144xf32, #tpu.memory_space<vmem>>, vector<1x16xf32>,
        %broadcast_in_dim3A_144 = arith.constant 1 : i32
        %broadcast_in_dim3A_145 = vector.broadcast %broadcast_in_dim3A_144 : i32 to vector<16xi32>
        %lt3A_146 = arith.constant 0 : i32
        %lt3A_147 = vector.broadcast %lt3A_146 : i32 to vector<16xi32>
        %lt3A_148 = arith.cmpi slt, %broadcast_in_dim3A_145, %lt3A_147 : vector<16xi32>
        %add3A_149 = arith.constant 16 : i32
        %add3A_150 = vector.broadcast %add3A_149 : i32 to vector<16xi32>
        %add3A_151 = arith.addi %broadcast_in_dim3A_145, %add3A_150 : vector<16xi32>
        %select_n3A_152 = arith.select %lt3A_148, %add3A_151, %broadcast_in_dim3A_145 : vector<16xi1>, vector<16xi32>
        %reshape3A_153 = vector.shape_cast %select_n3A_152 : vector<16xi32> to vector<16x1xi32>
        %gather3A_154 = vector.shape_cast %reshape3A_153 : vector<16x1xi32> to vector<16xi32>
        %gather3A_155 = tpu.dynamic_gather %select_n3A_118[%gather3A_154] in [0] : vector<16xf32>, vector<16xi32> -> vector<16xf32>
        %get3A_156 = arith.index_cast %mul3A_101 : i32 to index
        %get3A_157 = arith.constant 16 : index
        %get3A_158 = tpu.vector_load %arg15[%get3A_156, %get3A_157] {strides = array<i32>} : memref<80x144xf32, #tpu.memory_space<vmem>>, vector<1x16xf32>,
        %get3A_159 = vector.shape_cast %get3A_158 : vector<1x16xf32> to vector<16xf32>
        %mul3A_160 = arith.mulf %get3A_159, %gather3A_155 : vector<16xf32>
        %swap3A_161 = arith.index_cast %mul3A_101 : i32 to index
        %swap3A_162 = arith.constant 16 : index
        %swap3A_163 = tpu.vector_load %arg15[%swap3A_161, %swap3A_162] {strides = array<i32>} : memref<80x144xf32, #tpu.memory_space<vmem>>, vector<1x16xf32>,
        %swap3A_164 = vector.shape_cast %swap3A_163 : vector<1x16xf32> to vector<16xf32>
        %swap3A_165 = vector.shape_cast %mul3A_160 : vector<16xf32> to vector<1x16xf32>
        tpu.vector_store %arg15[%swap3A_161, %swap3A_162], %swap3A_165 {strides = array<i32>} : memref<80x144xf32, #tpu.memory_space<vmem>>, vector<1x16xf32>,
        %broadcast_in_dim3A_166 = arith.constant 2 : i32
        %broadcast_in_dim3A_167 = vector.broadcast %broadcast_in_dim3A_166 : i32 to vector<16xi32>
        %lt3A_168 = arith.constant 0 : i32
        %lt3A_169 = vector.broadcast %lt3A_168 : i32 to vector<16xi32>
        %lt3A_170 = arith.cmpi slt, %broadcast_in_dim3A_167, %lt3A_169 : vector<16xi32>
        %add3A_171 = arith.constant 16 : i32
        %add3A_172 = vector.broadcast %add3A_171 : i32 to vector<16xi32>
        %add3A_173 = arith.addi %broadcast_in_dim3A_167, %add3A_172 : vector<16xi32>
        %select_n3A_174 = arith.select %lt3A_170, %add3A_173, %broadcast_in_dim3A_167 : vector<16xi1>, vector<16xi32>
        %reshape3A_175 = vector.shape_cast %select_n3A_174 : vector<16xi32> to vector<16x1xi32>
        %gather3A_176 = vector.shape_cast %reshape3A_175 : vector<16x1xi32> to vector<16xi32>
        %gather3A_177 = tpu.dynamic_gather %select_n3A_118[%gather3A_176] in [0] : vector<16xf32>, vector<16xi32> -> vector<16xf32>
        %get3A_178 = arith.index_cast %mul3A_101 : i32 to index
        %get3A_179 = arith.constant 32 : index
        %get3A_180 = tpu.vector_load %arg15[%get3A_178, %get3A_179] {strides = array<i32>} : memref<80x144xf32, #tpu.memory_space<vmem>>, vector<1x16xf32>,
        %get3A_181 = vector.shape_cast %get3A_180 : vector<1x16xf32> to vector<16xf32>
        %mul3A_182 = arith.mulf %get3A_181, %gather3A_177 : vector<16xf32>
        %swap3A_183 = arith.index_cast %mul3A_101 : i32 to index
        %swap3A_184 = arith.constant 32 : index
        %swap3A_185 = tpu.vector_load %arg15[%swap3A_183, %swap3A_184] {strides = array<i32>} : memref<80x144xf32, #tpu.memory_space<vmem>>, vector<1x16xf32>,
        %swap3A_186 = vector.shape_cast %swap3A_185 : vector<1x16xf32> to vector<16xf32>
        %swap3A_187 = vector.shape_cast %mul3A_182 : vector<16xf32> to vector<1x16xf32>
        tpu.vector_store %arg15[%swap3A_183, %swap3A_184], %swap3A_187 {strides = array<i32>} : memref<80x144xf32, #tpu.memory_space<vmem>>, vector<1x16xf32>,
        %broadcast_in_dim3A_188 = arith.constant 3 : i32
        %broadcast_in_dim3A_189 = vector.broadcast %broadcast_in_dim3A_188 : i32 to vector<16xi32>
        %lt3A_190 = arith.constant 0 : i32
        %lt3A_191 = vector.broadcast %lt3A_190 : i32 to vector<16xi32>
        %lt3A_192 = arith.cmpi slt, %broadcast_in_dim3A_189, %lt3A_191 : vector<16xi32>
        %add3A_193 = arith.constant 16 : i32
        %add3A_194 = vector.broadcast %add3A_193 : i32 to vector<16xi32>
        %add3A_195 = arith.addi %broadcast_in_dim3A_189, %add3A_194 : vector<16xi32>
        %select_n3A_196 = arith.select %lt3A_192, %add3A_195, %broadcast_in_dim3A_189 : vector<16xi1>, vector<16xi32>
        %reshape3A_197 = vector.shape_cast %select_n3A_196 : vector<16xi32> to vector<16x1xi32>
        %gather3A_198 = vector.shape_cast %reshape3A_197 : vector<16x1xi32> to vector<16xi32>
        %gather3A_199 = tpu.dynamic_gather %select_n3A_118[%gather3A_198] in [0] : vector<16xf32>, vector<16xi32> -> vector<16xf32>
        %get3A_200 = arith.index_cast %mul3A_101 : i32 to index
        %get3A_201 = arith.constant 48 : index
        %get3A_202 = tpu.vector_load %arg15[%get3A_200, %get3A_201] {strides = array<i32>} : memref<80x144xf32, #tpu.memory_space<vmem>>, vector<1x16xf32>,
        %get3A_203 = vector.shape_cast %get3A_202 : vector<1x16xf32> to vector<16xf32>
        %mul3A_204 = arith.mulf %get3A_203, %gather3A_199 : vector<16xf32>
        %swap3A_205 = arith.index_cast %mul3A_101 : i32 to index
        %swap3A_206 = arith.constant 48 : index
        %swap3A_207 = tpu.vector_load %arg15[%swap3A_205, %swap3A_206] {strides = array<i32>} : memref<80x144xf32, #tpu.memory_space<vmem>>, vector<1x16xf32>,
        %swap3A_208 = vector.shape_cast %swap3A_207 : vector<1x16xf32> to vector<16xf32>
        %swap3A_209 = vector.shape_cast %mul3A_204 : vector<16xf32> to vector<1x16xf32>
        tpu.vector_store %arg15[%swap3A_205, %swap3A_206], %swap3A_209 {strides = array<i32>} : memref<80x144xf32, #tpu.memory_space<vmem>>, vector<1x16xf32>,
        %broadcast_in_dim3A_210 = arith.constant 4 : i32
        %broadcast_in_dim3A_211 = vector.broadcast %broadcast_in_dim3A_210 : i32 to vector<16xi32>
        %lt3A_212 = arith.constant 0 : i32
        %lt3A_213 = vector.broadcast %lt3A_212 : i32 to vector<16xi32>
        %lt3A_214 = arith.cmpi slt, %broadcast_in_dim3A_211, %lt3A_213 : vector<16xi32>
        %add3A_215 = arith.constant 16 : i32
        %add3A_216 = vector.broadcast %add3A_215 : i32 to vector<16xi32>
        %add3A_217 = arith.addi %broadcast_in_dim3A_211, %add3A_216 : vector<16xi32>
        %select_n3A_218 = arith.select %lt3A_214, %add3A_217, %broadcast_in_dim3A_211 : vector<16xi1>, vector<16xi32>
        %reshape3A_219 = vector.shape_cast %select_n3A_218 : vector<16xi32> to vector<16x1xi32>
        %gather3A_220 = vector.shape_cast %reshape3A_219 : vector<16x1xi32> to vector<16xi32>
        %gather3A_221 = tpu.dynamic_gather %select_n3A_118[%gather3A_220] in [0] : vector<16xf32>, vector<16xi32> -> vector<16xf32>
        %get3A_222 = arith.index_cast %mul3A_101 : i32 to index
        %get3A_223 = arith.constant 64 : index
        %get3A_224 = tpu.vector_load %arg15[%get3A_222, %get3A_223] {strides = array<i32>} : memref<80x144xf32, #tpu.memory_space<vmem>>, vector<1x16xf32>,
        %get3A_225 = vector.shape_cast %get3A_224 : vector<1x16xf32> to vector<16xf32>
        %mul3A_226 = arith.mulf %get3A_225, %gather3A_221 : vector<16xf32>
        %swap3A_227 = arith.index_cast %mul3A_101 : i32 to index
        %swap3A_228 = arith.constant 64 : index
        %swap3A_229 = tpu.vector_load %arg15[%swap3A_227, %swap3A_228] {strides = array<i32>} : memref<80x144xf32, #tpu.memory_space<vmem>>, vector<1x16xf32>,
        %swap3A_230 = vector.shape_cast %swap3A_229 : vector<1x16xf32> to vector<16xf32>
        %swap3A_231 = vector.shape_cast %mul3A_226 : vector<16xf32> to vector<1x16xf32>
        tpu.vector_store %arg15[%swap3A_227, %swap3A_228], %swap3A_231 {strides = array<i32>} : memref<80x144xf32, #tpu.memory_space<vmem>>, vector<1x16xf32>,
        %broadcast_in_dim3A_232 = arith.constant 5 : i32
        %broadcast_in_dim3A_233 = vector.broadcast %broadcast_in_dim3A_232 : i32 to vector<16xi32>
        %lt3A_234 = arith.constant 0 : i32
        %lt3A_235 = vector.broadcast %lt3A_234 : i32 to vector<16xi32>
        %lt3A_236 = arith.cmpi slt, %broadcast_in_dim3A_233, %lt3A_235 : vector<16xi32>
        %add3A_237 = arith.constant 16 : i32
        %add3A_238 = vector.broadcast %add3A_237 : i32 to vector<16xi32>
        %add3A_239 = arith.addi %broadcast_in_dim3A_233, %add3A_238 : vector<16xi32>
        %select_n3A_240 = arith.select %lt3A_236, %add3A_239, %broadcast_in_dim3A_233 : vector<16xi1>, vector<16xi32>
        %reshape3A_241 = vector.shape_cast %select_n3A_240 : vector<16xi32> to vector<16x1xi32>
        %gather3A_242 = vector.shape_cast %reshape3A_241 : vector<16x1xi32> to vector<16xi32>
        %gather3A_243 = tpu.dynamic_gather %select_n3A_118[%gather3A_242] in [0] : vector<16xf32>, vector<16xi32> -> vector<16xf32>
        %get3A_244 = arith.index_cast %mul3A_101 : i32 to index
        %get3A_245 = arith.constant 80 : index
        %get3A_246 = tpu.vector_load %arg15[%get3A_244, %get3A_245] {strides = array<i32>} : memref<80x144xf32, #tpu.memory_space<vmem>>, vector<1x16xf32>,
        %get3A_247 = vector.shape_cast %get3A_246 : vector<1x16xf32> to vector<16xf32>
        %mul3A_248 = arith.mulf %get3A_247, %gather3A_243 : vector<16xf32>
        %swap3A_249 = arith.index_cast %mul3A_101 : i32 to index
        %swap3A_250 = arith.constant 80 : index
        %swap3A_251 = tpu.vector_load %arg15[%swap3A_249, %swap3A_250] {strides = array<i32>} : memref<80x144xf32, #tpu.memory_space<vmem>>, vector<1x16xf32>,
        %swap3A_252 = vector.shape_cast %swap3A_251 : vector<1x16xf32> to vector<16xf32>
        %swap3A_253 = vector.shape_cast %mul3A_248 : vector<16xf32> to vector<1x16xf32>
        tpu.vector_store %arg15[%swap3A_249, %swap3A_250], %swap3A_253 {strides = array<i32>} : memref<80x144xf32, #tpu.memory_space<vmem>>, vector<1x16xf32>,
        %broadcast_in_dim3A_254 = arith.constant 6 : i32
        %broadcast_in_dim3A_255 = vector.broadcast %broadcast_in_dim3A_254 : i32 to vector<16xi32>
        %lt3A_256 = arith.constant 0 : i32
        %lt3A_257 = vector.broadcast %lt3A_256 : i32 to vector<16xi32>
        %lt3A_258 = arith.cmpi slt, %broadcast_in_dim3A_255, %lt3A_257 : vector<16xi32>
        %add3A_259 = arith.constant 16 : i32
        %add3A_260 = vector.broadcast %add3A_259 : i32 to vector<16xi32>
        %add3A_261 = arith.addi %broadcast_in_dim3A_255, %add3A_260 : vector<16xi32>
        %select_n3A_262 = arith.select %lt3A_258, %add3A_261, %broadcast_in_dim3A_255 : vector<16xi1>, vector<16xi32>
        %reshape3A_263 = vector.shape_cast %select_n3A_262 : vector<16xi32> to vector<16x1xi32>
        %gather3A_264 = vector.shape_cast %reshape3A_263 : vector<16x1xi32> to vector<16xi32>
        %gather3A_265 = tpu.dynamic_gather %select_n3A_118[%gather3A_264] in [0] : vector<16xf32>, vector<16xi32> -> vector<16xf32>
        %get3A_266 = arith.index_cast %mul3A_101 : i32 to index
        %get3A_267 = arith.constant 96 : index
        %get3A_268 = tpu.vector_load %arg15[%get3A_266, %get3A_267] {strides = array<i32>} : memref<80x144xf32, #tpu.memory_space<vmem>>, vector<1x16xf32>,
        %get3A_269 = vector.shape_cast %get3A_268 : vector<1x16xf32> to vector<16xf32>
        %mul3A_270 = arith.mulf %get3A_269, %gather3A_265 : vector<16xf32>
        %swap3A_271 = arith.index_cast %mul3A_101 : i32 to index
        %swap3A_272 = arith.constant 96 : index
        %swap3A_273 = tpu.vector_load %arg15[%swap3A_271, %swap3A_272] {strides = array<i32>} : memref<80x144xf32, #tpu.memory_space<vmem>>, vector<1x16xf32>,
        %swap3A_274 = vector.shape_cast %swap3A_273 : vector<1x16xf32> to vector<16xf32>
        %swap3A_275 = vector.shape_cast %mul3A_270 : vector<16xf32> to vector<1x16xf32>
        tpu.vector_store %arg15[%swap3A_271, %swap3A_272], %swap3A_275 {strides = array<i32>} : memref<80x144xf32, #tpu.memory_space<vmem>>, vector<1x16xf32>,
        %broadcast_in_dim3A_276 = arith.constant 7 : i32
        %broadcast_in_dim3A_277 = vector.broadcast %broadcast_in_dim3A_276 : i32 to vector<16xi32>
        %lt3A_278 = arith.constant 0 : i32
        %lt3A_279 = vector.broadcast %lt3A_278 : i32 to vector<16xi32>
        %lt3A_280 = arith.cmpi slt, %broadcast_in_dim3A_277, %lt3A_279 : vector<16xi32>
        %add3A_281 = arith.constant 16 : i32
        %add3A_282 = vector.broadcast %add3A_281 : i32 to vector<16xi32>
        %add3A_283 = arith.addi %broadcast_in_dim3A_277, %add3A_282 : vector<16xi32>
        %select_n3A_284 = arith.select %lt3A_280, %add3A_283, %broadcast_in_dim3A_277 : vector<16xi1>, vector<16xi32>
        %reshape3A_285 = vector.shape_cast %select_n3A_284 : vector<16xi32> to vector<16x1xi32>
        %gather3A_286 = vector.shape_cast %reshape3A_285 : vector<16x1xi32> to vector<16xi32>
        %gather3A_287 = tpu.dynamic_gather %select_n3A_118[%gather3A_286] in [0] : vector<16xf32>, vector<16xi32> -> vector<16xf32>
        %get3A_288 = arith.index_cast %mul3A_101 : i32 to index
        %get3A_289 = arith.constant 112 : index
        %get3A_290 = tpu.vector_load %arg15[%get3A_288, %get3A_289] {strides = array<i32>} : memref<80x144xf32, #tpu.memory_space<vmem>>, vector<1x16xf32>,
        %get3A_291 = vector.shape_cast %get3A_290 : vector<1x16xf32> to vector<16xf32>
        %mul3A_292 = arith.mulf %get3A_291, %gather3A_287 : vector<16xf32>
        %swap3A_293 = arith.index_cast %mul3A_101 : i32 to index
        %swap3A_294 = arith.constant 112 : index
        %swap3A_295 = tpu.vector_load %arg15[%swap3A_293, %swap3A_294] {strides = array<i32>} : memref<80x144xf32, #tpu.memory_space<vmem>>, vector<1x16xf32>,
        %swap3A_296 = vector.shape_cast %swap3A_295 : vector<1x16xf32> to vector<16xf32>
        %swap3A_297 = vector.shape_cast %mul3A_292 : vector<16xf32> to vector<1x16xf32>
        tpu.vector_store %arg15[%swap3A_293, %swap3A_294], %swap3A_297 {strides = array<i32>} : memref<80x144xf32, #tpu.memory_space<vmem>>, vector<1x16xf32>,
        %mul3A_298 = arith.constant 2 : i32
        %mul3A_299 = arith.muli %mul3A_298, %scan3A_99 : i32
        %add3A_300 = arith.constant 1 : i32
        %add3A_301 = arith.addi %mul3A_299, %add3A_300 : i32
        %get3A_302 = arith.index_cast %add3A_301 : i32 to index
        %get3A_303 = arith.constant 128 : index
        %get3A_304 = tpu.vector_load %arg15[%get3A_302, %get3A_303] {strides = array<i32>} : memref<80x144xf32, #tpu.memory_space<vmem>>, vector<1x16xf32>,
        %get3A_305 = vector.shape_cast %get3A_304 : vector<1x16xf32> to vector<16xf32>
        %get3A_306 = arith.index_cast %add3A_301 : i32 to index
        %get3A_307 = arith.constant 0 : index
        %get3A_308 = tpu.vector_load %arg16[%get3A_306, %get3A_307] {strides = array<i32>} : memref<80x16xf32, #tpu.memory_space<vmem>>, vector<1x16xf32>,
        %get3A_309 = vector.shape_cast %get3A_308 : vector<1x16xf32> to vector<16xf32>
        %mul3A_310 = arith.mulf %get3A_305, %get3A_309 : vector<16xf32>
        %lt3A_311 = arith.constant 0 : i32
        %lt3A_312 = vector.broadcast %lt3A_311 : i32 to vector<16xi32>
        %lt3A_313 = arith.cmpi slt, %add3A_92, %lt3A_312 : vector<16xi32>
        %add3A_314 = arith.constant 16 : i32
        %add3A_315 = vector.broadcast %add3A_314 : i32 to vector<16xi32>
        %add3A_316 = arith.addi %add3A_92, %add3A_315 : vector<16xi32>
        %select_n3A_317 = arith.select %lt3A_313, %add3A_316, %add3A_92 : vector<16xi1>, vector<16xi32>
        %reshape3A_318 = vector.shape_cast %select_n3A_317 : vector<16xi32> to vector<16x1xi32>
        %gather3A_319 = vector.shape_cast %reshape3A_318 : vector<16x1xi32> to vector<16xi32>
        %gather3A_320 = tpu.dynamic_gather %mul3A_310[%gather3A_319] in [0] : vector<16xf32>, vector<16xi32> -> vector<16xf32>
        %gt3A_321 = arith.constant 1.000000e+00 : f32
        %gt3A_322 = vector.broadcast %gt3A_321 : f32 to vector<16xf32>
        %gt3A_323 = arith.cmpf ogt, %mul3A_310, %gt3A_322 : vector<16xf32>
        %select_n3A_324 = arith.select %gt3A_323, %mul3A_310, %gather3A_320 : vector<16xi1>, vector<16xf32>
        %swap3A_325 = arith.index_cast %add3A_301 : i32 to index
        %swap3A_326 = arith.constant 128 : index
        %swap3A_327 = tpu.vector_load %arg15[%swap3A_325, %swap3A_326] {strides = array<i32>} : memref<80x144xf32, #tpu.memory_space<vmem>>, vector<1x16xf32>,
        %swap3A_328 = vector.shape_cast %swap3A_327 : vector<1x16xf32> to vector<16xf32>
        %swap3A_329 = vector.shape_cast %select_n3A_324 : vector<16xf32> to vector<1x16xf32>
        tpu.vector_store %arg15[%swap3A_325, %swap3A_326], %swap3A_329 {strides = array<i32>} : memref<80x144xf32, #tpu.memory_space<vmem>>, vector<1x16xf32>,
        %broadcast_in_dim3A_330 = arith.constant 0 : i32
        %broadcast_in_dim3A_331 = vector.broadcast %broadcast_in_dim3A_330 : i32 to vector<16xi32>
        %lt3A_332 = arith.constant 0 : i32
        %lt3A_333 = vector.broadcast %lt3A_332 : i32 to vector<16xi32>
        %lt3A_334 = arith.cmpi slt, %broadcast_in_dim3A_331, %lt3A_333 : vector<16xi32>
        %add3A_335 = arith.constant 16 : i32
        %add3A_336 = vector.broadcast %add3A_335 : i32 to vector<16xi32>
        %add3A_337 = arith.addi %broadcast_in_dim3A_331, %add3A_336 : vector<16xi32>
        %select_n3A_338 = arith.select %lt3A_334, %add3A_337, %broadcast_in_dim3A_331 : vector<16xi1>, vector<16xi32>
        %reshape3A_339 = vector.shape_cast %select_n3A_338 : vector<16xi32> to vector<16x1xi32>
        %gather3A_340 = vector.shape_cast %reshape3A_339 : vector<16x1xi32> to vector<16xi32>
        %gather3A_341 = tpu.dynamic_gather %select_n3A_324[%gather3A_340] in [0] : vector<16xf32>, vector<16xi32> -> vector<16xf32>
        %get3A_342 = arith.index_cast %add3A_301 : i32 to index
        %get3A_343 = arith.constant 0 : index
        %get3A_344 = tpu.vector_load %arg15[%get3A_342, %get3A_343] {strides = array<i32>} : memref<80x144xf32, #tpu.memory_space<vmem>>, vector<1x16xf32>,
        %get3A_345 = vector.shape_cast %get3A_344 : vector<1x16xf32> to vector<16xf32>
        %mul3A_346 = arith.mulf %get3A_345, %gather3A_341 : vector<16xf32>
        %swap3A_347 = arith.index_cast %add3A_301 : i32 to index
        %swap3A_348 = arith.constant 0 : index
        %swap3A_349 = tpu.vector_load %arg15[%swap3A_347, %swap3A_348] {strides = array<i32>} : memref<80x144xf32, #tpu.memory_space<vmem>>, vector<1x16xf32>,
        %swap3A_350 = vector.shape_cast %swap3A_349 : vector<1x16xf32> to vector<16xf32>
        %swap3A_351 = vector.shape_cast %mul3A_346 : vector<16xf32> to vector<1x16xf32>
        tpu.vector_store %arg15[%swap3A_347, %swap3A_348], %swap3A_351 {strides = array<i32>} : memref<80x144xf32, #tpu.memory_space<vmem>>, vector<1x16xf32>,
        %broadcast_in_dim3A_352 = arith.constant 1 : i32
        %broadcast_in_dim3A_353 = vector.broadcast %broadcast_in_dim3A_352 : i32 to vector<16xi32>
        %lt3A_354 = arith.constant 0 : i32
        %lt3A_355 = vector.broadcast %lt3A_354 : i32 to vector<16xi32>
        %lt3A_356 = arith.cmpi slt, %broadcast_in_dim3A_353, %lt3A_355 : vector<16xi32>
        %add3A_357 = arith.constant 16 : i32
        %add3A_358 = vector.broadcast %add3A_357 : i32 to vector<16xi32>
        %add3A_359 = arith.addi %broadcast_in_dim3A_353, %add3A_358 : vector<16xi32>
        %select_n3A_360 = arith.select %lt3A_356, %add3A_359, %broadcast_in_dim3A_353 : vector<16xi1>, vector<16xi32>
        %reshape3A_361 = vector.shape_cast %select_n3A_360 : vector<16xi32> to vector<16x1xi32>
        %gather3A_362 = vector.shape_cast %reshape3A_361 : vector<16x1xi32> to vector<16xi32>
        %gather3A_363 = tpu.dynamic_gather %select_n3A_324[%gather3A_362] in [0] : vector<16xf32>, vector<16xi32> -> vector<16xf32>
        %get3A_364 = arith.index_cast %add3A_301 : i32 to index
        %get3A_365 = arith.constant 16 : index
        %get3A_366 = tpu.vector_load %arg15[%get3A_364, %get3A_365] {strides = array<i32>} : memref<80x144xf32, #tpu.memory_space<vmem>>, vector<1x16xf32>,
        %get3A_367 = vector.shape_cast %get3A_366 : vector<1x16xf32> to vector<16xf32>
        %mul3A_368 = arith.mulf %get3A_367, %gather3A_363 : vector<16xf32>
        %swap3A_369 = arith.index_cast %add3A_301 : i32 to index
        %swap3A_370 = arith.constant 16 : index
        %swap3A_371 = tpu.vector_load %arg15[%swap3A_369, %swap3A_370] {strides = array<i32>} : memref<80x144xf32, #tpu.memory_space<vmem>>, vector<1x16xf32>,
        %swap3A_372 = vector.shape_cast %swap3A_371 : vector<1x16xf32> to vector<16xf32>
        %swap3A_373 = vector.shape_cast %mul3A_368 : vector<16xf32> to vector<1x16xf32>
        tpu.vector_store %arg15[%swap3A_369, %swap3A_370], %swap3A_373 {strides = array<i32>} : memref<80x144xf32, #tpu.memory_space<vmem>>, vector<1x16xf32>,
        %broadcast_in_dim3A_374 = arith.constant 2 : i32
        %broadcast_in_dim3A_375 = vector.broadcast %broadcast_in_dim3A_374 : i32 to vector<16xi32>
        %lt3A_376 = arith.constant 0 : i32
        %lt3A_377 = vector.broadcast %lt3A_376 : i32 to vector<16xi32>
        %lt3A_378 = arith.cmpi slt, %broadcast_in_dim3A_375, %lt3A_377 : vector<16xi32>
        %add3A_379 = arith.constant 16 : i32
        %add3A_380 = vector.broadcast %add3A_379 : i32 to vector<16xi32>
        %add3A_381 = arith.addi %broadcast_in_dim3A_375, %add3A_380 : vector<16xi32>
        %select_n3A_382 = arith.select %lt3A_378, %add3A_381, %broadcast_in_dim3A_375 : vector<16xi1>, vector<16xi32>
        %reshape3A_383 = vector.shape_cast %select_n3A_382 : vector<16xi32> to vector<16x1xi32>
        %gather3A_384 = vector.shape_cast %reshape3A_383 : vector<16x1xi32> to vector<16xi32>
        %gather3A_385 = tpu.dynamic_gather %select_n3A_324[%gather3A_384] in [0] : vector<16xf32>, vector<16xi32> -> vector<16xf32>
        %get3A_386 = arith.index_cast %add3A_301 : i32 to index
        %get3A_387 = arith.constant 32 : index
        %get3A_388 = tpu.vector_load %arg15[%get3A_386, %get3A_387] {strides = array<i32>} : memref<80x144xf32, #tpu.memory_space<vmem>>, vector<1x16xf32>,
        %get3A_389 = vector.shape_cast %get3A_388 : vector<1x16xf32> to vector<16xf32>
        %mul3A_390 = arith.mulf %get3A_389, %gather3A_385 : vector<16xf32>
        %swap3A_391 = arith.index_cast %add3A_301 : i32 to index
        %swap3A_392 = arith.constant 32 : index
        %swap3A_393 = tpu.vector_load %arg15[%swap3A_391, %swap3A_392] {strides = array<i32>} : memref<80x144xf32, #tpu.memory_space<vmem>>, vector<1x16xf32>,
        %swap3A_394 = vector.shape_cast %swap3A_393 : vector<1x16xf32> to vector<16xf32>
        %swap3A_395 = vector.shape_cast %mul3A_390 : vector<16xf32> to vector<1x16xf32>
        tpu.vector_store %arg15[%swap3A_391, %swap3A_392], %swap3A_395 {strides = array<i32>} : memref<80x144xf32, #tpu.memory_space<vmem>>, vector<1x16xf32>,
        %broadcast_in_dim3A_396 = arith.constant 3 : i32
        %broadcast_in_dim3A_397 = vector.broadcast %broadcast_in_dim3A_396 : i32 to vector<16xi32>
        %lt3A_398 = arith.constant 0 : i32
        %lt3A_399 = vector.broadcast %lt3A_398 : i32 to vector<16xi32>
        %lt3A_400 = arith.cmpi slt, %broadcast_in_dim3A_397, %lt3A_399 : vector<16xi32>
        %add3A_401 = arith.constant 16 : i32
        %add3A_402 = vector.broadcast %add3A_401 : i32 to vector<16xi32>
        %add3A_403 = arith.addi %broadcast_in_dim3A_397, %add3A_402 : vector<16xi32>
        %select_n3A_404 = arith.select %lt3A_400, %add3A_403, %broadcast_in_dim3A_397 : vector<16xi1>, vector<16xi32>
        %reshape3A_405 = vector.shape_cast %select_n3A_404 : vector<16xi32> to vector<16x1xi32>
        %gather3A_406 = vector.shape_cast %reshape3A_405 : vector<16x1xi32> to vector<16xi32>
        %gather3A_407 = tpu.dynamic_gather %select_n3A_324[%gather3A_406] in [0] : vector<16xf32>, vector<16xi32> -> vector<16xf32>
        %get3A_408 = arith.index_cast %add3A_301 : i32 to index
        %get3A_409 = arith.constant 48 : index
        %get3A_410 = tpu.vector_load %arg15[%get3A_408, %get3A_409] {strides = array<i32>} : memref<80x144xf32, #tpu.memory_space<vmem>>, vector<1x16xf32>,
        %get3A_411 = vector.shape_cast %get3A_410 : vector<1x16xf32> to vector<16xf32>
        %mul3A_412 = arith.mulf %get3A_411, %gather3A_407 : vector<16xf32>
        %swap3A_413 = arith.index_cast %add3A_301 : i32 to index
        %swap3A_414 = arith.constant 48 : index
        %swap3A_415 = tpu.vector_load %arg15[%swap3A_413, %swap3A_414] {strides = array<i32>} : memref<80x144xf32, #tpu.memory_space<vmem>>, vector<1x16xf32>,
        %swap3A_416 = vector.shape_cast %swap3A_415 : vector<1x16xf32> to vector<16xf32>
        %swap3A_417 = vector.shape_cast %mul3A_412 : vector<16xf32> to vector<1x16xf32>
        tpu.vector_store %arg15[%swap3A_413, %swap3A_414], %swap3A_417 {strides = array<i32>} : memref<80x144xf32, #tpu.memory_space<vmem>>, vector<1x16xf32>,
        %broadcast_in_dim3A_418 = arith.constant 4 : i32
        %broadcast_in_dim3A_419 = vector.broadcast %broadcast_in_dim3A_418 : i32 to vector<16xi32>
        %lt3A_420 = arith.constant 0 : i32
        %lt3A_421 = vector.broadcast %lt3A_420 : i32 to vector<16xi32>
        %lt3A_422 = arith.cmpi slt, %broadcast_in_dim3A_419, %lt3A_421 : vector<16xi32>
        %add3A_423 = arith.constant 16 : i32
        %add3A_424 = vector.broadcast %add3A_423 : i32 to vector<16xi32>
        %add3A_425 = arith.addi %broadcast_in_dim3A_419, %add3A_424 : vector<16xi32>
        %select_n3A_426 = arith.select %lt3A_422, %add3A_425, %broadcast_in_dim3A_419 : vector<16xi1>, vector<16xi32>
        %reshape3A_427 = vector.shape_cast %select_n3A_426 : vector<16xi32> to vector<16x1xi32>
        %gather3A_428 = vector.shape_cast %reshape3A_427 : vector<16x1xi32> to vector<16xi32>
        %gather3A_429 = tpu.dynamic_gather %select_n3A_324[%gather3A_428] in [0] : vector<16xf32>, vector<16xi32> -> vector<16xf32>
        %get3A_430 = arith.index_cast %add3A_301 : i32 to index
        %get3A_431 = arith.constant 64 : index
        %get3A_432 = tpu.vector_load %arg15[%get3A_430, %get3A_431] {strides = array<i32>} : memref<80x144xf32, #tpu.memory_space<vmem>>, vector<1x16xf32>,
        %get3A_433 = vector.shape_cast %get3A_432 : vector<1x16xf32> to vector<16xf32>
        %mul3A_434 = arith.mulf %get3A_433, %gather3A_429 : vector<16xf32>
        %swap3A_435 = arith.index_cast %add3A_301 : i32 to index
        %swap3A_436 = arith.constant 64 : index
        %swap3A_437 = tpu.vector_load %arg15[%swap3A_435, %swap3A_436] {strides = array<i32>} : memref<80x144xf32, #tpu.memory_space<vmem>>, vector<1x16xf32>,
        %swap3A_438 = vector.shape_cast %swap3A_437 : vector<1x16xf32> to vector<16xf32>
        %swap3A_439 = vector.shape_cast %mul3A_434 : vector<16xf32> to vector<1x16xf32>
        tpu.vector_store %arg15[%swap3A_435, %swap3A_436], %swap3A_439 {strides = array<i32>} : memref<80x144xf32, #tpu.memory_space<vmem>>, vector<1x16xf32>,
        %broadcast_in_dim3A_440 = arith.constant 5 : i32
        %broadcast_in_dim3A_441 = vector.broadcast %broadcast_in_dim3A_440 : i32 to vector<16xi32>
        %lt3A_442 = arith.constant 0 : i32
        %lt3A_443 = vector.broadcast %lt3A_442 : i32 to vector<16xi32>
        %lt3A_444 = arith.cmpi slt, %broadcast_in_dim3A_441, %lt3A_443 : vector<16xi32>
        %add3A_445 = arith.constant 16 : i32
        %add3A_446 = vector.broadcast %add3A_445 : i32 to vector<16xi32>
        %add3A_447 = arith.addi %broadcast_in_dim3A_441, %add3A_446 : vector<16xi32>
        %select_n3A_448 = arith.select %lt3A_444, %add3A_447, %broadcast_in_dim3A_441 : vector<16xi1>, vector<16xi32>
        %reshape3A_449 = vector.shape_cast %select_n3A_448 : vector<16xi32> to vector<16x1xi32>
        %gather3A_450 = vector.shape_cast %reshape3A_449 : vector<16x1xi32> to vector<16xi32>
        %gather3A_451 = tpu.dynamic_gather %select_n3A_324[%gather3A_450] in [0] : vector<16xf32>, vector<16xi32> -> vector<16xf32>
        %get3A_452 = arith.index_cast %add3A_301 : i32 to index
        %get3A_453 = arith.constant 80 : index
        %get3A_454 = tpu.vector_load %arg15[%get3A_452, %get3A_453] {strides = array<i32>} : memref<80x144xf32, #tpu.memory_space<vmem>>, vector<1x16xf32>,
        %get3A_455 = vector.shape_cast %get3A_454 : vector<1x16xf32> to vector<16xf32>
        %mul3A_456 = arith.mulf %get3A_455, %gather3A_451 : vector<16xf32>
        %swap3A_457 = arith.index_cast %add3A_301 : i32 to index
        %swap3A_458 = arith.constant 80 : index
        %swap3A_459 = tpu.vector_load %arg15[%swap3A_457, %swap3A_458] {strides = array<i32>} : memref<80x144xf32, #tpu.memory_space<vmem>>, vector<1x16xf32>,
        %swap3A_460 = vector.shape_cast %swap3A_459 : vector<1x16xf32> to vector<16xf32>
        %swap3A_461 = vector.shape_cast %mul3A_456 : vector<16xf32> to vector<1x16xf32>
        tpu.vector_store %arg15[%swap3A_457, %swap3A_458], %swap3A_461 {strides = array<i32>} : memref<80x144xf32, #tpu.memory_space<vmem>>, vector<1x16xf32>,
        %broadcast_in_dim3A_462 = arith.constant 6 : i32
        %broadcast_in_dim3A_463 = vector.broadcast %broadcast_in_dim3A_462 : i32 to vector<16xi32>
        %lt3A_464 = arith.constant 0 : i32
        %lt3A_465 = vector.broadcast %lt3A_464 : i32 to vector<16xi32>
        %lt3A_466 = arith.cmpi slt, %broadcast_in_dim3A_463, %lt3A_465 : vector<16xi32>
        %add3A_467 = arith.constant 16 : i32
        %add3A_468 = vector.broadcast %add3A_467 : i32 to vector<16xi32>
        %add3A_469 = arith.addi %broadcast_in_dim3A_463, %add3A_468 : vector<16xi32>
        %select_n3A_470 = arith.select %lt3A_466, %add3A_469, %broadcast_in_dim3A_463 : vector<16xi1>, vector<16xi32>
        %reshape3A_471 = vector.shape_cast %select_n3A_470 : vector<16xi32> to vector<16x1xi32>
        %gather3A_472 = vector.shape_cast %reshape3A_471 : vector<16x1xi32> to vector<16xi32>
        %gather3A_473 = tpu.dynamic_gather %select_n3A_324[%gather3A_472] in [0] : vector<16xf32>, vector<16xi32> -> vector<16xf32>
        %get3A_474 = arith.index_cast %add3A_301 : i32 to index
        %get3A_475 = arith.constant 96 : index
        %get3A_476 = tpu.vector_load %arg15[%get3A_474, %get3A_475] {strides = array<i32>} : memref<80x144xf32, #tpu.memory_space<vmem>>, vector<1x16xf32>,
        %get3A_477 = vector.shape_cast %get3A_476 : vector<1x16xf32> to vector<16xf32>
        %mul3A_478 = arith.mulf %get3A_477, %gather3A_473 : vector<16xf32>
        %swap3A_479 = arith.index_cast %add3A_301 : i32 to index
        %swap3A_480 = arith.constant 96 : index
        %swap3A_481 = tpu.vector_load %arg15[%swap3A_479, %swap3A_480] {strides = array<i32>} : memref<80x144xf32, #tpu.memory_space<vmem>>, vector<1x16xf32>,
        %swap3A_482 = vector.shape_cast %swap3A_481 : vector<1x16xf32> to vector<16xf32>
        %swap3A_483 = vector.shape_cast %mul3A_478 : vector<16xf32> to vector<1x16xf32>
        tpu.vector_store %arg15[%swap3A_479, %swap3A_480], %swap3A_483 {strides = array<i32>} : memref<80x144xf32, #tpu.memory_space<vmem>>, vector<1x16xf32>,
        %broadcast_in_dim3A_484 = arith.constant 7 : i32
        %broadcast_in_dim3A_485 = vector.broadcast %broadcast_in_dim3A_484 : i32 to vector<16xi32>
        %lt3A_486 = arith.constant 0 : i32
        %lt3A_487 = vector.broadcast %lt3A_486 : i32 to vector<16xi32>
        %lt3A_488 = arith.cmpi slt, %broadcast_in_dim3A_485, %lt3A_487 : vector<16xi32>
        %add3A_489 = arith.constant 16 : i32
        %add3A_490 = vector.broadcast %add3A_489 : i32 to vector<16xi32>
        %add3A_491 = arith.addi %broadcast_in_dim3A_485, %add3A_490 : vector<16xi32>
        %select_n3A_492 = arith.select %lt3A_488, %add3A_491, %broadcast_in_dim3A_485 : vector<16xi1>, vector<16xi32>
        %reshape3A_493 = vector.shape_cast %select_n3A_492 : vector<16xi32> to vector<16x1xi32>
        %gather3A_494 = vector.shape_cast %reshape3A_493 : vector<16x1xi32> to vector<16xi32>
        %gather3A_495 = tpu.dynamic_gather %select_n3A_324[%gather3A_494] in [0] : vector<16xf32>, vector<16xi32> -> vector<16xf32>
        %get3A_496 = arith.index_cast %add3A_301 : i32 to index
        %get3A_497 = arith.constant 112 : index
        %get3A_498 = tpu.vector_load %arg15[%get3A_496, %get3A_497] {strides = array<i32>} : memref<80x144xf32, #tpu.memory_space<vmem>>, vector<1x16xf32>,
        %get3A_499 = vector.shape_cast %get3A_498 : vector<1x16xf32> to vector<16xf32>
        %mul3A_500 = arith.mulf %get3A_499, %gather3A_495 : vector<16xf32>
        %swap3A_501 = arith.index_cast %add3A_301 : i32 to index
        %swap3A_502 = arith.constant 112 : index
        %swap3A_503 = tpu.vector_load %arg15[%swap3A_501, %swap3A_502] {strides = array<i32>} : memref<80x144xf32, #tpu.memory_space<vmem>>, vector<1x16xf32>,
        %swap3A_504 = vector.shape_cast %swap3A_503 : vector<1x16xf32> to vector<16xf32>
        %swap3A_505 = vector.shape_cast %mul3A_500 : vector<16xf32> to vector<1x16xf32>
        tpu.vector_store %arg15[%swap3A_501, %swap3A_502], %swap3A_505 {strides = array<i32>} : memref<80x144xf32, #tpu.memory_space<vmem>>, vector<1x16xf32>,
      }
      %scan3A_98 = arith.constant 40 : i32
      "tpu.region"() ({
        %run_scoped3A = tpu.sem_alloc : memref<!tpu.dma_semaphore, #tpu.memory_space<semaphore_mem>>
        %dma_start3A_99 = arith.constant 0 : i32
        %dma_start3A_100 = arith.constant 0 : i32
        %dma_start3A_101 = tpu.memref_slice %arg8[%dma_start3A_99, %dma_start3A_100] : memref<10240x144xf32, #tpu.memory_space<vmem_shared>> -> memref<10240x144xf32, #tpu.memory_space<vmem_shared>>
        tpu.enqueue_indirect_dma source(%arg15 : memref<80x144xf32, #tpu.memory_space<vmem>>) target(%dma_start3A_101 : memref<10240x144xf32, #tpu.memory_space<vmem_shared>>) offsets(%arg14 : memref<80xi32, #tpu.memory_space<vmem>>) semaphore(%run_scoped3A : memref<!tpu.dma_semaphore, #tpu.memory_space<semaphore_mem>>) {add = true}
        %dma_wait3A_102 = arith.constant 0 : i32
        %dma_wait3A_103 = arith.constant 0 : i32
        %dma_wait3A_104 = tpu.memref_slice %arg8[%dma_wait3A_102, %dma_wait3A_103] : memref<10240x144xf32, #tpu.memory_space<vmem_shared>> -> memref<10240x144xf32, #tpu.memory_space<vmem_shared>>
        tpu.wait_indirect_dma semaphore(%run_scoped3A : memref<!tpu.dma_semaphore, #tpu.memory_space<semaphore_mem>>) src(%arg15 : memref<80x144xf32, #tpu.memory_space<vmem>>) dst(%dma_wait3A_104 : memref<10240x144xf32, #tpu.memory_space<vmem_shared>>)
        tpu.yield
      }) : () -> ()
    }
    %scan3A_16 = arith.constant 62 : i32
    %dma_wait3A = arith.constant 0 : i32
    %dma_wait3A_17 = arith.constant 0 : i32
    %dma_wait3A_18 = tpu.memref_slice %arg2[%dma_wait3A, %dma_wait3A_17] : memref<10000x144xf32, #tpu.memory_space<hbm>> -> memref<10000x144xf32, #tpu.memory_space<hbm>>
    tpu.wait_indirect_dma semaphore(%arg17 : memref<!tpu.dma_semaphore, #tpu.memory_space<semaphore_mem>>) src(%dma_wait3A_18 : memref<10000x144xf32, #tpu.memory_space<hbm>>) dst(%arg11 : memref<80x144xf32, #tpu.memory_space<vmem>>)
    %dma_wait3A_19 = arith.constant 0 : i32
    %dma_wait3A_20 = arith.constant 0 : i32
    %dma_wait3A_21 = tpu.memref_slice %arg3[%dma_wait3A_19, %dma_wait3A_20] : memref<10000x16xf32, #tpu.memory_space<hbm>> -> memref<10000x16xf32, #tpu.memory_space<hbm>>
    tpu.wait_indirect_dma semaphore(%arg18 : memref<!tpu.dma_semaphore, #tpu.memory_space<semaphore_mem>>) src(%dma_wait3A_21 : memref<10000x16xf32, #tpu.memory_space<hbm>>) dst(%arg12 : memref<80x16xf32, #tpu.memory_space<vmem>>)
    %iota3A = tpu.iota {dimensions = array<i32: 0>} : vector<16xi32>
    %and3A = arith.constant 7 : i32
    %and3A_22 = vector.broadcast %and3A : i32 to vector<16xi32>
    %and3A_23 = arith.andi %iota3A, %and3A_22 : vector<16xi32>
    %add3A_24 = arith.constant 8 : i32
    %add3A_25 = vector.broadcast %add3A_24 : i32 to vector<16xi32>
    %add3A_26 = arith.addi %and3A_23, %add3A_25 : vector<16xi32>
    %scan3A_27 = arith.constant 0 : i32
    %scan3A_28 = arith.constant 0 : i32
    %scan3A_29 = arith.constant 40 : i32
    %scan3A_30 = arith.addi %scan3A_28, %scan3A_29 : i32
    %scan3A_31 = arith.constant 1 : i32
    scf.for %scan3A_34 = %scan3A_28 to %scan3A_30 step %scan3A_31  : i32 {
      %mul3A_35 = arith.constant 2 : i32
      %mul3A_36 = arith.muli %mul3A_35, %scan3A_34 : i32
      %get3A = arith.index_cast %mul3A_36 : i32 to index
      %get3A_37 = arith.constant 128 : index
      %get3A_38 = tpu.vector_load %arg11[%get3A, %get3A_37] {strides = array<i32>} : memref<80x144xf32, #tpu.memory_space<vmem>>, vector<1x16xf32>,
      %get3A_39 = vector.shape_cast %get3A_38 : vector<1x16xf32> to vector<16xf32>
      %get3A_40 = arith.index_cast %mul3A_36 : i32 to index
      %get3A_41 = arith.constant 0 : index
      %get3A_42 = tpu.vector_load %arg12[%get3A_40, %get3A_41] {strides = array<i32>} : memref<80x16xf32, #tpu.memory_space<vmem>>, vector<1x16xf32>,
      %get3A_43 = vector.shape_cast %get3A_42 : vector<1x16xf32> to vector<16xf32>
      %mul3A_44 = arith.mulf %get3A_39, %get3A_43 : vector<16xf32>
      %lt3A = arith.constant 0 : i32
      %lt3A_45 = vector.broadcast %lt3A : i32 to vector<16xi32>
      %lt3A_46 = arith.cmpi slt, %add3A_26, %lt3A_45 : vector<16xi32>
      %add3A_47 = arith.constant 16 : i32
      %add3A_48 = vector.broadcast %add3A_47 : i32 to vector<16xi32>
      %add3A_49 = arith.addi %add3A_26, %add3A_48 : vector<16xi32>
      %select_n3A = arith.select %lt3A_46, %add3A_49, %add3A_26 : vector<16xi1>, vector<16xi32>
      %reshape3A = vector.shape_cast %select_n3A : vector<16xi32> to vector<16x1xi32>
      %gather3A = vector.shape_cast %reshape3A : vector<16x1xi32> to vector<16xi32>
      %gather3A_50 = tpu.dynamic_gather %mul3A_44[%gather3A] in [0] : vector<16xf32>, vector<16xi32> -> vector<16xf32>
      %gt3A = arith.constant 1.000000e+00 : f32
      %gt3A_51 = vector.broadcast %gt3A : f32 to vector<16xf32>
      %gt3A_52 = arith.cmpf ogt, %mul3A_44, %gt3A_51 : vector<16xf32>
      %select_n3A_53 = arith.select %gt3A_52, %mul3A_44, %gather3A_50 : vector<16xi1>, vector<16xf32>
      %swap3A = arith.index_cast %mul3A_36 : i32 to index
      %swap3A_54 = arith.constant 128 : index
      %swap3A_55 = tpu.vector_load %arg11[%swap3A, %swap3A_54] {strides = array<i32>} : memref<80x144xf32, #tpu.memory_space<vmem>>, vector<1x16xf32>,
      %swap3A_56 = vector.shape_cast %swap3A_55 : vector<1x16xf32> to vector<16xf32>
      %swap3A_57 = vector.shape_cast %select_n3A_53 : vector<16xf32> to vector<1x16xf32>
      tpu.vector_store %arg11[%swap3A, %swap3A_54], %swap3A_57 {strides = array<i32>} : memref<80x144xf32, #tpu.memory_space<vmem>>, vector<1x16xf32>,
      %broadcast_in_dim3A = arith.constant 0 : i32
      %broadcast_in_dim3A_58 = vector.broadcast %broadcast_in_dim3A : i32 to vector<16xi32>
      %lt3A_59 = arith.constant 0 : i32
      %lt3A_60 = vector.broadcast %lt3A_59 : i32 to vector<16xi32>
      %lt3A_61 = arith.cmpi slt, %broadcast_in_dim3A_58, %lt3A_60 : vector<16xi32>
      %add3A_62 = arith.constant 16 : i32
      %add3A_63 = vector.broadcast %add3A_62 : i32 to vector<16xi32>
      %add3A_64 = arith.addi %broadcast_in_dim3A_58, %add3A_63 : vector<16xi32>
      %select_n3A_65 = arith.select %lt3A_61, %add3A_64, %broadcast_in_dim3A_58 : vector<16xi1>, vector<16xi32>
      %reshape3A_66 = vector.shape_cast %select_n3A_65 : vector<16xi32> to vector<16x1xi32>
      %gather3A_67 = vector.shape_cast %reshape3A_66 : vector<16x1xi32> to vector<16xi32>
      %gather3A_68 = tpu.dynamic_gather %select_n3A_53[%gather3A_67] in [0] : vector<16xf32>, vector<16xi32> -> vector<16xf32>
      %get3A_69 = arith.index_cast %mul3A_36 : i32 to index
      %get3A_70 = arith.constant 0 : index
      %get3A_71 = tpu.vector_load %arg11[%get3A_69, %get3A_70] {strides = array<i32>} : memref<80x144xf32, #tpu.memory_space<vmem>>, vector<1x16xf32>,
      %get3A_72 = vector.shape_cast %get3A_71 : vector<1x16xf32> to vector<16xf32>
      %mul3A_73 = arith.mulf %get3A_72, %gather3A_68 : vector<16xf32>
      %swap3A_74 = arith.index_cast %mul3A_36 : i32 to index
      %swap3A_75 = arith.constant 0 : index
      %swap3A_76 = tpu.vector_load %arg11[%swap3A_74, %swap3A_75] {strides = array<i32>} : memref<80x144xf32, #tpu.memory_space<vmem>>, vector<1x16xf32>,
      %swap3A_77 = vector.shape_cast %swap3A_76 : vector<1x16xf32> to vector<16xf32>
      %swap3A_78 = vector.shape_cast %mul3A_73 : vector<16xf32> to vector<1x16xf32>
      tpu.vector_store %arg11[%swap3A_74, %swap3A_75], %swap3A_78 {strides = array<i32>} : memref<80x144xf32, #tpu.memory_space<vmem>>, vector<1x16xf32>,
      %broadcast_in_dim3A_79 = arith.constant 1 : i32
      %broadcast_in_dim3A_80 = vector.broadcast %broadcast_in_dim3A_79 : i32 to vector<16xi32>
      %lt3A_81 = arith.constant 0 : i32
      %lt3A_82 = vector.broadcast %lt3A_81 : i32 to vector<16xi32>
      %lt3A_83 = arith.cmpi slt, %broadcast_in_dim3A_80, %lt3A_82 : vector<16xi32>
      %add3A_84 = arith.constant 16 : i32
      %add3A_85 = vector.broadcast %add3A_84 : i32 to vector<16xi32>
      %add3A_86 = arith.addi %broadcast_in_dim3A_80, %add3A_85 : vector<16xi32>
      %select_n3A_87 = arith.select %lt3A_83, %add3A_86, %broadcast_in_dim3A_80 : vector<16xi1>, vector<16xi32>
      %reshape3A_88 = vector.shape_cast %select_n3A_87 : vector<16xi32> to vector<16x1xi32>
      %gather3A_89 = vector.shape_cast %reshape3A_88 : vector<16x1xi32> to vector<16xi32>
      %gather3A_90 = tpu.dynamic_gather %select_n3A_53[%gather3A_89] in [0] : vector<16xf32>, vector<16xi32> -> vector<16xf32>
      %get3A_91 = arith.index_cast %mul3A_36 : i32 to index
      %get3A_92 = arith.constant 16 : index
      %get3A_93 = tpu.vector_load %arg11[%get3A_91, %get3A_92] {strides = array<i32>} : memref<80x144xf32, #tpu.memory_space<vmem>>, vector<1x16xf32>,
      %get3A_94 = vector.shape_cast %get3A_93 : vector<1x16xf32> to vector<16xf32>
      %mul3A_95 = arith.mulf %get3A_94, %gather3A_90 : vector<16xf32>
      %swap3A_96 = arith.index_cast %mul3A_36 : i32 to index
      %swap3A_97 = arith.constant 16 : index
      %swap3A_98 = tpu.vector_load %arg11[%swap3A_96, %swap3A_97] {strides = array<i32>} : memref<80x144xf32, #tpu.memory_space<vmem>>, vector<1x16xf32>,
      %swap3A_99 = vector.shape_cast %swap3A_98 : vector<1x16xf32> to vector<16xf32>
      %swap3A_100 = vector.shape_cast %mul3A_95 : vector<16xf32> to vector<1x16xf32>
      tpu.vector_store %arg11[%swap3A_96, %swap3A_97], %swap3A_100 {strides = array<i32>} : memref<80x144xf32, #tpu.memory_space<vmem>>, vector<1x16xf32>,
      %broadcast_in_dim3A_101 = arith.constant 2 : i32
      %broadcast_in_dim3A_102 = vector.broadcast %broadcast_in_dim3A_101 : i32 to vector<16xi32>
      %lt3A_103 = arith.constant 0 : i32
      %lt3A_104 = vector.broadcast %lt3A_103 : i32 to vector<16xi32>
      %lt3A_105 = arith.cmpi slt, %broadcast_in_dim3A_102, %lt3A_104 : vector<16xi32>
      %add3A_106 = arith.constant 16 : i32
      %add3A_107 = vector.broadcast %add3A_106 : i32 to vector<16xi32>
      %add3A_108 = arith.addi %broadcast_in_dim3A_102, %add3A_107 : vector<16xi32>
      %select_n3A_109 = arith.select %lt3A_105, %add3A_108, %broadcast_in_dim3A_102 : vector<16xi1>, vector<16xi32>
      %reshape3A_110 = vector.shape_cast %select_n3A_109 : vector<16xi32> to vector<16x1xi32>
      %gather3A_111 = vector.shape_cast %reshape3A_110 : vector<16x1xi32> to vector<16xi32>
      %gather3A_112 = tpu.dynamic_gather %select_n3A_53[%gather3A_111] in [0] : vector<16xf32>, vector<16xi32> -> vector<16xf32>
      %get3A_113 = arith.index_cast %mul3A_36 : i32 to index
      %get3A_114 = arith.constant 32 : index
      %get3A_115 = tpu.vector_load %arg11[%get3A_113, %get3A_114] {strides = array<i32>} : memref<80x144xf32, #tpu.memory_space<vmem>>, vector<1x16xf32>,
      %get3A_116 = vector.shape_cast %get3A_115 : vector<1x16xf32> to vector<16xf32>
      %mul3A_117 = arith.mulf %get3A_116, %gather3A_112 : vector<16xf32>
      %swap3A_118 = arith.index_cast %mul3A_36 : i32 to index
      %swap3A_119 = arith.constant 32 : index
      %swap3A_120 = tpu.vector_load %arg11[%swap3A_118, %swap3A_119] {strides = array<i32>} : memref<80x144xf32, #tpu.memory_space<vmem>>, vector<1x16xf32>,
      %swap3A_121 = vector.shape_cast %swap3A_120 : vector<1x16xf32> to vector<16xf32>
      %swap3A_122 = vector.shape_cast %mul3A_117 : vector<16xf32> to vector<1x16xf32>
      tpu.vector_store %arg11[%swap3A_118, %swap3A_119], %swap3A_122 {strides = array<i32>} : memref<80x144xf32, #tpu.memory_space<vmem>>, vector<1x16xf32>,
      %broadcast_in_dim3A_123 = arith.constant 3 : i32
      %broadcast_in_dim3A_124 = vector.broadcast %broadcast_in_dim3A_123 : i32 to vector<16xi32>
      %lt3A_125 = arith.constant 0 : i32
      %lt3A_126 = vector.broadcast %lt3A_125 : i32 to vector<16xi32>
      %lt3A_127 = arith.cmpi slt, %broadcast_in_dim3A_124, %lt3A_126 : vector<16xi32>
      %add3A_128 = arith.constant 16 : i32
      %add3A_129 = vector.broadcast %add3A_128 : i32 to vector<16xi32>
      %add3A_130 = arith.addi %broadcast_in_dim3A_124, %add3A_129 : vector<16xi32>
      %select_n3A_131 = arith.select %lt3A_127, %add3A_130, %broadcast_in_dim3A_124 : vector<16xi1>, vector<16xi32>
      %reshape3A_132 = vector.shape_cast %select_n3A_131 : vector<16xi32> to vector<16x1xi32>
      %gather3A_133 = vector.shape_cast %reshape3A_132 : vector<16x1xi32> to vector<16xi32>
      %gather3A_134 = tpu.dynamic_gather %select_n3A_53[%gather3A_133] in [0] : vector<16xf32>, vector<16xi32> -> vector<16xf32>
      %get3A_135 = arith.index_cast %mul3A_36 : i32 to index
      %get3A_136 = arith.constant 48 : index
      %get3A_137 = tpu.vector_load %arg11[%get3A_135, %get3A_136] {strides = array<i32>} : memref<80x144xf32, #tpu.memory_space<vmem>>, vector<1x16xf32>,
      %get3A_138 = vector.shape_cast %get3A_137 : vector<1x16xf32> to vector<16xf32>
      %mul3A_139 = arith.mulf %get3A_138, %gather3A_134 : vector<16xf32>
      %swap3A_140 = arith.index_cast %mul3A_36 : i32 to index
      %swap3A_141 = arith.constant 48 : index
      %swap3A_142 = tpu.vector_load %arg11[%swap3A_140, %swap3A_141] {strides = array<i32>} : memref<80x144xf32, #tpu.memory_space<vmem>>, vector<1x16xf32>,
      %swap3A_143 = vector.shape_cast %swap3A_142 : vector<1x16xf32> to vector<16xf32>
      %swap3A_144 = vector.shape_cast %mul3A_139 : vector<16xf32> to vector<1x16xf32>
      tpu.vector_store %arg11[%swap3A_140, %swap3A_141], %swap3A_144 {strides = array<i32>} : memref<80x144xf32, #tpu.memory_space<vmem>>, vector<1x16xf32>,
      %broadcast_in_dim3A_145 = arith.constant 4 : i32
      %broadcast_in_dim3A_146 = vector.broadcast %broadcast_in_dim3A_145 : i32 to vector<16xi32>
      %lt3A_147 = arith.constant 0 : i32
      %lt3A_148 = vector.broadcast %lt3A_147 : i32 to vector<16xi32>
      %lt3A_149 = arith.cmpi slt, %broadcast_in_dim3A_146, %lt3A_148 : vector<16xi32>
      %add3A_150 = arith.constant 16 : i32
      %add3A_151 = vector.broadcast %add3A_150 : i32 to vector<16xi32>
      %add3A_152 = arith.addi %broadcast_in_dim3A_146, %add3A_151 : vector<16xi32>
      %select_n3A_153 = arith.select %lt3A_149, %add3A_152, %broadcast_in_dim3A_146 : vector<16xi1>, vector<16xi32>
      %reshape3A_154 = vector.shape_cast %select_n3A_153 : vector<16xi32> to vector<16x1xi32>
      %gather3A_155 = vector.shape_cast %reshape3A_154 : vector<16x1xi32> to vector<16xi32>
      %gather3A_156 = tpu.dynamic_gather %select_n3A_53[%gather3A_155] in [0] : vector<16xf32>, vector<16xi32> -> vector<16xf32>
      %get3A_157 = arith.index_cast %mul3A_36 : i32 to index
      %get3A_158 = arith.constant 64 : index
      %get3A_159 = tpu.vector_load %arg11[%get3A_157, %get3A_158] {strides = array<i32>} : memref<80x144xf32, #tpu.memory_space<vmem>>, vector<1x16xf32>,
      %get3A_160 = vector.shape_cast %get3A_159 : vector<1x16xf32> to vector<16xf32>
      %mul3A_161 = arith.mulf %get3A_160, %gather3A_156 : vector<16xf32>
      %swap3A_162 = arith.index_cast %mul3A_36 : i32 to index
      %swap3A_163 = arith.constant 64 : index
      %swap3A_164 = tpu.vector_load %arg11[%swap3A_162, %swap3A_163] {strides = array<i32>} : memref<80x144xf32, #tpu.memory_space<vmem>>, vector<1x16xf32>,
      %swap3A_165 = vector.shape_cast %swap3A_164 : vector<1x16xf32> to vector<16xf32>
      %swap3A_166 = vector.shape_cast %mul3A_161 : vector<16xf32> to vector<1x16xf32>
      tpu.vector_store %arg11[%swap3A_162, %swap3A_163], %swap3A_166 {strides = array<i32>} : memref<80x144xf32, #tpu.memory_space<vmem>>, vector<1x16xf32>,
      %broadcast_in_dim3A_167 = arith.constant 5 : i32
      %broadcast_in_dim3A_168 = vector.broadcast %broadcast_in_dim3A_167 : i32 to vector<16xi32>
      %lt3A_169 = arith.constant 0 : i32
      %lt3A_170 = vector.broadcast %lt3A_169 : i32 to vector<16xi32>
      %lt3A_171 = arith.cmpi slt, %broadcast_in_dim3A_168, %lt3A_170 : vector<16xi32>
      %add3A_172 = arith.constant 16 : i32
      %add3A_173 = vector.broadcast %add3A_172 : i32 to vector<16xi32>
      %add3A_174 = arith.addi %broadcast_in_dim3A_168, %add3A_173 : vector<16xi32>
      %select_n3A_175 = arith.select %lt3A_171, %add3A_174, %broadcast_in_dim3A_168 : vector<16xi1>, vector<16xi32>
      %reshape3A_176 = vector.shape_cast %select_n3A_175 : vector<16xi32> to vector<16x1xi32>
      %gather3A_177 = vector.shape_cast %reshape3A_176 : vector<16x1xi32> to vector<16xi32>
      %gather3A_178 = tpu.dynamic_gather %select_n3A_53[%gather3A_177] in [0] : vector<16xf32>, vector<16xi32> -> vector<16xf32>
      %get3A_179 = arith.index_cast %mul3A_36 : i32 to index
      %get3A_180 = arith.constant 80 : index
      %get3A_181 = tpu.vector_load %arg11[%get3A_179, %get3A_180] {strides = array<i32>} : memref<80x144xf32, #tpu.memory_space<vmem>>, vector<1x16xf32>,
      %get3A_182 = vector.shape_cast %get3A_181 : vector<1x16xf32> to vector<16xf32>
      %mul3A_183 = arith.mulf %get3A_182, %gather3A_178 : vector<16xf32>
      %swap3A_184 = arith.index_cast %mul3A_36 : i32 to index
      %swap3A_185 = arith.constant 80 : index
      %swap3A_186 = tpu.vector_load %arg11[%swap3A_184, %swap3A_185] {strides = array<i32>} : memref<80x144xf32, #tpu.memory_space<vmem>>, vector<1x16xf32>,
      %swap3A_187 = vector.shape_cast %swap3A_186 : vector<1x16xf32> to vector<16xf32>
      %swap3A_188 = vector.shape_cast %mul3A_183 : vector<16xf32> to vector<1x16xf32>
      tpu.vector_store %arg11[%swap3A_184, %swap3A_185], %swap3A_188 {strides = array<i32>} : memref<80x144xf32, #tpu.memory_space<vmem>>, vector<1x16xf32>,
      %broadcast_in_dim3A_189 = arith.constant 6 : i32
      %broadcast_in_dim3A_190 = vector.broadcast %broadcast_in_dim3A_189 : i32 to vector<16xi32>
      %lt3A_191 = arith.constant 0 : i32
      %lt3A_192 = vector.broadcast %lt3A_191 : i32 to vector<16xi32>
      %lt3A_193 = arith.cmpi slt, %broadcast_in_dim3A_190, %lt3A_192 : vector<16xi32>
      %add3A_194 = arith.constant 16 : i32
      %add3A_195 = vector.broadcast %add3A_194 : i32 to vector<16xi32>
      %add3A_196 = arith.addi %broadcast_in_dim3A_190, %add3A_195 : vector<16xi32>
      %select_n3A_197 = arith.select %lt3A_193, %add3A_196, %broadcast_in_dim3A_190 : vector<16xi1>, vector<16xi32>
      %reshape3A_198 = vector.shape_cast %select_n3A_197 : vector<16xi32> to vector<16x1xi32>
      %gather3A_199 = vector.shape_cast %reshape3A_198 : vector<16x1xi32> to vector<16xi32>
      %gather3A_200 = tpu.dynamic_gather %select_n3A_53[%gather3A_199] in [0] : vector<16xf32>, vector<16xi32> -> vector<16xf32>
      %get3A_201 = arith.index_cast %mul3A_36 : i32 to index
      %get3A_202 = arith.constant 96 : index
      %get3A_203 = tpu.vector_load %arg11[%get3A_201, %get3A_202] {strides = array<i32>} : memref<80x144xf32, #tpu.memory_space<vmem>>, vector<1x16xf32>,
      %get3A_204 = vector.shape_cast %get3A_203 : vector<1x16xf32> to vector<16xf32>
      %mul3A_205 = arith.mulf %get3A_204, %gather3A_200 : vector<16xf32>
      %swap3A_206 = arith.index_cast %mul3A_36 : i32 to index
      %swap3A_207 = arith.constant 96 : index
      %swap3A_208 = tpu.vector_load %arg11[%swap3A_206, %swap3A_207] {strides = array<i32>} : memref<80x144xf32, #tpu.memory_space<vmem>>, vector<1x16xf32>,
      %swap3A_209 = vector.shape_cast %swap3A_208 : vector<1x16xf32> to vector<16xf32>
      %swap3A_210 = vector.shape_cast %mul3A_205 : vector<16xf32> to vector<1x16xf32>
      tpu.vector_store %arg11[%swap3A_206, %swap3A_207], %swap3A_210 {strides = array<i32>} : memref<80x144xf32, #tpu.memory_space<vmem>>, vector<1x16xf32>,
      %broadcast_in_dim3A_211 = arith.constant 7 : i32
      %broadcast_in_dim3A_212 = vector.broadcast %broadcast_in_dim3A_211 : i32 to vector<16xi32>
      %lt3A_213 = arith.constant 0 : i32
      %lt3A_214 = vector.broadcast %lt3A_213 : i32 to vector<16xi32>
      %lt3A_215 = arith.cmpi slt, %broadcast_in_dim3A_212, %lt3A_214 : vector<16xi32>
      %add3A_216 = arith.constant 16 : i32
      %add3A_217 = vector.broadcast %add3A_216 : i32 to vector<16xi32>
      %add3A_218 = arith.addi %broadcast_in_dim3A_212, %add3A_217 : vector<16xi32>
      %select_n3A_219 = arith.select %lt3A_215, %add3A_218, %broadcast_in_dim3A_212 : vector<16xi1>, vector<16xi32>
      %reshape3A_220 = vector.shape_cast %select_n3A_219 : vector<16xi32> to vector<16x1xi32>
      %gather3A_221 = vector.shape_cast %reshape3A_220 : vector<16x1xi32> to vector<16xi32>
      %gather3A_222 = tpu.dynamic_gather %select_n3A_53[%gather3A_221] in [0] : vector<16xf32>, vector<16xi32> -> vector<16xf32>
      %get3A_223 = arith.index_cast %mul3A_36 : i32 to index
      %get3A_224 = arith.constant 112 : index
      %get3A_225 = tpu.vector_load %arg11[%get3A_223, %get3A_224] {strides = array<i32>} : memref<80x144xf32, #tpu.memory_space<vmem>>, vector<1x16xf32>,
      %get3A_226 = vector.shape_cast %get3A_225 : vector<1x16xf32> to vector<16xf32>
      %mul3A_227 = arith.mulf %get3A_226, %gather3A_222 : vector<16xf32>
      %swap3A_228 = arith.index_cast %mul3A_36 : i32 to index
      %swap3A_229 = arith.constant 112 : index
      %swap3A_230 = tpu.vector_load %arg11[%swap3A_228, %swap3A_229] {strides = array<i32>} : memref<80x144xf32, #tpu.memory_space<vmem>>, vector<1x16xf32>,
      %swap3A_231 = vector.shape_cast %swap3A_230 : vector<1x16xf32> to vector<16xf32>
      %swap3A_232 = vector.shape_cast %mul3A_227 : vector<16xf32> to vector<1x16xf32>
      tpu.vector_store %arg11[%swap3A_228, %swap3A_229], %swap3A_232 {strides = array<i32>} : memref<80x144xf32, #tpu.memory_space<vmem>>, vector<1x16xf32>,
      %mul3A_233 = arith.constant 2 : i32
      %mul3A_234 = arith.muli %mul3A_233, %scan3A_34 : i32
      %add3A_235 = arith.constant 1 : i32
      %add3A_236 = arith.addi %mul3A_234, %add3A_235 : i32
      %get3A_237 = arith.index_cast %add3A_236 : i32 to index
      %get3A_238 = arith.constant 128 : index
      %get3A_239 = tpu.vector_load %arg11[%get3A_237, %get3A_238] {strides = array<i32>} : memref<80x144xf32, #tpu.memory_space<vmem>>, vector<1x16xf32>,
      %get3A_240 = vector.shape_cast %get3A_239 : vector<1x16xf32> to vector<16xf32>
      %get3A_241 = arith.index_cast %add3A_236 : i32 to index
      %get3A_242 = arith.constant 0 : index
      %get3A_243 = tpu.vector_load %arg12[%get3A_241, %get3A_242] {strides = array<i32>} : memref<80x16xf32, #tpu.memory_space<vmem>>, vector<1x16xf32>,
      %get3A_244 = vector.shape_cast %get3A_243 : vector<1x16xf32> to vector<16xf32>
      %mul3A_245 = arith.mulf %get3A_240, %get3A_244 : vector<16xf32>
      %lt3A_246 = arith.constant 0 : i32
      %lt3A_247 = vector.broadcast %lt3A_246 : i32 to vector<16xi32>
      %lt3A_248 = arith.cmpi slt, %add3A_26, %lt3A_247 : vector<16xi32>
      %add3A_249 = arith.constant 16 : i32
      %add3A_250 = vector.broadcast %add3A_249 : i32 to vector<16xi32>
      %add3A_251 = arith.addi %add3A_26, %add3A_250 : vector<16xi32>
      %select_n3A_252 = arith.select %lt3A_248, %add3A_251, %add3A_26 : vector<16xi1>, vector<16xi32>
      %reshape3A_253 = vector.shape_cast %select_n3A_252 : vector<16xi32> to vector<16x1xi32>
      %gather3A_254 = vector.shape_cast %reshape3A_253 : vector<16x1xi32> to vector<16xi32>
      %gather3A_255 = tpu.dynamic_gather %mul3A_245[%gather3A_254] in [0] : vector<16xf32>, vector<16xi32> -> vector<16xf32>
      %gt3A_256 = arith.constant 1.000000e+00 : f32
      %gt3A_257 = vector.broadcast %gt3A_256 : f32 to vector<16xf32>
      %gt3A_258 = arith.cmpf ogt, %mul3A_245, %gt3A_257 : vector<16xf32>
      %select_n3A_259 = arith.select %gt3A_258, %mul3A_245, %gather3A_255 : vector<16xi1>, vector<16xf32>
      %swap3A_260 = arith.index_cast %add3A_236 : i32 to index
      %swap3A_261 = arith.constant 128 : index
      %swap3A_262 = tpu.vector_load %arg11[%swap3A_260, %swap3A_261] {strides = array<i32>} : memref<80x144xf32, #tpu.memory_space<vmem>>, vector<1x16xf32>,
      %swap3A_263 = vector.shape_cast %swap3A_262 : vector<1x16xf32> to vector<16xf32>
      %swap3A_264 = vector.shape_cast %select_n3A_259 : vector<16xf32> to vector<1x16xf32>
      tpu.vector_store %arg11[%swap3A_260, %swap3A_261], %swap3A_264 {strides = array<i32>} : memref<80x144xf32, #tpu.memory_space<vmem>>, vector<1x16xf32>,
      %broadcast_in_dim3A_265 = arith.constant 0 : i32
      %broadcast_in_dim3A_266 = vector.broadcast %broadcast_in_dim3A_265 : i32 to vector<16xi32>
      %lt3A_267 = arith.constant 0 : i32
      %lt3A_268 = vector.broadcast %lt3A_267 : i32 to vector<16xi32>
      %lt3A_269 = arith.cmpi slt, %broadcast_in_dim3A_266, %lt3A_268 : vector<16xi32>
      %add3A_270 = arith.constant 16 : i32
      %add3A_271 = vector.broadcast %add3A_270 : i32 to vector<16xi32>
      %add3A_272 = arith.addi %broadcast_in_dim3A_266, %add3A_271 : vector<16xi32>
      %select_n3A_273 = arith.select %lt3A_269, %add3A_272, %broadcast_in_dim3A_266 : vector<16xi1>, vector<16xi32>
      %reshape3A_274 = vector.shape_cast %select_n3A_273 : vector<16xi32> to vector<16x1xi32>
      %gather3A_275 = vector.shape_cast %reshape3A_274 : vector<16x1xi32> to vector<16xi32>
      %gather3A_276 = tpu.dynamic_gather %select_n3A_259[%gather3A_275] in [0] : vector<16xf32>, vector<16xi32> -> vector<16xf32>
      %get3A_277 = arith.index_cast %add3A_236 : i32 to index
      %get3A_278 = arith.constant 0 : index
      %get3A_279 = tpu.vector_load %arg11[%get3A_277, %get3A_278] {strides = array<i32>} : memref<80x144xf32, #tpu.memory_space<vmem>>, vector<1x16xf32>,
      %get3A_280 = vector.shape_cast %get3A_279 : vector<1x16xf32> to vector<16xf32>
      %mul3A_281 = arith.mulf %get3A_280, %gather3A_276 : vector<16xf32>
      %swap3A_282 = arith.index_cast %add3A_236 : i32 to index
      %swap3A_283 = arith.constant 0 : index
      %swap3A_284 = tpu.vector_load %arg11[%swap3A_282, %swap3A_283] {strides = array<i32>} : memref<80x144xf32, #tpu.memory_space<vmem>>, vector<1x16xf32>,
      %swap3A_285 = vector.shape_cast %swap3A_284 : vector<1x16xf32> to vector<16xf32>
      %swap3A_286 = vector.shape_cast %mul3A_281 : vector<16xf32> to vector<1x16xf32>
      tpu.vector_store %arg11[%swap3A_282, %swap3A_283], %swap3A_286 {strides = array<i32>} : memref<80x144xf32, #tpu.memory_space<vmem>>, vector<1x16xf32>,
      %broadcast_in_dim3A_287 = arith.constant 1 : i32
      %broadcast_in_dim3A_288 = vector.broadcast %broadcast_in_dim3A_287 : i32 to vector<16xi32>
      %lt3A_289 = arith.constant 0 : i32
      %lt3A_290 = vector.broadcast %lt3A_289 : i32 to vector<16xi32>
      %lt3A_291 = arith.cmpi slt, %broadcast_in_dim3A_288, %lt3A_290 : vector<16xi32>
      %add3A_292 = arith.constant 16 : i32
      %add3A_293 = vector.broadcast %add3A_292 : i32 to vector<16xi32>
      %add3A_294 = arith.addi %broadcast_in_dim3A_288, %add3A_293 : vector<16xi32>
      %select_n3A_295 = arith.select %lt3A_291, %add3A_294, %broadcast_in_dim3A_288 : vector<16xi1>, vector<16xi32>
      %reshape3A_296 = vector.shape_cast %select_n3A_295 : vector<16xi32> to vector<16x1xi32>
      %gather3A_297 = vector.shape_cast %reshape3A_296 : vector<16x1xi32> to vector<16xi32>
      %gather3A_298 = tpu.dynamic_gather %select_n3A_259[%gather3A_297] in [0] : vector<16xf32>, vector<16xi32> -> vector<16xf32>
      %get3A_299 = arith.index_cast %add3A_236 : i32 to index
      %get3A_300 = arith.constant 16 : index
      %get3A_301 = tpu.vector_load %arg11[%get3A_299, %get3A_300] {strides = array<i32>} : memref<80x144xf32, #tpu.memory_space<vmem>>, vector<1x16xf32>,
      %get3A_302 = vector.shape_cast %get3A_301 : vector<1x16xf32> to vector<16xf32>
      %mul3A_303 = arith.mulf %get3A_302, %gather3A_298 : vector<16xf32>
      %swap3A_304 = arith.index_cast %add3A_236 : i32 to index
      %swap3A_305 = arith.constant 16 : index
      %swap3A_306 = tpu.vector_load %arg11[%swap3A_304, %swap3A_305] {strides = array<i32>} : memref<80x144xf32, #tpu.memory_space<vmem>>, vector<1x16xf32>,
      %swap3A_307 = vector.shape_cast %swap3A_306 : vector<1x16xf32> to vector<16xf32>
      %swap3A_308 = vector.shape_cast %mul3A_303 : vector<16xf32> to vector<1x16xf32>
      tpu.vector_store %arg11[%swap3A_304, %swap3A_305], %swap3A_308 {strides = array<i32>} : memref<80x144xf32, #tpu.memory_space<vmem>>, vector<1x16xf32>,
      %broadcast_in_dim3A_309 = arith.constant 2 : i32
      %broadcast_in_dim3A_310 = vector.broadcast %broadcast_in_dim3A_309 : i32 to vector<16xi32>
      %lt3A_311 = arith.constant 0 : i32
      %lt3A_312 = vector.broadcast %lt3A_311 : i32 to vector<16xi32>
      %lt3A_313 = arith.cmpi slt, %broadcast_in_dim3A_310, %lt3A_312 : vector<16xi32>
      %add3A_314 = arith.constant 16 : i32
      %add3A_315 = vector.broadcast %add3A_314 : i32 to vector<16xi32>
      %add3A_316 = arith.addi %broadcast_in_dim3A_310, %add3A_315 : vector<16xi32>
      %select_n3A_317 = arith.select %lt3A_313, %add3A_316, %broadcast_in_dim3A_310 : vector<16xi1>, vector<16xi32>
      %reshape3A_318 = vector.shape_cast %select_n3A_317 : vector<16xi32> to vector<16x1xi32>
      %gather3A_319 = vector.shape_cast %reshape3A_318 : vector<16x1xi32> to vector<16xi32>
      %gather3A_320 = tpu.dynamic_gather %select_n3A_259[%gather3A_319] in [0] : vector<16xf32>, vector<16xi32> -> vector<16xf32>
      %get3A_321 = arith.index_cast %add3A_236 : i32 to index
      %get3A_322 = arith.constant 32 : index
      %get3A_323 = tpu.vector_load %arg11[%get3A_321, %get3A_322] {strides = array<i32>} : memref<80x144xf32, #tpu.memory_space<vmem>>, vector<1x16xf32>,
      %get3A_324 = vector.shape_cast %get3A_323 : vector<1x16xf32> to vector<16xf32>
      %mul3A_325 = arith.mulf %get3A_324, %gather3A_320 : vector<16xf32>
      %swap3A_326 = arith.index_cast %add3A_236 : i32 to index
      %swap3A_327 = arith.constant 32 : index
      %swap3A_328 = tpu.vector_load %arg11[%swap3A_326, %swap3A_327] {strides = array<i32>} : memref<80x144xf32, #tpu.memory_space<vmem>>, vector<1x16xf32>,
      %swap3A_329 = vector.shape_cast %swap3A_328 : vector<1x16xf32> to vector<16xf32>
      %swap3A_330 = vector.shape_cast %mul3A_325 : vector<16xf32> to vector<1x16xf32>
      tpu.vector_store %arg11[%swap3A_326, %swap3A_327], %swap3A_330 {strides = array<i32>} : memref<80x144xf32, #tpu.memory_space<vmem>>, vector<1x16xf32>,
      %broadcast_in_dim3A_331 = arith.constant 3 : i32
      %broadcast_in_dim3A_332 = vector.broadcast %broadcast_in_dim3A_331 : i32 to vector<16xi32>
      %lt3A_333 = arith.constant 0 : i32
      %lt3A_334 = vector.broadcast %lt3A_333 : i32 to vector<16xi32>
      %lt3A_335 = arith.cmpi slt, %broadcast_in_dim3A_332, %lt3A_334 : vector<16xi32>
      %add3A_336 = arith.constant 16 : i32
      %add3A_337 = vector.broadcast %add3A_336 : i32 to vector<16xi32>
      %add3A_338 = arith.addi %broadcast_in_dim3A_332, %add3A_337 : vector<16xi32>
      %select_n3A_339 = arith.select %lt3A_335, %add3A_338, %broadcast_in_dim3A_332 : vector<16xi1>, vector<16xi32>
      %reshape3A_340 = vector.shape_cast %select_n3A_339 : vector<16xi32> to vector<16x1xi32>
      %gather3A_341 = vector.shape_cast %reshape3A_340 : vector<16x1xi32> to vector<16xi32>
      %gather3A_342 = tpu.dynamic_gather %select_n3A_259[%gather3A_341] in [0] : vector<16xf32>, vector<16xi32> -> vector<16xf32>
      %get3A_343 = arith.index_cast %add3A_236 : i32 to index
      %get3A_344 = arith.constant 48 : index
      %get3A_345 = tpu.vector_load %arg11[%get3A_343, %get3A_344] {strides = array<i32>} : memref<80x144xf32, #tpu.memory_space<vmem>>, vector<1x16xf32>,
      %get3A_346 = vector.shape_cast %get3A_345 : vector<1x16xf32> to vector<16xf32>
      %mul3A_347 = arith.mulf %get3A_346, %gather3A_342 : vector<16xf32>
      %swap3A_348 = arith.index_cast %add3A_236 : i32 to index
      %swap3A_349 = arith.constant 48 : index
      %swap3A_350 = tpu.vector_load %arg11[%swap3A_348, %swap3A_349] {strides = array<i32>} : memref<80x144xf32, #tpu.memory_space<vmem>>, vector<1x16xf32>,
      %swap3A_351 = vector.shape_cast %swap3A_350 : vector<1x16xf32> to vector<16xf32>
      %swap3A_352 = vector.shape_cast %mul3A_347 : vector<16xf32> to vector<1x16xf32>
      tpu.vector_store %arg11[%swap3A_348, %swap3A_349], %swap3A_352 {strides = array<i32>} : memref<80x144xf32, #tpu.memory_space<vmem>>, vector<1x16xf32>,
      %broadcast_in_dim3A_353 = arith.constant 4 : i32
      %broadcast_in_dim3A_354 = vector.broadcast %broadcast_in_dim3A_353 : i32 to vector<16xi32>
      %lt3A_355 = arith.constant 0 : i32
      %lt3A_356 = vector.broadcast %lt3A_355 : i32 to vector<16xi32>
      %lt3A_357 = arith.cmpi slt, %broadcast_in_dim3A_354, %lt3A_356 : vector<16xi32>
      %add3A_358 = arith.constant 16 : i32
      %add3A_359 = vector.broadcast %add3A_358 : i32 to vector<16xi32>
      %add3A_360 = arith.addi %broadcast_in_dim3A_354, %add3A_359 : vector<16xi32>
      %select_n3A_361 = arith.select %lt3A_357, %add3A_360, %broadcast_in_dim3A_354 : vector<16xi1>, vector<16xi32>
      %reshape3A_362 = vector.shape_cast %select_n3A_361 : vector<16xi32> to vector<16x1xi32>
      %gather3A_363 = vector.shape_cast %reshape3A_362 : vector<16x1xi32> to vector<16xi32>
      %gather3A_364 = tpu.dynamic_gather %select_n3A_259[%gather3A_363] in [0] : vector<16xf32>, vector<16xi32> -> vector<16xf32>
      %get3A_365 = arith.index_cast %add3A_236 : i32 to index
      %get3A_366 = arith.constant 64 : index
      %get3A_367 = tpu.vector_load %arg11[%get3A_365, %get3A_366] {strides = array<i32>} : memref<80x144xf32, #tpu.memory_space<vmem>>, vector<1x16xf32>,
      %get3A_368 = vector.shape_cast %get3A_367 : vector<1x16xf32> to vector<16xf32>
      %mul3A_369 = arith.mulf %get3A_368, %gather3A_364 : vector<16xf32>
      %swap3A_370 = arith.index_cast %add3A_236 : i32 to index
      %swap3A_371 = arith.constant 64 : index
      %swap3A_372 = tpu.vector_load %arg11[%swap3A_370, %swap3A_371] {strides = array<i32>} : memref<80x144xf32, #tpu.memory_space<vmem>>, vector<1x16xf32>,
      %swap3A_373 = vector.shape_cast %swap3A_372 : vector<1x16xf32> to vector<16xf32>
      %swap3A_374 = vector.shape_cast %mul3A_369 : vector<16xf32> to vector<1x16xf32>
      tpu.vector_store %arg11[%swap3A_370, %swap3A_371], %swap3A_374 {strides = array<i32>} : memref<80x144xf32, #tpu.memory_space<vmem>>, vector<1x16xf32>,
      %broadcast_in_dim3A_375 = arith.constant 5 : i32
      %broadcast_in_dim3A_376 = vector.broadcast %broadcast_in_dim3A_375 : i32 to vector<16xi32>
      %lt3A_377 = arith.constant 0 : i32
      %lt3A_378 = vector.broadcast %lt3A_377 : i32 to vector<16xi32>
      %lt3A_379 = arith.cmpi slt, %broadcast_in_dim3A_376, %lt3A_378 : vector<16xi32>
      %add3A_380 = arith.constant 16 : i32
      %add3A_381 = vector.broadcast %add3A_380 : i32 to vector<16xi32>
      %add3A_382 = arith.addi %broadcast_in_dim3A_376, %add3A_381 : vector<16xi32>
      %select_n3A_383 = arith.select %lt3A_379, %add3A_382, %broadcast_in_dim3A_376 : vector<16xi1>, vector<16xi32>
      %reshape3A_384 = vector.shape_cast %select_n3A_383 : vector<16xi32> to vector<16x1xi32>
      %gather3A_385 = vector.shape_cast %reshape3A_384 : vector<16x1xi32> to vector<16xi32>
      %gather3A_386 = tpu.dynamic_gather %select_n3A_259[%gather3A_385] in [0] : vector<16xf32>, vector<16xi32> -> vector<16xf32>
      %get3A_387 = arith.index_cast %add3A_236 : i32 to index
      %get3A_388 = arith.constant 80 : index
      %get3A_389 = tpu.vector_load %arg11[%get3A_387, %get3A_388] {strides = array<i32>} : memref<80x144xf32, #tpu.memory_space<vmem>>, vector<1x16xf32>,
      %get3A_390 = vector.shape_cast %get3A_389 : vector<1x16xf32> to vector<16xf32>
      %mul3A_391 = arith.mulf %get3A_390, %gather3A_386 : vector<16xf32>
      %swap3A_392 = arith.index_cast %add3A_236 : i32 to index
      %swap3A_393 = arith.constant 80 : index
      %swap3A_394 = tpu.vector_load %arg11[%swap3A_392, %swap3A_393] {strides = array<i32>} : memref<80x144xf32, #tpu.memory_space<vmem>>, vector<1x16xf32>,
      %swap3A_395 = vector.shape_cast %swap3A_394 : vector<1x16xf32> to vector<16xf32>
      %swap3A_396 = vector.shape_cast %mul3A_391 : vector<16xf32> to vector<1x16xf32>
      tpu.vector_store %arg11[%swap3A_392, %swap3A_393], %swap3A_396 {strides = array<i32>} : memref<80x144xf32, #tpu.memory_space<vmem>>, vector<1x16xf32>,
      %broadcast_in_dim3A_397 = arith.constant 6 : i32
      %broadcast_in_dim3A_398 = vector.broadcast %broadcast_in_dim3A_397 : i32 to vector<16xi32>
      %lt3A_399 = arith.constant 0 : i32
      %lt3A_400 = vector.broadcast %lt3A_399 : i32 to vector<16xi32>
      %lt3A_401 = arith.cmpi slt, %broadcast_in_dim3A_398, %lt3A_400 : vector<16xi32>
      %add3A_402 = arith.constant 16 : i32
      %add3A_403 = vector.broadcast %add3A_402 : i32 to vector<16xi32>
      %add3A_404 = arith.addi %broadcast_in_dim3A_398, %add3A_403 : vector<16xi32>
      %select_n3A_405 = arith.select %lt3A_401, %add3A_404, %broadcast_in_dim3A_398 : vector<16xi1>, vector<16xi32>
      %reshape3A_406 = vector.shape_cast %select_n3A_405 : vector<16xi32> to vector<16x1xi32>
      %gather3A_407 = vector.shape_cast %reshape3A_406 : vector<16x1xi32> to vector<16xi32>
      %gather3A_408 = tpu.dynamic_gather %select_n3A_259[%gather3A_407] in [0] : vector<16xf32>, vector<16xi32> -> vector<16xf32>
      %get3A_409 = arith.index_cast %add3A_236 : i32 to index
      %get3A_410 = arith.constant 96 : index
      %get3A_411 = tpu.vector_load %arg11[%get3A_409, %get3A_410] {strides = array<i32>} : memref<80x144xf32, #tpu.memory_space<vmem>>, vector<1x16xf32>,
      %get3A_412 = vector.shape_cast %get3A_411 : vector<1x16xf32> to vector<16xf32>
      %mul3A_413 = arith.mulf %get3A_412, %gather3A_408 : vector<16xf32>
      %swap3A_414 = arith.index_cast %add3A_236 : i32 to index
      %swap3A_415 = arith.constant 96 : index
      %swap3A_416 = tpu.vector_load %arg11[%swap3A_414, %swap3A_415] {strides = array<i32>} : memref<80x144xf32, #tpu.memory_space<vmem>>, vector<1x16xf32>,
      %swap3A_417 = vector.shape_cast %swap3A_416 : vector<1x16xf32> to vector<16xf32>
      %swap3A_418 = vector.shape_cast %mul3A_413 : vector<16xf32> to vector<1x16xf32>
      tpu.vector_store %arg11[%swap3A_414, %swap3A_415], %swap3A_418 {strides = array<i32>} : memref<80x144xf32, #tpu.memory_space<vmem>>, vector<1x16xf32>,
      %broadcast_in_dim3A_419 = arith.constant 7 : i32
      %broadcast_in_dim3A_420 = vector.broadcast %broadcast_in_dim3A_419 : i32 to vector<16xi32>
      %lt3A_421 = arith.constant 0 : i32
      %lt3A_422 = vector.broadcast %lt3A_421 : i32 to vector<16xi32>
      %lt3A_423 = arith.cmpi slt, %broadcast_in_dim3A_420, %lt3A_422 : vector<16xi32>
      %add3A_424 = arith.constant 16 : i32
      %add3A_425 = vector.broadcast %add3A_424 : i32 to vector<16xi32>
      %add3A_426 = arith.addi %broadcast_in_dim3A_420, %add3A_425 : vector<16xi32>
      %select_n3A_427 = arith.select %lt3A_423, %add3A_426, %broadcast_in_dim3A_420 : vector<16xi1>, vector<16xi32>
      %reshape3A_428 = vector.shape_cast %select_n3A_427 : vector<16xi32> to vector<16x1xi32>
      %gather3A_429 = vector.shape_cast %reshape3A_428 : vector<16x1xi32> to vector<16xi32>
      %gather3A_430 = tpu.dynamic_gather %select_n3A_259[%gather3A_429] in [0] : vector<16xf32>, vector<16xi32> -> vector<16xf32>
      %get3A_431 = arith.index_cast %add3A_236 : i32 to index
      %get3A_432 = arith.constant 112 : index
      %get3A_433 = tpu.vector_load %arg11[%get3A_431, %get3A_432] {strides = array<i32>} : memref<80x144xf32, #tpu.memory_space<vmem>>, vector<1x16xf32>,
      %get3A_434 = vector.shape_cast %get3A_433 : vector<1x16xf32> to vector<16xf32>
      %mul3A_435 = arith.mulf %get3A_434, %gather3A_430 : vector<16xf32>
      %swap3A_436 = arith.index_cast %add3A_236 : i32 to index
      %swap3A_437 = arith.constant 112 : index
      %swap3A_438 = tpu.vector_load %arg11[%swap3A_436, %swap3A_437] {strides = array<i32>} : memref<80x144xf32, #tpu.memory_space<vmem>>, vector<1x16xf32>,
      %swap3A_439 = vector.shape_cast %swap3A_438 : vector<1x16xf32> to vector<16xf32>
      %swap3A_440 = vector.shape_cast %mul3A_435 : vector<16xf32> to vector<1x16xf32>
      tpu.vector_store %arg11[%swap3A_436, %swap3A_437], %swap3A_440 {strides = array<i32>} : memref<80x144xf32, #tpu.memory_space<vmem>>, vector<1x16xf32>,
    }
    %scan3A_32 = arith.constant 40 : i32
    "tpu.region"() ({
      %run_scoped3A = tpu.sem_alloc : memref<!tpu.dma_semaphore, #tpu.memory_space<semaphore_mem>>
      %dma_start3A_34 = arith.constant 0 : i32
      %dma_start3A_35 = arith.constant 0 : i32
      %dma_start3A_36 = tpu.memref_slice %arg8[%dma_start3A_34, %dma_start3A_35] : memref<10240x144xf32, #tpu.memory_space<vmem_shared>> -> memref<10240x144xf32, #tpu.memory_space<vmem_shared>>
      tpu.enqueue_indirect_dma source(%arg11 : memref<80x144xf32, #tpu.memory_space<vmem>>) target(%dma_start3A_36 : memref<10240x144xf32, #tpu.memory_space<vmem_shared>>) offsets(%arg10 : memref<80xi32, #tpu.memory_space<vmem>>) semaphore(%run_scoped3A : memref<!tpu.dma_semaphore, #tpu.memory_space<semaphore_mem>>) {add = true}
      %dma_wait3A_37 = arith.constant 0 : i32
      %dma_wait3A_38 = arith.constant 0 : i32
      %dma_wait3A_39 = tpu.memref_slice %arg8[%dma_wait3A_37, %dma_wait3A_38] : memref<10240x144xf32, #tpu.memory_space<vmem_shared>> -> memref<10240x144xf32, #tpu.memory_space<vmem_shared>>
      tpu.wait_indirect_dma semaphore(%run_scoped3A : memref<!tpu.dma_semaphore, #tpu.memory_space<semaphore_mem>>) src(%arg11 : memref<80x144xf32, #tpu.memory_space<vmem>>) dst(%dma_wait3A_39 : memref<10240x144xf32, #tpu.memory_space<vmem_shared>>)
      tpu.yield
    }) : () -> ()
    %barrier3A_33 = arith.constant 0 : index
    tpu.barrier barrier_id(%barrier3A_33)
    "tpu.region"() ({
      %run_scoped3A = tpu.sem_alloc : memref<!tpu.dma_semaphore, #tpu.memory_space<semaphore_mem>>
      %dma_start3A_34 = arith.constant 0 : i32
      %dma_start3A_35 = tpu.memref_slice %arg7[%arg0, %mul3A_0, %dma_start3A_34] : memref<2x10240x144xf32, #tpu.memory_space<hbm>> -> memref<1x640x144xf32, #tpu.memory_space<hbm>>
      %dma_start3A_36 = tpu.memref_squeeze %dma_start3A_35 : memref<1x640x144xf32, #tpu.memory_space<hbm>> -> memref<640x144xf32, #tpu.memory_space<hbm>>
      %dma_start3A_37 = arith.constant 0 : i32
      %dma_start3A_38 = tpu.memref_slice %arg8[%mul3A_0, %dma_start3A_37] : memref<10240x144xf32, #tpu.memory_space<vmem_shared>> -> memref<640x144xf32, #tpu.memory_space<vmem_shared>>
      tpu.enqueue_dma source(%dma_start3A_38 : memref<640x144xf32, #tpu.memory_space<vmem_shared>>) target(%dma_start3A_36 : memref<640x144xf32, #tpu.memory_space<hbm>>) target_semaphore(%run_scoped3A : memref<!tpu.dma_semaphore, #tpu.memory_space<semaphore_mem>>)
      %dma_wait3A_39 = arith.constant 0 : i32
      %dma_wait3A_40 = tpu.memref_slice %arg7[%arg0, %mul3A_0, %dma_wait3A_39] : memref<2x10240x144xf32, #tpu.memory_space<hbm>> -> memref<1x640x144xf32, #tpu.memory_space<hbm>>
      %dma_wait3A_41 = tpu.memref_squeeze %dma_wait3A_40 : memref<1x640x144xf32, #tpu.memory_space<hbm>> -> memref<640x144xf32, #tpu.memory_space<hbm>>
      %dma_wait3A_42 = arith.constant 0 : i32
      %dma_wait3A_43 = tpu.memref_slice %arg8[%mul3A_0, %dma_wait3A_42] : memref<10240x144xf32, #tpu.memory_space<vmem_shared>> -> memref<640x144xf32, #tpu.memory_space<vmem_shared>>
      tpu.wait_dma2 semaphore(%run_scoped3A : memref<!tpu.dma_semaphore, #tpu.memory_space<semaphore_mem>>) src(%dma_wait3A_43 : memref<640x144xf32, #tpu.memory_space<vmem_shared>>) dst(%dma_wait3A_41 : memref<640x144xf32, #tpu.memory_space<hbm>>)
      tpu.yield
    }) : () -> ()
    return
  }
}

#map = affine_map<(d0, d1) -> (0, 0)>
#map1 = affine_map<(d0, d1) -> (0)>
#map2 = affine_map<(d0, d1) -> (0, 0, 0)>
module attributes {stable_mosaic.version = 14 : i64} {
  func.func @_sc_edge_kernel(%arg0: i32, %arg1: i32, %arg2: memref<10000x144xf32, #tpu.memory_space<hbm>>, %arg3: memref<10000x16xf32, #tpu.memory_space<hbm>>, %arg4: memref<320000xi32, #tpu.memory_space<hbm>>, %arg5: memref<320000xi32, #tpu.memory_space<hbm>>, %arg6: memref<10240x144xf32, #tpu.memory_space<hbm>>, %arg7: memref<2x10240x144xf32, #tpu.memory_space<hbm>>, %arg8: memref<10240x144xf32, #tpu.memory_space<vmem_shared>>, %arg9: memref<80xi32, #tpu.memory_space<vmem>>, %arg10: memref<80xi32, #tpu.memory_space<vmem>>, %arg11: memref<80x144xf32, #tpu.memory_space<vmem>>, %arg12: memref<80x16xf32, #tpu.memory_space<vmem>>, %arg13: memref<80xi32, #tpu.memory_space<vmem>>, %arg14: memref<80xi32, #tpu.memory_space<vmem>>, %arg15: memref<80x144xf32, #tpu.memory_space<vmem>>, %arg16: memref<80x16xf32, #tpu.memory_space<vmem>>, %arg17: memref<!tpu.dma_semaphore, #tpu.memory_space<semaphore_mem>>, %arg18: memref<!tpu.dma_semaphore, #tpu.memory_space<semaphore_mem>>, %arg19: memref<!tpu.dma_semaphore, #tpu.memory_space<semaphore_mem>>, %arg20: memref<!tpu.dma_semaphore, #tpu.memory_space<semaphore_mem>>) attributes {dimension_semantics = [#tpu.dimension_semantics<core_parallel>, #tpu.dimension_semantics<subcore_parallel>], iteration_bounds = array<i64: 2, 16>, scalar_prefetch = 0 : i64, scratch_operands = 13 : i64, tpu.core_type = #tpu.core_type<sc_vector_subcore>, window_params = [{transform_indices = #map}, {transform_indices = #map}, {transform_indices = #map1}, {transform_indices = #map1}, {transform_indices = #map}, {transform_indices = #map2}]} {
    %mul3A = arith.constant 640 : i32
    %mul3A_0 = arith.muli %arg1, %mul3A : i32
    "tpu.region"() ({
      %run_scoped3A = tpu.sem_alloc : memref<!tpu.dma_semaphore, #tpu.memory_space<semaphore_mem>>
      %dma_start3A_34 = arith.constant 0 : i32
      %dma_start3A_35 = tpu.memref_slice %arg8[%mul3A_0, %dma_start3A_34] : memref<10240x144xf32, #tpu.memory_space<vmem_shared>> -> memref<640x144xf32, #tpu.memory_space<vmem_shared>>
      %dma_start3A_36 = arith.constant 0 : i32
      %dma_start3A_37 = tpu.memref_slice %arg6[%mul3A_0, %dma_start3A_36] : memref<10240x144xf32, #tpu.memory_space<hbm>> -> memref<640x144xf32, #tpu.memory_space<hbm>>
      tpu.enqueue_dma source(%dma_start3A_37 : memref<640x144xf32, #tpu.memory_space<hbm>>) target(%dma_start3A_35 : memref<640x144xf32, #tpu.memory_space<vmem_shared>>) target_semaphore(%run_scoped3A : memref<!tpu.dma_semaphore, #tpu.memory_space<semaphore_mem>>)
      %dma_wait3A_38 = arith.constant 0 : i32
      %dma_wait3A_39 = tpu.memref_slice %arg8[%mul3A_0, %dma_wait3A_38] : memref<10240x144xf32, #tpu.memory_space<vmem_shared>> -> memref<640x144xf32, #tpu.memory_space<vmem_shared>>
      %dma_wait3A_40 = arith.constant 0 : i32
      %dma_wait3A_41 = tpu.memref_slice %arg6[%mul3A_0, %dma_wait3A_40] : memref<10240x144xf32, #tpu.memory_space<hbm>> -> memref<640x144xf32, #tpu.memory_space<hbm>>
      tpu.wait_dma2 semaphore(%run_scoped3A : memref<!tpu.dma_semaphore, #tpu.memory_space<semaphore_mem>>) src(%dma_wait3A_41 : memref<640x144xf32, #tpu.memory_space<hbm>>) dst(%dma_wait3A_39 : memref<640x144xf32, #tpu.memory_space<vmem_shared>>)
      tpu.yield
    }) : () -> ()
    %barrier3A = arith.constant 0 : index
    tpu.barrier barrier_id(%barrier3A)
    %mul3A_1 = arith.constant 16 : i32
    %mul3A_2 = arith.muli %arg0, %mul3A_1 : i32
    %add3A = arith.addi %mul3A_2, %arg1 : i32
    %mul3A_3 = arith.constant 10000 : i32
    %mul3A_4 = arith.muli %add3A, %mul3A_3 : i32
    %add3A_5 = arith.constant 0 : i32
    %add3A_6 = arith.addi %mul3A_4, %add3A_5 : i32
    "tpu.region"() ({
      %run_scoped3A = tpu.sem_alloc : memref<!tpu.dma_semaphore, #tpu.memory_space<semaphore_mem>>
      %dma_start3A_34 = tpu.memref_slice %arg4[%add3A_6] : memref<320000xi32, #tpu.memory_space<hbm>> -> memref<80xi32, #tpu.memory_space<hbm>>
      %dma_start3A_35 = tpu.memref_slice %arg4[%add3A_6] : memref<320000xi32, #tpu.memory_space<hbm>> -> memref<80xi32, #tpu.memory_space<hbm>>
      tpu.enqueue_dma source(%dma_start3A_35 : memref<80xi32, #tpu.memory_space<hbm>>) target(%arg9 : memref<80xi32, #tpu.memory_space<vmem>>) target_semaphore(%run_scoped3A : memref<!tpu.dma_semaphore, #tpu.memory_space<semaphore_mem>>)
      %dma_wait3A_36 = tpu.memref_slice %arg4[%add3A_6] : memref<320000xi32, #tpu.memory_space<hbm>> -> memref<80xi32, #tpu.memory_space<hbm>>
      %dma_wait3A_37 = tpu.memref_slice %arg4[%add3A_6] : memref<320000xi32, #tpu.memory_space<hbm>> -> memref<80xi32, #tpu.memory_space<hbm>>
      tpu.wait_dma2 semaphore(%run_scoped3A : memref<!tpu.dma_semaphore, #tpu.memory_space<semaphore_mem>>) src(%dma_wait3A_37 : memref<80xi32, #tpu.memory_space<hbm>>) dst(%arg9 : memref<80xi32, #tpu.memory_space<vmem>>)
      tpu.yield
    }) : () -> ()
    "tpu.region"() ({
      %run_scoped3A = tpu.sem_alloc : memref<!tpu.dma_semaphore, #tpu.memory_space<semaphore_mem>>
      %dma_start3A_34 = tpu.memref_slice %arg5[%add3A_6] : memref<320000xi32, #tpu.memory_space<hbm>> -> memref<80xi32, #tpu.memory_space<hbm>>
      %dma_start3A_35 = tpu.memref_slice %arg5[%add3A_6] : memref<320000xi32, #tpu.memory_space<hbm>> -> memref<80xi32, #tpu.memory_space<hbm>>
      tpu.enqueue_dma source(%dma_start3A_35 : memref<80xi32, #tpu.memory_space<hbm>>) target(%arg10 : memref<80xi32, #tpu.memory_space<vmem>>) target_semaphore(%run_scoped3A : memref<!tpu.dma_semaphore, #tpu.memory_space<semaphore_mem>>)
      %dma_wait3A_36 = tpu.memref_slice %arg5[%add3A_6] : memref<320000xi32, #tpu.memory_space<hbm>> -> memref<80xi32, #tpu.memory_space<hbm>>
      %dma_wait3A_37 = tpu.memref_slice %arg5[%add3A_6] : memref<320000xi32, #tpu.memory_space<hbm>> -> memref<80xi32, #tpu.memory_space<hbm>>
      tpu.wait_dma2 semaphore(%run_scoped3A : memref<!tpu.dma_semaphore, #tpu.memory_space<semaphore_mem>>) src(%dma_wait3A_37 : memref<80xi32, #tpu.memory_space<hbm>>) dst(%arg10 : memref<80xi32, #tpu.memory_space<vmem>>)
      tpu.yield
    }) : () -> ()
    %dma_start3A = arith.constant 0 : i32
    %dma_start3A_7 = arith.constant 0 : i32
    %dma_start3A_8 = tpu.memref_slice %arg2[%dma_start3A, %dma_start3A_7] : memref<10000x144xf32, #tpu.memory_space<hbm>> -> memref<10000x144xf32, #tpu.memory_space<hbm>>
    tpu.enqueue_indirect_dma source(%dma_start3A_8 : memref<10000x144xf32, #tpu.memory_space<hbm>>) target(%arg11 : memref<80x144xf32, #tpu.memory_space<vmem>>) offsets(%arg9 : memref<80xi32, #tpu.memory_space<vmem>>) semaphore(%arg17 : memref<!tpu.dma_semaphore, #tpu.memory_space<semaphore_mem>>)
    %dma_start3A_9 = arith.constant 0 : i32
    %dma_start3A_10 = arith.constant 0 : i32
    %dma_start3A_11 = tpu.memref_slice %arg3[%dma_start3A_9, %dma_start3A_10] : memref<10000x16xf32, #tpu.memory_space<hbm>> -> memref<10000x16xf32, #tpu.memory_space<hbm>>
    tpu.enqueue_indirect_dma source(%dma_start3A_11 : memref<10000x16xf32, #tpu.memory_space<hbm>>) target(%arg12 : memref<80x16xf32, #tpu.memory_space<vmem>>) offsets(%arg10 : memref<80xi32, #tpu.memory_space<vmem>>) semaphore(%arg18 : memref<!tpu.dma_semaphore, #tpu.memory_space<semaphore_mem>>)
    %scan3A = arith.constant 0 : i32
    %scan3A_12 = arith.constant 0 : i32
    %scan3A_13 = arith.constant 62 : i32
    %scan3A_14 = arith.addi %scan3A_12, %scan3A_13 : i32
    %scan3A_15 = arith.constant 1 : i32
    scf.for %scan3A_34 = %scan3A_12 to %scan3A_14 step %scan3A_15  : i32 {
      %mul3A_35 = arith.constant 2 : i32
      %mul3A_36 = arith.muli %mul3A_35, %scan3A_34 : i32
      %add3A_37 = arith.constant 1 : i32
      %add3A_38 = arith.addi %mul3A_36, %add3A_37 : i32
      %mul3A_39 = arith.constant 80 : i32
      %mul3A_40 = arith.muli %add3A_38, %mul3A_39 : i32
      %add3A_41 = arith.addi %mul3A_4, %mul3A_40 : i32
      "tpu.region"() ({
        %run_scoped3A = tpu.sem_alloc : memref<!tpu.dma_semaphore, #tpu.memory_space<semaphore_mem>>
        %dma_start3A_99 = tpu.memref_slice %arg4[%add3A_41] : memref<320000xi32, #tpu.memory_space<hbm>> -> memref<80xi32, #tpu.memory_space<hbm>>
        %dma_start3A_100 = tpu.memref_slice %arg4[%add3A_41] : memref<320000xi32, #tpu.memory_space<hbm>> -> memref<80xi32, #tpu.memory_space<hbm>>
        tpu.enqueue_dma source(%dma_start3A_100 : memref<80xi32, #tpu.memory_space<hbm>>) target(%arg13 : memref<80xi32, #tpu.memory_space<vmem>>) target_semaphore(%run_scoped3A : memref<!tpu.dma_semaphore, #tpu.memory_space<semaphore_mem>>)
        %dma_wait3A_101 = tpu.memref_slice %arg4[%add3A_41] : memref<320000xi32, #tpu.memory_space<hbm>> -> memref<80xi32, #tpu.memory_space<hbm>>
        %dma_wait3A_102 = tpu.memref_slice %arg4[%add3A_41] : memref<320000xi32, #tpu.memory_space<hbm>> -> memref<80xi32, #tpu.memory_space<hbm>>
        tpu.wait_dma2 semaphore(%run_scoped3A : memref<!tpu.dma_semaphore, #tpu.memory_space<semaphore_mem>>) src(%dma_wait3A_102 : memref<80xi32, #tpu.memory_space<hbm>>) dst(%arg13 : memref<80xi32, #tpu.memory_space<vmem>>)
        tpu.yield
      }) : () -> ()
      "tpu.region"() ({
        %run_scoped3A = tpu.sem_alloc : memref<!tpu.dma_semaphore, #tpu.memory_space<semaphore_mem>>
        %dma_start3A_99 = tpu.memref_slice %arg5[%add3A_41] : memref<320000xi32, #tpu.memory_space<hbm>> -> memref<80xi32, #tpu.memory_space<hbm>>
        %dma_start3A_100 = tpu.memref_slice %arg5[%add3A_41] : memref<320000xi32, #tpu.memory_space<hbm>> -> memref<80xi32, #tpu.memory_space<hbm>>
        tpu.enqueue_dma source(%dma_start3A_100 : memref<80xi32, #tpu.memory_space<hbm>>) target(%arg14 : memref<80xi32, #tpu.memory_space<vmem>>) target_semaphore(%run_scoped3A : memref<!tpu.dma_semaphore, #tpu.memory_space<semaphore_mem>>)
        %dma_wait3A_101 = tpu.memref_slice %arg5[%add3A_41] : memref<320000xi32, #tpu.memory_space<hbm>> -> memref<80xi32, #tpu.memory_space<hbm>>
        %dma_wait3A_102 = tpu.memref_slice %arg5[%add3A_41] : memref<320000xi32, #tpu.memory_space<hbm>> -> memref<80xi32, #tpu.memory_space<hbm>>
        tpu.wait_dma2 semaphore(%run_scoped3A : memref<!tpu.dma_semaphore, #tpu.memory_space<semaphore_mem>>) src(%dma_wait3A_102 : memref<80xi32, #tpu.memory_space<hbm>>) dst(%arg14 : memref<80xi32, #tpu.memory_space<vmem>>)
        tpu.yield
      }) : () -> ()
      %dma_start3A_42 = arith.constant 0 : i32
      %dma_start3A_43 = arith.constant 0 : i32
      %dma_start3A_44 = tpu.memref_slice %arg2[%dma_start3A_42, %dma_start3A_43] : memref<10000x144xf32, #tpu.memory_space<hbm>> -> memref<10000x144xf32, #tpu.memory_space<hbm>>
      tpu.enqueue_indirect_dma source(%dma_start3A_44 : memref<10000x144xf32, #tpu.memory_space<hbm>>) target(%arg15 : memref<80x144xf32, #tpu.memory_space<vmem>>) offsets(%arg13 : memref<80xi32, #tpu.memory_space<vmem>>) semaphore(%arg19 : memref<!tpu.dma_semaphore, #tpu.memory_space<semaphore_mem>>)
      %dma_start3A_45 = arith.constant 0 : i32
      %dma_start3A_46 = arith.constant 0 : i32
      %dma_start3A_47 = tpu.memref_slice %arg3[%dma_start3A_45, %dma_start3A_46] : memref<10000x16xf32, #tpu.memory_space<hbm>> -> memref<10000x16xf32, #tpu.memory_space<hbm>>
      tpu.enqueue_indirect_dma source(%dma_start3A_47 : memref<10000x16xf32, #tpu.memory_space<hbm>>) target(%arg16 : memref<80x16xf32, #tpu.memory_space<vmem>>) offsets(%arg14 : memref<80xi32, #tpu.memory_space<vmem>>) semaphore(%arg20 : memref<!tpu.dma_semaphore, #tpu.memory_space<semaphore_mem>>)
      %dma_wait3A_48 = arith.constant 0 : i32
      %dma_wait3A_49 = arith.constant 0 : i32
      %dma_wait3A_50 = tpu.memref_slice %arg2[%dma_wait3A_48, %dma_wait3A_49] : memref<10000x144xf32, #tpu.memory_space<hbm>> -> memref<10000x144xf32, #tpu.memory_space<hbm>>
      tpu.wait_indirect_dma semaphore(%arg17 : memref<!tpu.dma_semaphore, #tpu.memory_space<semaphore_mem>>) src(%dma_wait3A_50 : memref<10000x144xf32, #tpu.memory_space<hbm>>) dst(%arg11 : memref<80x144xf32, #tpu.memory_space<vmem>>)
      %dma_wait3A_51 = arith.constant 0 : i32
      %dma_wait3A_52 = arith.constant 0 : i32
      %dma_wait3A_53 = tpu.memref_slice %arg3[%dma_wait3A_51, %dma_wait3A_52] : memref<10000x16xf32, #tpu.memory_space<hbm>> -> memref<10000x16xf32, #tpu.memory_space<hbm>>
      tpu.wait_indirect_dma semaphore(%arg18 : memref<!tpu.dma_semaphore, #tpu.memory_space<semaphore_mem>>) src(%dma_wait3A_53 : memref<10000x16xf32, #tpu.memory_space<hbm>>) dst(%arg12 : memref<80x16xf32, #tpu.memory_space<vmem>>)
      %iota3A_54 = tpu.iota {dimensions = array<i32: 0>} : vector<16xi32>
      %and3A_55 = arith.constant 7 : i32
      %and3A_56 = vector.broadcast %and3A_55 : i32 to vector<16xi32>
      %and3A_57 = arith.andi %iota3A_54, %and3A_56 : vector<16xi32>
      %add3A_58 = arith.constant 8 : i32
      %add3A_59 = vector.broadcast %add3A_58 : i32 to vector<16xi32>
      %add3A_60 = arith.addi %and3A_57, %add3A_59 : vector<16xi32>
      %scan3A_61 = arith.constant 0 : i32
      %scan3A_62 = arith.constant 0 : i32
      %scan3A_63 = arith.constant 40 : i32
      %scan3A_64 = arith.addi %scan3A_62, %scan3A_63 : i32
      %scan3A_65 = arith.constant 1 : i32
      scf.for %scan3A_99 = %scan3A_62 to %scan3A_64 step %scan3A_65  : i32 {
        %mul3A_100 = arith.constant 2 : i32
        %mul3A_101 = arith.muli %mul3A_100, %scan3A_99 : i32
        %get3A = arith.index_cast %mul3A_101 : i32 to index
        %get3A_102 = arith.constant 128 : index
        %get3A_103 = tpu.vector_load %arg11[%get3A, %get3A_102] {strides = array<i32>} : memref<80x144xf32, #tpu.memory_space<vmem>>, vector<1x16xf32>,
        %get3A_104 = vector.shape_cast %get3A_103 : vector<1x16xf32> to vector<16xf32>
        %get3A_105 = arith.index_cast %mul3A_101 : i32 to index
        %get3A_106 = arith.constant 0 : index
        %get3A_107 = tpu.vector_load %arg12[%get3A_105, %get3A_106] {strides = array<i32>} : memref<80x16xf32, #tpu.memory_space<vmem>>, vector<1x16xf32>,
        %get3A_108 = vector.shape_cast %get3A_107 : vector<1x16xf32> to vector<16xf32>
        %mul3A_109 = arith.mulf %get3A_104, %get3A_108 : vector<16xf32>
        %lt3A = arith.constant 0 : i32
        %lt3A_110 = vector.broadcast %lt3A : i32 to vector<16xi32>
        %lt3A_111 = arith.cmpi slt, %add3A_60, %lt3A_110 : vector<16xi32>
        %add3A_112 = arith.constant 16 : i32
        %add3A_113 = vector.broadcast %add3A_112 : i32 to vector<16xi32>
        %add3A_114 = arith.addi %add3A_60, %add3A_113 : vector<16xi32>
        %select_n3A = arith.select %lt3A_111, %add3A_114, %add3A_60 : vector<16xi1>, vector<16xi32>
        %reshape3A = vector.shape_cast %select_n3A : vector<16xi32> to vector<16x1xi32>
        %gather3A = vector.shape_cast %reshape3A : vector<16x1xi32> to vector<16xi32>
        %gather3A_115 = tpu.dynamic_gather %mul3A_109[%gather3A] in [0] : vector<16xf32>, vector<16xi32> -> vector<16xf32>
        %gt3A = arith.constant 1.000000e+00 : f32
        %gt3A_116 = vector.broadcast %gt3A : f32 to vector<16xf32>
        %gt3A_117 = arith.cmpf ogt, %mul3A_109, %gt3A_116 : vector<16xf32>
        %select_n3A_118 = arith.select %gt3A_117, %mul3A_109, %gather3A_115 : vector<16xi1>, vector<16xf32>
        %swap3A = arith.index_cast %mul3A_101 : i32 to index
        %swap3A_119 = arith.constant 128 : index
        %swap3A_120 = tpu.vector_load %arg11[%swap3A, %swap3A_119] {strides = array<i32>} : memref<80x144xf32, #tpu.memory_space<vmem>>, vector<1x16xf32>,
        %swap3A_121 = vector.shape_cast %swap3A_120 : vector<1x16xf32> to vector<16xf32>
        %swap3A_122 = vector.shape_cast %select_n3A_118 : vector<16xf32> to vector<1x16xf32>
        tpu.vector_store %arg11[%swap3A, %swap3A_119], %swap3A_122 {strides = array<i32>} : memref<80x144xf32, #tpu.memory_space<vmem>>, vector<1x16xf32>,
        %broadcast_in_dim3A = arith.constant 0 : i32
        %broadcast_in_dim3A_123 = vector.broadcast %broadcast_in_dim3A : i32 to vector<16xi32>
        %lt3A_124 = arith.constant 0 : i32
        %lt3A_125 = vector.broadcast %lt3A_124 : i32 to vector<16xi32>
        %lt3A_126 = arith.cmpi slt, %broadcast_in_dim3A_123, %lt3A_125 : vector<16xi32>
        %add3A_127 = arith.constant 16 : i32
        %add3A_128 = vector.broadcast %add3A_127 : i32 to vector<16xi32>
        %add3A_129 = arith.addi %broadcast_in_dim3A_123, %add3A_128 : vector<16xi32>
        %select_n3A_130 = arith.select %lt3A_126, %add3A_129, %broadcast_in_dim3A_123 : vector<16xi1>, vector<16xi32>
        %reshape3A_131 = vector.shape_cast %select_n3A_130 : vector<16xi32> to vector<16x1xi32>
        %gather3A_132 = vector.shape_cast %reshape3A_131 : vector<16x1xi32> to vector<16xi32>
        %gather3A_133 = tpu.dynamic_gather %select_n3A_118[%gather3A_132] in [0] : vector<16xf32>, vector<16xi32> -> vector<16xf32>
        %get3A_134 = arith.index_cast %mul3A_101 : i32 to index
        %get3A_135 = arith.constant 0 : index
        %get3A_136 = tpu.vector_load %arg11[%get3A_134, %get3A_135] {strides = array<i32>} : memref<80x144xf32, #tpu.memory_space<vmem>>, vector<1x16xf32>,
        %get3A_137 = vector.shape_cast %get3A_136 : vector<1x16xf32> to vector<16xf32>
        %mul3A_138 = arith.mulf %get3A_137, %gather3A_133 : vector<16xf32>
        %swap3A_139 = arith.index_cast %mul3A_101 : i32 to index
        %swap3A_140 = arith.constant 0 : index
        %swap3A_141 = tpu.vector_load %arg11[%swap3A_139, %swap3A_140] {strides = array<i32>} : memref<80x144xf32, #tpu.memory_space<vmem>>, vector<1x16xf32>,
        %swap3A_142 = vector.shape_cast %swap3A_141 : vector<1x16xf32> to vector<16xf32>
        %swap3A_143 = vector.shape_cast %mul3A_138 : vector<16xf32> to vector<1x16xf32>
        tpu.vector_store %arg11[%swap3A_139, %swap3A_140], %swap3A_143 {strides = array<i32>} : memref<80x144xf32, #tpu.memory_space<vmem>>, vector<1x16xf32>,
        %broadcast_in_dim3A_144 = arith.constant 1 : i32
        %broadcast_in_dim3A_145 = vector.broadcast %broadcast_in_dim3A_144 : i32 to vector<16xi32>
        %lt3A_146 = arith.constant 0 : i32
        %lt3A_147 = vector.broadcast %lt3A_146 : i32 to vector<16xi32>
        %lt3A_148 = arith.cmpi slt, %broadcast_in_dim3A_145, %lt3A_147 : vector<16xi32>
        %add3A_149 = arith.constant 16 : i32
        %add3A_150 = vector.broadcast %add3A_149 : i32 to vector<16xi32>
        %add3A_151 = arith.addi %broadcast_in_dim3A_145, %add3A_150 : vector<16xi32>
        %select_n3A_152 = arith.select %lt3A_148, %add3A_151, %broadcast_in_dim3A_145 : vector<16xi1>, vector<16xi32>
        %reshape3A_153 = vector.shape_cast %select_n3A_152 : vector<16xi32> to vector<16x1xi32>
        %gather3A_154 = vector.shape_cast %reshape3A_153 : vector<16x1xi32> to vector<16xi32>
        %gather3A_155 = tpu.dynamic_gather %select_n3A_118[%gather3A_154] in [0] : vector<16xf32>, vector<16xi32> -> vector<16xf32>
        %get3A_156 = arith.index_cast %mul3A_101 : i32 to index
        %get3A_157 = arith.constant 16 : index
        %get3A_158 = tpu.vector_load %arg11[%get3A_156, %get3A_157] {strides = array<i32>} : memref<80x144xf32, #tpu.memory_space<vmem>>, vector<1x16xf32>,
        %get3A_159 = vector.shape_cast %get3A_158 : vector<1x16xf32> to vector<16xf32>
        %mul3A_160 = arith.mulf %get3A_159, %gather3A_155 : vector<16xf32>
        %swap3A_161 = arith.index_cast %mul3A_101 : i32 to index
        %swap3A_162 = arith.constant 16 : index
        %swap3A_163 = tpu.vector_load %arg11[%swap3A_161, %swap3A_162] {strides = array<i32>} : memref<80x144xf32, #tpu.memory_space<vmem>>, vector<1x16xf32>,
        %swap3A_164 = vector.shape_cast %swap3A_163 : vector<1x16xf32> to vector<16xf32>
        %swap3A_165 = vector.shape_cast %mul3A_160 : vector<16xf32> to vector<1x16xf32>
        tpu.vector_store %arg11[%swap3A_161, %swap3A_162], %swap3A_165 {strides = array<i32>} : memref<80x144xf32, #tpu.memory_space<vmem>>, vector<1x16xf32>,
        %broadcast_in_dim3A_166 = arith.constant 2 : i32
        %broadcast_in_dim3A_167 = vector.broadcast %broadcast_in_dim3A_166 : i32 to vector<16xi32>
        %lt3A_168 = arith.constant 0 : i32
        %lt3A_169 = vector.broadcast %lt3A_168 : i32 to vector<16xi32>
        %lt3A_170 = arith.cmpi slt, %broadcast_in_dim3A_167, %lt3A_169 : vector<16xi32>
        %add3A_171 = arith.constant 16 : i32
        %add3A_172 = vector.broadcast %add3A_171 : i32 to vector<16xi32>
        %add3A_173 = arith.addi %broadcast_in_dim3A_167, %add3A_172 : vector<16xi32>
        %select_n3A_174 = arith.select %lt3A_170, %add3A_173, %broadcast_in_dim3A_167 : vector<16xi1>, vector<16xi32>
        %reshape3A_175 = vector.shape_cast %select_n3A_174 : vector<16xi32> to vector<16x1xi32>
        %gather3A_176 = vector.shape_cast %reshape3A_175 : vector<16x1xi32> to vector<16xi32>
        %gather3A_177 = tpu.dynamic_gather %select_n3A_118[%gather3A_176] in [0] : vector<16xf32>, vector<16xi32> -> vector<16xf32>
        %get3A_178 = arith.index_cast %mul3A_101 : i32 to index
        %get3A_179 = arith.constant 32 : index
        %get3A_180 = tpu.vector_load %arg11[%get3A_178, %get3A_179] {strides = array<i32>} : memref<80x144xf32, #tpu.memory_space<vmem>>, vector<1x16xf32>,
        %get3A_181 = vector.shape_cast %get3A_180 : vector<1x16xf32> to vector<16xf32>
        %mul3A_182 = arith.mulf %get3A_181, %gather3A_177 : vector<16xf32>
        %swap3A_183 = arith.index_cast %mul3A_101 : i32 to index
        %swap3A_184 = arith.constant 32 : index
        %swap3A_185 = tpu.vector_load %arg11[%swap3A_183, %swap3A_184] {strides = array<i32>} : memref<80x144xf32, #tpu.memory_space<vmem>>, vector<1x16xf32>,
        %swap3A_186 = vector.shape_cast %swap3A_185 : vector<1x16xf32> to vector<16xf32>
        %swap3A_187 = vector.shape_cast %mul3A_182 : vector<16xf32> to vector<1x16xf32>
        tpu.vector_store %arg11[%swap3A_183, %swap3A_184], %swap3A_187 {strides = array<i32>} : memref<80x144xf32, #tpu.memory_space<vmem>>, vector<1x16xf32>,
        %broadcast_in_dim3A_188 = arith.constant 3 : i32
        %broadcast_in_dim3A_189 = vector.broadcast %broadcast_in_dim3A_188 : i32 to vector<16xi32>
        %lt3A_190 = arith.constant 0 : i32
        %lt3A_191 = vector.broadcast %lt3A_190 : i32 to vector<16xi32>
        %lt3A_192 = arith.cmpi slt, %broadcast_in_dim3A_189, %lt3A_191 : vector<16xi32>
        %add3A_193 = arith.constant 16 : i32
        %add3A_194 = vector.broadcast %add3A_193 : i32 to vector<16xi32>
        %add3A_195 = arith.addi %broadcast_in_dim3A_189, %add3A_194 : vector<16xi32>
        %select_n3A_196 = arith.select %lt3A_192, %add3A_195, %broadcast_in_dim3A_189 : vector<16xi1>, vector<16xi32>
        %reshape3A_197 = vector.shape_cast %select_n3A_196 : vector<16xi32> to vector<16x1xi32>
        %gather3A_198 = vector.shape_cast %reshape3A_197 : vector<16x1xi32> to vector<16xi32>
        %gather3A_199 = tpu.dynamic_gather %select_n3A_118[%gather3A_198] in [0] : vector<16xf32>, vector<16xi32> -> vector<16xf32>
        %get3A_200 = arith.index_cast %mul3A_101 : i32 to index
        %get3A_201 = arith.constant 48 : index
        %get3A_202 = tpu.vector_load %arg11[%get3A_200, %get3A_201] {strides = array<i32>} : memref<80x144xf32, #tpu.memory_space<vmem>>, vector<1x16xf32>,
        %get3A_203 = vector.shape_cast %get3A_202 : vector<1x16xf32> to vector<16xf32>
        %mul3A_204 = arith.mulf %get3A_203, %gather3A_199 : vector<16xf32>
        %swap3A_205 = arith.index_cast %mul3A_101 : i32 to index
        %swap3A_206 = arith.constant 48 : index
        %swap3A_207 = tpu.vector_load %arg11[%swap3A_205, %swap3A_206] {strides = array<i32>} : memref<80x144xf32, #tpu.memory_space<vmem>>, vector<1x16xf32>,
        %swap3A_208 = vector.shape_cast %swap3A_207 : vector<1x16xf32> to vector<16xf32>
        %swap3A_209 = vector.shape_cast %mul3A_204 : vector<16xf32> to vector<1x16xf32>
        tpu.vector_store %arg11[%swap3A_205, %swap3A_206], %swap3A_209 {strides = array<i32>} : memref<80x144xf32, #tpu.memory_space<vmem>>, vector<1x16xf32>,
        %broadcast_in_dim3A_210 = arith.constant 4 : i32
        %broadcast_in_dim3A_211 = vector.broadcast %broadcast_in_dim3A_210 : i32 to vector<16xi32>
        %lt3A_212 = arith.constant 0 : i32
        %lt3A_213 = vector.broadcast %lt3A_212 : i32 to vector<16xi32>
        %lt3A_214 = arith.cmpi slt, %broadcast_in_dim3A_211, %lt3A_213 : vector<16xi32>
        %add3A_215 = arith.constant 16 : i32
        %add3A_216 = vector.broadcast %add3A_215 : i32 to vector<16xi32>
        %add3A_217 = arith.addi %broadcast_in_dim3A_211, %add3A_216 : vector<16xi32>
        %select_n3A_218 = arith.select %lt3A_214, %add3A_217, %broadcast_in_dim3A_211 : vector<16xi1>, vector<16xi32>
        %reshape3A_219 = vector.shape_cast %select_n3A_218 : vector<16xi32> to vector<16x1xi32>
        %gather3A_220 = vector.shape_cast %reshape3A_219 : vector<16x1xi32> to vector<16xi32>
        %gather3A_221 = tpu.dynamic_gather %select_n3A_118[%gather3A_220] in [0] : vector<16xf32>, vector<16xi32> -> vector<16xf32>
        %get3A_222 = arith.index_cast %mul3A_101 : i32 to index
        %get3A_223 = arith.constant 64 : index
        %get3A_224 = tpu.vector_load %arg11[%get3A_222, %get3A_223] {strides = array<i32>} : memref<80x144xf32, #tpu.memory_space<vmem>>, vector<1x16xf32>,
        %get3A_225 = vector.shape_cast %get3A_224 : vector<1x16xf32> to vector<16xf32>
        %mul3A_226 = arith.mulf %get3A_225, %gather3A_221 : vector<16xf32>
        %swap3A_227 = arith.index_cast %mul3A_101 : i32 to index
        %swap3A_228 = arith.constant 64 : index
        %swap3A_229 = tpu.vector_load %arg11[%swap3A_227, %swap3A_228] {strides = array<i32>} : memref<80x144xf32, #tpu.memory_space<vmem>>, vector<1x16xf32>,
        %swap3A_230 = vector.shape_cast %swap3A_229 : vector<1x16xf32> to vector<16xf32>
        %swap3A_231 = vector.shape_cast %mul3A_226 : vector<16xf32> to vector<1x16xf32>
        tpu.vector_store %arg11[%swap3A_227, %swap3A_228], %swap3A_231 {strides = array<i32>} : memref<80x144xf32, #tpu.memory_space<vmem>>, vector<1x16xf32>,
        %broadcast_in_dim3A_232 = arith.constant 5 : i32
        %broadcast_in_dim3A_233 = vector.broadcast %broadcast_in_dim3A_232 : i32 to vector<16xi32>
        %lt3A_234 = arith.constant 0 : i32
        %lt3A_235 = vector.broadcast %lt3A_234 : i32 to vector<16xi32>
        %lt3A_236 = arith.cmpi slt, %broadcast_in_dim3A_233, %lt3A_235 : vector<16xi32>
        %add3A_237 = arith.constant 16 : i32
        %add3A_238 = vector.broadcast %add3A_237 : i32 to vector<16xi32>
        %add3A_239 = arith.addi %broadcast_in_dim3A_233, %add3A_238 : vector<16xi32>
        %select_n3A_240 = arith.select %lt3A_236, %add3A_239, %broadcast_in_dim3A_233 : vector<16xi1>, vector<16xi32>
        %reshape3A_241 = vector.shape_cast %select_n3A_240 : vector<16xi32> to vector<16x1xi32>
        %gather3A_242 = vector.shape_cast %reshape3A_241 : vector<16x1xi32> to vector<16xi32>
        %gather3A_243 = tpu.dynamic_gather %select_n3A_118[%gather3A_242] in [0] : vector<16xf32>, vector<16xi32> -> vector<16xf32>
        %get3A_244 = arith.index_cast %mul3A_101 : i32 to index
        %get3A_245 = arith.constant 80 : index
        %get3A_246 = tpu.vector_load %arg11[%get3A_244, %get3A_245] {strides = array<i32>} : memref<80x144xf32, #tpu.memory_space<vmem>>, vector<1x16xf32>,
        %get3A_247 = vector.shape_cast %get3A_246 : vector<1x16xf32> to vector<16xf32>
        %mul3A_248 = arith.mulf %get3A_247, %gather3A_243 : vector<16xf32>
        %swap3A_249 = arith.index_cast %mul3A_101 : i32 to index
        %swap3A_250 = arith.constant 80 : index
        %swap3A_251 = tpu.vector_load %arg11[%swap3A_249, %swap3A_250] {strides = array<i32>} : memref<80x144xf32, #tpu.memory_space<vmem>>, vector<1x16xf32>,
        %swap3A_252 = vector.shape_cast %swap3A_251 : vector<1x16xf32> to vector<16xf32>
        %swap3A_253 = vector.shape_cast %mul3A_248 : vector<16xf32> to vector<1x16xf32>
        tpu.vector_store %arg11[%swap3A_249, %swap3A_250], %swap3A_253 {strides = array<i32>} : memref<80x144xf32, #tpu.memory_space<vmem>>, vector<1x16xf32>,
        %broadcast_in_dim3A_254 = arith.constant 6 : i32
        %broadcast_in_dim3A_255 = vector.broadcast %broadcast_in_dim3A_254 : i32 to vector<16xi32>
        %lt3A_256 = arith.constant 0 : i32
        %lt3A_257 = vector.broadcast %lt3A_256 : i32 to vector<16xi32>
        %lt3A_258 = arith.cmpi slt, %broadcast_in_dim3A_255, %lt3A_257 : vector<16xi32>
        %add3A_259 = arith.constant 16 : i32
        %add3A_260 = vector.broadcast %add3A_259 : i32 to vector<16xi32>
        %add3A_261 = arith.addi %broadcast_in_dim3A_255, %add3A_260 : vector<16xi32>
        %select_n3A_262 = arith.select %lt3A_258, %add3A_261, %broadcast_in_dim3A_255 : vector<16xi1>, vector<16xi32>
        %reshape3A_263 = vector.shape_cast %select_n3A_262 : vector<16xi32> to vector<16x1xi32>
        %gather3A_264 = vector.shape_cast %reshape3A_263 : vector<16x1xi32> to vector<16xi32>
        %gather3A_265 = tpu.dynamic_gather %select_n3A_118[%gather3A_264] in [0] : vector<16xf32>, vector<16xi32> -> vector<16xf32>
        %get3A_266 = arith.index_cast %mul3A_101 : i32 to index
        %get3A_267 = arith.constant 96 : index
        %get3A_268 = tpu.vector_load %arg11[%get3A_266, %get3A_267] {strides = array<i32>} : memref<80x144xf32, #tpu.memory_space<vmem>>, vector<1x16xf32>,
        %get3A_269 = vector.shape_cast %get3A_268 : vector<1x16xf32> to vector<16xf32>
        %mul3A_270 = arith.mulf %get3A_269, %gather3A_265 : vector<16xf32>
        %swap3A_271 = arith.index_cast %mul3A_101 : i32 to index
        %swap3A_272 = arith.constant 96 : index
        %swap3A_273 = tpu.vector_load %arg11[%swap3A_271, %swap3A_272] {strides = array<i32>} : memref<80x144xf32, #tpu.memory_space<vmem>>, vector<1x16xf32>,
        %swap3A_274 = vector.shape_cast %swap3A_273 : vector<1x16xf32> to vector<16xf32>
        %swap3A_275 = vector.shape_cast %mul3A_270 : vector<16xf32> to vector<1x16xf32>
        tpu.vector_store %arg11[%swap3A_271, %swap3A_272], %swap3A_275 {strides = array<i32>} : memref<80x144xf32, #tpu.memory_space<vmem>>, vector<1x16xf32>,
        %broadcast_in_dim3A_276 = arith.constant 7 : i32
        %broadcast_in_dim3A_277 = vector.broadcast %broadcast_in_dim3A_276 : i32 to vector<16xi32>
        %lt3A_278 = arith.constant 0 : i32
        %lt3A_279 = vector.broadcast %lt3A_278 : i32 to vector<16xi32>
        %lt3A_280 = arith.cmpi slt, %broadcast_in_dim3A_277, %lt3A_279 : vector<16xi32>
        %add3A_281 = arith.constant 16 : i32
        %add3A_282 = vector.broadcast %add3A_281 : i32 to vector<16xi32>
        %add3A_283 = arith.addi %broadcast_in_dim3A_277, %add3A_282 : vector<16xi32>
        %select_n3A_284 = arith.select %lt3A_280, %add3A_283, %broadcast_in_dim3A_277 : vector<16xi1>, vector<16xi32>
        %reshape3A_285 = vector.shape_cast %select_n3A_284 : vector<16xi32> to vector<16x1xi32>
        %gather3A_286 = vector.shape_cast %reshape3A_285 : vector<16x1xi32> to vector<16xi32>
        %gather3A_287 = tpu.dynamic_gather %select_n3A_118[%gather3A_286] in [0] : vector<16xf32>, vector<16xi32> -> vector<16xf32>
        %get3A_288 = arith.index_cast %mul3A_101 : i32 to index
        %get3A_289 = arith.constant 112 : index
        %get3A_290 = tpu.vector_load %arg11[%get3A_288, %get3A_289] {strides = array<i32>} : memref<80x144xf32, #tpu.memory_space<vmem>>, vector<1x16xf32>,
        %get3A_291 = vector.shape_cast %get3A_290 : vector<1x16xf32> to vector<16xf32>
        %mul3A_292 = arith.mulf %get3A_291, %gather3A_287 : vector<16xf32>
        %swap3A_293 = arith.index_cast %mul3A_101 : i32 to index
        %swap3A_294 = arith.constant 112 : index
        %swap3A_295 = tpu.vector_load %arg11[%swap3A_293, %swap3A_294] {strides = array<i32>} : memref<80x144xf32, #tpu.memory_space<vmem>>, vector<1x16xf32>,
        %swap3A_296 = vector.shape_cast %swap3A_295 : vector<1x16xf32> to vector<16xf32>
        %swap3A_297 = vector.shape_cast %mul3A_292 : vector<16xf32> to vector<1x16xf32>
        tpu.vector_store %arg11[%swap3A_293, %swap3A_294], %swap3A_297 {strides = array<i32>} : memref<80x144xf32, #tpu.memory_space<vmem>>, vector<1x16xf32>,
        %mul3A_298 = arith.constant 2 : i32
        %mul3A_299 = arith.muli %mul3A_298, %scan3A_99 : i32
        %add3A_300 = arith.constant 1 : i32
        %add3A_301 = arith.addi %mul3A_299, %add3A_300 : i32
        %get3A_302 = arith.index_cast %add3A_301 : i32 to index
        %get3A_303 = arith.constant 128 : index
        %get3A_304 = tpu.vector_load %arg11[%get3A_302, %get3A_303] {strides = array<i32>} : memref<80x144xf32, #tpu.memory_space<vmem>>, vector<1x16xf32>,
        %get3A_305 = vector.shape_cast %get3A_304 : vector<1x16xf32> to vector<16xf32>
        %get3A_306 = arith.index_cast %add3A_301 : i32 to index
        %get3A_307 = arith.constant 0 : index
        %get3A_308 = tpu.vector_load %arg12[%get3A_306, %get3A_307] {strides = array<i32>} : memref<80x16xf32, #tpu.memory_space<vmem>>, vector<1x16xf32>,
        %get3A_309 = vector.shape_cast %get3A_308 : vector<1x16xf32> to vector<16xf32>
        %mul3A_310 = arith.mulf %get3A_305, %get3A_309 : vector<16xf32>
        %lt3A_311 = arith.constant 0 : i32
        %lt3A_312 = vector.broadcast %lt3A_311 : i32 to vector<16xi32>
        %lt3A_313 = arith.cmpi slt, %add3A_60, %lt3A_312 : vector<16xi32>
        %add3A_314 = arith.constant 16 : i32
        %add3A_315 = vector.broadcast %add3A_314 : i32 to vector<16xi32>
        %add3A_316 = arith.addi %add3A_60, %add3A_315 : vector<16xi32>
        %select_n3A_317 = arith.select %lt3A_313, %add3A_316, %add3A_60 : vector<16xi1>, vector<16xi32>
        %reshape3A_318 = vector.shape_cast %select_n3A_317 : vector<16xi32> to vector<16x1xi32>
        %gather3A_319 = vector.shape_cast %reshape3A_318 : vector<16x1xi32> to vector<16xi32>
        %gather3A_320 = tpu.dynamic_gather %mul3A_310[%gather3A_319] in [0] : vector<16xf32>, vector<16xi32> -> vector<16xf32>
        %gt3A_321 = arith.constant 1.000000e+00 : f32
        %gt3A_322 = vector.broadcast %gt3A_321 : f32 to vector<16xf32>
        %gt3A_323 = arith.cmpf ogt, %mul3A_310, %gt3A_322 : vector<16xf32>
        %select_n3A_324 = arith.select %gt3A_323, %mul3A_310, %gather3A_320 : vector<16xi1>, vector<16xf32>
        %swap3A_325 = arith.index_cast %add3A_301 : i32 to index
        %swap3A_326 = arith.constant 128 : index
        %swap3A_327 = tpu.vector_load %arg11[%swap3A_325, %swap3A_326] {strides = array<i32>} : memref<80x144xf32, #tpu.memory_space<vmem>>, vector<1x16xf32>,
        %swap3A_328 = vector.shape_cast %swap3A_327 : vector<1x16xf32> to vector<16xf32>
        %swap3A_329 = vector.shape_cast %select_n3A_324 : vector<16xf32> to vector<1x16xf32>
        tpu.vector_store %arg11[%swap3A_325, %swap3A_326], %swap3A_329 {strides = array<i32>} : memref<80x144xf32, #tpu.memory_space<vmem>>, vector<1x16xf32>,
        %broadcast_in_dim3A_330 = arith.constant 0 : i32
        %broadcast_in_dim3A_331 = vector.broadcast %broadcast_in_dim3A_330 : i32 to vector<16xi32>
        %lt3A_332 = arith.constant 0 : i32
        %lt3A_333 = vector.broadcast %lt3A_332 : i32 to vector<16xi32>
        %lt3A_334 = arith.cmpi slt, %broadcast_in_dim3A_331, %lt3A_333 : vector<16xi32>
        %add3A_335 = arith.constant 16 : i32
        %add3A_336 = vector.broadcast %add3A_335 : i32 to vector<16xi32>
        %add3A_337 = arith.addi %broadcast_in_dim3A_331, %add3A_336 : vector<16xi32>
        %select_n3A_338 = arith.select %lt3A_334, %add3A_337, %broadcast_in_dim3A_331 : vector<16xi1>, vector<16xi32>
        %reshape3A_339 = vector.shape_cast %select_n3A_338 : vector<16xi32> to vector<16x1xi32>
        %gather3A_340 = vector.shape_cast %reshape3A_339 : vector<16x1xi32> to vector<16xi32>
        %gather3A_341 = tpu.dynamic_gather %select_n3A_324[%gather3A_340] in [0] : vector<16xf32>, vector<16xi32> -> vector<16xf32>
        %get3A_342 = arith.index_cast %add3A_301 : i32 to index
        %get3A_343 = arith.constant 0 : index
        %get3A_344 = tpu.vector_load %arg11[%get3A_342, %get3A_343] {strides = array<i32>} : memref<80x144xf32, #tpu.memory_space<vmem>>, vector<1x16xf32>,
        %get3A_345 = vector.shape_cast %get3A_344 : vector<1x16xf32> to vector<16xf32>
        %mul3A_346 = arith.mulf %get3A_345, %gather3A_341 : vector<16xf32>
        %swap3A_347 = arith.index_cast %add3A_301 : i32 to index
        %swap3A_348 = arith.constant 0 : index
        %swap3A_349 = tpu.vector_load %arg11[%swap3A_347, %swap3A_348] {strides = array<i32>} : memref<80x144xf32, #tpu.memory_space<vmem>>, vector<1x16xf32>,
        %swap3A_350 = vector.shape_cast %swap3A_349 : vector<1x16xf32> to vector<16xf32>
        %swap3A_351 = vector.shape_cast %mul3A_346 : vector<16xf32> to vector<1x16xf32>
        tpu.vector_store %arg11[%swap3A_347, %swap3A_348], %swap3A_351 {strides = array<i32>} : memref<80x144xf32, #tpu.memory_space<vmem>>, vector<1x16xf32>,
        %broadcast_in_dim3A_352 = arith.constant 1 : i32
        %broadcast_in_dim3A_353 = vector.broadcast %broadcast_in_dim3A_352 : i32 to vector<16xi32>
        %lt3A_354 = arith.constant 0 : i32
        %lt3A_355 = vector.broadcast %lt3A_354 : i32 to vector<16xi32>
        %lt3A_356 = arith.cmpi slt, %broadcast_in_dim3A_353, %lt3A_355 : vector<16xi32>
        %add3A_357 = arith.constant 16 : i32
        %add3A_358 = vector.broadcast %add3A_357 : i32 to vector<16xi32>
        %add3A_359 = arith.addi %broadcast_in_dim3A_353, %add3A_358 : vector<16xi32>
        %select_n3A_360 = arith.select %lt3A_356, %add3A_359, %broadcast_in_dim3A_353 : vector<16xi1>, vector<16xi32>
        %reshape3A_361 = vector.shape_cast %select_n3A_360 : vector<16xi32> to vector<16x1xi32>
        %gather3A_362 = vector.shape_cast %reshape3A_361 : vector<16x1xi32> to vector<16xi32>
        %gather3A_363 = tpu.dynamic_gather %select_n3A_324[%gather3A_362] in [0] : vector<16xf32>, vector<16xi32> -> vector<16xf32>
        %get3A_364 = arith.index_cast %add3A_301 : i32 to index
        %get3A_365 = arith.constant 16 : index
        %get3A_366 = tpu.vector_load %arg11[%get3A_364, %get3A_365] {strides = array<i32>} : memref<80x144xf32, #tpu.memory_space<vmem>>, vector<1x16xf32>,
        %get3A_367 = vector.shape_cast %get3A_366 : vector<1x16xf32> to vector<16xf32>
        %mul3A_368 = arith.mulf %get3A_367, %gather3A_363 : vector<16xf32>
        %swap3A_369 = arith.index_cast %add3A_301 : i32 to index
        %swap3A_370 = arith.constant 16 : index
        %swap3A_371 = tpu.vector_load %arg11[%swap3A_369, %swap3A_370] {strides = array<i32>} : memref<80x144xf32, #tpu.memory_space<vmem>>, vector<1x16xf32>,
        %swap3A_372 = vector.shape_cast %swap3A_371 : vector<1x16xf32> to vector<16xf32>
        %swap3A_373 = vector.shape_cast %mul3A_368 : vector<16xf32> to vector<1x16xf32>
        tpu.vector_store %arg11[%swap3A_369, %swap3A_370], %swap3A_373 {strides = array<i32>} : memref<80x144xf32, #tpu.memory_space<vmem>>, vector<1x16xf32>,
        %broadcast_in_dim3A_374 = arith.constant 2 : i32
        %broadcast_in_dim3A_375 = vector.broadcast %broadcast_in_dim3A_374 : i32 to vector<16xi32>
        %lt3A_376 = arith.constant 0 : i32
        %lt3A_377 = vector.broadcast %lt3A_376 : i32 to vector<16xi32>
        %lt3A_378 = arith.cmpi slt, %broadcast_in_dim3A_375, %lt3A_377 : vector<16xi32>
        %add3A_379 = arith.constant 16 : i32
        %add3A_380 = vector.broadcast %add3A_379 : i32 to vector<16xi32>
        %add3A_381 = arith.addi %broadcast_in_dim3A_375, %add3A_380 : vector<16xi32>
        %select_n3A_382 = arith.select %lt3A_378, %add3A_381, %broadcast_in_dim3A_375 : vector<16xi1>, vector<16xi32>
        %reshape3A_383 = vector.shape_cast %select_n3A_382 : vector<16xi32> to vector<16x1xi32>
        %gather3A_384 = vector.shape_cast %reshape3A_383 : vector<16x1xi32> to vector<16xi32>
        %gather3A_385 = tpu.dynamic_gather %select_n3A_324[%gather3A_384] in [0] : vector<16xf32>, vector<16xi32> -> vector<16xf32>
        %get3A_386 = arith.index_cast %add3A_301 : i32 to index
        %get3A_387 = arith.constant 32 : index
        %get3A_388 = tpu.vector_load %arg11[%get3A_386, %get3A_387] {strides = array<i32>} : memref<80x144xf32, #tpu.memory_space<vmem>>, vector<1x16xf32>,
        %get3A_389 = vector.shape_cast %get3A_388 : vector<1x16xf32> to vector<16xf32>
        %mul3A_390 = arith.mulf %get3A_389, %gather3A_385 : vector<16xf32>
        %swap3A_391 = arith.index_cast %add3A_301 : i32 to index
        %swap3A_392 = arith.constant 32 : index
        %swap3A_393 = tpu.vector_load %arg11[%swap3A_391, %swap3A_392] {strides = array<i32>} : memref<80x144xf32, #tpu.memory_space<vmem>>, vector<1x16xf32>,
        %swap3A_394 = vector.shape_cast %swap3A_393 : vector<1x16xf32> to vector<16xf32>
        %swap3A_395 = vector.shape_cast %mul3A_390 : vector<16xf32> to vector<1x16xf32>
        tpu.vector_store %arg11[%swap3A_391, %swap3A_392], %swap3A_395 {strides = array<i32>} : memref<80x144xf32, #tpu.memory_space<vmem>>, vector<1x16xf32>,
        %broadcast_in_dim3A_396 = arith.constant 3 : i32
        %broadcast_in_dim3A_397 = vector.broadcast %broadcast_in_dim3A_396 : i32 to vector<16xi32>
        %lt3A_398 = arith.constant 0 : i32
        %lt3A_399 = vector.broadcast %lt3A_398 : i32 to vector<16xi32>
        %lt3A_400 = arith.cmpi slt, %broadcast_in_dim3A_397, %lt3A_399 : vector<16xi32>
        %add3A_401 = arith.constant 16 : i32
        %add3A_402 = vector.broadcast %add3A_401 : i32 to vector<16xi32>
        %add3A_403 = arith.addi %broadcast_in_dim3A_397, %add3A_402 : vector<16xi32>
        %select_n3A_404 = arith.select %lt3A_400, %add3A_403, %broadcast_in_dim3A_397 : vector<16xi1>, vector<16xi32>
        %reshape3A_405 = vector.shape_cast %select_n3A_404 : vector<16xi32> to vector<16x1xi32>
        %gather3A_406 = vector.shape_cast %reshape3A_405 : vector<16x1xi32> to vector<16xi32>
        %gather3A_407 = tpu.dynamic_gather %select_n3A_324[%gather3A_406] in [0] : vector<16xf32>, vector<16xi32> -> vector<16xf32>
        %get3A_408 = arith.index_cast %add3A_301 : i32 to index
        %get3A_409 = arith.constant 48 : index
        %get3A_410 = tpu.vector_load %arg11[%get3A_408, %get3A_409] {strides = array<i32>} : memref<80x144xf32, #tpu.memory_space<vmem>>, vector<1x16xf32>,
        %get3A_411 = vector.shape_cast %get3A_410 : vector<1x16xf32> to vector<16xf32>
        %mul3A_412 = arith.mulf %get3A_411, %gather3A_407 : vector<16xf32>
        %swap3A_413 = arith.index_cast %add3A_301 : i32 to index
        %swap3A_414 = arith.constant 48 : index
        %swap3A_415 = tpu.vector_load %arg11[%swap3A_413, %swap3A_414] {strides = array<i32>} : memref<80x144xf32, #tpu.memory_space<vmem>>, vector<1x16xf32>,
        %swap3A_416 = vector.shape_cast %swap3A_415 : vector<1x16xf32> to vector<16xf32>
        %swap3A_417 = vector.shape_cast %mul3A_412 : vector<16xf32> to vector<1x16xf32>
        tpu.vector_store %arg11[%swap3A_413, %swap3A_414], %swap3A_417 {strides = array<i32>} : memref<80x144xf32, #tpu.memory_space<vmem>>, vector<1x16xf32>,
        %broadcast_in_dim3A_418 = arith.constant 4 : i32
        %broadcast_in_dim3A_419 = vector.broadcast %broadcast_in_dim3A_418 : i32 to vector<16xi32>
        %lt3A_420 = arith.constant 0 : i32
        %lt3A_421 = vector.broadcast %lt3A_420 : i32 to vector<16xi32>
        %lt3A_422 = arith.cmpi slt, %broadcast_in_dim3A_419, %lt3A_421 : vector<16xi32>
        %add3A_423 = arith.constant 16 : i32
        %add3A_424 = vector.broadcast %add3A_423 : i32 to vector<16xi32>
        %add3A_425 = arith.addi %broadcast_in_dim3A_419, %add3A_424 : vector<16xi32>
        %select_n3A_426 = arith.select %lt3A_422, %add3A_425, %broadcast_in_dim3A_419 : vector<16xi1>, vector<16xi32>
        %reshape3A_427 = vector.shape_cast %select_n3A_426 : vector<16xi32> to vector<16x1xi32>
        %gather3A_428 = vector.shape_cast %reshape3A_427 : vector<16x1xi32> to vector<16xi32>
        %gather3A_429 = tpu.dynamic_gather %select_n3A_324[%gather3A_428] in [0] : vector<16xf32>, vector<16xi32> -> vector<16xf32>
        %get3A_430 = arith.index_cast %add3A_301 : i32 to index
        %get3A_431 = arith.constant 64 : index
        %get3A_432 = tpu.vector_load %arg11[%get3A_430, %get3A_431] {strides = array<i32>} : memref<80x144xf32, #tpu.memory_space<vmem>>, vector<1x16xf32>,
        %get3A_433 = vector.shape_cast %get3A_432 : vector<1x16xf32> to vector<16xf32>
        %mul3A_434 = arith.mulf %get3A_433, %gather3A_429 : vector<16xf32>
        %swap3A_435 = arith.index_cast %add3A_301 : i32 to index
        %swap3A_436 = arith.constant 64 : index
        %swap3A_437 = tpu.vector_load %arg11[%swap3A_435, %swap3A_436] {strides = array<i32>} : memref<80x144xf32, #tpu.memory_space<vmem>>, vector<1x16xf32>,
        %swap3A_438 = vector.shape_cast %swap3A_437 : vector<1x16xf32> to vector<16xf32>
        %swap3A_439 = vector.shape_cast %mul3A_434 : vector<16xf32> to vector<1x16xf32>
        tpu.vector_store %arg11[%swap3A_435, %swap3A_436], %swap3A_439 {strides = array<i32>} : memref<80x144xf32, #tpu.memory_space<vmem>>, vector<1x16xf32>,
        %broadcast_in_dim3A_440 = arith.constant 5 : i32
        %broadcast_in_dim3A_441 = vector.broadcast %broadcast_in_dim3A_440 : i32 to vector<16xi32>
        %lt3A_442 = arith.constant 0 : i32
        %lt3A_443 = vector.broadcast %lt3A_442 : i32 to vector<16xi32>
        %lt3A_444 = arith.cmpi slt, %broadcast_in_dim3A_441, %lt3A_443 : vector<16xi32>
        %add3A_445 = arith.constant 16 : i32
        %add3A_446 = vector.broadcast %add3A_445 : i32 to vector<16xi32>
        %add3A_447 = arith.addi %broadcast_in_dim3A_441, %add3A_446 : vector<16xi32>
        %select_n3A_448 = arith.select %lt3A_444, %add3A_447, %broadcast_in_dim3A_441 : vector<16xi1>, vector<16xi32>
        %reshape3A_449 = vector.shape_cast %select_n3A_448 : vector<16xi32> to vector<16x1xi32>
        %gather3A_450 = vector.shape_cast %reshape3A_449 : vector<16x1xi32> to vector<16xi32>
        %gather3A_451 = tpu.dynamic_gather %select_n3A_324[%gather3A_450] in [0] : vector<16xf32>, vector<16xi32> -> vector<16xf32>
        %get3A_452 = arith.index_cast %add3A_301 : i32 to index
        %get3A_453 = arith.constant 80 : index
        %get3A_454 = tpu.vector_load %arg11[%get3A_452, %get3A_453] {strides = array<i32>} : memref<80x144xf32, #tpu.memory_space<vmem>>, vector<1x16xf32>,
        %get3A_455 = vector.shape_cast %get3A_454 : vector<1x16xf32> to vector<16xf32>
        %mul3A_456 = arith.mulf %get3A_455, %gather3A_451 : vector<16xf32>
        %swap3A_457 = arith.index_cast %add3A_301 : i32 to index
        %swap3A_458 = arith.constant 80 : index
        %swap3A_459 = tpu.vector_load %arg11[%swap3A_457, %swap3A_458] {strides = array<i32>} : memref<80x144xf32, #tpu.memory_space<vmem>>, vector<1x16xf32>,
        %swap3A_460 = vector.shape_cast %swap3A_459 : vector<1x16xf32> to vector<16xf32>
        %swap3A_461 = vector.shape_cast %mul3A_456 : vector<16xf32> to vector<1x16xf32>
        tpu.vector_store %arg11[%swap3A_457, %swap3A_458], %swap3A_461 {strides = array<i32>} : memref<80x144xf32, #tpu.memory_space<vmem>>, vector<1x16xf32>,
        %broadcast_in_dim3A_462 = arith.constant 6 : i32
        %broadcast_in_dim3A_463 = vector.broadcast %broadcast_in_dim3A_462 : i32 to vector<16xi32>
        %lt3A_464 = arith.constant 0 : i32
        %lt3A_465 = vector.broadcast %lt3A_464 : i32 to vector<16xi32>
        %lt3A_466 = arith.cmpi slt, %broadcast_in_dim3A_463, %lt3A_465 : vector<16xi32>
        %add3A_467 = arith.constant 16 : i32
        %add3A_468 = vector.broadcast %add3A_467 : i32 to vector<16xi32>
        %add3A_469 = arith.addi %broadcast_in_dim3A_463, %add3A_468 : vector<16xi32>
        %select_n3A_470 = arith.select %lt3A_466, %add3A_469, %broadcast_in_dim3A_463 : vector<16xi1>, vector<16xi32>
        %reshape3A_471 = vector.shape_cast %select_n3A_470 : vector<16xi32> to vector<16x1xi32>
        %gather3A_472 = vector.shape_cast %reshape3A_471 : vector<16x1xi32> to vector<16xi32>
        %gather3A_473 = tpu.dynamic_gather %select_n3A_324[%gather3A_472] in [0] : vector<16xf32>, vector<16xi32> -> vector<16xf32>
        %get3A_474 = arith.index_cast %add3A_301 : i32 to index
        %get3A_475 = arith.constant 96 : index
        %get3A_476 = tpu.vector_load %arg11[%get3A_474, %get3A_475] {strides = array<i32>} : memref<80x144xf32, #tpu.memory_space<vmem>>, vector<1x16xf32>,
        %get3A_477 = vector.shape_cast %get3A_476 : vector<1x16xf32> to vector<16xf32>
        %mul3A_478 = arith.mulf %get3A_477, %gather3A_473 : vector<16xf32>
        %swap3A_479 = arith.index_cast %add3A_301 : i32 to index
        %swap3A_480 = arith.constant 96 : index
        %swap3A_481 = tpu.vector_load %arg11[%swap3A_479, %swap3A_480] {strides = array<i32>} : memref<80x144xf32, #tpu.memory_space<vmem>>, vector<1x16xf32>,
        %swap3A_482 = vector.shape_cast %swap3A_481 : vector<1x16xf32> to vector<16xf32>
        %swap3A_483 = vector.shape_cast %mul3A_478 : vector<16xf32> to vector<1x16xf32>
        tpu.vector_store %arg11[%swap3A_479, %swap3A_480], %swap3A_483 {strides = array<i32>} : memref<80x144xf32, #tpu.memory_space<vmem>>, vector<1x16xf32>,
        %broadcast_in_dim3A_484 = arith.constant 7 : i32
        %broadcast_in_dim3A_485 = vector.broadcast %broadcast_in_dim3A_484 : i32 to vector<16xi32>
        %lt3A_486 = arith.constant 0 : i32
        %lt3A_487 = vector.broadcast %lt3A_486 : i32 to vector<16xi32>
        %lt3A_488 = arith.cmpi slt, %broadcast_in_dim3A_485, %lt3A_487 : vector<16xi32>
        %add3A_489 = arith.constant 16 : i32
        %add3A_490 = vector.broadcast %add3A_489 : i32 to vector<16xi32>
        %add3A_491 = arith.addi %broadcast_in_dim3A_485, %add3A_490 : vector<16xi32>
        %select_n3A_492 = arith.select %lt3A_488, %add3A_491, %broadcast_in_dim3A_485 : vector<16xi1>, vector<16xi32>
        %reshape3A_493 = vector.shape_cast %select_n3A_492 : vector<16xi32> to vector<16x1xi32>
        %gather3A_494 = vector.shape_cast %reshape3A_493 : vector<16x1xi32> to vector<16xi32>
        %gather3A_495 = tpu.dynamic_gather %select_n3A_324[%gather3A_494] in [0] : vector<16xf32>, vector<16xi32> -> vector<16xf32>
        %get3A_496 = arith.index_cast %add3A_301 : i32 to index
        %get3A_497 = arith.constant 112 : index
        %get3A_498 = tpu.vector_load %arg11[%get3A_496, %get3A_497] {strides = array<i32>} : memref<80x144xf32, #tpu.memory_space<vmem>>, vector<1x16xf32>,
        %get3A_499 = vector.shape_cast %get3A_498 : vector<1x16xf32> to vector<16xf32>
        %mul3A_500 = arith.mulf %get3A_499, %gather3A_495 : vector<16xf32>
        %swap3A_501 = arith.index_cast %add3A_301 : i32 to index
        %swap3A_502 = arith.constant 112 : index
        %swap3A_503 = tpu.vector_load %arg11[%swap3A_501, %swap3A_502] {strides = array<i32>} : memref<80x144xf32, #tpu.memory_space<vmem>>, vector<1x16xf32>,
        %swap3A_504 = vector.shape_cast %swap3A_503 : vector<1x16xf32> to vector<16xf32>
        %swap3A_505 = vector.shape_cast %mul3A_500 : vector<16xf32> to vector<1x16xf32>
        tpu.vector_store %arg11[%swap3A_501, %swap3A_502], %swap3A_505 {strides = array<i32>} : memref<80x144xf32, #tpu.memory_space<vmem>>, vector<1x16xf32>,
      }
      %scan3A_66 = arith.constant 40 : i32
      "tpu.region"() ({
        %run_scoped3A = tpu.sem_alloc : memref<!tpu.dma_semaphore, #tpu.memory_space<semaphore_mem>>
        %dma_start3A_99 = arith.constant 0 : i32
        %dma_start3A_100 = arith.constant 0 : i32
        %dma_start3A_101 = tpu.memref_slice %arg8[%dma_start3A_99, %dma_start3A_100] : memref<10240x144xf32, #tpu.memory_space<vmem_shared>> -> memref<10240x144xf32, #tpu.memory_space<vmem_shared>>
        tpu.enqueue_indirect_dma source(%arg11 : memref<80x144xf32, #tpu.memory_space<vmem>>) target(%dma_start3A_101 : memref<10240x144xf32, #tpu.memory_space<vmem_shared>>) offsets(%arg10 : memref<80xi32, #tpu.memory_space<vmem>>) semaphore(%run_scoped3A : memref<!tpu.dma_semaphore, #tpu.memory_space<semaphore_mem>>) {add = true}
        %dma_wait3A_102 = arith.constant 0 : i32
        %dma_wait3A_103 = arith.constant 0 : i32
        %dma_wait3A_104 = tpu.memref_slice %arg8[%dma_wait3A_102, %dma_wait3A_103] : memref<10240x144xf32, #tpu.memory_space<vmem_shared>> -> memref<10240x144xf32, #tpu.memory_space<vmem_shared>>
        tpu.wait_indirect_dma semaphore(%run_scoped3A : memref<!tpu.dma_semaphore, #tpu.memory_space<semaphore_mem>>) src(%arg11 : memref<80x144xf32, #tpu.memory_space<vmem>>) dst(%dma_wait3A_104 : memref<10240x144xf32, #tpu.memory_space<vmem_shared>>)
        tpu.yield
      }) : () -> ()
      %mul3A_67 = arith.constant 2 : i32
      %mul3A_68 = arith.muli %mul3A_67, %scan3A_34 : i32
      %add3A_69 = arith.constant 2 : i32
      %add3A_70 = arith.addi %mul3A_68, %add3A_69 : i32
      %mul3A_71 = arith.constant 80 : i32
      %mul3A_72 = arith.muli %add3A_70, %mul3A_71 : i32
      %add3A_73 = arith.addi %mul3A_4, %mul3A_72 : i32
      "tpu.region"() ({
        %run_scoped3A = tpu.sem_alloc : memref<!tpu.dma_semaphore, #tpu.memory_space<semaphore_mem>>
        %dma_start3A_99 = tpu.memref_slice %arg4[%add3A_73] : memref<320000xi32, #tpu.memory_space<hbm>> -> memref<80xi32, #tpu.memory_space<hbm>>
        %dma_start3A_100 = tpu.memref_slice %arg4[%add3A_73] : memref<320000xi32, #tpu.memory_space<hbm>> -> memref<80xi32, #tpu.memory_space<hbm>>
        tpu.enqueue_dma source(%dma_start3A_100 : memref<80xi32, #tpu.memory_space<hbm>>) target(%arg9 : memref<80xi32, #tpu.memory_space<vmem>>) target_semaphore(%run_scoped3A : memref<!tpu.dma_semaphore, #tpu.memory_space<semaphore_mem>>)
        %dma_wait3A_101 = tpu.memref_slice %arg4[%add3A_73] : memref<320000xi32, #tpu.memory_space<hbm>> -> memref<80xi32, #tpu.memory_space<hbm>>
        %dma_wait3A_102 = tpu.memref_slice %arg4[%add3A_73] : memref<320000xi32, #tpu.memory_space<hbm>> -> memref<80xi32, #tpu.memory_space<hbm>>
        tpu.wait_dma2 semaphore(%run_scoped3A : memref<!tpu.dma_semaphore, #tpu.memory_space<semaphore_mem>>) src(%dma_wait3A_102 : memref<80xi32, #tpu.memory_space<hbm>>) dst(%arg9 : memref<80xi32, #tpu.memory_space<vmem>>)
        tpu.yield
      }) : () -> ()
      "tpu.region"() ({
        %run_scoped3A = tpu.sem_alloc : memref<!tpu.dma_semaphore, #tpu.memory_space<semaphore_mem>>
        %dma_start3A_99 = tpu.memref_slice %arg5[%add3A_73] : memref<320000xi32, #tpu.memory_space<hbm>> -> memref<80xi32, #tpu.memory_space<hbm>>
        %dma_start3A_100 = tpu.memref_slice %arg5[%add3A_73] : memref<320000xi32, #tpu.memory_space<hbm>> -> memref<80xi32, #tpu.memory_space<hbm>>
        tpu.enqueue_dma source(%dma_start3A_100 : memref<80xi32, #tpu.memory_space<hbm>>) target(%arg10 : memref<80xi32, #tpu.memory_space<vmem>>) target_semaphore(%run_scoped3A : memref<!tpu.dma_semaphore, #tpu.memory_space<semaphore_mem>>)
        %dma_wait3A_101 = tpu.memref_slice %arg5[%add3A_73] : memref<320000xi32, #tpu.memory_space<hbm>> -> memref<80xi32, #tpu.memory_space<hbm>>
        %dma_wait3A_102 = tpu.memref_slice %arg5[%add3A_73] : memref<320000xi32, #tpu.memory_space<hbm>> -> memref<80xi32, #tpu.memory_space<hbm>>
        tpu.wait_dma2 semaphore(%run_scoped3A : memref<!tpu.dma_semaphore, #tpu.memory_space<semaphore_mem>>) src(%dma_wait3A_102 : memref<80xi32, #tpu.memory_space<hbm>>) dst(%arg10 : memref<80xi32, #tpu.memory_space<vmem>>)
        tpu.yield
      }) : () -> ()
      %dma_start3A_74 = arith.constant 0 : i32
      %dma_start3A_75 = arith.constant 0 : i32
      %dma_start3A_76 = tpu.memref_slice %arg2[%dma_start3A_74, %dma_start3A_75] : memref<10000x144xf32, #tpu.memory_space<hbm>> -> memref<10000x144xf32, #tpu.memory_space<hbm>>
      tpu.enqueue_indirect_dma source(%dma_start3A_76 : memref<10000x144xf32, #tpu.memory_space<hbm>>) target(%arg11 : memref<80x144xf32, #tpu.memory_space<vmem>>) offsets(%arg9 : memref<80xi32, #tpu.memory_space<vmem>>) semaphore(%arg17 : memref<!tpu.dma_semaphore, #tpu.memory_space<semaphore_mem>>)
      %dma_start3A_77 = arith.constant 0 : i32
      %dma_start3A_78 = arith.constant 0 : i32
      %dma_start3A_79 = tpu.memref_slice %arg3[%dma_start3A_77, %dma_start3A_78] : memref<10000x16xf32, #tpu.memory_space<hbm>> -> memref<10000x16xf32, #tpu.memory_space<hbm>>
      tpu.enqueue_indirect_dma source(%dma_start3A_79 : memref<10000x16xf32, #tpu.memory_space<hbm>>) target(%arg12 : memref<80x16xf32, #tpu.memory_space<vmem>>) offsets(%arg10 : memref<80xi32, #tpu.memory_space<vmem>>) semaphore(%arg18 : memref<!tpu.dma_semaphore, #tpu.memory_space<semaphore_mem>>)
      %dma_wait3A_80 = arith.constant 0 : i32
      %dma_wait3A_81 = arith.constant 0 : i32
      %dma_wait3A_82 = tpu.memref_slice %arg2[%dma_wait3A_80, %dma_wait3A_81] : memref<10000x144xf32, #tpu.memory_space<hbm>> -> memref<10000x144xf32, #tpu.memory_space<hbm>>
      tpu.wait_indirect_dma semaphore(%arg19 : memref<!tpu.dma_semaphore, #tpu.memory_space<semaphore_mem>>) src(%dma_wait3A_82 : memref<10000x144xf32, #tpu.memory_space<hbm>>) dst(%arg15 : memref<80x144xf32, #tpu.memory_space<vmem>>)
      %dma_wait3A_83 = arith.constant 0 : i32
      %dma_wait3A_84 = arith.constant 0 : i32
      %dma_wait3A_85 = tpu.memref_slice %arg3[%dma_wait3A_83, %dma_wait3A_84] : memref<10000x16xf32, #tpu.memory_space<hbm>> -> memref<10000x16xf32, #tpu.memory_space<hbm>>
      tpu.wait_indirect_dma semaphore(%arg20 : memref<!tpu.dma_semaphore, #tpu.memory_space<semaphore_mem>>) src(%dma_wait3A_85 : memref<10000x16xf32, #tpu.memory_space<hbm>>) dst(%arg16 : memref<80x16xf32, #tpu.memory_space<vmem>>)
      %iota3A_86 = tpu.iota {dimensions = array<i32: 0>} : vector<16xi32>
      %and3A_87 = arith.constant 7 : i32
      %and3A_88 = vector.broadcast %and3A_87 : i32 to vector<16xi32>
      %and3A_89 = arith.andi %iota3A_86, %and3A_88 : vector<16xi32>
      %add3A_90 = arith.constant 8 : i32
      %add3A_91 = vector.broadcast %add3A_90 : i32 to vector<16xi32>
      %add3A_92 = arith.addi %and3A_89, %add3A_91 : vector<16xi32>
      %scan3A_93 = arith.constant 0 : i32
      %scan3A_94 = arith.constant 0 : i32
      %scan3A_95 = arith.constant 40 : i32
      %scan3A_96 = arith.addi %scan3A_94, %scan3A_95 : i32
      %scan3A_97 = arith.constant 1 : i32
      scf.for %scan3A_99 = %scan3A_94 to %scan3A_96 step %scan3A_97  : i32 {
        %mul3A_100 = arith.constant 2 : i32
        %mul3A_101 = arith.muli %mul3A_100, %scan3A_99 : i32
        %get3A = arith.index_cast %mul3A_101 : i32 to index
        %get3A_102 = arith.constant 128 : index
        %get3A_103 = tpu.vector_load %arg15[%get3A, %get3A_102] {strides = array<i32>} : memref<80x144xf32, #tpu.memory_space<vmem>>, vector<1x16xf32>,
        %get3A_104 = vector.shape_cast %get3A_103 : vector<1x16xf32> to vector<16xf32>
        %get3A_105 = arith.index_cast %mul3A_101 : i32 to index
        %get3A_106 = arith.constant 0 : index
        %get3A_107 = tpu.vector_load %arg16[%get3A_105, %get3A_106] {strides = array<i32>} : memref<80x16xf32, #tpu.memory_space<vmem>>, vector<1x16xf32>,
        %get3A_108 = vector.shape_cast %get3A_107 : vector<1x16xf32> to vector<16xf32>
        %mul3A_109 = arith.mulf %get3A_104, %get3A_108 : vector<16xf32>
        %lt3A = arith.constant 0 : i32
        %lt3A_110 = vector.broadcast %lt3A : i32 to vector<16xi32>
        %lt3A_111 = arith.cmpi slt, %add3A_92, %lt3A_110 : vector<16xi32>
        %add3A_112 = arith.constant 16 : i32
        %add3A_113 = vector.broadcast %add3A_112 : i32 to vector<16xi32>
        %add3A_114 = arith.addi %add3A_92, %add3A_113 : vector<16xi32>
        %select_n3A = arith.select %lt3A_111, %add3A_114, %add3A_92 : vector<16xi1>, vector<16xi32>
        %reshape3A = vector.shape_cast %select_n3A : vector<16xi32> to vector<16x1xi32>
        %gather3A = vector.shape_cast %reshape3A : vector<16x1xi32> to vector<16xi32>
        %gather3A_115 = tpu.dynamic_gather %mul3A_109[%gather3A] in [0] : vector<16xf32>, vector<16xi32> -> vector<16xf32>
        %gt3A = arith.constant 1.000000e+00 : f32
        %gt3A_116 = vector.broadcast %gt3A : f32 to vector<16xf32>
        %gt3A_117 = arith.cmpf ogt, %mul3A_109, %gt3A_116 : vector<16xf32>
        %select_n3A_118 = arith.select %gt3A_117, %mul3A_109, %gather3A_115 : vector<16xi1>, vector<16xf32>
        %swap3A = arith.index_cast %mul3A_101 : i32 to index
        %swap3A_119 = arith.constant 128 : index
        %swap3A_120 = tpu.vector_load %arg15[%swap3A, %swap3A_119] {strides = array<i32>} : memref<80x144xf32, #tpu.memory_space<vmem>>, vector<1x16xf32>,
        %swap3A_121 = vector.shape_cast %swap3A_120 : vector<1x16xf32> to vector<16xf32>
        %swap3A_122 = vector.shape_cast %select_n3A_118 : vector<16xf32> to vector<1x16xf32>
        tpu.vector_store %arg15[%swap3A, %swap3A_119], %swap3A_122 {strides = array<i32>} : memref<80x144xf32, #tpu.memory_space<vmem>>, vector<1x16xf32>,
        %broadcast_in_dim3A = arith.constant 0 : i32
        %broadcast_in_dim3A_123 = vector.broadcast %broadcast_in_dim3A : i32 to vector<16xi32>
        %lt3A_124 = arith.constant 0 : i32
        %lt3A_125 = vector.broadcast %lt3A_124 : i32 to vector<16xi32>
        %lt3A_126 = arith.cmpi slt, %broadcast_in_dim3A_123, %lt3A_125 : vector<16xi32>
        %add3A_127 = arith.constant 16 : i32
        %add3A_128 = vector.broadcast %add3A_127 : i32 to vector<16xi32>
        %add3A_129 = arith.addi %broadcast_in_dim3A_123, %add3A_128 : vector<16xi32>
        %select_n3A_130 = arith.select %lt3A_126, %add3A_129, %broadcast_in_dim3A_123 : vector<16xi1>, vector<16xi32>
        %reshape3A_131 = vector.shape_cast %select_n3A_130 : vector<16xi32> to vector<16x1xi32>
        %gather3A_132 = vector.shape_cast %reshape3A_131 : vector<16x1xi32> to vector<16xi32>
        %gather3A_133 = tpu.dynamic_gather %select_n3A_118[%gather3A_132] in [0] : vector<16xf32>, vector<16xi32> -> vector<16xf32>
        %get3A_134 = arith.index_cast %mul3A_101 : i32 to index
        %get3A_135 = arith.constant 0 : index
        %get3A_136 = tpu.vector_load %arg15[%get3A_134, %get3A_135] {strides = array<i32>} : memref<80x144xf32, #tpu.memory_space<vmem>>, vector<1x16xf32>,
        %get3A_137 = vector.shape_cast %get3A_136 : vector<1x16xf32> to vector<16xf32>
        %mul3A_138 = arith.mulf %get3A_137, %gather3A_133 : vector<16xf32>
        %swap3A_139 = arith.index_cast %mul3A_101 : i32 to index
        %swap3A_140 = arith.constant 0 : index
        %swap3A_141 = tpu.vector_load %arg15[%swap3A_139, %swap3A_140] {strides = array<i32>} : memref<80x144xf32, #tpu.memory_space<vmem>>, vector<1x16xf32>,
        %swap3A_142 = vector.shape_cast %swap3A_141 : vector<1x16xf32> to vector<16xf32>
        %swap3A_143 = vector.shape_cast %mul3A_138 : vector<16xf32> to vector<1x16xf32>
        tpu.vector_store %arg15[%swap3A_139, %swap3A_140], %swap3A_143 {strides = array<i32>} : memref<80x144xf32, #tpu.memory_space<vmem>>, vector<1x16xf32>,
        %broadcast_in_dim3A_144 = arith.constant 1 : i32
        %broadcast_in_dim3A_145 = vector.broadcast %broadcast_in_dim3A_144 : i32 to vector<16xi32>
        %lt3A_146 = arith.constant 0 : i32
        %lt3A_147 = vector.broadcast %lt3A_146 : i32 to vector<16xi32>
        %lt3A_148 = arith.cmpi slt, %broadcast_in_dim3A_145, %lt3A_147 : vector<16xi32>
        %add3A_149 = arith.constant 16 : i32
        %add3A_150 = vector.broadcast %add3A_149 : i32 to vector<16xi32>
        %add3A_151 = arith.addi %broadcast_in_dim3A_145, %add3A_150 : vector<16xi32>
        %select_n3A_152 = arith.select %lt3A_148, %add3A_151, %broadcast_in_dim3A_145 : vector<16xi1>, vector<16xi32>
        %reshape3A_153 = vector.shape_cast %select_n3A_152 : vector<16xi32> to vector<16x1xi32>
        %gather3A_154 = vector.shape_cast %reshape3A_153 : vector<16x1xi32> to vector<16xi32>
        %gather3A_155 = tpu.dynamic_gather %select_n3A_118[%gather3A_154] in [0] : vector<16xf32>, vector<16xi32> -> vector<16xf32>
        %get3A_156 = arith.index_cast %mul3A_101 : i32 to index
        %get3A_157 = arith.constant 16 : index
        %get3A_158 = tpu.vector_load %arg15[%get3A_156, %get3A_157] {strides = array<i32>} : memref<80x144xf32, #tpu.memory_space<vmem>>, vector<1x16xf32>,
        %get3A_159 = vector.shape_cast %get3A_158 : vector<1x16xf32> to vector<16xf32>
        %mul3A_160 = arith.mulf %get3A_159, %gather3A_155 : vector<16xf32>
        %swap3A_161 = arith.index_cast %mul3A_101 : i32 to index
        %swap3A_162 = arith.constant 16 : index
        %swap3A_163 = tpu.vector_load %arg15[%swap3A_161, %swap3A_162] {strides = array<i32>} : memref<80x144xf32, #tpu.memory_space<vmem>>, vector<1x16xf32>,
        %swap3A_164 = vector.shape_cast %swap3A_163 : vector<1x16xf32> to vector<16xf32>
        %swap3A_165 = vector.shape_cast %mul3A_160 : vector<16xf32> to vector<1x16xf32>
        tpu.vector_store %arg15[%swap3A_161, %swap3A_162], %swap3A_165 {strides = array<i32>} : memref<80x144xf32, #tpu.memory_space<vmem>>, vector<1x16xf32>,
        %broadcast_in_dim3A_166 = arith.constant 2 : i32
        %broadcast_in_dim3A_167 = vector.broadcast %broadcast_in_dim3A_166 : i32 to vector<16xi32>
        %lt3A_168 = arith.constant 0 : i32
        %lt3A_169 = vector.broadcast %lt3A_168 : i32 to vector<16xi32>
        %lt3A_170 = arith.cmpi slt, %broadcast_in_dim3A_167, %lt3A_169 : vector<16xi32>
        %add3A_171 = arith.constant 16 : i32
        %add3A_172 = vector.broadcast %add3A_171 : i32 to vector<16xi32>
        %add3A_173 = arith.addi %broadcast_in_dim3A_167, %add3A_172 : vector<16xi32>
        %select_n3A_174 = arith.select %lt3A_170, %add3A_173, %broadcast_in_dim3A_167 : vector<16xi1>, vector<16xi32>
        %reshape3A_175 = vector.shape_cast %select_n3A_174 : vector<16xi32> to vector<16x1xi32>
        %gather3A_176 = vector.shape_cast %reshape3A_175 : vector<16x1xi32> to vector<16xi32>
        %gather3A_177 = tpu.dynamic_gather %select_n3A_118[%gather3A_176] in [0] : vector<16xf32>, vector<16xi32> -> vector<16xf32>
        %get3A_178 = arith.index_cast %mul3A_101 : i32 to index
        %get3A_179 = arith.constant 32 : index
        %get3A_180 = tpu.vector_load %arg15[%get3A_178, %get3A_179] {strides = array<i32>} : memref<80x144xf32, #tpu.memory_space<vmem>>, vector<1x16xf32>,
        %get3A_181 = vector.shape_cast %get3A_180 : vector<1x16xf32> to vector<16xf32>
        %mul3A_182 = arith.mulf %get3A_181, %gather3A_177 : vector<16xf32>
        %swap3A_183 = arith.index_cast %mul3A_101 : i32 to index
        %swap3A_184 = arith.constant 32 : index
        %swap3A_185 = tpu.vector_load %arg15[%swap3A_183, %swap3A_184] {strides = array<i32>} : memref<80x144xf32, #tpu.memory_space<vmem>>, vector<1x16xf32>,
        %swap3A_186 = vector.shape_cast %swap3A_185 : vector<1x16xf32> to vector<16xf32>
        %swap3A_187 = vector.shape_cast %mul3A_182 : vector<16xf32> to vector<1x16xf32>
        tpu.vector_store %arg15[%swap3A_183, %swap3A_184], %swap3A_187 {strides = array<i32>} : memref<80x144xf32, #tpu.memory_space<vmem>>, vector<1x16xf32>,
        %broadcast_in_dim3A_188 = arith.constant 3 : i32
        %broadcast_in_dim3A_189 = vector.broadcast %broadcast_in_dim3A_188 : i32 to vector<16xi32>
        %lt3A_190 = arith.constant 0 : i32
        %lt3A_191 = vector.broadcast %lt3A_190 : i32 to vector<16xi32>
        %lt3A_192 = arith.cmpi slt, %broadcast_in_dim3A_189, %lt3A_191 : vector<16xi32>
        %add3A_193 = arith.constant 16 : i32
        %add3A_194 = vector.broadcast %add3A_193 : i32 to vector<16xi32>
        %add3A_195 = arith.addi %broadcast_in_dim3A_189, %add3A_194 : vector<16xi32>
        %select_n3A_196 = arith.select %lt3A_192, %add3A_195, %broadcast_in_dim3A_189 : vector<16xi1>, vector<16xi32>
        %reshape3A_197 = vector.shape_cast %select_n3A_196 : vector<16xi32> to vector<16x1xi32>
        %gather3A_198 = vector.shape_cast %reshape3A_197 : vector<16x1xi32> to vector<16xi32>
        %gather3A_199 = tpu.dynamic_gather %select_n3A_118[%gather3A_198] in [0] : vector<16xf32>, vector<16xi32> -> vector<16xf32>
        %get3A_200 = arith.index_cast %mul3A_101 : i32 to index
        %get3A_201 = arith.constant 48 : index
        %get3A_202 = tpu.vector_load %arg15[%get3A_200, %get3A_201] {strides = array<i32>} : memref<80x144xf32, #tpu.memory_space<vmem>>, vector<1x16xf32>,
        %get3A_203 = vector.shape_cast %get3A_202 : vector<1x16xf32> to vector<16xf32>
        %mul3A_204 = arith.mulf %get3A_203, %gather3A_199 : vector<16xf32>
        %swap3A_205 = arith.index_cast %mul3A_101 : i32 to index
        %swap3A_206 = arith.constant 48 : index
        %swap3A_207 = tpu.vector_load %arg15[%swap3A_205, %swap3A_206] {strides = array<i32>} : memref<80x144xf32, #tpu.memory_space<vmem>>, vector<1x16xf32>,
        %swap3A_208 = vector.shape_cast %swap3A_207 : vector<1x16xf32> to vector<16xf32>
        %swap3A_209 = vector.shape_cast %mul3A_204 : vector<16xf32> to vector<1x16xf32>
        tpu.vector_store %arg15[%swap3A_205, %swap3A_206], %swap3A_209 {strides = array<i32>} : memref<80x144xf32, #tpu.memory_space<vmem>>, vector<1x16xf32>,
        %broadcast_in_dim3A_210 = arith.constant 4 : i32
        %broadcast_in_dim3A_211 = vector.broadcast %broadcast_in_dim3A_210 : i32 to vector<16xi32>
        %lt3A_212 = arith.constant 0 : i32
        %lt3A_213 = vector.broadcast %lt3A_212 : i32 to vector<16xi32>
        %lt3A_214 = arith.cmpi slt, %broadcast_in_dim3A_211, %lt3A_213 : vector<16xi32>
        %add3A_215 = arith.constant 16 : i32
        %add3A_216 = vector.broadcast %add3A_215 : i32 to vector<16xi32>
        %add3A_217 = arith.addi %broadcast_in_dim3A_211, %add3A_216 : vector<16xi32>
        %select_n3A_218 = arith.select %lt3A_214, %add3A_217, %broadcast_in_dim3A_211 : vector<16xi1>, vector<16xi32>
        %reshape3A_219 = vector.shape_cast %select_n3A_218 : vector<16xi32> to vector<16x1xi32>
        %gather3A_220 = vector.shape_cast %reshape3A_219 : vector<16x1xi32> to vector<16xi32>
        %gather3A_221 = tpu.dynamic_gather %select_n3A_118[%gather3A_220] in [0] : vector<16xf32>, vector<16xi32> -> vector<16xf32>
        %get3A_222 = arith.index_cast %mul3A_101 : i32 to index
        %get3A_223 = arith.constant 64 : index
        %get3A_224 = tpu.vector_load %arg15[%get3A_222, %get3A_223] {strides = array<i32>} : memref<80x144xf32, #tpu.memory_space<vmem>>, vector<1x16xf32>,
        %get3A_225 = vector.shape_cast %get3A_224 : vector<1x16xf32> to vector<16xf32>
        %mul3A_226 = arith.mulf %get3A_225, %gather3A_221 : vector<16xf32>
        %swap3A_227 = arith.index_cast %mul3A_101 : i32 to index
        %swap3A_228 = arith.constant 64 : index
        %swap3A_229 = tpu.vector_load %arg15[%swap3A_227, %swap3A_228] {strides = array<i32>} : memref<80x144xf32, #tpu.memory_space<vmem>>, vector<1x16xf32>,
        %swap3A_230 = vector.shape_cast %swap3A_229 : vector<1x16xf32> to vector<16xf32>
        %swap3A_231 = vector.shape_cast %mul3A_226 : vector<16xf32> to vector<1x16xf32>
        tpu.vector_store %arg15[%swap3A_227, %swap3A_228], %swap3A_231 {strides = array<i32>} : memref<80x144xf32, #tpu.memory_space<vmem>>, vector<1x16xf32>,
        %broadcast_in_dim3A_232 = arith.constant 5 : i32
        %broadcast_in_dim3A_233 = vector.broadcast %broadcast_in_dim3A_232 : i32 to vector<16xi32>
        %lt3A_234 = arith.constant 0 : i32
        %lt3A_235 = vector.broadcast %lt3A_234 : i32 to vector<16xi32>
        %lt3A_236 = arith.cmpi slt, %broadcast_in_dim3A_233, %lt3A_235 : vector<16xi32>
        %add3A_237 = arith.constant 16 : i32
        %add3A_238 = vector.broadcast %add3A_237 : i32 to vector<16xi32>
        %add3A_239 = arith.addi %broadcast_in_dim3A_233, %add3A_238 : vector<16xi32>
        %select_n3A_240 = arith.select %lt3A_236, %add3A_239, %broadcast_in_dim3A_233 : vector<16xi1>, vector<16xi32>
        %reshape3A_241 = vector.shape_cast %select_n3A_240 : vector<16xi32> to vector<16x1xi32>
        %gather3A_242 = vector.shape_cast %reshape3A_241 : vector<16x1xi32> to vector<16xi32>
        %gather3A_243 = tpu.dynamic_gather %select_n3A_118[%gather3A_242] in [0] : vector<16xf32>, vector<16xi32> -> vector<16xf32>
        %get3A_244 = arith.index_cast %mul3A_101 : i32 to index
        %get3A_245 = arith.constant 80 : index
        %get3A_246 = tpu.vector_load %arg15[%get3A_244, %get3A_245] {strides = array<i32>} : memref<80x144xf32, #tpu.memory_space<vmem>>, vector<1x16xf32>,
        %get3A_247 = vector.shape_cast %get3A_246 : vector<1x16xf32> to vector<16xf32>
        %mul3A_248 = arith.mulf %get3A_247, %gather3A_243 : vector<16xf32>
        %swap3A_249 = arith.index_cast %mul3A_101 : i32 to index
        %swap3A_250 = arith.constant 80 : index
        %swap3A_251 = tpu.vector_load %arg15[%swap3A_249, %swap3A_250] {strides = array<i32>} : memref<80x144xf32, #tpu.memory_space<vmem>>, vector<1x16xf32>,
        %swap3A_252 = vector.shape_cast %swap3A_251 : vector<1x16xf32> to vector<16xf32>
        %swap3A_253 = vector.shape_cast %mul3A_248 : vector<16xf32> to vector<1x16xf32>
        tpu.vector_store %arg15[%swap3A_249, %swap3A_250], %swap3A_253 {strides = array<i32>} : memref<80x144xf32, #tpu.memory_space<vmem>>, vector<1x16xf32>,
        %broadcast_in_dim3A_254 = arith.constant 6 : i32
        %broadcast_in_dim3A_255 = vector.broadcast %broadcast_in_dim3A_254 : i32 to vector<16xi32>
        %lt3A_256 = arith.constant 0 : i32
        %lt3A_257 = vector.broadcast %lt3A_256 : i32 to vector<16xi32>
        %lt3A_258 = arith.cmpi slt, %broadcast_in_dim3A_255, %lt3A_257 : vector<16xi32>
        %add3A_259 = arith.constant 16 : i32
        %add3A_260 = vector.broadcast %add3A_259 : i32 to vector<16xi32>
        %add3A_261 = arith.addi %broadcast_in_dim3A_255, %add3A_260 : vector<16xi32>
        %select_n3A_262 = arith.select %lt3A_258, %add3A_261, %broadcast_in_dim3A_255 : vector<16xi1>, vector<16xi32>
        %reshape3A_263 = vector.shape_cast %select_n3A_262 : vector<16xi32> to vector<16x1xi32>
        %gather3A_264 = vector.shape_cast %reshape3A_263 : vector<16x1xi32> to vector<16xi32>
        %gather3A_265 = tpu.dynamic_gather %select_n3A_118[%gather3A_264] in [0] : vector<16xf32>, vector<16xi32> -> vector<16xf32>
        %get3A_266 = arith.index_cast %mul3A_101 : i32 to index
        %get3A_267 = arith.constant 96 : index
        %get3A_268 = tpu.vector_load %arg15[%get3A_266, %get3A_267] {strides = array<i32>} : memref<80x144xf32, #tpu.memory_space<vmem>>, vector<1x16xf32>,
        %get3A_269 = vector.shape_cast %get3A_268 : vector<1x16xf32> to vector<16xf32>
        %mul3A_270 = arith.mulf %get3A_269, %gather3A_265 : vector<16xf32>
        %swap3A_271 = arith.index_cast %mul3A_101 : i32 to index
        %swap3A_272 = arith.constant 96 : index
        %swap3A_273 = tpu.vector_load %arg15[%swap3A_271, %swap3A_272] {strides = array<i32>} : memref<80x144xf32, #tpu.memory_space<vmem>>, vector<1x16xf32>,
        %swap3A_274 = vector.shape_cast %swap3A_273 : vector<1x16xf32> to vector<16xf32>
        %swap3A_275 = vector.shape_cast %mul3A_270 : vector<16xf32> to vector<1x16xf32>
        tpu.vector_store %arg15[%swap3A_271, %swap3A_272], %swap3A_275 {strides = array<i32>} : memref<80x144xf32, #tpu.memory_space<vmem>>, vector<1x16xf32>,
        %broadcast_in_dim3A_276 = arith.constant 7 : i32
        %broadcast_in_dim3A_277 = vector.broadcast %broadcast_in_dim3A_276 : i32 to vector<16xi32>
        %lt3A_278 = arith.constant 0 : i32
        %lt3A_279 = vector.broadcast %lt3A_278 : i32 to vector<16xi32>
        %lt3A_280 = arith.cmpi slt, %broadcast_in_dim3A_277, %lt3A_279 : vector<16xi32>
        %add3A_281 = arith.constant 16 : i32
        %add3A_282 = vector.broadcast %add3A_281 : i32 to vector<16xi32>
        %add3A_283 = arith.addi %broadcast_in_dim3A_277, %add3A_282 : vector<16xi32>
        %select_n3A_284 = arith.select %lt3A_280, %add3A_283, %broadcast_in_dim3A_277 : vector<16xi1>, vector<16xi32>
        %reshape3A_285 = vector.shape_cast %select_n3A_284 : vector<16xi32> to vector<16x1xi32>
        %gather3A_286 = vector.shape_cast %reshape3A_285 : vector<16x1xi32> to vector<16xi32>
        %gather3A_287 = tpu.dynamic_gather %select_n3A_118[%gather3A_286] in [0] : vector<16xf32>, vector<16xi32> -> vector<16xf32>
        %get3A_288 = arith.index_cast %mul3A_101 : i32 to index
        %get3A_289 = arith.constant 112 : index
        %get3A_290 = tpu.vector_load %arg15[%get3A_288, %get3A_289] {strides = array<i32>} : memref<80x144xf32, #tpu.memory_space<vmem>>, vector<1x16xf32>,
        %get3A_291 = vector.shape_cast %get3A_290 : vector<1x16xf32> to vector<16xf32>
        %mul3A_292 = arith.mulf %get3A_291, %gather3A_287 : vector<16xf32>
        %swap3A_293 = arith.index_cast %mul3A_101 : i32 to index
        %swap3A_294 = arith.constant 112 : index
        %swap3A_295 = tpu.vector_load %arg15[%swap3A_293, %swap3A_294] {strides = array<i32>} : memref<80x144xf32, #tpu.memory_space<vmem>>, vector<1x16xf32>,
        %swap3A_296 = vector.shape_cast %swap3A_295 : vector<1x16xf32> to vector<16xf32>
        %swap3A_297 = vector.shape_cast %mul3A_292 : vector<16xf32> to vector<1x16xf32>
        tpu.vector_store %arg15[%swap3A_293, %swap3A_294], %swap3A_297 {strides = array<i32>} : memref<80x144xf32, #tpu.memory_space<vmem>>, vector<1x16xf32>,
        %mul3A_298 = arith.constant 2 : i32
        %mul3A_299 = arith.muli %mul3A_298, %scan3A_99 : i32
        %add3A_300 = arith.constant 1 : i32
        %add3A_301 = arith.addi %mul3A_299, %add3A_300 : i32
        %get3A_302 = arith.index_cast %add3A_301 : i32 to index
        %get3A_303 = arith.constant 128 : index
        %get3A_304 = tpu.vector_load %arg15[%get3A_302, %get3A_303] {strides = array<i32>} : memref<80x144xf32, #tpu.memory_space<vmem>>, vector<1x16xf32>,
        %get3A_305 = vector.shape_cast %get3A_304 : vector<1x16xf32> to vector<16xf32>
        %get3A_306 = arith.index_cast %add3A_301 : i32 to index
        %get3A_307 = arith.constant 0 : index
        %get3A_308 = tpu.vector_load %arg16[%get3A_306, %get3A_307] {strides = array<i32>} : memref<80x16xf32, #tpu.memory_space<vmem>>, vector<1x16xf32>,
        %get3A_309 = vector.shape_cast %get3A_308 : vector<1x16xf32> to vector<16xf32>
        %mul3A_310 = arith.mulf %get3A_305, %get3A_309 : vector<16xf32>
        %lt3A_311 = arith.constant 0 : i32
        %lt3A_312 = vector.broadcast %lt3A_311 : i32 to vector<16xi32>
        %lt3A_313 = arith.cmpi slt, %add3A_92, %lt3A_312 : vector<16xi32>
        %add3A_314 = arith.constant 16 : i32
        %add3A_315 = vector.broadcast %add3A_314 : i32 to vector<16xi32>
        %add3A_316 = arith.addi %add3A_92, %add3A_315 : vector<16xi32>
        %select_n3A_317 = arith.select %lt3A_313, %add3A_316, %add3A_92 : vector<16xi1>, vector<16xi32>
        %reshape3A_318 = vector.shape_cast %select_n3A_317 : vector<16xi32> to vector<16x1xi32>
        %gather3A_319 = vector.shape_cast %reshape3A_318 : vector<16x1xi32> to vector<16xi32>
        %gather3A_320 = tpu.dynamic_gather %mul3A_310[%gather3A_319] in [0] : vector<16xf32>, vector<16xi32> -> vector<16xf32>
        %gt3A_321 = arith.constant 1.000000e+00 : f32
        %gt3A_322 = vector.broadcast %gt3A_321 : f32 to vector<16xf32>
        %gt3A_323 = arith.cmpf ogt, %mul3A_310, %gt3A_322 : vector<16xf32>
        %select_n3A_324 = arith.select %gt3A_323, %mul3A_310, %gather3A_320 : vector<16xi1>, vector<16xf32>
        %swap3A_325 = arith.index_cast %add3A_301 : i32 to index
        %swap3A_326 = arith.constant 128 : index
        %swap3A_327 = tpu.vector_load %arg15[%swap3A_325, %swap3A_326] {strides = array<i32>} : memref<80x144xf32, #tpu.memory_space<vmem>>, vector<1x16xf32>,
        %swap3A_328 = vector.shape_cast %swap3A_327 : vector<1x16xf32> to vector<16xf32>
        %swap3A_329 = vector.shape_cast %select_n3A_324 : vector<16xf32> to vector<1x16xf32>
        tpu.vector_store %arg15[%swap3A_325, %swap3A_326], %swap3A_329 {strides = array<i32>} : memref<80x144xf32, #tpu.memory_space<vmem>>, vector<1x16xf32>,
        %broadcast_in_dim3A_330 = arith.constant 0 : i32
        %broadcast_in_dim3A_331 = vector.broadcast %broadcast_in_dim3A_330 : i32 to vector<16xi32>
        %lt3A_332 = arith.constant 0 : i32
        %lt3A_333 = vector.broadcast %lt3A_332 : i32 to vector<16xi32>
        %lt3A_334 = arith.cmpi slt, %broadcast_in_dim3A_331, %lt3A_333 : vector<16xi32>
        %add3A_335 = arith.constant 16 : i32
        %add3A_336 = vector.broadcast %add3A_335 : i32 to vector<16xi32>
        %add3A_337 = arith.addi %broadcast_in_dim3A_331, %add3A_336 : vector<16xi32>
        %select_n3A_338 = arith.select %lt3A_334, %add3A_337, %broadcast_in_dim3A_331 : vector<16xi1>, vector<16xi32>
        %reshape3A_339 = vector.shape_cast %select_n3A_338 : vector<16xi32> to vector<16x1xi32>
        %gather3A_340 = vector.shape_cast %reshape3A_339 : vector<16x1xi32> to vector<16xi32>
        %gather3A_341 = tpu.dynamic_gather %select_n3A_324[%gather3A_340] in [0] : vector<16xf32>, vector<16xi32> -> vector<16xf32>
        %get3A_342 = arith.index_cast %add3A_301 : i32 to index
        %get3A_343 = arith.constant 0 : index
        %get3A_344 = tpu.vector_load %arg15[%get3A_342, %get3A_343] {strides = array<i32>} : memref<80x144xf32, #tpu.memory_space<vmem>>, vector<1x16xf32>,
        %get3A_345 = vector.shape_cast %get3A_344 : vector<1x16xf32> to vector<16xf32>
        %mul3A_346 = arith.mulf %get3A_345, %gather3A_341 : vector<16xf32>
        %swap3A_347 = arith.index_cast %add3A_301 : i32 to index
        %swap3A_348 = arith.constant 0 : index
        %swap3A_349 = tpu.vector_load %arg15[%swap3A_347, %swap3A_348] {strides = array<i32>} : memref<80x144xf32, #tpu.memory_space<vmem>>, vector<1x16xf32>,
        %swap3A_350 = vector.shape_cast %swap3A_349 : vector<1x16xf32> to vector<16xf32>
        %swap3A_351 = vector.shape_cast %mul3A_346 : vector<16xf32> to vector<1x16xf32>
        tpu.vector_store %arg15[%swap3A_347, %swap3A_348], %swap3A_351 {strides = array<i32>} : memref<80x144xf32, #tpu.memory_space<vmem>>, vector<1x16xf32>,
        %broadcast_in_dim3A_352 = arith.constant 1 : i32
        %broadcast_in_dim3A_353 = vector.broadcast %broadcast_in_dim3A_352 : i32 to vector<16xi32>
        %lt3A_354 = arith.constant 0 : i32
        %lt3A_355 = vector.broadcast %lt3A_354 : i32 to vector<16xi32>
        %lt3A_356 = arith.cmpi slt, %broadcast_in_dim3A_353, %lt3A_355 : vector<16xi32>
        %add3A_357 = arith.constant 16 : i32
        %add3A_358 = vector.broadcast %add3A_357 : i32 to vector<16xi32>
        %add3A_359 = arith.addi %broadcast_in_dim3A_353, %add3A_358 : vector<16xi32>
        %select_n3A_360 = arith.select %lt3A_356, %add3A_359, %broadcast_in_dim3A_353 : vector<16xi1>, vector<16xi32>
        %reshape3A_361 = vector.shape_cast %select_n3A_360 : vector<16xi32> to vector<16x1xi32>
        %gather3A_362 = vector.shape_cast %reshape3A_361 : vector<16x1xi32> to vector<16xi32>
        %gather3A_363 = tpu.dynamic_gather %select_n3A_324[%gather3A_362] in [0] : vector<16xf32>, vector<16xi32> -> vector<16xf32>
        %get3A_364 = arith.index_cast %add3A_301 : i32 to index
        %get3A_365 = arith.constant 16 : index
        %get3A_366 = tpu.vector_load %arg15[%get3A_364, %get3A_365] {strides = array<i32>} : memref<80x144xf32, #tpu.memory_space<vmem>>, vector<1x16xf32>,
        %get3A_367 = vector.shape_cast %get3A_366 : vector<1x16xf32> to vector<16xf32>
        %mul3A_368 = arith.mulf %get3A_367, %gather3A_363 : vector<16xf32>
        %swap3A_369 = arith.index_cast %add3A_301 : i32 to index
        %swap3A_370 = arith.constant 16 : index
        %swap3A_371 = tpu.vector_load %arg15[%swap3A_369, %swap3A_370] {strides = array<i32>} : memref<80x144xf32, #tpu.memory_space<vmem>>, vector<1x16xf32>,
        %swap3A_372 = vector.shape_cast %swap3A_371 : vector<1x16xf32> to vector<16xf32>
        %swap3A_373 = vector.shape_cast %mul3A_368 : vector<16xf32> to vector<1x16xf32>
        tpu.vector_store %arg15[%swap3A_369, %swap3A_370], %swap3A_373 {strides = array<i32>} : memref<80x144xf32, #tpu.memory_space<vmem>>, vector<1x16xf32>,
        %broadcast_in_dim3A_374 = arith.constant 2 : i32
        %broadcast_in_dim3A_375 = vector.broadcast %broadcast_in_dim3A_374 : i32 to vector<16xi32>
        %lt3A_376 = arith.constant 0 : i32
        %lt3A_377 = vector.broadcast %lt3A_376 : i32 to vector<16xi32>
        %lt3A_378 = arith.cmpi slt, %broadcast_in_dim3A_375, %lt3A_377 : vector<16xi32>
        %add3A_379 = arith.constant 16 : i32
        %add3A_380 = vector.broadcast %add3A_379 : i32 to vector<16xi32>
        %add3A_381 = arith.addi %broadcast_in_dim3A_375, %add3A_380 : vector<16xi32>
        %select_n3A_382 = arith.select %lt3A_378, %add3A_381, %broadcast_in_dim3A_375 : vector<16xi1>, vector<16xi32>
        %reshape3A_383 = vector.shape_cast %select_n3A_382 : vector<16xi32> to vector<16x1xi32>
        %gather3A_384 = vector.shape_cast %reshape3A_383 : vector<16x1xi32> to vector<16xi32>
        %gather3A_385 = tpu.dynamic_gather %select_n3A_324[%gather3A_384] in [0] : vector<16xf32>, vector<16xi32> -> vector<16xf32>
        %get3A_386 = arith.index_cast %add3A_301 : i32 to index
        %get3A_387 = arith.constant 32 : index
        %get3A_388 = tpu.vector_load %arg15[%get3A_386, %get3A_387] {strides = array<i32>} : memref<80x144xf32, #tpu.memory_space<vmem>>, vector<1x16xf32>,
        %get3A_389 = vector.shape_cast %get3A_388 : vector<1x16xf32> to vector<16xf32>
        %mul3A_390 = arith.mulf %get3A_389, %gather3A_385 : vector<16xf32>
        %swap3A_391 = arith.index_cast %add3A_301 : i32 to index
        %swap3A_392 = arith.constant 32 : index
        %swap3A_393 = tpu.vector_load %arg15[%swap3A_391, %swap3A_392] {strides = array<i32>} : memref<80x144xf32, #tpu.memory_space<vmem>>, vector<1x16xf32>,
        %swap3A_394 = vector.shape_cast %swap3A_393 : vector<1x16xf32> to vector<16xf32>
        %swap3A_395 = vector.shape_cast %mul3A_390 : vector<16xf32> to vector<1x16xf32>
        tpu.vector_store %arg15[%swap3A_391, %swap3A_392], %swap3A_395 {strides = array<i32>} : memref<80x144xf32, #tpu.memory_space<vmem>>, vector<1x16xf32>,
        %broadcast_in_dim3A_396 = arith.constant 3 : i32
        %broadcast_in_dim3A_397 = vector.broadcast %broadcast_in_dim3A_396 : i32 to vector<16xi32>
        %lt3A_398 = arith.constant 0 : i32
        %lt3A_399 = vector.broadcast %lt3A_398 : i32 to vector<16xi32>
        %lt3A_400 = arith.cmpi slt, %broadcast_in_dim3A_397, %lt3A_399 : vector<16xi32>
        %add3A_401 = arith.constant 16 : i32
        %add3A_402 = vector.broadcast %add3A_401 : i32 to vector<16xi32>
        %add3A_403 = arith.addi %broadcast_in_dim3A_397, %add3A_402 : vector<16xi32>
        %select_n3A_404 = arith.select %lt3A_400, %add3A_403, %broadcast_in_dim3A_397 : vector<16xi1>, vector<16xi32>
        %reshape3A_405 = vector.shape_cast %select_n3A_404 : vector<16xi32> to vector<16x1xi32>
        %gather3A_406 = vector.shape_cast %reshape3A_405 : vector<16x1xi32> to vector<16xi32>
        %gather3A_407 = tpu.dynamic_gather %select_n3A_324[%gather3A_406] in [0] : vector<16xf32>, vector<16xi32> -> vector<16xf32>
        %get3A_408 = arith.index_cast %add3A_301 : i32 to index
        %get3A_409 = arith.constant 48 : index
        %get3A_410 = tpu.vector_load %arg15[%get3A_408, %get3A_409] {strides = array<i32>} : memref<80x144xf32, #tpu.memory_space<vmem>>, vector<1x16xf32>,
        %get3A_411 = vector.shape_cast %get3A_410 : vector<1x16xf32> to vector<16xf32>
        %mul3A_412 = arith.mulf %get3A_411, %gather3A_407 : vector<16xf32>
        %swap3A_413 = arith.index_cast %add3A_301 : i32 to index
        %swap3A_414 = arith.constant 48 : index
        %swap3A_415 = tpu.vector_load %arg15[%swap3A_413, %swap3A_414] {strides = array<i32>} : memref<80x144xf32, #tpu.memory_space<vmem>>, vector<1x16xf32>,
        %swap3A_416 = vector.shape_cast %swap3A_415 : vector<1x16xf32> to vector<16xf32>
        %swap3A_417 = vector.shape_cast %mul3A_412 : vector<16xf32> to vector<1x16xf32>
        tpu.vector_store %arg15[%swap3A_413, %swap3A_414], %swap3A_417 {strides = array<i32>} : memref<80x144xf32, #tpu.memory_space<vmem>>, vector<1x16xf32>,
        %broadcast_in_dim3A_418 = arith.constant 4 : i32
        %broadcast_in_dim3A_419 = vector.broadcast %broadcast_in_dim3A_418 : i32 to vector<16xi32>
        %lt3A_420 = arith.constant 0 : i32
        %lt3A_421 = vector.broadcast %lt3A_420 : i32 to vector<16xi32>
        %lt3A_422 = arith.cmpi slt, %broadcast_in_dim3A_419, %lt3A_421 : vector<16xi32>
        %add3A_423 = arith.constant 16 : i32
        %add3A_424 = vector.broadcast %add3A_423 : i32 to vector<16xi32>
        %add3A_425 = arith.addi %broadcast_in_dim3A_419, %add3A_424 : vector<16xi32>
        %select_n3A_426 = arith.select %lt3A_422, %add3A_425, %broadcast_in_dim3A_419 : vector<16xi1>, vector<16xi32>
        %reshape3A_427 = vector.shape_cast %select_n3A_426 : vector<16xi32> to vector<16x1xi32>
        %gather3A_428 = vector.shape_cast %reshape3A_427 : vector<16x1xi32> to vector<16xi32>
        %gather3A_429 = tpu.dynamic_gather %select_n3A_324[%gather3A_428] in [0] : vector<16xf32>, vector<16xi32> -> vector<16xf32>
        %get3A_430 = arith.index_cast %add3A_301 : i32 to index
        %get3A_431 = arith.constant 64 : index
        %get3A_432 = tpu.vector_load %arg15[%get3A_430, %get3A_431] {strides = array<i32>} : memref<80x144xf32, #tpu.memory_space<vmem>>, vector<1x16xf32>,
        %get3A_433 = vector.shape_cast %get3A_432 : vector<1x16xf32> to vector<16xf32>
        %mul3A_434 = arith.mulf %get3A_433, %gather3A_429 : vector<16xf32>
        %swap3A_435 = arith.index_cast %add3A_301 : i32 to index
        %swap3A_436 = arith.constant 64 : index
        %swap3A_437 = tpu.vector_load %arg15[%swap3A_435, %swap3A_436] {strides = array<i32>} : memref<80x144xf32, #tpu.memory_space<vmem>>, vector<1x16xf32>,
        %swap3A_438 = vector.shape_cast %swap3A_437 : vector<1x16xf32> to vector<16xf32>
        %swap3A_439 = vector.shape_cast %mul3A_434 : vector<16xf32> to vector<1x16xf32>
        tpu.vector_store %arg15[%swap3A_435, %swap3A_436], %swap3A_439 {strides = array<i32>} : memref<80x144xf32, #tpu.memory_space<vmem>>, vector<1x16xf32>,
        %broadcast_in_dim3A_440 = arith.constant 5 : i32
        %broadcast_in_dim3A_441 = vector.broadcast %broadcast_in_dim3A_440 : i32 to vector<16xi32>
        %lt3A_442 = arith.constant 0 : i32
        %lt3A_443 = vector.broadcast %lt3A_442 : i32 to vector<16xi32>
        %lt3A_444 = arith.cmpi slt, %broadcast_in_dim3A_441, %lt3A_443 : vector<16xi32>
        %add3A_445 = arith.constant 16 : i32
        %add3A_446 = vector.broadcast %add3A_445 : i32 to vector<16xi32>
        %add3A_447 = arith.addi %broadcast_in_dim3A_441, %add3A_446 : vector<16xi32>
        %select_n3A_448 = arith.select %lt3A_444, %add3A_447, %broadcast_in_dim3A_441 : vector<16xi1>, vector<16xi32>
        %reshape3A_449 = vector.shape_cast %select_n3A_448 : vector<16xi32> to vector<16x1xi32>
        %gather3A_450 = vector.shape_cast %reshape3A_449 : vector<16x1xi32> to vector<16xi32>
        %gather3A_451 = tpu.dynamic_gather %select_n3A_324[%gather3A_450] in [0] : vector<16xf32>, vector<16xi32> -> vector<16xf32>
        %get3A_452 = arith.index_cast %add3A_301 : i32 to index
        %get3A_453 = arith.constant 80 : index
        %get3A_454 = tpu.vector_load %arg15[%get3A_452, %get3A_453] {strides = array<i32>} : memref<80x144xf32, #tpu.memory_space<vmem>>, vector<1x16xf32>,
        %get3A_455 = vector.shape_cast %get3A_454 : vector<1x16xf32> to vector<16xf32>
        %mul3A_456 = arith.mulf %get3A_455, %gather3A_451 : vector<16xf32>
        %swap3A_457 = arith.index_cast %add3A_301 : i32 to index
        %swap3A_458 = arith.constant 80 : index
        %swap3A_459 = tpu.vector_load %arg15[%swap3A_457, %swap3A_458] {strides = array<i32>} : memref<80x144xf32, #tpu.memory_space<vmem>>, vector<1x16xf32>,
        %swap3A_460 = vector.shape_cast %swap3A_459 : vector<1x16xf32> to vector<16xf32>
        %swap3A_461 = vector.shape_cast %mul3A_456 : vector<16xf32> to vector<1x16xf32>
        tpu.vector_store %arg15[%swap3A_457, %swap3A_458], %swap3A_461 {strides = array<i32>} : memref<80x144xf32, #tpu.memory_space<vmem>>, vector<1x16xf32>,
        %broadcast_in_dim3A_462 = arith.constant 6 : i32
        %broadcast_in_dim3A_463 = vector.broadcast %broadcast_in_dim3A_462 : i32 to vector<16xi32>
        %lt3A_464 = arith.constant 0 : i32
        %lt3A_465 = vector.broadcast %lt3A_464 : i32 to vector<16xi32>
        %lt3A_466 = arith.cmpi slt, %broadcast_in_dim3A_463, %lt3A_465 : vector<16xi32>
        %add3A_467 = arith.constant 16 : i32
        %add3A_468 = vector.broadcast %add3A_467 : i32 to vector<16xi32>
        %add3A_469 = arith.addi %broadcast_in_dim3A_463, %add3A_468 : vector<16xi32>
        %select_n3A_470 = arith.select %lt3A_466, %add3A_469, %broadcast_in_dim3A_463 : vector<16xi1>, vector<16xi32>
        %reshape3A_471 = vector.shape_cast %select_n3A_470 : vector<16xi32> to vector<16x1xi32>
        %gather3A_472 = vector.shape_cast %reshape3A_471 : vector<16x1xi32> to vector<16xi32>
        %gather3A_473 = tpu.dynamic_gather %select_n3A_324[%gather3A_472] in [0] : vector<16xf32>, vector<16xi32> -> vector<16xf32>
        %get3A_474 = arith.index_cast %add3A_301 : i32 to index
        %get3A_475 = arith.constant 96 : index
        %get3A_476 = tpu.vector_load %arg15[%get3A_474, %get3A_475] {strides = array<i32>} : memref<80x144xf32, #tpu.memory_space<vmem>>, vector<1x16xf32>,
        %get3A_477 = vector.shape_cast %get3A_476 : vector<1x16xf32> to vector<16xf32>
        %mul3A_478 = arith.mulf %get3A_477, %gather3A_473 : vector<16xf32>
        %swap3A_479 = arith.index_cast %add3A_301 : i32 to index
        %swap3A_480 = arith.constant 96 : index
        %swap3A_481 = tpu.vector_load %arg15[%swap3A_479, %swap3A_480] {strides = array<i32>} : memref<80x144xf32, #tpu.memory_space<vmem>>, vector<1x16xf32>,
        %swap3A_482 = vector.shape_cast %swap3A_481 : vector<1x16xf32> to vector<16xf32>
        %swap3A_483 = vector.shape_cast %mul3A_478 : vector<16xf32> to vector<1x16xf32>
        tpu.vector_store %arg15[%swap3A_479, %swap3A_480], %swap3A_483 {strides = array<i32>} : memref<80x144xf32, #tpu.memory_space<vmem>>, vector<1x16xf32>,
        %broadcast_in_dim3A_484 = arith.constant 7 : i32
        %broadcast_in_dim3A_485 = vector.broadcast %broadcast_in_dim3A_484 : i32 to vector<16xi32>
        %lt3A_486 = arith.constant 0 : i32
        %lt3A_487 = vector.broadcast %lt3A_486 : i32 to vector<16xi32>
        %lt3A_488 = arith.cmpi slt, %broadcast_in_dim3A_485, %lt3A_487 : vector<16xi32>
        %add3A_489 = arith.constant 16 : i32
        %add3A_490 = vector.broadcast %add3A_489 : i32 to vector<16xi32>
        %add3A_491 = arith.addi %broadcast_in_dim3A_485, %add3A_490 : vector<16xi32>
        %select_n3A_492 = arith.select %lt3A_488, %add3A_491, %broadcast_in_dim3A_485 : vector<16xi1>, vector<16xi32>
        %reshape3A_493 = vector.shape_cast %select_n3A_492 : vector<16xi32> to vector<16x1xi32>
        %gather3A_494 = vector.shape_cast %reshape3A_493 : vector<16x1xi32> to vector<16xi32>
        %gather3A_495 = tpu.dynamic_gather %select_n3A_324[%gather3A_494] in [0] : vector<16xf32>, vector<16xi32> -> vector<16xf32>
        %get3A_496 = arith.index_cast %add3A_301 : i32 to index
        %get3A_497 = arith.constant 112 : index
        %get3A_498 = tpu.vector_load %arg15[%get3A_496, %get3A_497] {strides = array<i32>} : memref<80x144xf32, #tpu.memory_space<vmem>>, vector<1x16xf32>,
        %get3A_499 = vector.shape_cast %get3A_498 : vector<1x16xf32> to vector<16xf32>
        %mul3A_500 = arith.mulf %get3A_499, %gather3A_495 : vector<16xf32>
        %swap3A_501 = arith.index_cast %add3A_301 : i32 to index
        %swap3A_502 = arith.constant 112 : index
        %swap3A_503 = tpu.vector_load %arg15[%swap3A_501, %swap3A_502] {strides = array<i32>} : memref<80x144xf32, #tpu.memory_space<vmem>>, vector<1x16xf32>,
        %swap3A_504 = vector.shape_cast %swap3A_503 : vector<1x16xf32> to vector<16xf32>
        %swap3A_505 = vector.shape_cast %mul3A_500 : vector<16xf32> to vector<1x16xf32>
        tpu.vector_store %arg15[%swap3A_501, %swap3A_502], %swap3A_505 {strides = array<i32>} : memref<80x144xf32, #tpu.memory_space<vmem>>, vector<1x16xf32>,
      }
      %scan3A_98 = arith.constant 40 : i32
      "tpu.region"() ({
        %run_scoped3A = tpu.sem_alloc : memref<!tpu.dma_semaphore, #tpu.memory_space<semaphore_mem>>
        %dma_start3A_99 = arith.constant 0 : i32
        %dma_start3A_100 = arith.constant 0 : i32
        %dma_start3A_101 = tpu.memref_slice %arg8[%dma_start3A_99, %dma_start3A_100] : memref<10240x144xf32, #tpu.memory_space<vmem_shared>> -> memref<10240x144xf32, #tpu.memory_space<vmem_shared>>
        tpu.enqueue_indirect_dma source(%arg15 : memref<80x144xf32, #tpu.memory_space<vmem>>) target(%dma_start3A_101 : memref<10240x144xf32, #tpu.memory_space<vmem_shared>>) offsets(%arg14 : memref<80xi32, #tpu.memory_space<vmem>>) semaphore(%run_scoped3A : memref<!tpu.dma_semaphore, #tpu.memory_space<semaphore_mem>>) {add = true}
        %dma_wait3A_102 = arith.constant 0 : i32
        %dma_wait3A_103 = arith.constant 0 : i32
        %dma_wait3A_104 = tpu.memref_slice %arg8[%dma_wait3A_102, %dma_wait3A_103] : memref<10240x144xf32, #tpu.memory_space<vmem_shared>> -> memref<10240x144xf32, #tpu.memory_space<vmem_shared>>
        tpu.wait_indirect_dma semaphore(%run_scoped3A : memref<!tpu.dma_semaphore, #tpu.memory_space<semaphore_mem>>) src(%arg15 : memref<80x144xf32, #tpu.memory_space<vmem>>) dst(%dma_wait3A_104 : memref<10240x144xf32, #tpu.memory_space<vmem_shared>>)
        tpu.yield
      }) : () -> ()
    }
    %scan3A_16 = arith.constant 62 : i32
    %dma_wait3A = arith.constant 0 : i32
    %dma_wait3A_17 = arith.constant 0 : i32
    %dma_wait3A_18 = tpu.memref_slice %arg2[%dma_wait3A, %dma_wait3A_17] : memref<10000x144xf32, #tpu.memory_space<hbm>> -> memref<10000x144xf32, #tpu.memory_space<hbm>>
    tpu.wait_indirect_dma semaphore(%arg17 : memref<!tpu.dma_semaphore, #tpu.memory_space<semaphore_mem>>) src(%dma_wait3A_18 : memref<10000x144xf32, #tpu.memory_space<hbm>>) dst(%arg11 : memref<80x144xf32, #tpu.memory_space<vmem>>)
    %dma_wait3A_19 = arith.constant 0 : i32
    %dma_wait3A_20 = arith.constant 0 : i32
    %dma_wait3A_21 = tpu.memref_slice %arg3[%dma_wait3A_19, %dma_wait3A_20] : memref<10000x16xf32, #tpu.memory_space<hbm>> -> memref<10000x16xf32, #tpu.memory_space<hbm>>
    tpu.wait_indirect_dma semaphore(%arg18 : memref<!tpu.dma_semaphore, #tpu.memory_space<semaphore_mem>>) src(%dma_wait3A_21 : memref<10000x16xf32, #tpu.memory_space<hbm>>) dst(%arg12 : memref<80x16xf32, #tpu.memory_space<vmem>>)
    %iota3A = tpu.iota {dimensions = array<i32: 0>} : vector<16xi32>
    %and3A = arith.constant 7 : i32
    %and3A_22 = vector.broadcast %and3A : i32 to vector<16xi32>
    %and3A_23 = arith.andi %iota3A, %and3A_22 : vector<16xi32>
    %add3A_24 = arith.constant 8 : i32
    %add3A_25 = vector.broadcast %add3A_24 : i32 to vector<16xi32>
    %add3A_26 = arith.addi %and3A_23, %add3A_25 : vector<16xi32>
    %scan3A_27 = arith.constant 0 : i32
    %scan3A_28 = arith.constant 0 : i32
    %scan3A_29 = arith.constant 40 : i32
    %scan3A_30 = arith.addi %scan3A_28, %scan3A_29 : i32
    %scan3A_31 = arith.constant 1 : i32
    scf.for %scan3A_34 = %scan3A_28 to %scan3A_30 step %scan3A_31  : i32 {
      %mul3A_35 = arith.constant 2 : i32
      %mul3A_36 = arith.muli %mul3A_35, %scan3A_34 : i32
      %get3A = arith.index_cast %mul3A_36 : i32 to index
      %get3A_37 = arith.constant 128 : index
      %get3A_38 = tpu.vector_load %arg11[%get3A, %get3A_37] {strides = array<i32>} : memref<80x144xf32, #tpu.memory_space<vmem>>, vector<1x16xf32>,
      %get3A_39 = vector.shape_cast %get3A_38 : vector<1x16xf32> to vector<16xf32>
      %get3A_40 = arith.index_cast %mul3A_36 : i32 to index
      %get3A_41 = arith.constant 0 : index
      %get3A_42 = tpu.vector_load %arg12[%get3A_40, %get3A_41] {strides = array<i32>} : memref<80x16xf32, #tpu.memory_space<vmem>>, vector<1x16xf32>,
      %get3A_43 = vector.shape_cast %get3A_42 : vector<1x16xf32> to vector<16xf32>
      %mul3A_44 = arith.mulf %get3A_39, %get3A_43 : vector<16xf32>
      %lt3A = arith.constant 0 : i32
      %lt3A_45 = vector.broadcast %lt3A : i32 to vector<16xi32>
      %lt3A_46 = arith.cmpi slt, %add3A_26, %lt3A_45 : vector<16xi32>
      %add3A_47 = arith.constant 16 : i32
      %add3A_48 = vector.broadcast %add3A_47 : i32 to vector<16xi32>
      %add3A_49 = arith.addi %add3A_26, %add3A_48 : vector<16xi32>
      %select_n3A = arith.select %lt3A_46, %add3A_49, %add3A_26 : vector<16xi1>, vector<16xi32>
      %reshape3A = vector.shape_cast %select_n3A : vector<16xi32> to vector<16x1xi32>
      %gather3A = vector.shape_cast %reshape3A : vector<16x1xi32> to vector<16xi32>
      %gather3A_50 = tpu.dynamic_gather %mul3A_44[%gather3A] in [0] : vector<16xf32>, vector<16xi32> -> vector<16xf32>
      %gt3A = arith.constant 1.000000e+00 : f32
      %gt3A_51 = vector.broadcast %gt3A : f32 to vector<16xf32>
      %gt3A_52 = arith.cmpf ogt, %mul3A_44, %gt3A_51 : vector<16xf32>
      %select_n3A_53 = arith.select %gt3A_52, %mul3A_44, %gather3A_50 : vector<16xi1>, vector<16xf32>
      %swap3A = arith.index_cast %mul3A_36 : i32 to index
      %swap3A_54 = arith.constant 128 : index
      %swap3A_55 = tpu.vector_load %arg11[%swap3A, %swap3A_54] {strides = array<i32>} : memref<80x144xf32, #tpu.memory_space<vmem>>, vector<1x16xf32>,
      %swap3A_56 = vector.shape_cast %swap3A_55 : vector<1x16xf32> to vector<16xf32>
      %swap3A_57 = vector.shape_cast %select_n3A_53 : vector<16xf32> to vector<1x16xf32>
      tpu.vector_store %arg11[%swap3A, %swap3A_54], %swap3A_57 {strides = array<i32>} : memref<80x144xf32, #tpu.memory_space<vmem>>, vector<1x16xf32>,
      %broadcast_in_dim3A = arith.constant 0 : i32
      %broadcast_in_dim3A_58 = vector.broadcast %broadcast_in_dim3A : i32 to vector<16xi32>
      %lt3A_59 = arith.constant 0 : i32
      %lt3A_60 = vector.broadcast %lt3A_59 : i32 to vector<16xi32>
      %lt3A_61 = arith.cmpi slt, %broadcast_in_dim3A_58, %lt3A_60 : vector<16xi32>
      %add3A_62 = arith.constant 16 : i32
      %add3A_63 = vector.broadcast %add3A_62 : i32 to vector<16xi32>
      %add3A_64 = arith.addi %broadcast_in_dim3A_58, %add3A_63 : vector<16xi32>
      %select_n3A_65 = arith.select %lt3A_61, %add3A_64, %broadcast_in_dim3A_58 : vector<16xi1>, vector<16xi32>
      %reshape3A_66 = vector.shape_cast %select_n3A_65 : vector<16xi32> to vector<16x1xi32>
      %gather3A_67 = vector.shape_cast %reshape3A_66 : vector<16x1xi32> to vector<16xi32>
      %gather3A_68 = tpu.dynamic_gather %select_n3A_53[%gather3A_67] in [0] : vector<16xf32>, vector<16xi32> -> vector<16xf32>
      %get3A_69 = arith.index_cast %mul3A_36 : i32 to index
      %get3A_70 = arith.constant 0 : index
      %get3A_71 = tpu.vector_load %arg11[%get3A_69, %get3A_70] {strides = array<i32>} : memref<80x144xf32, #tpu.memory_space<vmem>>, vector<1x16xf32>,
      %get3A_72 = vector.shape_cast %get3A_71 : vector<1x16xf32> to vector<16xf32>
      %mul3A_73 = arith.mulf %get3A_72, %gather3A_68 : vector<16xf32>
      %swap3A_74 = arith.index_cast %mul3A_36 : i32 to index
      %swap3A_75 = arith.constant 0 : index
      %swap3A_76 = tpu.vector_load %arg11[%swap3A_74, %swap3A_75] {strides = array<i32>} : memref<80x144xf32, #tpu.memory_space<vmem>>, vector<1x16xf32>,
      %swap3A_77 = vector.shape_cast %swap3A_76 : vector<1x16xf32> to vector<16xf32>
      %swap3A_78 = vector.shape_cast %mul3A_73 : vector<16xf32> to vector<1x16xf32>
      tpu.vector_store %arg11[%swap3A_74, %swap3A_75], %swap3A_78 {strides = array<i32>} : memref<80x144xf32, #tpu.memory_space<vmem>>, vector<1x16xf32>,
      %broadcast_in_dim3A_79 = arith.constant 1 : i32
      %broadcast_in_dim3A_80 = vector.broadcast %broadcast_in_dim3A_79 : i32 to vector<16xi32>
      %lt3A_81 = arith.constant 0 : i32
      %lt3A_82 = vector.broadcast %lt3A_81 : i32 to vector<16xi32>
      %lt3A_83 = arith.cmpi slt, %broadcast_in_dim3A_80, %lt3A_82 : vector<16xi32>
      %add3A_84 = arith.constant 16 : i32
      %add3A_85 = vector.broadcast %add3A_84 : i32 to vector<16xi32>
      %add3A_86 = arith.addi %broadcast_in_dim3A_80, %add3A_85 : vector<16xi32>
      %select_n3A_87 = arith.select %lt3A_83, %add3A_86, %broadcast_in_dim3A_80 : vector<16xi1>, vector<16xi32>
      %reshape3A_88 = vector.shape_cast %select_n3A_87 : vector<16xi32> to vector<16x1xi32>
      %gather3A_89 = vector.shape_cast %reshape3A_88 : vector<16x1xi32> to vector<16xi32>
      %gather3A_90 = tpu.dynamic_gather %select_n3A_53[%gather3A_89] in [0] : vector<16xf32>, vector<16xi32> -> vector<16xf32>
      %get3A_91 = arith.index_cast %mul3A_36 : i32 to index
      %get3A_92 = arith.constant 16 : index
      %get3A_93 = tpu.vector_load %arg11[%get3A_91, %get3A_92] {strides = array<i32>} : memref<80x144xf32, #tpu.memory_space<vmem>>, vector<1x16xf32>,
      %get3A_94 = vector.shape_cast %get3A_93 : vector<1x16xf32> to vector<16xf32>
      %mul3A_95 = arith.mulf %get3A_94, %gather3A_90 : vector<16xf32>
      %swap3A_96 = arith.index_cast %mul3A_36 : i32 to index
      %swap3A_97 = arith.constant 16 : index
      %swap3A_98 = tpu.vector_load %arg11[%swap3A_96, %swap3A_97] {strides = array<i32>} : memref<80x144xf32, #tpu.memory_space<vmem>>, vector<1x16xf32>,
      %swap3A_99 = vector.shape_cast %swap3A_98 : vector<1x16xf32> to vector<16xf32>
      %swap3A_100 = vector.shape_cast %mul3A_95 : vector<16xf32> to vector<1x16xf32>
      tpu.vector_store %arg11[%swap3A_96, %swap3A_97], %swap3A_100 {strides = array<i32>} : memref<80x144xf32, #tpu.memory_space<vmem>>, vector<1x16xf32>,
      %broadcast_in_dim3A_101 = arith.constant 2 : i32
      %broadcast_in_dim3A_102 = vector.broadcast %broadcast_in_dim3A_101 : i32 to vector<16xi32>
      %lt3A_103 = arith.constant 0 : i32
      %lt3A_104 = vector.broadcast %lt3A_103 : i32 to vector<16xi32>
      %lt3A_105 = arith.cmpi slt, %broadcast_in_dim3A_102, %lt3A_104 : vector<16xi32>
      %add3A_106 = arith.constant 16 : i32
      %add3A_107 = vector.broadcast %add3A_106 : i32 to vector<16xi32>
      %add3A_108 = arith.addi %broadcast_in_dim3A_102, %add3A_107 : vector<16xi32>
      %select_n3A_109 = arith.select %lt3A_105, %add3A_108, %broadcast_in_dim3A_102 : vector<16xi1>, vector<16xi32>
      %reshape3A_110 = vector.shape_cast %select_n3A_109 : vector<16xi32> to vector<16x1xi32>
      %gather3A_111 = vector.shape_cast %reshape3A_110 : vector<16x1xi32> to vector<16xi32>
      %gather3A_112 = tpu.dynamic_gather %select_n3A_53[%gather3A_111] in [0] : vector<16xf32>, vector<16xi32> -> vector<16xf32>
      %get3A_113 = arith.index_cast %mul3A_36 : i32 to index
      %get3A_114 = arith.constant 32 : index
      %get3A_115 = tpu.vector_load %arg11[%get3A_113, %get3A_114] {strides = array<i32>} : memref<80x144xf32, #tpu.memory_space<vmem>>, vector<1x16xf32>,
      %get3A_116 = vector.shape_cast %get3A_115 : vector<1x16xf32> to vector<16xf32>
      %mul3A_117 = arith.mulf %get3A_116, %gather3A_112 : vector<16xf32>
      %swap3A_118 = arith.index_cast %mul3A_36 : i32 to index
      %swap3A_119 = arith.constant 32 : index
      %swap3A_120 = tpu.vector_load %arg11[%swap3A_118, %swap3A_119] {strides = array<i32>} : memref<80x144xf32, #tpu.memory_space<vmem>>, vector<1x16xf32>,
      %swap3A_121 = vector.shape_cast %swap3A_120 : vector<1x16xf32> to vector<16xf32>
      %swap3A_122 = vector.shape_cast %mul3A_117 : vector<16xf32> to vector<1x16xf32>
      tpu.vector_store %arg11[%swap3A_118, %swap3A_119], %swap3A_122 {strides = array<i32>} : memref<80x144xf32, #tpu.memory_space<vmem>>, vector<1x16xf32>,
      %broadcast_in_dim3A_123 = arith.constant 3 : i32
      %broadcast_in_dim3A_124 = vector.broadcast %broadcast_in_dim3A_123 : i32 to vector<16xi32>
      %lt3A_125 = arith.constant 0 : i32
      %lt3A_126 = vector.broadcast %lt3A_125 : i32 to vector<16xi32>
      %lt3A_127 = arith.cmpi slt, %broadcast_in_dim3A_124, %lt3A_126 : vector<16xi32>
      %add3A_128 = arith.constant 16 : i32
      %add3A_129 = vector.broadcast %add3A_128 : i32 to vector<16xi32>
      %add3A_130 = arith.addi %broadcast_in_dim3A_124, %add3A_129 : vector<16xi32>
      %select_n3A_131 = arith.select %lt3A_127, %add3A_130, %broadcast_in_dim3A_124 : vector<16xi1>, vector<16xi32>
      %reshape3A_132 = vector.shape_cast %select_n3A_131 : vector<16xi32> to vector<16x1xi32>
      %gather3A_133 = vector.shape_cast %reshape3A_132 : vector<16x1xi32> to vector<16xi32>
      %gather3A_134 = tpu.dynamic_gather %select_n3A_53[%gather3A_133] in [0] : vector<16xf32>, vector<16xi32> -> vector<16xf32>
      %get3A_135 = arith.index_cast %mul3A_36 : i32 to index
      %get3A_136 = arith.constant 48 : index
      %get3A_137 = tpu.vector_load %arg11[%get3A_135, %get3A_136] {strides = array<i32>} : memref<80x144xf32, #tpu.memory_space<vmem>>, vector<1x16xf32>,
      %get3A_138 = vector.shape_cast %get3A_137 : vector<1x16xf32> to vector<16xf32>
      %mul3A_139 = arith.mulf %get3A_138, %gather3A_134 : vector<16xf32>
      %swap3A_140 = arith.index_cast %mul3A_36 : i32 to index
      %swap3A_141 = arith.constant 48 : index
      %swap3A_142 = tpu.vector_load %arg11[%swap3A_140, %swap3A_141] {strides = array<i32>} : memref<80x144xf32, #tpu.memory_space<vmem>>, vector<1x16xf32>,
      %swap3A_143 = vector.shape_cast %swap3A_142 : vector<1x16xf32> to vector<16xf32>
      %swap3A_144 = vector.shape_cast %mul3A_139 : vector<16xf32> to vector<1x16xf32>
      tpu.vector_store %arg11[%swap3A_140, %swap3A_141], %swap3A_144 {strides = array<i32>} : memref<80x144xf32, #tpu.memory_space<vmem>>, vector<1x16xf32>,
      %broadcast_in_dim3A_145 = arith.constant 4 : i32
      %broadcast_in_dim3A_146 = vector.broadcast %broadcast_in_dim3A_145 : i32 to vector<16xi32>
      %lt3A_147 = arith.constant 0 : i32
      %lt3A_148 = vector.broadcast %lt3A_147 : i32 to vector<16xi32>
      %lt3A_149 = arith.cmpi slt, %broadcast_in_dim3A_146, %lt3A_148 : vector<16xi32>
      %add3A_150 = arith.constant 16 : i32
      %add3A_151 = vector.broadcast %add3A_150 : i32 to vector<16xi32>
      %add3A_152 = arith.addi %broadcast_in_dim3A_146, %add3A_151 : vector<16xi32>
      %select_n3A_153 = arith.select %lt3A_149, %add3A_152, %broadcast_in_dim3A_146 : vector<16xi1>, vector<16xi32>
      %reshape3A_154 = vector.shape_cast %select_n3A_153 : vector<16xi32> to vector<16x1xi32>
      %gather3A_155 = vector.shape_cast %reshape3A_154 : vector<16x1xi32> to vector<16xi32>
      %gather3A_156 = tpu.dynamic_gather %select_n3A_53[%gather3A_155] in [0] : vector<16xf32>, vector<16xi32> -> vector<16xf32>
      %get3A_157 = arith.index_cast %mul3A_36 : i32 to index
      %get3A_158 = arith.constant 64 : index
      %get3A_159 = tpu.vector_load %arg11[%get3A_157, %get3A_158] {strides = array<i32>} : memref<80x144xf32, #tpu.memory_space<vmem>>, vector<1x16xf32>,
      %get3A_160 = vector.shape_cast %get3A_159 : vector<1x16xf32> to vector<16xf32>
      %mul3A_161 = arith.mulf %get3A_160, %gather3A_156 : vector<16xf32>
      %swap3A_162 = arith.index_cast %mul3A_36 : i32 to index
      %swap3A_163 = arith.constant 64 : index
      %swap3A_164 = tpu.vector_load %arg11[%swap3A_162, %swap3A_163] {strides = array<i32>} : memref<80x144xf32, #tpu.memory_space<vmem>>, vector<1x16xf32>,
      %swap3A_165 = vector.shape_cast %swap3A_164 : vector<1x16xf32> to vector<16xf32>
      %swap3A_166 = vector.shape_cast %mul3A_161 : vector<16xf32> to vector<1x16xf32>
      tpu.vector_store %arg11[%swap3A_162, %swap3A_163], %swap3A_166 {strides = array<i32>} : memref<80x144xf32, #tpu.memory_space<vmem>>, vector<1x16xf32>,
      %broadcast_in_dim3A_167 = arith.constant 5 : i32
      %broadcast_in_dim3A_168 = vector.broadcast %broadcast_in_dim3A_167 : i32 to vector<16xi32>
      %lt3A_169 = arith.constant 0 : i32
      %lt3A_170 = vector.broadcast %lt3A_169 : i32 to vector<16xi32>
      %lt3A_171 = arith.cmpi slt, %broadcast_in_dim3A_168, %lt3A_170 : vector<16xi32>
      %add3A_172 = arith.constant 16 : i32
      %add3A_173 = vector.broadcast %add3A_172 : i32 to vector<16xi32>
      %add3A_174 = arith.addi %broadcast_in_dim3A_168, %add3A_173 : vector<16xi32>
      %select_n3A_175 = arith.select %lt3A_171, %add3A_174, %broadcast_in_dim3A_168 : vector<16xi1>, vector<16xi32>
      %reshape3A_176 = vector.shape_cast %select_n3A_175 : vector<16xi32> to vector<16x1xi32>
      %gather3A_177 = vector.shape_cast %reshape3A_176 : vector<16x1xi32> to vector<16xi32>
      %gather3A_178 = tpu.dynamic_gather %select_n3A_53[%gather3A_177] in [0] : vector<16xf32>, vector<16xi32> -> vector<16xf32>
      %get3A_179 = arith.index_cast %mul3A_36 : i32 to index
      %get3A_180 = arith.constant 80 : index
      %get3A_181 = tpu.vector_load %arg11[%get3A_179, %get3A_180] {strides = array<i32>} : memref<80x144xf32, #tpu.memory_space<vmem>>, vector<1x16xf32>,
      %get3A_182 = vector.shape_cast %get3A_181 : vector<1x16xf32> to vector<16xf32>
      %mul3A_183 = arith.mulf %get3A_182, %gather3A_178 : vector<16xf32>
      %swap3A_184 = arith.index_cast %mul3A_36 : i32 to index
      %swap3A_185 = arith.constant 80 : index
      %swap3A_186 = tpu.vector_load %arg11[%swap3A_184, %swap3A_185] {strides = array<i32>} : memref<80x144xf32, #tpu.memory_space<vmem>>, vector<1x16xf32>,
      %swap3A_187 = vector.shape_cast %swap3A_186 : vector<1x16xf32> to vector<16xf32>
      %swap3A_188 = vector.shape_cast %mul3A_183 : vector<16xf32> to vector<1x16xf32>
      tpu.vector_store %arg11[%swap3A_184, %swap3A_185], %swap3A_188 {strides = array<i32>} : memref<80x144xf32, #tpu.memory_space<vmem>>, vector<1x16xf32>,
      %broadcast_in_dim3A_189 = arith.constant 6 : i32
      %broadcast_in_dim3A_190 = vector.broadcast %broadcast_in_dim3A_189 : i32 to vector<16xi32>
      %lt3A_191 = arith.constant 0 : i32
      %lt3A_192 = vector.broadcast %lt3A_191 : i32 to vector<16xi32>
      %lt3A_193 = arith.cmpi slt, %broadcast_in_dim3A_190, %lt3A_192 : vector<16xi32>
      %add3A_194 = arith.constant 16 : i32
      %add3A_195 = vector.broadcast %add3A_194 : i32 to vector<16xi32>
      %add3A_196 = arith.addi %broadcast_in_dim3A_190, %add3A_195 : vector<16xi32>
      %select_n3A_197 = arith.select %lt3A_193, %add3A_196, %broadcast_in_dim3A_190 : vector<16xi1>, vector<16xi32>
      %reshape3A_198 = vector.shape_cast %select_n3A_197 : vector<16xi32> to vector<16x1xi32>
      %gather3A_199 = vector.shape_cast %reshape3A_198 : vector<16x1xi32> to vector<16xi32>
      %gather3A_200 = tpu.dynamic_gather %select_n3A_53[%gather3A_199] in [0] : vector<16xf32>, vector<16xi32> -> vector<16xf32>
      %get3A_201 = arith.index_cast %mul3A_36 : i32 to index
      %get3A_202 = arith.constant 96 : index
      %get3A_203 = tpu.vector_load %arg11[%get3A_201, %get3A_202] {strides = array<i32>} : memref<80x144xf32, #tpu.memory_space<vmem>>, vector<1x16xf32>,
      %get3A_204 = vector.shape_cast %get3A_203 : vector<1x16xf32> to vector<16xf32>
      %mul3A_205 = arith.mulf %get3A_204, %gather3A_200 : vector<16xf32>
      %swap3A_206 = arith.index_cast %mul3A_36 : i32 to index
      %swap3A_207 = arith.constant 96 : index
      %swap3A_208 = tpu.vector_load %arg11[%swap3A_206, %swap3A_207] {strides = array<i32>} : memref<80x144xf32, #tpu.memory_space<vmem>>, vector<1x16xf32>,
      %swap3A_209 = vector.shape_cast %swap3A_208 : vector<1x16xf32> to vector<16xf32>
      %swap3A_210 = vector.shape_cast %mul3A_205 : vector<16xf32> to vector<1x16xf32>
      tpu.vector_store %arg11[%swap3A_206, %swap3A_207], %swap3A_210 {strides = array<i32>} : memref<80x144xf32, #tpu.memory_space<vmem>>, vector<1x16xf32>,
      %broadcast_in_dim3A_211 = arith.constant 7 : i32
      %broadcast_in_dim3A_212 = vector.broadcast %broadcast_in_dim3A_211 : i32 to vector<16xi32>
      %lt3A_213 = arith.constant 0 : i32
      %lt3A_214 = vector.broadcast %lt3A_213 : i32 to vector<16xi32>
      %lt3A_215 = arith.cmpi slt, %broadcast_in_dim3A_212, %lt3A_214 : vector<16xi32>
      %add3A_216 = arith.constant 16 : i32
      %add3A_217 = vector.broadcast %add3A_216 : i32 to vector<16xi32>
      %add3A_218 = arith.addi %broadcast_in_dim3A_212, %add3A_217 : vector<16xi32>
      %select_n3A_219 = arith.select %lt3A_215, %add3A_218, %broadcast_in_dim3A_212 : vector<16xi1>, vector<16xi32>
      %reshape3A_220 = vector.shape_cast %select_n3A_219 : vector<16xi32> to vector<16x1xi32>
      %gather3A_221 = vector.shape_cast %reshape3A_220 : vector<16x1xi32> to vector<16xi32>
      %gather3A_222 = tpu.dynamic_gather %select_n3A_53[%gather3A_221] in [0] : vector<16xf32>, vector<16xi32> -> vector<16xf32>
      %get3A_223 = arith.index_cast %mul3A_36 : i32 to index
      %get3A_224 = arith.constant 112 : index
      %get3A_225 = tpu.vector_load %arg11[%get3A_223, %get3A_224] {strides = array<i32>} : memref<80x144xf32, #tpu.memory_space<vmem>>, vector<1x16xf32>,
      %get3A_226 = vector.shape_cast %get3A_225 : vector<1x16xf32> to vector<16xf32>
      %mul3A_227 = arith.mulf %get3A_226, %gather3A_222 : vector<16xf32>
      %swap3A_228 = arith.index_cast %mul3A_36 : i32 to index
      %swap3A_229 = arith.constant 112 : index
      %swap3A_230 = tpu.vector_load %arg11[%swap3A_228, %swap3A_229] {strides = array<i32>} : memref<80x144xf32, #tpu.memory_space<vmem>>, vector<1x16xf32>,
      %swap3A_231 = vector.shape_cast %swap3A_230 : vector<1x16xf32> to vector<16xf32>
      %swap3A_232 = vector.shape_cast %mul3A_227 : vector<16xf32> to vector<1x16xf32>
      tpu.vector_store %arg11[%swap3A_228, %swap3A_229], %swap3A_232 {strides = array<i32>} : memref<80x144xf32, #tpu.memory_space<vmem>>, vector<1x16xf32>,
      %mul3A_233 = arith.constant 2 : i32
      %mul3A_234 = arith.muli %mul3A_233, %scan3A_34 : i32
      %add3A_235 = arith.constant 1 : i32
      %add3A_236 = arith.addi %mul3A_234, %add3A_235 : i32
      %get3A_237 = arith.index_cast %add3A_236 : i32 to index
      %get3A_238 = arith.constant 128 : index
      %get3A_239 = tpu.vector_load %arg11[%get3A_237, %get3A_238] {strides = array<i32>} : memref<80x144xf32, #tpu.memory_space<vmem>>, vector<1x16xf32>,
      %get3A_240 = vector.shape_cast %get3A_239 : vector<1x16xf32> to vector<16xf32>
      %get3A_241 = arith.index_cast %add3A_236 : i32 to index
      %get3A_242 = arith.constant 0 : index
      %get3A_243 = tpu.vector_load %arg12[%get3A_241, %get3A_242] {strides = array<i32>} : memref<80x16xf32, #tpu.memory_space<vmem>>, vector<1x16xf32>,
      %get3A_244 = vector.shape_cast %get3A_243 : vector<1x16xf32> to vector<16xf32>
      %mul3A_245 = arith.mulf %get3A_240, %get3A_244 : vector<16xf32>
      %lt3A_246 = arith.constant 0 : i32
      %lt3A_247 = vector.broadcast %lt3A_246 : i32 to vector<16xi32>
      %lt3A_248 = arith.cmpi slt, %add3A_26, %lt3A_247 : vector<16xi32>
      %add3A_249 = arith.constant 16 : i32
      %add3A_250 = vector.broadcast %add3A_249 : i32 to vector<16xi32>
      %add3A_251 = arith.addi %add3A_26, %add3A_250 : vector<16xi32>
      %select_n3A_252 = arith.select %lt3A_248, %add3A_251, %add3A_26 : vector<16xi1>, vector<16xi32>
      %reshape3A_253 = vector.shape_cast %select_n3A_252 : vector<16xi32> to vector<16x1xi32>
      %gather3A_254 = vector.shape_cast %reshape3A_253 : vector<16x1xi32> to vector<16xi32>
      %gather3A_255 = tpu.dynamic_gather %mul3A_245[%gather3A_254] in [0] : vector<16xf32>, vector<16xi32> -> vector<16xf32>
      %gt3A_256 = arith.constant 1.000000e+00 : f32
      %gt3A_257 = vector.broadcast %gt3A_256 : f32 to vector<16xf32>
      %gt3A_258 = arith.cmpf ogt, %mul3A_245, %gt3A_257 : vector<16xf32>
      %select_n3A_259 = arith.select %gt3A_258, %mul3A_245, %gather3A_255 : vector<16xi1>, vector<16xf32>
      %swap3A_260 = arith.index_cast %add3A_236 : i32 to index
      %swap3A_261 = arith.constant 128 : index
      %swap3A_262 = tpu.vector_load %arg11[%swap3A_260, %swap3A_261] {strides = array<i32>} : memref<80x144xf32, #tpu.memory_space<vmem>>, vector<1x16xf32>,
      %swap3A_263 = vector.shape_cast %swap3A_262 : vector<1x16xf32> to vector<16xf32>
      %swap3A_264 = vector.shape_cast %select_n3A_259 : vector<16xf32> to vector<1x16xf32>
      tpu.vector_store %arg11[%swap3A_260, %swap3A_261], %swap3A_264 {strides = array<i32>} : memref<80x144xf32, #tpu.memory_space<vmem>>, vector<1x16xf32>,
      %broadcast_in_dim3A_265 = arith.constant 0 : i32
      %broadcast_in_dim3A_266 = vector.broadcast %broadcast_in_dim3A_265 : i32 to vector<16xi32>
      %lt3A_267 = arith.constant 0 : i32
      %lt3A_268 = vector.broadcast %lt3A_267 : i32 to vector<16xi32>
      %lt3A_269 = arith.cmpi slt, %broadcast_in_dim3A_266, %lt3A_268 : vector<16xi32>
      %add3A_270 = arith.constant 16 : i32
      %add3A_271 = vector.broadcast %add3A_270 : i32 to vector<16xi32>
      %add3A_272 = arith.addi %broadcast_in_dim3A_266, %add3A_271 : vector<16xi32>
      %select_n3A_273 = arith.select %lt3A_269, %add3A_272, %broadcast_in_dim3A_266 : vector<16xi1>, vector<16xi32>
      %reshape3A_274 = vector.shape_cast %select_n3A_273 : vector<16xi32> to vector<16x1xi32>
      %gather3A_275 = vector.shape_cast %reshape3A_274 : vector<16x1xi32> to vector<16xi32>
      %gather3A_276 = tpu.dynamic_gather %select_n3A_259[%gather3A_275] in [0] : vector<16xf32>, vector<16xi32> -> vector<16xf32>
      %get3A_277 = arith.index_cast %add3A_236 : i32 to index
      %get3A_278 = arith.constant 0 : index
      %get3A_279 = tpu.vector_load %arg11[%get3A_277, %get3A_278] {strides = array<i32>} : memref<80x144xf32, #tpu.memory_space<vmem>>, vector<1x16xf32>,
      %get3A_280 = vector.shape_cast %get3A_279 : vector<1x16xf32> to vector<16xf32>
      %mul3A_281 = arith.mulf %get3A_280, %gather3A_276 : vector<16xf32>
      %swap3A_282 = arith.index_cast %add3A_236 : i32 to index
      %swap3A_283 = arith.constant 0 : index
      %swap3A_284 = tpu.vector_load %arg11[%swap3A_282, %swap3A_283] {strides = array<i32>} : memref<80x144xf32, #tpu.memory_space<vmem>>, vector<1x16xf32>,
      %swap3A_285 = vector.shape_cast %swap3A_284 : vector<1x16xf32> to vector<16xf32>
      %swap3A_286 = vector.shape_cast %mul3A_281 : vector<16xf32> to vector<1x16xf32>
      tpu.vector_store %arg11[%swap3A_282, %swap3A_283], %swap3A_286 {strides = array<i32>} : memref<80x144xf32, #tpu.memory_space<vmem>>, vector<1x16xf32>,
      %broadcast_in_dim3A_287 = arith.constant 1 : i32
      %broadcast_in_dim3A_288 = vector.broadcast %broadcast_in_dim3A_287 : i32 to vector<16xi32>
      %lt3A_289 = arith.constant 0 : i32
      %lt3A_290 = vector.broadcast %lt3A_289 : i32 to vector<16xi32>
      %lt3A_291 = arith.cmpi slt, %broadcast_in_dim3A_288, %lt3A_290 : vector<16xi32>
      %add3A_292 = arith.constant 16 : i32
      %add3A_293 = vector.broadcast %add3A_292 : i32 to vector<16xi32>
      %add3A_294 = arith.addi %broadcast_in_dim3A_288, %add3A_293 : vector<16xi32>
      %select_n3A_295 = arith.select %lt3A_291, %add3A_294, %broadcast_in_dim3A_288 : vector<16xi1>, vector<16xi32>
      %reshape3A_296 = vector.shape_cast %select_n3A_295 : vector<16xi32> to vector<16x1xi32>
      %gather3A_297 = vector.shape_cast %reshape3A_296 : vector<16x1xi32> to vector<16xi32>
      %gather3A_298 = tpu.dynamic_gather %select_n3A_259[%gather3A_297] in [0] : vector<16xf32>, vector<16xi32> -> vector<16xf32>
      %get3A_299 = arith.index_cast %add3A_236 : i32 to index
      %get3A_300 = arith.constant 16 : index
      %get3A_301 = tpu.vector_load %arg11[%get3A_299, %get3A_300] {strides = array<i32>} : memref<80x144xf32, #tpu.memory_space<vmem>>, vector<1x16xf32>,
      %get3A_302 = vector.shape_cast %get3A_301 : vector<1x16xf32> to vector<16xf32>
      %mul3A_303 = arith.mulf %get3A_302, %gather3A_298 : vector<16xf32>
      %swap3A_304 = arith.index_cast %add3A_236 : i32 to index
      %swap3A_305 = arith.constant 16 : index
      %swap3A_306 = tpu.vector_load %arg11[%swap3A_304, %swap3A_305] {strides = array<i32>} : memref<80x144xf32, #tpu.memory_space<vmem>>, vector<1x16xf32>,
      %swap3A_307 = vector.shape_cast %swap3A_306 : vector<1x16xf32> to vector<16xf32>
      %swap3A_308 = vector.shape_cast %mul3A_303 : vector<16xf32> to vector<1x16xf32>
      tpu.vector_store %arg11[%swap3A_304, %swap3A_305], %swap3A_308 {strides = array<i32>} : memref<80x144xf32, #tpu.memory_space<vmem>>, vector<1x16xf32>,
      %broadcast_in_dim3A_309 = arith.constant 2 : i32
      %broadcast_in_dim3A_310 = vector.broadcast %broadcast_in_dim3A_309 : i32 to vector<16xi32>
      %lt3A_311 = arith.constant 0 : i32
      %lt3A_312 = vector.broadcast %lt3A_311 : i32 to vector<16xi32>
      %lt3A_313 = arith.cmpi slt, %broadcast_in_dim3A_310, %lt3A_312 : vector<16xi32>
      %add3A_314 = arith.constant 16 : i32
      %add3A_315 = vector.broadcast %add3A_314 : i32 to vector<16xi32>
      %add3A_316 = arith.addi %broadcast_in_dim3A_310, %add3A_315 : vector<16xi32>
      %select_n3A_317 = arith.select %lt3A_313, %add3A_316, %broadcast_in_dim3A_310 : vector<16xi1>, vector<16xi32>
      %reshape3A_318 = vector.shape_cast %select_n3A_317 : vector<16xi32> to vector<16x1xi32>
      %gather3A_319 = vector.shape_cast %reshape3A_318 : vector<16x1xi32> to vector<16xi32>
      %gather3A_320 = tpu.dynamic_gather %select_n3A_259[%gather3A_319] in [0] : vector<16xf32>, vector<16xi32> -> vector<16xf32>
      %get3A_321 = arith.index_cast %add3A_236 : i32 to index
      %get3A_322 = arith.constant 32 : index
      %get3A_323 = tpu.vector_load %arg11[%get3A_321, %get3A_322] {strides = array<i32>} : memref<80x144xf32, #tpu.memory_space<vmem>>, vector<1x16xf32>,
      %get3A_324 = vector.shape_cast %get3A_323 : vector<1x16xf32> to vector<16xf32>
      %mul3A_325 = arith.mulf %get3A_324, %gather3A_320 : vector<16xf32>
      %swap3A_326 = arith.index_cast %add3A_236 : i32 to index
      %swap3A_327 = arith.constant 32 : index
      %swap3A_328 = tpu.vector_load %arg11[%swap3A_326, %swap3A_327] {strides = array<i32>} : memref<80x144xf32, #tpu.memory_space<vmem>>, vector<1x16xf32>,
      %swap3A_329 = vector.shape_cast %swap3A_328 : vector<1x16xf32> to vector<16xf32>
      %swap3A_330 = vector.shape_cast %mul3A_325 : vector<16xf32> to vector<1x16xf32>
      tpu.vector_store %arg11[%swap3A_326, %swap3A_327], %swap3A_330 {strides = array<i32>} : memref<80x144xf32, #tpu.memory_space<vmem>>, vector<1x16xf32>,
      %broadcast_in_dim3A_331 = arith.constant 3 : i32
      %broadcast_in_dim3A_332 = vector.broadcast %broadcast_in_dim3A_331 : i32 to vector<16xi32>
      %lt3A_333 = arith.constant 0 : i32
      %lt3A_334 = vector.broadcast %lt3A_333 : i32 to vector<16xi32>
      %lt3A_335 = arith.cmpi slt, %broadcast_in_dim3A_332, %lt3A_334 : vector<16xi32>
      %add3A_336 = arith.constant 16 : i32
      %add3A_337 = vector.broadcast %add3A_336 : i32 to vector<16xi32>
      %add3A_338 = arith.addi %broadcast_in_dim3A_332, %add3A_337 : vector<16xi32>
      %select_n3A_339 = arith.select %lt3A_335, %add3A_338, %broadcast_in_dim3A_332 : vector<16xi1>, vector<16xi32>
      %reshape3A_340 = vector.shape_cast %select_n3A_339 : vector<16xi32> to vector<16x1xi32>
      %gather3A_341 = vector.shape_cast %reshape3A_340 : vector<16x1xi32> to vector<16xi32>
      %gather3A_342 = tpu.dynamic_gather %select_n3A_259[%gather3A_341] in [0] : vector<16xf32>, vector<16xi32> -> vector<16xf32>
      %get3A_343 = arith.index_cast %add3A_236 : i32 to index
      %get3A_344 = arith.constant 48 : index
      %get3A_345 = tpu.vector_load %arg11[%get3A_343, %get3A_344] {strides = array<i32>} : memref<80x144xf32, #tpu.memory_space<vmem>>, vector<1x16xf32>,
      %get3A_346 = vector.shape_cast %get3A_345 : vector<1x16xf32> to vector<16xf32>
      %mul3A_347 = arith.mulf %get3A_346, %gather3A_342 : vector<16xf32>
      %swap3A_348 = arith.index_cast %add3A_236 : i32 to index
      %swap3A_349 = arith.constant 48 : index
      %swap3A_350 = tpu.vector_load %arg11[%swap3A_348, %swap3A_349] {strides = array<i32>} : memref<80x144xf32, #tpu.memory_space<vmem>>, vector<1x16xf32>,
      %swap3A_351 = vector.shape_cast %swap3A_350 : vector<1x16xf32> to vector<16xf32>
      %swap3A_352 = vector.shape_cast %mul3A_347 : vector<16xf32> to vector<1x16xf32>
      tpu.vector_store %arg11[%swap3A_348, %swap3A_349], %swap3A_352 {strides = array<i32>} : memref<80x144xf32, #tpu.memory_space<vmem>>, vector<1x16xf32>,
      %broadcast_in_dim3A_353 = arith.constant 4 : i32
      %broadcast_in_dim3A_354 = vector.broadcast %broadcast_in_dim3A_353 : i32 to vector<16xi32>
      %lt3A_355 = arith.constant 0 : i32
      %lt3A_356 = vector.broadcast %lt3A_355 : i32 to vector<16xi32>
      %lt3A_357 = arith.cmpi slt, %broadcast_in_dim3A_354, %lt3A_356 : vector<16xi32>
      %add3A_358 = arith.constant 16 : i32
      %add3A_359 = vector.broadcast %add3A_358 : i32 to vector<16xi32>
      %add3A_360 = arith.addi %broadcast_in_dim3A_354, %add3A_359 : vector<16xi32>
      %select_n3A_361 = arith.select %lt3A_357, %add3A_360, %broadcast_in_dim3A_354 : vector<16xi1>, vector<16xi32>
      %reshape3A_362 = vector.shape_cast %select_n3A_361 : vector<16xi32> to vector<16x1xi32>
      %gather3A_363 = vector.shape_cast %reshape3A_362 : vector<16x1xi32> to vector<16xi32>
      %gather3A_364 = tpu.dynamic_gather %select_n3A_259[%gather3A_363] in [0] : vector<16xf32>, vector<16xi32> -> vector<16xf32>
      %get3A_365 = arith.index_cast %add3A_236 : i32 to index
      %get3A_366 = arith.constant 64 : index
      %get3A_367 = tpu.vector_load %arg11[%get3A_365, %get3A_366] {strides = array<i32>} : memref<80x144xf32, #tpu.memory_space<vmem>>, vector<1x16xf32>,
      %get3A_368 = vector.shape_cast %get3A_367 : vector<1x16xf32> to vector<16xf32>
      %mul3A_369 = arith.mulf %get3A_368, %gather3A_364 : vector<16xf32>
      %swap3A_370 = arith.index_cast %add3A_236 : i32 to index
      %swap3A_371 = arith.constant 64 : index
      %swap3A_372 = tpu.vector_load %arg11[%swap3A_370, %swap3A_371] {strides = array<i32>} : memref<80x144xf32, #tpu.memory_space<vmem>>, vector<1x16xf32>,
      %swap3A_373 = vector.shape_cast %swap3A_372 : vector<1x16xf32> to vector<16xf32>
      %swap3A_374 = vector.shape_cast %mul3A_369 : vector<16xf32> to vector<1x16xf32>
      tpu.vector_store %arg11[%swap3A_370, %swap3A_371], %swap3A_374 {strides = array<i32>} : memref<80x144xf32, #tpu.memory_space<vmem>>, vector<1x16xf32>,
      %broadcast_in_dim3A_375 = arith.constant 5 : i32
      %broadcast_in_dim3A_376 = vector.broadcast %broadcast_in_dim3A_375 : i32 to vector<16xi32>
      %lt3A_377 = arith.constant 0 : i32
      %lt3A_378 = vector.broadcast %lt3A_377 : i32 to vector<16xi32>
      %lt3A_379 = arith.cmpi slt, %broadcast_in_dim3A_376, %lt3A_378 : vector<16xi32>
      %add3A_380 = arith.constant 16 : i32
      %add3A_381 = vector.broadcast %add3A_380 : i32 to vector<16xi32>
      %add3A_382 = arith.addi %broadcast_in_dim3A_376, %add3A_381 : vector<16xi32>
      %select_n3A_383 = arith.select %lt3A_379, %add3A_382, %broadcast_in_dim3A_376 : vector<16xi1>, vector<16xi32>
      %reshape3A_384 = vector.shape_cast %select_n3A_383 : vector<16xi32> to vector<16x1xi32>
      %gather3A_385 = vector.shape_cast %reshape3A_384 : vector<16x1xi32> to vector<16xi32>
      %gather3A_386 = tpu.dynamic_gather %select_n3A_259[%gather3A_385] in [0] : vector<16xf32>, vector<16xi32> -> vector<16xf32>
      %get3A_387 = arith.index_cast %add3A_236 : i32 to index
      %get3A_388 = arith.constant 80 : index
      %get3A_389 = tpu.vector_load %arg11[%get3A_387, %get3A_388] {strides = array<i32>} : memref<80x144xf32, #tpu.memory_space<vmem>>, vector<1x16xf32>,
      %get3A_390 = vector.shape_cast %get3A_389 : vector<1x16xf32> to vector<16xf32>
      %mul3A_391 = arith.mulf %get3A_390, %gather3A_386 : vector<16xf32>
      %swap3A_392 = arith.index_cast %add3A_236 : i32 to index
      %swap3A_393 = arith.constant 80 : index
      %swap3A_394 = tpu.vector_load %arg11[%swap3A_392, %swap3A_393] {strides = array<i32>} : memref<80x144xf32, #tpu.memory_space<vmem>>, vector<1x16xf32>,
      %swap3A_395 = vector.shape_cast %swap3A_394 : vector<1x16xf32> to vector<16xf32>
      %swap3A_396 = vector.shape_cast %mul3A_391 : vector<16xf32> to vector<1x16xf32>
      tpu.vector_store %arg11[%swap3A_392, %swap3A_393], %swap3A_396 {strides = array<i32>} : memref<80x144xf32, #tpu.memory_space<vmem>>, vector<1x16xf32>,
      %broadcast_in_dim3A_397 = arith.constant 6 : i32
      %broadcast_in_dim3A_398 = vector.broadcast %broadcast_in_dim3A_397 : i32 to vector<16xi32>
      %lt3A_399 = arith.constant 0 : i32
      %lt3A_400 = vector.broadcast %lt3A_399 : i32 to vector<16xi32>
      %lt3A_401 = arith.cmpi slt, %broadcast_in_dim3A_398, %lt3A_400 : vector<16xi32>
      %add3A_402 = arith.constant 16 : i32
      %add3A_403 = vector.broadcast %add3A_402 : i32 to vector<16xi32>
      %add3A_404 = arith.addi %broadcast_in_dim3A_398, %add3A_403 : vector<16xi32>
      %select_n3A_405 = arith.select %lt3A_401, %add3A_404, %broadcast_in_dim3A_398 : vector<16xi1>, vector<16xi32>
      %reshape3A_406 = vector.shape_cast %select_n3A_405 : vector<16xi32> to vector<16x1xi32>
      %gather3A_407 = vector.shape_cast %reshape3A_406 : vector<16x1xi32> to vector<16xi32>
      %gather3A_408 = tpu.dynamic_gather %select_n3A_259[%gather3A_407] in [0] : vector<16xf32>, vector<16xi32> -> vector<16xf32>
      %get3A_409 = arith.index_cast %add3A_236 : i32 to index
      %get3A_410 = arith.constant 96 : index
      %get3A_411 = tpu.vector_load %arg11[%get3A_409, %get3A_410] {strides = array<i32>} : memref<80x144xf32, #tpu.memory_space<vmem>>, vector<1x16xf32>,
      %get3A_412 = vector.shape_cast %get3A_411 : vector<1x16xf32> to vector<16xf32>
      %mul3A_413 = arith.mulf %get3A_412, %gather3A_408 : vector<16xf32>
      %swap3A_414 = arith.index_cast %add3A_236 : i32 to index
      %swap3A_415 = arith.constant 96 : index
      %swap3A_416 = tpu.vector_load %arg11[%swap3A_414, %swap3A_415] {strides = array<i32>} : memref<80x144xf32, #tpu.memory_space<vmem>>, vector<1x16xf32>,
      %swap3A_417 = vector.shape_cast %swap3A_416 : vector<1x16xf32> to vector<16xf32>
      %swap3A_418 = vector.shape_cast %mul3A_413 : vector<16xf32> to vector<1x16xf32>
      tpu.vector_store %arg11[%swap3A_414, %swap3A_415], %swap3A_418 {strides = array<i32>} : memref<80x144xf32, #tpu.memory_space<vmem>>, vector<1x16xf32>,
      %broadcast_in_dim3A_419 = arith.constant 7 : i32
      %broadcast_in_dim3A_420 = vector.broadcast %broadcast_in_dim3A_419 : i32 to vector<16xi32>
      %lt3A_421 = arith.constant 0 : i32
      %lt3A_422 = vector.broadcast %lt3A_421 : i32 to vector<16xi32>
      %lt3A_423 = arith.cmpi slt, %broadcast_in_dim3A_420, %lt3A_422 : vector<16xi32>
      %add3A_424 = arith.constant 16 : i32
      %add3A_425 = vector.broadcast %add3A_424 : i32 to vector<16xi32>
      %add3A_426 = arith.addi %broadcast_in_dim3A_420, %add3A_425 : vector<16xi32>
      %select_n3A_427 = arith.select %lt3A_423, %add3A_426, %broadcast_in_dim3A_420 : vector<16xi1>, vector<16xi32>
      %reshape3A_428 = vector.shape_cast %select_n3A_427 : vector<16xi32> to vector<16x1xi32>
      %gather3A_429 = vector.shape_cast %reshape3A_428 : vector<16x1xi32> to vector<16xi32>
      %gather3A_430 = tpu.dynamic_gather %select_n3A_259[%gather3A_429] in [0] : vector<16xf32>, vector<16xi32> -> vector<16xf32>
      %get3A_431 = arith.index_cast %add3A_236 : i32 to index
      %get3A_432 = arith.constant 112 : index
      %get3A_433 = tpu.vector_load %arg11[%get3A_431, %get3A_432] {strides = array<i32>} : memref<80x144xf32, #tpu.memory_space<vmem>>, vector<1x16xf32>,
      %get3A_434 = vector.shape_cast %get3A_433 : vector<1x16xf32> to vector<16xf32>
      %mul3A_435 = arith.mulf %get3A_434, %gather3A_430 : vector<16xf32>
      %swap3A_436 = arith.index_cast %add3A_236 : i32 to index
      %swap3A_437 = arith.constant 112 : index
      %swap3A_438 = tpu.vector_load %arg11[%swap3A_436, %swap3A_437] {strides = array<i32>} : memref<80x144xf32, #tpu.memory_space<vmem>>, vector<1x16xf32>,
      %swap3A_439 = vector.shape_cast %swap3A_438 : vector<1x16xf32> to vector<16xf32>
      %swap3A_440 = vector.shape_cast %mul3A_435 : vector<16xf32> to vector<1x16xf32>
      tpu.vector_store %arg11[%swap3A_436, %swap3A_437], %swap3A_440 {strides = array<i32>} : memref<80x144xf32, #tpu.memory_space<vmem>>, vector<1x16xf32>,
    }
    %scan3A_32 = arith.constant 40 : i32
    "tpu.region"() ({
      %run_scoped3A = tpu.sem_alloc : memref<!tpu.dma_semaphore, #tpu.memory_space<semaphore_mem>>
      %dma_start3A_34 = arith.constant 0 : i32
      %dma_start3A_35 = arith.constant 0 : i32
      %dma_start3A_36 = tpu.memref_slice %arg8[%dma_start3A_34, %dma_start3A_35] : memref<10240x144xf32, #tpu.memory_space<vmem_shared>> -> memref<10240x144xf32, #tpu.memory_space<vmem_shared>>
      tpu.enqueue_indirect_dma source(%arg11 : memref<80x144xf32, #tpu.memory_space<vmem>>) target(%dma_start3A_36 : memref<10240x144xf32, #tpu.memory_space<vmem_shared>>) offsets(%arg10 : memref<80xi32, #tpu.memory_space<vmem>>) semaphore(%run_scoped3A : memref<!tpu.dma_semaphore, #tpu.memory_space<semaphore_mem>>) {add = true}
      %dma_wait3A_37 = arith.constant 0 : i32
      %dma_wait3A_38 = arith.constant 0 : i32
      %dma_wait3A_39 = tpu.memref_slice %arg8[%dma_wait3A_37, %dma_wait3A_38] : memref<10240x144xf32, #tpu.memory_space<vmem_shared>> -> memref<10240x144xf32, #tpu.memory_space<vmem_shared>>
      tpu.wait_indirect_dma semaphore(%run_scoped3A : memref<!tpu.dma_semaphore, #tpu.memory_space<semaphore_mem>>) src(%arg11 : memref<80x144xf32, #tpu.memory_space<vmem>>) dst(%dma_wait3A_39 : memref<10240x144xf32, #tpu.memory_space<vmem_shared>>)
      tpu.yield
    }) : () -> ()
    %barrier3A_33 = arith.constant 0 : index
    tpu.barrier barrier_id(%barrier3A_33)
    "tpu.region"() ({
      %run_scoped3A = tpu.sem_alloc : memref<!tpu.dma_semaphore, #tpu.memory_space<semaphore_mem>>
      %dma_start3A_34 = arith.constant 0 : i32
      %dma_start3A_35 = tpu.memref_slice %arg7[%arg0, %mul3A_0, %dma_start3A_34] : memref<2x10240x144xf32, #tpu.memory_space<hbm>> -> memref<1x640x144xf32, #tpu.memory_space<hbm>>
      %dma_start3A_36 = tpu.memref_squeeze %dma_start3A_35 : memref<1x640x144xf32, #tpu.memory_space<hbm>> -> memref<640x144xf32, #tpu.memory_space<hbm>>
      %dma_start3A_37 = arith.constant 0 : i32
      %dma_start3A_38 = tpu.memref_slice %arg8[%mul3A_0, %dma_start3A_37] : memref<10240x144xf32, #tpu.memory_space<vmem_shared>> -> memref<640x144xf32, #tpu.memory_space<vmem_shared>>
      tpu.enqueue_dma source(%dma_start3A_38 : memref<640x144xf32, #tpu.memory_space<vmem_shared>>) target(%dma_start3A_36 : memref<640x144xf32, #tpu.memory_space<hbm>>) target_semaphore(%run_scoped3A : memref<!tpu.dma_semaphore, #tpu.memory_space<semaphore_mem>>)
      %dma_wait3A_39 = arith.constant 0 : i32
      %dma_wait3A_40 = tpu.memref_slice %arg7[%arg0, %mul3A_0, %dma_wait3A_39] : memref<2x10240x144xf32, #tpu.memory_space<hbm>> -> memref<1x640x144xf32, #tpu.memory_space<hbm>>
      %dma_wait3A_41 = tpu.memref_squeeze %dma_wait3A_40 : memref<1x640x144xf32, #tpu.memory_space<hbm>> -> memref<640x144xf32, #tpu.memory_space<hbm>>
      %dma_wait3A_42 = arith.constant 0 : i32
      %dma_wait3A_43 = tpu.memref_slice %arg8[%mul3A_0, %dma_wait3A_42] : memref<10240x144xf32, #tpu.memory_space<vmem_shared>> -> memref<640x144xf32, #tpu.memory_space<vmem_shared>>
      tpu.wait_dma2 semaphore(%run_scoped3A : memref<!tpu.dma_semaphore, #tpu.memory_space<semaphore_mem>>) src(%dma_wait3A_43 : memref<640x144xf32, #tpu.memory_space<vmem_shared>>) dst(%dma_wait3A_41 : memref<640x144xf32, #tpu.memory_space<hbm>>)
      tpu.yield
    }) : () -> ()
    return
  }
}

module attributes {stable_mosaic.version = 14 : i64} {
  func.func @_prep1_body(%arg0: i32, %arg1: memref<1000x8xf32, #tpu.memory_space<vmem>>, %arg2: memref<8x128xf32, #tpu.memory_space<vmem>>, %arg3: memref<1x128xf32, #tpu.memory_space<vmem>>, %arg4: memref<128x128xf32, #tpu.memory_space<vmem>>, %arg5: memref<128x8xf32, #tpu.memory_space<vmem>>, %arg6: memref<128x8xf32, #tpu.memory_space<vmem>>, %arg7: memref<8x128xf32, #tpu.memory_space<vmem>>, %arg8: memref<1000x144xf32, #tpu.memory_space<vmem>>, %arg9: memref<1000x16xf32, #tpu.memory_space<vmem>>, %arg10: memref<1000x144xf32, #tpu.memory_space<vmem>>) attributes {dimension_semantics = [#tpu.dimension_semantics<arbitrary>], iteration_bounds = array<i64: 10>, scalar_prefetch = 0 : i64, scratch_operands = 0 : i64, tpu.core_type = #tpu.core_type<tc>, window_params = [{transform_indices = @transform_0, window_bounds = array<i64: 1000, 8>}, {pipeline_mode = #tpu.pipeline_mode<synchronous>, transform_indices = @transform_1, window_bounds = array<i64: 8, 128>}, {pipeline_mode = #tpu.pipeline_mode<synchronous>, transform_indices = @transform_2, window_bounds = array<i64: 1, 128>}, {pipeline_mode = #tpu.pipeline_mode<synchronous>, transform_indices = @transform_3, window_bounds = array<i64: 128, 128>}, {pipeline_mode = #tpu.pipeline_mode<synchronous>, transform_indices = @transform_4, window_bounds = array<i64: 128, 8>}, {pipeline_mode = #tpu.pipeline_mode<synchronous>, transform_indices = @transform_5, window_bounds = array<i64: 128, 8>}, {pipeline_mode = #tpu.pipeline_mode<synchronous>, transform_indices = @transform_6, window_bounds = array<i64: 8, 128>}, {transform_indices = @transform_7, window_bounds = array<i64: 1000, 144>}, {transform_indices = @transform_8, window_bounds = array<i64: 1000, 16>}, {transform_indices = @transform_9, window_bounds = array<i64: 1000, 144>}]} {
    %get3A = arith.constant 0 : index
    %get3A_0 = arith.constant 0 : index
    %get3A_1 = vector.load %arg1[%get3A, %get3A_0] : memref<1000x8xf32, #tpu.memory_space<vmem>>, vector<1000x8xf32>
    %get3A_2 = arith.constant 0 : index
    %get3A_3 = arith.constant 0 : index
    %get3A_4 = vector.load %arg2[%get3A_2, %get3A_3] : memref<8x128xf32, #tpu.memory_space<vmem>>, vector<8x128xf32>
    %dot_general3A = arith.constant dense<0.000000e+00> : vector<1000x128xf32>
    %dot_general3A_5 = tpu.matmul %get3A_1, %get3A_4, %dot_general3A {dimension_numbers = #tpu.dot_dimension_numbers<[1], [0], [0], [1], [0, 0, 1, 1], [], []>, precision = #tpu.contract_precision<fp32>, transpose_lhs_hint = false} : vector<1000x8xf32>, vector<8x128xf32>, vector<1000x128xf32> -> vector<1000x128xf32>
    %get3A_6 = arith.constant 0 : index
    %get3A_7 = arith.constant 0 : index
    %get3A_8 = vector.load %arg3[%get3A_6, %get3A_7] : memref<1x128xf32, #tpu.memory_space<vmem>>, vector<1x128xf32>
    %add3A = vector.broadcast %get3A_8 : vector<1x128xf32> to vector<1000x128xf32>
    %add3A_9 = arith.addf %dot_general3A_5, %add3A : vector<1000x128xf32>
    %get3A_10 = arith.constant 0 : index
    %get3A_11 = arith.constant 0 : index
    %get3A_12 = vector.load %arg4[%get3A_10, %get3A_11] : memref<128x128xf32, #tpu.memory_space<vmem>>, vector<128x128xf32>
    %dot_general3A_13 = arith.constant dense<0.000000e+00> : vector<1000x128xf32>
    %dot_general3A_14 = tpu.matmul %add3A_9, %get3A_12, %dot_general3A_13 {dimension_numbers = #tpu.dot_dimension_numbers<[1], [0], [0], [1], [0, 0, 1, 1], [], []>, precision = #tpu.contract_precision<fp32>, transpose_lhs_hint = false} : vector<1000x128xf32>, vector<128x128xf32>, vector<1000x128xf32> -> vector<1000x128xf32>
    %get3A_15 = arith.constant 0 : index
    %get3A_16 = arith.constant 0 : index
    %get3A_17 = vector.load %arg5[%get3A_15, %get3A_16] : memref<128x8xf32, #tpu.memory_space<vmem>>, vector<128x8xf32>
    %get3A_18 = arith.constant 0 : index
    %get3A_19 = arith.constant 0 : index
    %get3A_20 = vector.load %arg6[%get3A_18, %get3A_19] : memref<128x8xf32, #tpu.memory_space<vmem>>, vector<128x8xf32>
    %get3A_21 = arith.constant 0 : index
    %get3A_22 = arith.constant 0 : index
    %get3A_23 = vector.load %arg7[%get3A_21, %get3A_22] : memref<8x128xf32, #tpu.memory_space<vmem>>, vector<8x128xf32>
    %dot_general3A_24 = arith.constant dense<0.000000e+00> : vector<1000x8xf32>
    %dot_general3A_25 = tpu.matmul %dot_general3A_14, %get3A_17, %dot_general3A_24 {dimension_numbers = #tpu.dot_dimension_numbers<[1], [0], [0], [1], [0, 0, 1, 1], [], []>, precision = #tpu.contract_precision<fp32>, transpose_lhs_hint = false} : vector<1000x128xf32>, vector<128x8xf32>, vector<1000x8xf32> -> vector<1000x8xf32>
    %dot_general3A_26 = arith.constant dense<0.000000e+00> : vector<1000x8xf32>
    %dot_general3A_27 = tpu.matmul %dot_general3A_14, %get3A_20, %dot_general3A_26 {dimension_numbers = #tpu.dot_dimension_numbers<[1], [0], [0], [1], [0, 0, 1, 1], [], []>, precision = #tpu.contract_precision<fp32>, transpose_lhs_hint = false} : vector<1000x128xf32>, vector<128x8xf32>, vector<1000x8xf32> -> vector<1000x8xf32>
    %add3A_28 = arith.addf %dot_general3A_25, %dot_general3A_27 : vector<1000x8xf32>
    %gt3A = arith.constant 0.000000e+00 : f32
    %gt3A_29 = vector.broadcast %gt3A : f32 to vector<1000x8xf32>
    %gt3A_30 = arith.cmpf ogt, %add3A_28, %gt3A_29 : vector<1000x8xf32>
    %mul3A = arith.constant 2.000000e-01 : f32
    %mul3A_31 = vector.broadcast %mul3A : f32 to vector<1000x8xf32>
    %mul3A_32 = arith.mulf %mul3A_31, %add3A_28 : vector<1000x8xf32>
    %select_n3A = arith.select %gt3A_30, %add3A_28, %mul3A_32 : vector<1000x8xi1>, vector<1000x8xf32>
    %exp3A = math.exp %select_n3A : vector<1000x8xf32>
    %dot_general3A_33 = arith.constant dense<0.000000e+00> : vector<1000x128xf32>
    %dot_general3A_34 = tpu.matmul %exp3A, %get3A_23, %dot_general3A_33 {dimension_numbers = #tpu.dot_dimension_numbers<[1], [0], [0], [1], [0, 0, 1, 1], [], []>, precision = #tpu.contract_precision<fp32>, transpose_lhs_hint = false} : vector<1000x8xf32>, vector<8x128xf32>, vector<1000x128xf32> -> vector<1000x128xf32>
    %broadcast_in_dim3A = arith.constant 0.000000e+00 : f32
    %broadcast_in_dim3A_35 = vector.broadcast %broadcast_in_dim3A : f32 to vector<1000x8xf32>
    %exp3A_36 = math.exp %dot_general3A_25 : vector<1000x8xf32>
    %mul3A_37 = arith.constant 2.000000e-01 : f32
    %mul3A_38 = vector.broadcast %mul3A_37 : f32 to vector<1000x8xf32>
    %mul3A_39 = arith.mulf %mul3A_38, %dot_general3A_25 : vector<1000x8xf32>
    %exp3A_40 = math.exp %mul3A_39 : vector<1000x8xf32>
    %concatenate3A = tpu.concatenate %dot_general3A_14, %exp3A_36, %exp3A_40 in 1 : vector<1000x128xf32>, vector<1000x8xf32>, vector<1000x8xf32> -> vector<1000x144xf32>
    %swap3A = arith.constant 0 : index
    %swap3A_41 = arith.constant 0 : index
    %swap3A_42 = vector.load %arg8[%swap3A, %swap3A_41] : memref<1000x144xf32, #tpu.memory_space<vmem>>, vector<1000x144xf32>
    tpu.vector_store %arg8[%swap3A, %swap3A_41], %concatenate3A {strides = array<i32>} : memref<1000x144xf32, #tpu.memory_space<vmem>>, vector<1000x144xf32>,
    %exp3A_43 = math.exp %dot_general3A_27 : vector<1000x8xf32>
    %mul3A_44 = arith.constant 2.000000e-01 : f32
    %mul3A_45 = vector.broadcast %mul3A_44 : f32 to vector<1000x8xf32>
    %mul3A_46 = arith.mulf %mul3A_45, %dot_general3A_27 : vector<1000x8xf32>
    %exp3A_47 = math.exp %mul3A_46 : vector<1000x8xf32>
    %concatenate3A_48 = tpu.concatenate %exp3A_43, %exp3A_47 in 1 : vector<1000x8xf32>, vector<1000x8xf32> -> vector<1000x16xf32>
    %swap3A_49 = arith.constant 0 : index
    %swap3A_50 = arith.constant 0 : index
    %swap3A_51 = vector.load %arg9[%swap3A_49, %swap3A_50] : memref<1000x16xf32, #tpu.memory_space<vmem>>, vector<1000x16xf32>
    tpu.vector_store %arg9[%swap3A_49, %swap3A_50], %concatenate3A_48 {strides = array<i32>} : memref<1000x16xf32, #tpu.memory_space<vmem>>, vector<1000x16xf32>,
    %mul3A_52 = arith.constant 5.000000e-01 : f32
    %mul3A_53 = vector.broadcast %mul3A_52 : f32 to vector<1000x128xf32>
    %mul3A_54 = arith.mulf %mul3A_53, %dot_general3A_14 : vector<1000x128xf32>
    %mul3A_55 = arith.mulf %mul3A_54, %dot_general3A_34 : vector<1000x128xf32>
    %mul3A_56 = arith.constant 5.000000e-01 : f32
    %mul3A_57 = vector.broadcast %mul3A_56 : f32 to vector<1000x8xf32>
    %mul3A_58 = arith.mulf %mul3A_57, %exp3A : vector<1000x8xf32>
    %concatenate3A_59 = tpu.concatenate %mul3A_55, %mul3A_58, %broadcast_in_dim3A_35 in 1 : vector<1000x128xf32>, vector<1000x8xf32>, vector<1000x8xf32> -> vector<1000x144xf32>
    %swap3A_60 = arith.constant 0 : index
    %swap3A_61 = arith.constant 0 : index
    %swap3A_62 = vector.load %arg10[%swap3A_60, %swap3A_61] : memref<1000x144xf32, #tpu.memory_space<vmem>>, vector<1000x144xf32>
    tpu.vector_store %arg10[%swap3A_60, %swap3A_61], %concatenate3A_59 {strides = array<i32>} : memref<1000x144xf32, #tpu.memory_space<vmem>>, vector<1000x144xf32>,
    return
  }
  func.func @transform_0(%arg0: i32) -> (i32, i32) {
    %c0_i32 = arith.constant 0 : i32
    %c0_i32_0 = arith.constant 0 : i32
    return %arg0, %c0_i32 : i32, i32
  }
  func.func @transform_1(%arg0: i32) -> (i32, i32) {
    %c0_i32 = arith.constant 0 : i32
    %c0_i32_0 = arith.constant 0 : i32
    %c0_i32_1 = arith.constant 0 : i32
    return %c0_i32, %c0_i32_0 : i32, i32
  }
  func.func @transform_2(%arg0: i32) -> (i32, i32) {
    %c0_i32 = arith.constant 0 : i32
    %c0_i32_0 = arith.constant 0 : i32
    %c0_i32_1 = arith.constant 0 : i32
    return %c0_i32, %c0_i32_0 : i32, i32
  }
  func.func @transform_3(%arg0: i32) -> (i32, i32) {
    %c0_i32 = arith.constant 0 : i32
    %c0_i32_0 = arith.constant 0 : i32
    %c0_i32_1 = arith.constant 0 : i32
    return %c0_i32, %c0_i32_0 : i32, i32
  }
  func.func @transform_4(%arg0: i32) -> (i32, i32) {
    %c0_i32 = arith.constant 0 : i32
    %c0_i32_0 = arith.constant 0 : i32
    %c0_i32_1 = arith.constant 0 : i32
    return %c0_i32, %c0_i32_0 : i32, i32
  }
  func.func @transform_5(%arg0: i32) -> (i32, i32) {
    %c0_i32 = arith.constant 0 : i32
    %c0_i32_0 = arith.constant 0 : i32
    %c0_i32_1 = arith.constant 0 : i32
    return %c0_i32, %c0_i32_0 : i32, i32
  }
  func.func @transform_6(%arg0: i32) -> (i32, i32) {
    %c0_i32 = arith.constant 0 : i32
    %c0_i32_0 = arith.constant 0 : i32
    %c0_i32_1 = arith.constant 0 : i32
    return %c0_i32, %c0_i32_0 : i32, i32
  }
  func.func @transform_7(%arg0: i32) -> (i32, i32) {
    %c0_i32 = arith.constant 0 : i32
    %c0_i32_0 = arith.constant 0 : i32
    return %arg0, %c0_i32 : i32, i32
  }
  func.func @transform_8(%arg0: i32) -> (i32, i32) {
    %c0_i32 = arith.constant 0 : i32
    %c0_i32_0 = arith.constant 0 : i32
    return %arg0, %c0_i32 : i32, i32
  }
  func.func @transform_9(%arg0: i32) -> (i32, i32) {
    %c0_i32 = arith.constant 0 : i32
    %c0_i32_0 = arith.constant 0 : i32
    return %arg0, %c0_i32 : i32, i32
  }
}

module attributes {stable_mosaic.version = 14 : i64} {
  func.func @_prep2_body(%arg0: i32, %arg1: memref<2x1000x144xf32, #tpu.memory_space<vmem>>, %arg2: memref<1x128xf32, #tpu.memory_space<vmem>>, %arg3: memref<128x128xf32, #tpu.memory_space<vmem>>, %arg4: memref<128x8xf32, #tpu.memory_space<vmem>>, %arg5: memref<128x8xf32, #tpu.memory_space<vmem>>, %arg6: memref<8x128xf32, #tpu.memory_space<vmem>>, %arg7: memref<1000x144xf32, #tpu.memory_space<vmem>>, %arg8: memref<1000x16xf32, #tpu.memory_space<vmem>>, %arg9: memref<1000x144xf32, #tpu.memory_space<vmem>>) attributes {dimension_semantics = [#tpu.dimension_semantics<arbitrary>], iteration_bounds = array<i64: 10>, scalar_prefetch = 0 : i64, scratch_operands = 0 : i64, tpu.core_type = #tpu.core_type<tc>, window_params = [{transform_indices = @transform_0, window_bounds = array<i64: 2, 1000, 144>}, {pipeline_mode = #tpu.pipeline_mode<synchronous>, transform_indices = @transform_1, window_bounds = array<i64: 1, 128>}, {pipeline_mode = #tpu.pipeline_mode<synchronous>, transform_indices = @transform_2, window_bounds = array<i64: 128, 128>}, {pipeline_mode = #tpu.pipeline_mode<synchronous>, transform_indices = @transform_3, window_bounds = array<i64: 128, 8>}, {pipeline_mode = #tpu.pipeline_mode<synchronous>, transform_indices = @transform_4, window_bounds = array<i64: 128, 8>}, {pipeline_mode = #tpu.pipeline_mode<synchronous>, transform_indices = @transform_5, window_bounds = array<i64: 8, 128>}, {transform_indices = @transform_6, window_bounds = array<i64: 1000, 144>}, {transform_indices = @transform_7, window_bounds = array<i64: 1000, 16>}, {transform_indices = @transform_8, window_bounds = array<i64: 1000, 144>}]} {
    %get3A = arith.constant 0 : index
    %get3A_0 = arith.constant 0 : index
    %get3A_1 = arith.constant 0 : index
    %get3A_2 = vector.load %arg1[%get3A, %get3A_0, %get3A_1] : memref<2x1000x144xf32, #tpu.memory_space<vmem>>, vector<1x1000x144xf32>
    %get3A_3 = vector.shape_cast %get3A_2 : vector<1x1000x144xf32> to vector<1000x144xf32>
    %get3A_4 = arith.constant 1 : index
    %get3A_5 = arith.constant 0 : index
    %get3A_6 = arith.constant 0 : index
    %get3A_7 = vector.load %arg1[%get3A_4, %get3A_5, %get3A_6] : memref<2x1000x144xf32, #tpu.memory_space<vmem>>, vector<1x1000x144xf32>
    %get3A_8 = vector.shape_cast %get3A_7 : vector<1x1000x144xf32> to vector<1000x144xf32>
    %add3A = arith.addf %get3A_3, %get3A_8 : vector<1000x144xf32>
    %slice3A = vector.extract_strided_slice %add3A {offsets = [0, 128], sizes = [1000, 8], strides = [1, 1]} : vector<1000x144xf32> to vector<1000x8xf32>
    %add3A_9 = arith.constant 1.000000e-16 : f32
    %add3A_10 = vector.broadcast %add3A_9 : f32 to vector<1000x8xf32>
    %add3A_11 = arith.addf %slice3A, %add3A_10 : vector<1000x8xf32>
    %div3A = arith.constant 1.000000e+00 : f32
    %div3A_12 = vector.broadcast %div3A : f32 to vector<1000x8xf32>
    %div3A_13 = arith.divf %div3A_12, %add3A_11 : vector<1000x8xf32>
    %slice3A_14 = vector.extract_strided_slice %add3A {offsets = [0, 0], sizes = [1000, 128], strides = [1, 1]} : vector<1000x144xf32> to vector<1000x128xf32>
    %get3A_15 = arith.constant 0 : index
    %get3A_16 = arith.constant 0 : index
    %get3A_17 = vector.load %arg6[%get3A_15, %get3A_16] : memref<8x128xf32, #tpu.memory_space<vmem>>, vector<8x128xf32>
    %dot_general3A = arith.constant dense<0.000000e+00> : vector<1000x128xf32>
    %dot_general3A_18 = tpu.matmul %div3A_13, %get3A_17, %dot_general3A {dimension_numbers = #tpu.dot_dimension_numbers<[1], [0], [0], [1], [0, 0, 1, 1], [], []>, precision = #tpu.contract_precision<fp32>, transpose_lhs_hint = false} : vector<1000x8xf32>, vector<8x128xf32>, vector<1000x128xf32> -> vector<1000x128xf32>
    %mul3A = arith.mulf %slice3A_14, %dot_general3A_18 : vector<1000x128xf32>
    %get3A_19 = arith.constant 0 : index
    %get3A_20 = arith.constant 0 : index
    %get3A_21 = vector.load %arg2[%get3A_19, %get3A_20] : memref<1x128xf32, #tpu.memory_space<vmem>>, vector<1x128xf32>
    %add3A_22 = vector.broadcast %get3A_21 : vector<1x128xf32> to vector<1000x128xf32>
    %add3A_23 = arith.addf %mul3A, %add3A_22 : vector<1000x128xf32>
    %max3A = arith.constant 0.000000e+00 : f32
    %max3A_24 = vector.broadcast %max3A : f32 to vector<1000x128xf32>
    %max3A_25 = arith.maximumf %add3A_23, %max3A_24 : vector<1000x128xf32>
    %get3A_26 = arith.constant 0 : index
    %get3A_27 = arith.constant 0 : index
    %get3A_28 = vector.load %arg3[%get3A_26, %get3A_27] : memref<128x128xf32, #tpu.memory_space<vmem>>, vector<128x128xf32>
    %dot_general3A_29 = arith.constant dense<0.000000e+00> : vector<1000x128xf32>
    %dot_general3A_30 = tpu.matmul %max3A_25, %get3A_28, %dot_general3A_29 {dimension_numbers = #tpu.dot_dimension_numbers<[1], [0], [0], [1], [0, 0, 1, 1], [], []>, precision = #tpu.contract_precision<fp32>, transpose_lhs_hint = false} : vector<1000x128xf32>, vector<128x128xf32>, vector<1000x128xf32> -> vector<1000x128xf32>
    %get3A_31 = arith.constant 0 : index
    %get3A_32 = arith.constant 0 : index
    %get3A_33 = vector.load %arg4[%get3A_31, %get3A_32] : memref<128x8xf32, #tpu.memory_space<vmem>>, vector<128x8xf32>
    %get3A_34 = arith.constant 0 : index
    %get3A_35 = arith.constant 0 : index
    %get3A_36 = vector.load %arg5[%get3A_34, %get3A_35] : memref<128x8xf32, #tpu.memory_space<vmem>>, vector<128x8xf32>
    %get3A_37 = arith.constant 0 : index
    %get3A_38 = arith.constant 0 : index
    %get3A_39 = vector.load %arg6[%get3A_37, %get3A_38] : memref<8x128xf32, #tpu.memory_space<vmem>>, vector<8x128xf32>
    %dot_general3A_40 = arith.constant dense<0.000000e+00> : vector<1000x8xf32>
    %dot_general3A_41 = tpu.matmul %dot_general3A_30, %get3A_33, %dot_general3A_40 {dimension_numbers = #tpu.dot_dimension_numbers<[1], [0], [0], [1], [0, 0, 1, 1], [], []>, precision = #tpu.contract_precision<fp32>, transpose_lhs_hint = false} : vector<1000x128xf32>, vector<128x8xf32>, vector<1000x8xf32> -> vector<1000x8xf32>
    %dot_general3A_42 = arith.constant dense<0.000000e+00> : vector<1000x8xf32>
    %dot_general3A_43 = tpu.matmul %dot_general3A_30, %get3A_36, %dot_general3A_42 {dimension_numbers = #tpu.dot_dimension_numbers<[1], [0], [0], [1], [0, 0, 1, 1], [], []>, precision = #tpu.contract_precision<fp32>, transpose_lhs_hint = false} : vector<1000x128xf32>, vector<128x8xf32>, vector<1000x8xf32> -> vector<1000x8xf32>
    %add3A_44 = arith.addf %dot_general3A_41, %dot_general3A_43 : vector<1000x8xf32>
    %gt3A = arith.constant 0.000000e+00 : f32
    %gt3A_45 = vector.broadcast %gt3A : f32 to vector<1000x8xf32>
    %gt3A_46 = arith.cmpf ogt, %add3A_44, %gt3A_45 : vector<1000x8xf32>
    %mul3A_47 = arith.constant 2.000000e-01 : f32
    %mul3A_48 = vector.broadcast %mul3A_47 : f32 to vector<1000x8xf32>
    %mul3A_49 = arith.mulf %mul3A_48, %add3A_44 : vector<1000x8xf32>
    %select_n3A = arith.select %gt3A_46, %add3A_44, %mul3A_49 : vector<1000x8xi1>, vector<1000x8xf32>
    %exp3A = math.exp %select_n3A : vector<1000x8xf32>
    %dot_general3A_50 = arith.constant dense<0.000000e+00> : vector<1000x128xf32>
    %dot_general3A_51 = tpu.matmul %exp3A, %get3A_39, %dot_general3A_50 {dimension_numbers = #tpu.dot_dimension_numbers<[1], [0], [0], [1], [0, 0, 1, 1], [], []>, precision = #tpu.contract_precision<fp32>, transpose_lhs_hint = false} : vector<1000x8xf32>, vector<8x128xf32>, vector<1000x128xf32> -> vector<1000x128xf32>
    %broadcast_in_dim3A = arith.constant 0.000000e+00 : f32
    %broadcast_in_dim3A_52 = vector.broadcast %broadcast_in_dim3A : f32 to vector<1000x8xf32>
    %exp3A_53 = math.exp %dot_general3A_41 : vector<1000x8xf32>
    %mul3A_54 = arith.constant 2.000000e-01 : f32
    %mul3A_55 = vector.broadcast %mul3A_54 : f32 to vector<1000x8xf32>
    %mul3A_56 = arith.mulf %mul3A_55, %dot_general3A_41 : vector<1000x8xf32>
    %exp3A_57 = math.exp %mul3A_56 : vector<1000x8xf32>
    %concatenate3A = tpu.concatenate %dot_general3A_30, %exp3A_53, %exp3A_57 in 1 : vector<1000x128xf32>, vector<1000x8xf32>, vector<1000x8xf32> -> vector<1000x144xf32>
    %swap3A = arith.constant 0 : index
    %swap3A_58 = arith.constant 0 : index
    %swap3A_59 = vector.load %arg7[%swap3A, %swap3A_58] : memref<1000x144xf32, #tpu.memory_space<vmem>>, vector<1000x144xf32>
    tpu.vector_store %arg7[%swap3A, %swap3A_58], %concatenate3A {strides = array<i32>} : memref<1000x144xf32, #tpu.memory_space<vmem>>, vector<1000x144xf32>,
    %exp3A_60 = math.exp %dot_general3A_43 : vector<1000x8xf32>
    %mul3A_61 = arith.constant 2.000000e-01 : f32
    %mul3A_62 = vector.broadcast %mul3A_61 : f32 to vector<1000x8xf32>
    %mul3A_63 = arith.mulf %mul3A_62, %dot_general3A_43 : vector<1000x8xf32>
    %exp3A_64 = math.exp %mul3A_63 : vector<1000x8xf32>
    %concatenate3A_65 = tpu.concatenate %exp3A_60, %exp3A_64 in 1 : vector<1000x8xf32>, vector<1000x8xf32> -> vector<1000x16xf32>
    %swap3A_66 = arith.constant 0 : index
    %swap3A_67 = arith.constant 0 : index
    %swap3A_68 = vector.load %arg8[%swap3A_66, %swap3A_67] : memref<1000x16xf32, #tpu.memory_space<vmem>>, vector<1000x16xf32>
    tpu.vector_store %arg8[%swap3A_66, %swap3A_67], %concatenate3A_65 {strides = array<i32>} : memref<1000x16xf32, #tpu.memory_space<vmem>>, vector<1000x16xf32>,
    %mul3A_69 = arith.constant 5.000000e-01 : f32
    %mul3A_70 = vector.broadcast %mul3A_69 : f32 to vector<1000x128xf32>
    %mul3A_71 = arith.mulf %mul3A_70, %dot_general3A_30 : vector<1000x128xf32>
    %mul3A_72 = arith.mulf %mul3A_71, %dot_general3A_51 : vector<1000x128xf32>
    %mul3A_73 = arith.constant 5.000000e-01 : f32
    %mul3A_74 = vector.broadcast %mul3A_73 : f32 to vector<1000x8xf32>
    %mul3A_75 = arith.mulf %mul3A_74, %exp3A : vector<1000x8xf32>
    %concatenate3A_76 = tpu.concatenate %mul3A_72, %mul3A_75, %broadcast_in_dim3A_52 in 1 : vector<1000x128xf32>, vector<1000x8xf32>, vector<1000x8xf32> -> vector<1000x144xf32>
    %swap3A_77 = arith.constant 0 : index
    %swap3A_78 = arith.constant 0 : index
    %swap3A_79 = vector.load %arg9[%swap3A_77, %swap3A_78] : memref<1000x144xf32, #tpu.memory_space<vmem>>, vector<1000x144xf32>
    tpu.vector_store %arg9[%swap3A_77, %swap3A_78], %concatenate3A_76 {strides = array<i32>} : memref<1000x144xf32, #tpu.memory_space<vmem>>, vector<1000x144xf32>,
    return
  }
  func.func @transform_0(%arg0: i32) -> (i32, i32, i32) {
    %c0_i32 = arith.constant 0 : i32
    %c0_i32_0 = arith.constant 0 : i32
    %c0_i32_1 = arith.constant 0 : i32
    return %c0_i32, %arg0, %c0_i32_0 : i32, i32, i32
  }
  func.func @transform_1(%arg0: i32) -> (i32, i32) {
    %c0_i32 = arith.constant 0 : i32
    %c0_i32_0 = arith.constant 0 : i32
    %c0_i32_1 = arith.constant 0 : i32
    return %c0_i32, %c0_i32_0 : i32, i32
  }
  func.func @transform_2(%arg0: i32) -> (i32, i32) {
    %c0_i32 = arith.constant 0 : i32
    %c0_i32_0 = arith.constant 0 : i32
    %c0_i32_1 = arith.constant 0 : i32
    return %c0_i32, %c0_i32_0 : i32, i32
  }
  func.func @transform_3(%arg0: i32) -> (i32, i32) {
    %c0_i32 = arith.constant 0 : i32
    %c0_i32_0 = arith.constant 0 : i32
    %c0_i32_1 = arith.constant 0 : i32
    return %c0_i32, %c0_i32_0 : i32, i32
  }
  func.func @transform_4(%arg0: i32) -> (i32, i32) {
    %c0_i32 = arith.constant 0 : i32
    %c0_i32_0 = arith.constant 0 : i32
    %c0_i32_1 = arith.constant 0 : i32
    return %c0_i32, %c0_i32_0 : i32, i32
  }
  func.func @transform_5(%arg0: i32) -> (i32, i32) {
    %c0_i32 = arith.constant 0 : i32
    %c0_i32_0 = arith.constant 0 : i32
    %c0_i32_1 = arith.constant 0 : i32
    return %c0_i32, %c0_i32_0 : i32, i32
  }
  func.func @transform_6(%arg0: i32) -> (i32, i32) {
    %c0_i32 = arith.constant 0 : i32
    %c0_i32_0 = arith.constant 0 : i32
    return %arg0, %c0_i32 : i32, i32
  }
  func.func @transform_7(%arg0: i32) -> (i32, i32) {
    %c0_i32 = arith.constant 0 : i32
    %c0_i32_0 = arith.constant 0 : i32
    return %arg0, %c0_i32 : i32, i32
  }
  func.func @transform_8(%arg0: i32) -> (i32, i32) {
    %c0_i32 = arith.constant 0 : i32
    %c0_i32_0 = arith.constant 0 : i32
    return %arg0, %c0_i32 : i32, i32
  }
}

module attributes {stable_mosaic.version = 14 : i64} {
  func.func @_final_body(%arg0: i32, %arg1: memref<2x1000x144xf32, #tpu.memory_space<vmem>>, %arg2: memref<1x128xf32, #tpu.memory_space<vmem>>, %arg3: memref<8x128xf32, #tpu.memory_space<vmem>>, %arg4: memref<128x64xf32, #tpu.memory_space<vmem>>, %arg5: memref<1x64xf32, #tpu.memory_space<vmem>>, %arg6: memref<64x8xf32, #tpu.memory_space<vmem>>, %arg7: memref<1x8xf32, #tpu.memory_space<vmem>>, %arg8: memref<1000x8xf32, #tpu.memory_space<vmem>>) attributes {dimension_semantics = [#tpu.dimension_semantics<arbitrary>], iteration_bounds = array<i64: 10>, scalar_prefetch = 0 : i64, scratch_operands = 0 : i64, tpu.core_type = #tpu.core_type<tc>, window_params = [{transform_indices = @transform_0, window_bounds = array<i64: 2, 1000, 144>}, {pipeline_mode = #tpu.pipeline_mode<synchronous>, transform_indices = @transform_1, window_bounds = array<i64: 1, 128>}, {pipeline_mode = #tpu.pipeline_mode<synchronous>, transform_indices = @transform_2, window_bounds = array<i64: 8, 128>}, {pipeline_mode = #tpu.pipeline_mode<synchronous>, transform_indices = @transform_3, window_bounds = array<i64: 128, 64>}, {pipeline_mode = #tpu.pipeline_mode<synchronous>, transform_indices = @transform_4, window_bounds = array<i64: 1, 64>}, {pipeline_mode = #tpu.pipeline_mode<synchronous>, transform_indices = @transform_5, window_bounds = array<i64: 64, 8>}, {pipeline_mode = #tpu.pipeline_mode<synchronous>, transform_indices = @transform_6, window_bounds = array<i64: 1, 8>}, {transform_indices = @transform_7, window_bounds = array<i64: 1000, 8>}]} {
    %get3A = arith.constant 0 : index
    %get3A_0 = arith.constant 0 : index
    %get3A_1 = arith.constant 0 : index
    %get3A_2 = vector.load %arg1[%get3A, %get3A_0, %get3A_1] : memref<2x1000x144xf32, #tpu.memory_space<vmem>>, vector<1x1000x144xf32>
    %get3A_3 = vector.shape_cast %get3A_2 : vector<1x1000x144xf32> to vector<1000x144xf32>
    %get3A_4 = arith.constant 1 : index
    %get3A_5 = arith.constant 0 : index
    %get3A_6 = arith.constant 0 : index
    %get3A_7 = vector.load %arg1[%get3A_4, %get3A_5, %get3A_6] : memref<2x1000x144xf32, #tpu.memory_space<vmem>>, vector<1x1000x144xf32>
    %get3A_8 = vector.shape_cast %get3A_7 : vector<1x1000x144xf32> to vector<1000x144xf32>
    %add3A = arith.addf %get3A_3, %get3A_8 : vector<1000x144xf32>
    %slice3A = vector.extract_strided_slice %add3A {offsets = [0, 128], sizes = [1000, 8], strides = [1, 1]} : vector<1000x144xf32> to vector<1000x8xf32>
    %add3A_9 = arith.constant 1.000000e-16 : f32
    %add3A_10 = vector.broadcast %add3A_9 : f32 to vector<1000x8xf32>
    %add3A_11 = arith.addf %slice3A, %add3A_10 : vector<1000x8xf32>
    %div3A = arith.constant 1.000000e+00 : f32
    %div3A_12 = vector.broadcast %div3A : f32 to vector<1000x8xf32>
    %div3A_13 = arith.divf %div3A_12, %add3A_11 : vector<1000x8xf32>
    %slice3A_14 = vector.extract_strided_slice %add3A {offsets = [0, 0], sizes = [1000, 128], strides = [1, 1]} : vector<1000x144xf32> to vector<1000x128xf32>
    %get3A_15 = arith.constant 0 : index
    %get3A_16 = arith.constant 0 : index
    %get3A_17 = vector.load %arg3[%get3A_15, %get3A_16] : memref<8x128xf32, #tpu.memory_space<vmem>>, vector<8x128xf32>
    %dot_general3A = arith.constant dense<0.000000e+00> : vector<1000x128xf32>
    %dot_general3A_18 = tpu.matmul %div3A_13, %get3A_17, %dot_general3A {dimension_numbers = #tpu.dot_dimension_numbers<[1], [0], [0], [1], [0, 0, 1, 1], [], []>, precision = #tpu.contract_precision<fp32>, transpose_lhs_hint = false} : vector<1000x8xf32>, vector<8x128xf32>, vector<1000x128xf32> -> vector<1000x128xf32>
    %mul3A = arith.mulf %slice3A_14, %dot_general3A_18 : vector<1000x128xf32>
    %get3A_19 = arith.constant 0 : index
    %get3A_20 = arith.constant 0 : index
    %get3A_21 = vector.load %arg2[%get3A_19, %get3A_20] : memref<1x128xf32, #tpu.memory_space<vmem>>, vector<1x128xf32>
    %add3A_22 = vector.broadcast %get3A_21 : vector<1x128xf32> to vector<1000x128xf32>
    %add3A_23 = arith.addf %mul3A, %add3A_22 : vector<1000x128xf32>
    %max3A = arith.constant 0.000000e+00 : f32
    %max3A_24 = vector.broadcast %max3A : f32 to vector<1000x128xf32>
    %max3A_25 = arith.maximumf %add3A_23, %max3A_24 : vector<1000x128xf32>
    %get3A_26 = arith.constant 0 : index
    %get3A_27 = arith.constant 0 : index
    %get3A_28 = vector.load %arg4[%get3A_26, %get3A_27] : memref<128x64xf32, #tpu.memory_space<vmem>>, vector<128x64xf32>
    %dot_general3A_29 = arith.constant dense<0.000000e+00> : vector<1000x64xf32>
    %dot_general3A_30 = tpu.matmul %max3A_25, %get3A_28, %dot_general3A_29 {dimension_numbers = #tpu.dot_dimension_numbers<[1], [0], [0], [1], [0, 0, 1, 1], [], []>, precision = #tpu.contract_precision<fp32>, transpose_lhs_hint = false} : vector<1000x128xf32>, vector<128x64xf32>, vector<1000x64xf32> -> vector<1000x64xf32>
    %get3A_31 = arith.constant 0 : index
    %get3A_32 = arith.constant 0 : index
    %get3A_33 = vector.load %arg5[%get3A_31, %get3A_32] : memref<1x64xf32, #tpu.memory_space<vmem>>, vector<1x64xf32>
    %add3A_34 = vector.broadcast %get3A_33 : vector<1x64xf32> to vector<1000x64xf32>
    %add3A_35 = arith.addf %dot_general3A_30, %add3A_34 : vector<1000x64xf32>
    %max3A_36 = arith.constant 0.000000e+00 : f32
    %max3A_37 = vector.broadcast %max3A_36 : f32 to vector<1000x64xf32>
    %max3A_38 = arith.maximumf %add3A_35, %max3A_37 : vector<1000x64xf32>
    %get3A_39 = arith.constant 0 : index
    %get3A_40 = arith.constant 0 : index
    %get3A_41 = vector.load %arg6[%get3A_39, %get3A_40] : memref<64x8xf32, #tpu.memory_space<vmem>>, vector<64x8xf32>
    %dot_general3A_42 = arith.constant dense<0.000000e+00> : vector<1000x8xf32>
    %dot_general3A_43 = tpu.matmul %max3A_38, %get3A_41, %dot_general3A_42 {dimension_numbers = #tpu.dot_dimension_numbers<[1], [0], [0], [1], [0, 0, 1, 1], [], []>, precision = #tpu.contract_precision<fp32>, transpose_lhs_hint = false} : vector<1000x64xf32>, vector<64x8xf32>, vector<1000x8xf32> -> vector<1000x8xf32>
    %get3A_44 = arith.constant 0 : index
    %get3A_45 = arith.constant 0 : index
    %get3A_46 = vector.load %arg7[%get3A_44, %get3A_45] : memref<1x8xf32, #tpu.memory_space<vmem>>, vector<1x8xf32>
    %add3A_47 = vector.broadcast %get3A_46 : vector<1x8xf32> to vector<1000x8xf32>
    %add3A_48 = arith.addf %dot_general3A_43, %add3A_47 : vector<1000x8xf32>
    %swap3A = arith.constant 0 : index
    %swap3A_49 = arith.constant 0 : index
    %swap3A_50 = vector.load %arg8[%swap3A, %swap3A_49] : memref<1000x8xf32, #tpu.memory_space<vmem>>, vector<1000x8xf32>
    tpu.vector_store %arg8[%swap3A, %swap3A_49], %add3A_48 {strides = array<i32>} : memref<1000x8xf32, #tpu.memory_space<vmem>>, vector<1000x8xf32>,
    return
  }
  func.func @transform_0(%arg0: i32) -> (i32, i32, i32) {
    %c0_i32 = arith.constant 0 : i32
    %c0_i32_0 = arith.constant 0 : i32
    %c0_i32_1 = arith.constant 0 : i32
    return %c0_i32, %arg0, %c0_i32_0 : i32, i32, i32
  }
  func.func @transform_1(%arg0: i32) -> (i32, i32) {
    %c0_i32 = arith.constant 0 : i32
    %c0_i32_0 = arith.constant 0 : i32
    %c0_i32_1 = arith.constant 0 : i32
    return %c0_i32, %c0_i32_0 : i32, i32
  }
  func.func @transform_2(%arg0: i32) -> (i32, i32) {
    %c0_i32 = arith.constant 0 : i32
    %c0_i32_0 = arith.constant 0 : i32
    %c0_i32_1 = arith.constant 0 : i32
    return %c0_i32, %c0_i32_0 : i32, i32
  }
  func.func @transform_3(%arg0: i32) -> (i32, i32) {
    %c0_i32 = arith.constant 0 : i32
    %c0_i32_0 = arith.constant 0 : i32
    %c0_i32_1 = arith.constant 0 : i32
    return %c0_i32, %c0_i32_0 : i32, i32
  }
  func.func @transform_4(%arg0: i32) -> (i32, i32) {
    %c0_i32 = arith.constant 0 : i32
    %c0_i32_0 = arith.constant 0 : i32
    %c0_i32_1 = arith.constant 0 : i32
    return %c0_i32, %c0_i32_0 : i32, i32
  }
  func.func @transform_5(%arg0: i32) -> (i32, i32) {
    %c0_i32 = arith.constant 0 : i32
    %c0_i32_0 = arith.constant 0 : i32
    %c0_i32_1 = arith.constant 0 : i32
    return %c0_i32, %c0_i32_0 : i32, i32
  }
  func.func @transform_6(%arg0: i32) -> (i32, i32) {
    %c0_i32 = arith.constant 0 : i32
    %c0_i32_0 = arith.constant 0 : i32
    %c0_i32_1 = arith.constant 0 : i32
    return %c0_i32, %c0_i32_0 : i32, i32
  }
  func.func @transform_7(%arg0: i32) -> (i32, i32) {
    %c0_i32 = arith.constant 0 : i32
    %c0_i32_0 = arith.constant 0 : i32
    return %arg0, %c0_i32 : i32, i32
  }
}

</mosaic_0001>

<sc_bundles>
// kernel: kernel.10.cloned.1.call-start
scs
__scs_entry_jumppad:
0x0: {  	(pc) =	sbr.rel $0x88, $3  }
0x1: {  	(tag) =	ssettag $0x0;
	lr =	simm.s32 $0x1  }
0x2: {  	[smem:$0x3F91] =	sst lr;
	_ =	strace $0xD0000000  }
0x3: {  	_ = 	snop  }
0x4: {  	_ = 	snop  }
0x5: {  	_ = 	snop  }
0x6: {  	_ = 	snop  }
0x7: {  	_ = 	snop  }
__scs_overlays_trampoline_lowered:
0x8: {  	[smem:$0x3FA0] =	sst s0  }
0x9: {  	[smem:$0x3FA1] =	sst s1  }
0xa: {  	[smem:$0x3FA2] =	sst s2  }
0xb: {  	[smem:$0x3FA3] =	sst s3  }
0xc: {  	[smem:$0x3FA4] =	sst s4  }
0xd: {  	[smem:$0x3FA5] =	sst s5  }
0xe: {  	[smem:$0x3FA6] =	sst s6  }
0xf: {  	[smem:$0x3FA7] =	sst s7  }
0x10: {  	[smem:$0x3FA8] =	sst s8  }
0x11: {  	[smem:$0x3FA9] =	sst s9;
	s0 =	simm.s32 @!p0 $0x0  }
0x12: {  	s1 =	sld [smem:$0x3F8F];
	s0 =	simm.s32 @p0 $0x1  }
0x13: {  	[smem:$0x3FAA] =	sst s0;
	s0 =	simm.s32 @!p1 $0x0  }
0x14: {  	s2 =	sld [smem:$0x3F8E];
	s0 =	simm.s32 @p1 $0x1  }
0x15: {  	[smem:$0x3FAB] =	sst s0;
	s0 =	simm.s32 @!p2 $0x0  }
0x16: {  	s3 =	sld [smem:$0x3FDB];
	s0 =	simm.s32 @p2 $0x1  }
0x17: {  	s4 =	simm.s32 $0x1BF5;
	[smem:$0x3FAD] =	sst s0  }
0x18: {  	s0 =	sld [smem:$0x3F90];
	_ =	swait.ge [sflag:s4], $0x0  }
0x19: {  	s7 =	sld [smem:$0x3F91]  }
0x1a: {  	s8 =	sadd.s32 $0xFFFFE003, lr  }
0x1b: {  	s9 =	sadd.s32 $0xFFFFFEF7, lr;
	s5 =	simm.s32 $0xFFFFFFFF;
	p2 =	slt.u32 s8, $0xFFFFF086  }
0x1c: {  	p1 =	slt.u32 s9, $0xF7A;
	s5 =	simm.s32 @!p2 $0x0  }
0x1d: {  	s5 =	simm.s32 @p1 $0x1;
	p0 =	seq.s32 s7, s2  }
0x1e: {  	s7 =	smul.u32 @!p0 $0xF7A, s2;
	p2 =	seq.s32 @!p0 s5, $0x0  }
0x1f: {  	s9 =	smul.u32 $0xF7A, s1;
	s8 =	simm.s32 @!p0 $0x1BF5;
	p2 =	por !p2, p0  }
0x20: {  	[sflag:s8] =	ssyncset.s32 @!p0 $0xFFFFF086;
	s6 =	sadd.s32 @!p0 s3, s7;
	s7 =	simm.s32 @!p0 $0x108  }
0x21: {  	s3 =	sadd.s32 s3, s9;
	s6 =	sadd.s32 @!p0 $0x88, s6;
	s7 =	simm.s32 @p2 $0x1082  }
0x22: {  	[simem:s7], [sflag:s8] =	dma.local @!p0 [hbm:s6], $0xF7A  }
0x23: {  	s9 =	sor.u32 $0xD0000000, s2;
	s6 =	simm.s32 $0x108;
	_ =	swait.ge @!p0 [sflag:s8], $0x0  }
0x24: {  	s3 =	sadd.s32 $0x88, s3;
	s6 =	simm.s32 @!p1 $0x1082;
	[sflag:s4] =	ssyncset.s32 $0xFFFFF086  }
0x25: {  	[simem:s6], [sflag:s4] =	dma.local [hbm:s3], $0xF7A  }
0x26: {  	[smem:$0x3F91] =	sst s1;
	(tag) =	ssettag s2;
	_ =	strace s9  }
0x27: {  	s1 =	sld [smem:$0x3FA1]  }
0x28: {  	s2 =	sld [smem:$0x3FA2]  }
0x29: {  	s4 =	sld [smem:$0x3FA4]  }
0x2a: {  	p0 =	seq.s32 s5, $0x0;
	s5 =	sld [smem:$0x3FA5]  }
0x2b: {  	s6 =	sld [smem:$0x3FA6]  }
0x2c: {  	s7 =	sld [smem:$0x3FA7]  }
0x2d: {  	s3 =	simm.s32 $0x108;
	s8 =	sld [smem:$0x3FA8]  }
0x2e: {  	s3 =	simm.s32 @!p0 $0x1082;
	s9 =	sld [smem:$0x3FA9]  }
0x2f: {  	lr =	sadd.s32 s0, s3;
	s0 =	sld [smem:$0x3FA0]  }
0x30: {  	s3 =	sld [smem:$0x3FA3]  }
0x31: {  	[smem:$0x3FAC] =	sst s10  }
0x32: {  	s10 =	sld [smem:$0x3FAA];
	_ =	sdelay $0x3  }
0x33: {  	p0 =	seq.s32 s10, $0x1;
	s10 =	sld [smem:$0x3FAC];
	_ =	sdelay $0x3  }
0x34: {  	[smem:$0x3FAC] =	sst s10  }
0x35: {  	s10 =	sld [smem:$0x3FAB];
	_ =	sdelay $0x3  }
0x36: {  	p1 =	seq.s32 s10, $0x1;
	s10 =	sld [smem:$0x3FAC];
	_ =	sdelay $0x3  }
0x37: {  	[smem:$0x3FAC] =	sst s10  }
0x38: {  	s10 =	sld [smem:$0x3FAD]  }
0x39: {  	_ = 	snop;
	(pc) =	sbr.ind lr, $3  }
0x3a: {  	_ = 	snop  }
0x3b: {  	_ = 	snop  }
0x3c: {  	p2 =	seq.s32 s10, $0x1;
	s10 =	sld [smem:$0x3FAC]  }
0x3d: {  	_ =	shalt  }
0x3e: {  	_ =	shalt  }
0x3f: {  	_ =	shalt  }
0x40: {  	_ =	shalt  }
0x41: {  	_ =	shalt  }
0x42: {  	_ =	shalt  }
0x43: {  	_ =	shalt  }
0x44: {  	_ =	shalt  }
0x45: {  	_ =	shalt  }
0x46: {  	_ =	shalt  }
0x47: {  	_ =	shalt  }
0x48: {  	_ =	shalt  }
0x49: {  	_ =	shalt  }
0x4a: {  	_ =	shalt  }
0x4b: {  	_ =	shalt  }
0x4c: {  	_ =	shalt  }
0x4d: {  	_ =	shalt  }
0x4e: {  	_ =	shalt  }
0x4f: {  	_ =	shalt  }
0x50: {  	_ =	shalt  }
0x51: {  	_ =	shalt  }
0x52: {  	_ =	shalt  }
0x53: {  	_ =	shalt  }
0x54: {  	_ =	shalt  }
0x55: {  	_ =	shalt  }
0x56: {  	_ =	shalt  }
0x57: {  	_ =	shalt  }
0x58: {  	_ =	shalt  }
0x59: {  	_ =	shalt  }
0x5a: {  	_ =	shalt  }
0x5b: {  	_ =	shalt  }
0x5c: {  	_ =	shalt  }
0x5d: {  	_ =	shalt  }
0x5e: {  	_ =	shalt  }
0x5f: {  	_ =	shalt  }
0x60: {  	_ =	shalt  }
0x61: {  	_ =	shalt  }
0x62: {  	_ =	shalt  }
0x63: {  	_ =	shalt  }
0x64: {  	_ =	shalt  }
0x65: {  	_ =	shalt  }
0x66: {  	_ =	shalt  }
0x67: {  	_ =	shalt  }
0x68: {  	_ =	shalt  }
0x69: {  	_ =	shalt  }
0x6a: {  	_ =	shalt  }
0x6b: {  	_ =	shalt  }
0x6c: {  	_ =	shalt  }
0x6d: {  	_ =	shalt  }
0x6e: {  	_ =	shalt  }
0x6f: {  	_ =	shalt  }
0x70: {  	_ =	shalt  }
0x71: {  	_ =	shalt  }
0x72: {  	_ =	shalt  }
0x73: {  	_ =	shalt  }
0x74: {  	_ =	shalt  }
0x75: {  	_ =	shalt  }
0x76: {  	_ =	shalt  }
0x77: {  	_ =	shalt  }
0x78: {  	_ =	shalt  }
0x79: {  	_ =	shalt  }
0x7a: {  	_ =	shalt  }
0x7b: {  	_ =	shalt  }
0x7c: {  	_ =	shalt  }
0x7d: {  	_ =	shalt  }
0x7e: {  	_ =	shalt  }
0x7f: {  	_ =	shalt  }
0x80: {  	_ =	shalt  }
0x81: {  	_ =	shalt  }
0x82: {  	_ =	shalt  }
0x83: {  	_ =	shalt  }
0x84: {  	_ =	shalt  }
0x85: {  	_ =	shalt  }
0x86: {  	_ =	shalt  }
0x87: {  	_ =	shalt  }
.Lfunc_end0:
.L_simem_size_0:
called_computation.1_lowered:
.L_overlay_start_0:
0x88: {  	s2 =	sld [smem:$0x3FD9]  }
0x89: {  	s3 =	sld [smem:$0x3FFE];
	_ =	sdelay $0x1  }
0x8a: {  	s1 =	srdreg.scid  }
0x8b: {  	s0 =	sand.u32 $0x1, s1  }
0x8c: {  	s16 =	sshll.u32 s0, $0xA;
	s2 =	sadd.s32 s3, s2  }
0x8d: {  	s2 =	sadd.s32 s2, s16  }
0x8e: {  	[smem:$0x3FB8] =	sst s2  }
0x8f: {  	_ = 	snop  }
0x90: {  	(tm) =	ssettm $0x1  }
0x91: {  	s17 =	sld [smem:$0x3FFB];
	_ =	sdelay $0x3  }
0x92: {  	_ =	strace s17  }
0x93: {  	s2 =	sld [smem:$0x3FFC];
	_ =	sdelay $0x3  }
0x94: {  	_ =	strace s2  }
0x95: {  	s2 =	sld [smem:$0x3FFD];
	_ =	sdelay $0x3  }
0x96: {  	_ =	strace s2  }
0x97: {  	_ =	strace $0x8FFFFFFF  }
0x98: {  	s18 =	sld [smem:$0x3FDB];
	_ =	sdelay $0x1  }
0x99: {  	s19 =	simm.s32 $_scs_section_size  }
0x9a: {  	s4 =	simm.s32 $_size__tile_overlayer_lowered;
	s5 =	simm.s32 $_tile_overlayer_lowered  }
0x9b: {  	s22 =	simm.s32 $0x1BFF;
	s21 =	sshll.u32 s5, $0x1;
	s2 =	sadd.s32 s19, s18  }
0x9c: {  	s6 =	simm.s32 $0x0;
	s20 =	sshll.u32 s4, $0x1;
	s4 =	sadd.s32 s21, s2  }
0x9d: {  	[timem:s6], [sflag:s22] =	dma.local [hbm:s4], s20  }
0x9e: {  	_ =	swait.ge [sflag:s22], s20  }
0x9f: {  	s3 =	ssub.s32 $0x0, s20;
	[sflag:s22] =	ssyncset.done $0x0  }
0xa0: {  	[sflag:s22] =	ssyncadd.s32 s3;
	_ =	sdelay $0x1  }
0xa1: {  	s23 =	simm.s32 $0x1B8B  }
0xa2: {  	_ =	swait.ge [sflag:s23], $0x1  }
0xa3: {  	[sflag:s23] =	ssyncset.done $0x0  }
0xa4: {  	s25 =	simm.s32 $0x1B8E;
	s24 =	sld [smem:$0x3FFE];
	[sflag:s23] =	ssyncadd.s32 $0xFFFFFFFF  }
0xa5: {  	s26 =	simm.s32 $execute0_lowered;
	[smem:$0x3FD2] =	sst s25  }
0xa6: {  	s4 =	sshll.u32 s26, $0x1;
	_ =	strace $0x80000049;
	[dreg:$0x1] =	wrdreg $0xFFFFFFFF  }
0xa7: {  	s28 =	simm.s32 $_size_execute0_lowered;
	s2 =	sadd.s32 s2, s4;
	[dreg:$0x0] =	wrdreg $0x0  }
0xa8: {  	s4 =	sshll.u32 s28, $0x1;
	[dreg:$0x2] =	wrdreg s2  }
0xa9: {  	[dreg:$0x3] =	wrdreg s4  }
0xaa: {  	[dreg:$0x4] =	wrdreg $0xC0  }
0xab: {  	_ =	task [dreg:s6], $0x5FFFF  }
0xac: {  	[dreg:$0x1] =	wrdreg $0xFFFFFFFF  }
0xad: {  	[dreg:$0x0] =	wrdreg $0x60  }
0xae: {  	[dreg:$0x2] =	wrdreg s24  }
0xaf: {  	[dreg:$0x3] =	wrdreg $0x0  }
0xb0: {  	[dreg:$0x4] =	wrdreg $0x9  }
0xb1: {  	_ =	task.clear_ibuf [dreg:s6], $0x5FFFF;
	_ =	strace $0x90000049  }
0xb2: {  	s29 =	simm.s32 $0x9;
	_ =	strace $0x8000004B  }
0xb3: {  	_ =	swait.ge [sflag:s29], $0x1  }
0xb4: {  	[sflag:s29] =	ssyncadd.s32 $0xFFFFFFFF  }
0xb5: {  	_ =	strace $0x9000004B  }
0xb6: {  	_ =	sfence  }
0xb7: {  	s30 =	sld [smem:$0x0];
	_ =	sdelay $0x2  }
0xb8: {  	s31 =	sshll.u32 s1, $0xD;
	s1 =	sshrl.u32 s1, $0x2  }
0xb9: {  	s3 =	sand.u32 $0x4000, s31;
	s1 =	sadd.s32 s1, s30  }
0xba: {  	s0 =	sor.u32 s3, s0;
	s1 =	sshll.u32 s1, $0x11  }
0xbb: {  	s0 =	sor.u32 s1, s0  }
0xbc: {  	s0 =	sadd.s32 $0x8F2B, s0  }
0xbd: {  	[sflag:s0] =	ssyncadd.remote.s32 $0x1  }
0xbe: {  	_ =	sfence.sel $0xFFFF  }
0xbf: {  	[dreg:$0x0] =	wrdreg $0xFFFFFFFF;
	(pc) =	sbr.abs _section_cstart, $3  }
0xc0: {  	[dreg:$0x1] =	wrdreg $0xFFFFFFFF  }
0xc1: {  	_ =	task.clear_ibuf [dreg:s6], $0x2FFFF;
	_ =	strace $0x9FFFFFFF  }
0xc2: {  	(tm) =	ssettm $0x7FFFFFFF  }
0xc3: {  	_ =	shalt  }
tec
execute0_lowered:
.L_overlay_start_1:
0x0: {  	(tag) =	ssettag $0x1  }
0x1: {  	s0 =	rddreg [dreg:$0x0]  }
0x2: {  	s1 =	rddreg [dreg:$0x1];
	s3 =	simm.s32 $0x0;
	s13 =	stileid.u32  }
0x3: {  	s2 =	srdreg.scid;
	s17 =	simm.s32 $0x5;
	s18 =	simm.s32 $0x16800  }
0x4: {  	s19 =	simm.s32 $0x16850;
	s20 =	simm.s32 $0x50;
	s21 =	simm.s32 $0x168A0  }
0x5: {  	s28 =	simm.s32 $0x1;
	s29 =	simm.s32 $0x2;
	s30 =	simm.s32 $0x3  }
0x6: {  	s31 =	simm.s32 $0x4;
	[smem:$0x7FF] =	sst s3;
	s4 =	sadd.s32 $0x2EC00, s0  }
0x7: {  	s8 =	smul.u32 $0x16800, s13;
	s2 =	sand.u32 $0x1, s2;
	s5 =	sadd.s32 $0x5AC00, s0  }
0x8: {  	s6 =	sadd.s32 $0x69A00, s0;
	s7 =	sadd.s32 $0x5FC00, s0;
	s22 =	sshll.u32 s13, $0x6  }
0x9: {  	_ =	strace $0x8000004A;
	s9 =	smul.u32 $0x168000, s2;
	s11 =	sshll.u32 s2, $0x4  }
0xa: {  	s2 =	ssub.s32 $0x2, s2;
	s10 =	sshrl.u32 s8, $0x3;
	s11 =	sor.u32 s13, s11  }
0xb: {  	s12 =	sshrl.u32 s2, $0x1;
	s9 =	sadd.s32 s8, s9;
	s11 =	smul.u32 $0x2710, s11  }
0xc: {  	s10 =	sadd.s32 s10, s0;
	s2 =	ssub.s32 s2, s12;
	s8 =	sadd.s32 s8, s1  }
0xd: {  	s9 =	sshrl.u32 s9, $0x3;
	s10 =	sadd.s32 $0x1C00, s10;
	s26 =	smax.u32 s2, $0x1  }
0xe: {  	s8 =	sshrl.u32 s8, $0x3;
	s0 =	sadd.s32 s9, s0;
	[dreg:$0x3] =	wrdreg s10  }
0xf: {  	s23 =	sshrl.u32 s11, $0x3;
	s9 =	sor.u32 $0x1C05, s22;
	[dreg:$0x7] =	wrdreg s26  }
0x10: {  	s12 =	sadd.s32 $0x50, s11;
	[dreg:$0x8] =	wrdreg s8;
	s24 =	sadd.s32 s6, s23  }
0x11: {  	v0 =	vlaneseq.u32;
	s13 =	sadd.s32 $0xA0, s11;
	s25 =	sadd.s32 s7, s23;
	[dreg:$0x4] =	wrdreg s24  }
0x12: {  	v1 =	vimm.s32 $0x0;
	v2 =	vimm.s32 $0x1;
	v3 =	vimm.s32 $0x2;
	s22 =	simm.s32 $0x195A0;
	s0 =	sadd.s32 $0x73800, s0;
	[dreg:$0x5] =	wrdreg s25  }
0x13: {  	v4 =	vimm.s32 $0x3;
	v5 =	vimm.s32 $0x4;
	v6 =	vimm.s32 $0x5;
	s26 =	simm.s32 $0x1C840;
	s23 =	simm.s32 $0x19AA0;
	[dreg:$0x6] =	wrdreg s0  }
0x14: {  	v7 =	vimm.s32 $0x6;
	v8 =	vimm.s32 $0x7;
	v0 =	vor.u32 $0x8, v0;
	s24 =	simm.s32 $0x19AF0;
	s25 =	simm.s32 $0x19B40;
	s0 =	simm.s32 $0x0  }
.LBB2_1:
0x15: {  	s2 =	rddreg [dreg:$0x3]  }
0x16: {  	[spmem:s8], [sflag:s9] =	dma.local [hbm:s2], $0x2D00  }
0x17: {  	_ =	swait.ge [sflag:s17], $0x2D00  }
0x18: {  	[sflag:s17] =	ssyncset.done $0x0  }
0x19: {  	[sflag:s17] =	ssyncadd.s32 $0xFFFFD300  }
0x1a: {  	[bflag:$0x0] =	sbarrier.arrive $0xFFFF  }
0x1b: {  	s14 =	rddreg [dreg:$0x4]  }
0x1c: {  	[tilespmem:s18], [sflag:$0x5] =	stream.linear.gather [hbm4b:s14+s3], $0x50, $0x38;
	[tilespmem:$0x1CD40] =	vst v63  }
0x1d: {  	_ =	swait.ge [sflag:s17], $0x50  }
0x1e: {  	[sflag:s17] =	ssyncset.done $0x0  }
0x1f: {  	s15 =	rddreg [dreg:$0x5];
	[sflag:s17] =	ssyncadd.s32 $0xFFFFFFB0  }
0x20: {  	[tilespmem:s19], [sflag:$0x5] =	stream.linear.gather [hbm4b:s15+s3], $0x50, $0x38;
	[tilespmem:$0x1CD40] =	vst v63  }
0x21: {  	_ =	swait.ge [sflag:s17], $0x50  }
0x22: {  	[sflag:s17] =	ssyncset.done $0x0  }
0x23: {  	[sflag:s17] =	ssyncadd.s32 $0xFFFFFFB0  }
0x24: {  	[tilespmem:s21], [sflag:$0x1] =	stream.indirect.gather [hbm4b:s4+s20], $0x90, s18, s20, $0xb8;
	[tilespmem:$0x1CD40] =	vst v63  }
0x25: {  	s16 =	smov.u32 s9;
	s2 =	simm.s32 $0x0  }
0x26: {  	[tilespmem:s22], [sflag:$0x2] =	stream.indirect.gather [hbm4b:s5+s20], $0x10, s19, s20, $0xb8;
	[tilespmem:$0x1CD40] =	vst v63  }
.LBB2_2:
0x27: {  	s8 =	smul.u32 $0xA0, s2;
	_ =	sdelay $0x1  }
0x28: {  	s10 =	sadd.s32 s8, s12  }
0x29: {  	s10 =	sshrl.u32 s10, $0x3  }
0x2a: {  	s11 =	sadd.s32 s6, s10  }
0x2b: {  	[tilespmem:s23], [sflag:$0x5] =	stream.linear.gather [hbm4b:s11+s3], $0x50, $0x38;
	[tilespmem:$0x1CD40] =	vst v63  }
0x2c: {  	_ =	swait.ge [sflag:s17], $0x50  }
0x2d: {  	[sflag:s17] =	ssyncset.done $0x0  }
0x2e: {  	s10 =	sadd.s32 s7, s10;
	[sflag:s17] =	ssyncadd.s32 $0xFFFFFFB0  }
0x2f: {  	[tilespmem:s24], [sflag:$0x5] =	stream.linear.gather [hbm4b:s10+s3], $0x50, $0x38;
	[tilespmem:$0x1CD40] =	vst v63  }
0x30: {  	_ =	swait.ge [sflag:s17], $0x50  }
0x31: {  	[sflag:s17] =	ssyncset.done $0x0  }
0x32: {  	[sflag:s17] =	ssyncadd.s32 $0xFFFFFFB0  }
0x33: {  	[tilespmem:s25], [sflag:$0x3] =	stream.indirect.gather [hbm4b:s4+s20], $0x90, s23, s20, $0xb8;
	[tilespmem:$0x1CD40] =	vst v63  }
0x34: {  	_ = 	snop  }
0x35: {  	[tilespmem:s26], [sflag:$0x4] =	stream.indirect.gather [hbm4b:s5+s20], $0x10, s24, s20, $0xb8;
	[tilespmem:$0x1CD40] =	vst v63  }
0x36: {  	_ =	swait.ge [sflag:s28], $0x2D00  }
0x37: {  	[sflag:s28] =	ssyncset.done $0x0  }
0x38: {  	[sflag:s28] =	ssyncadd.s32 $0xFFFFD300  }
0x39: {  	_ =	swait.ge [sflag:s29], $0x500  }
0x3a: {  	[sflag:s29] =	ssyncset.done $0x0  }
0x3b: {  	s10 =	simm.s32 $0x16930;
	[sflag:s29] =	ssyncadd.s32 $0xFFFFFB00  }
0x3c: {  	s11 =	simm.s32 $0x10;
	v9 =	vld [tilespmem:s10+$0xFFFFFFF0]  }
0x3d: {  	v10 =	vld [tilespmem:s11+$0x19590];
	_ =	sdelay $0x4  }
0x3e: {  	v9 =	vmul.f32 v10, v9;
	_ =	sdelay $0x1  }
0x3f: {  	v12 =	vld [tilespmem:s10+$0xFFFFFF90];
	v10 =	vperm.xlane v9, v0  }
0x40: {  	v14 =	vld [tilespmem:s10+$0xFFFFFF80];
	vm0 =	vgt.f32 v9, $1.000000000e+00  }
0x41: {  	v15 =	vld [tilespmem:s10+$0xFFFFFFB0];
	v17 =	vsel vm0, v9, v10  }
0x42: {  	v18 =	vld [tilespmem:s10+$0xFFFFFFC0];
	v10 =	vperm.xlane v17, v1;
	v13 =	vperm.xlane v17, v3  }
0x43: {  	v9 =	vld [tilespmem:s10+$0xFFFFFF70];
	v16 =	vperm.xlane v17, v2;
	v11 =	vperm.xlane v17, v4  }
0x44: {  	v20 =	vperm.xlane v17, v5;
	v19 =	vmul.f32 v12, v13;
	v13 =	vld [tilespmem:s10+$0xFFFFFFA0]  }
0x45: {  	[tilespmem:s10+$0xFFFFFFF0] =	vst v17;
	v22 =	vperm.xlane v17, v6;
	v21 =	vmul.f32 v14, v16  }
0x46: {  	v12 =	vld [tilespmem:s10+$0xFFFFFFE0];
	v16 =	vmul.f32 v15, v20;
	v14 =	vperm.xlane v17, v7;
	[tilespmem:s10+$0xFFFFFF90] =	vst v19  }
0x47: {  	s14 =	simm.s32 $0xC0;
	s15 =	simm.s32 $0x16930;
	v15 =	vld [tilespmem:s10+$0xFFFFFFD0];
	v18 =	vmul.f32 v18, v22;
	v17 =	vperm.xlane v17, v8;
	[tilespmem:s10+$0xFFFFFF80] =	vst v21  }
.LBB2_3:
0x48: {  	p0 =	sne.s32 s14, $0x13C0  }
0x49: {  	v9 =	vmul.f32 v9, v10;
	v10 =	vmul.f32 v13, v11;
	[tilespmem:s10+$0xFFFFFFB0] =	vst v16;
	s15 =	sadd.s32 $0x120, s15;
	s9 =	smov.u32 s14;
	s14 =	sadd.s32 $0x80, s14  }
0x4a: {  	[tilespmem:s10+$0xFFFFFFC0] =	vst v18  }
0x4b: {  	[tilespmem:s10+$0xFFFFFF70] =	vst v9;
	v9 =	vmul.f32 v12, v17  }
0x4c: {  	[tilespmem:s10+$0xFFFFFFA0] =	vst v10;
	v10 =	vmul.f32 v15, v14  }
0x4d: {  	[tilespmem:s10+$0xFFFFFFE0] =	vst v9  }
0x4e: {  	[tilespmem:s10+$0xFFFFFFD0] =	vst v10;
	v9 =	vld [tilespmem:s10+$0x80]  }
0x4f: {  	v10 =	vld [tilespmem:s11+$0x195A0];
	_ =	sdelay $0x4  }
0x50: {  	v9 =	vmul.f32 v10, v9  }
0x51: {  	v10 =	vld [tilespmem:s10+$0x60]  }
0x52: {  	v11 =	vperm.xlane v9, v0;
	v12 =	vld [tilespmem:s10+$0x0]  }
0x53: {  	s11 =	sshra.s32 s9, $0x2;
	vm0 =	vgt.f32 v9, $1.000000000e+00;
	v13 =	vld [tilespmem:s10+$0x20]  }
0x54: {  	v9 =	vsel vm0, v9, v11;
	v11 =	vld [tilespmem:s10+$0x10]  }
0x55: {  	[tilespmem:s10+$0x80] =	vst v9;
	v14 =	vperm.xlane v9, v1;
	v15 =	vld [tilespmem:s10+$0x40];
	v16 =	vperm.xlane v9, v8  }
0x56: {  	v17 =	vperm.xlane v9, v3;
	v19 =	vperm.xlane v9, v7;
	v18 =	vld [tilespmem:s10+$0x50]  }
0x57: {  	v12 =	vmul.f32 v12, v14;
	v14 =	vperm.xlane v9, v2;
	v20 =	vld [tilespmem:s10+$0x70]  }
0x58: {  	v21 =	vperm.xlane v9, v5;
	v13 =	vmul.f32 v13, v17;
	v17 =	vld [tilespmem:s10+$0x30]  }
0x59: {  	[tilespmem:s10+$0x0] =	vst v12;
	v11 =	vmul.f32 v11, v14;
	v12 =	vperm.xlane v9, v6  }
0x5a: {  	v10 =	vmul.f32 v10, v19;
	[tilespmem:s10+$0x20] =	vst v13;
	v13 =	vmul.f32 v15, v21  }
0x5b: {  	v9 =	vperm.xlane v9, v4;
	[tilespmem:s10+$0x10] =	vst v11;
	v11 =	vmul.f32 v18, v12  }
0x5c: {  	[tilespmem:s10+$0x60] =	vst v10;
	v10 =	vmul.f32 v20, v16  }
0x5d: {  	v9 =	vmul.f32 v17, v9;
	[tilespmem:s10+$0x40] =	vst v13  }
0x5e: {  	[tilespmem:s10+$0x70] =	vst v10  }
0x5f: {  	[tilespmem:s10+$0x50] =	vst v11  }
0x60: {  	v10 =	vld [tilespmem:s15+$0xFFFFFFF0];
	[tilespmem:s10+$0x30] =	vst v9;
	s10 =	smov.u32 s15  }
0x61: {  	v9 =	vld [tilespmem:s11+$0x19590];
	_ =	sdelay $0x4  }
0x62: {  	v10 =	vmul.f32 v9, v10  }
0x63: {  	v9 =	vld [tilespmem:s15+$0xFFFFFF70]  }
0x64: {  	v11 =	vperm.xlane v10, v0;
	vm0 =	vgt.f32 v10, $1.000000000e+00;
	v12 =	vld [tilespmem:s15+$0xFFFFFF90]  }
0x65: {  	v14 =	vld [tilespmem:s15+$0xFFFFFF80]  }
0x66: {  	v17 =	vsel vm0, v10, v11;
	v15 =	vld [tilespmem:s15+$0xFFFFFFB0]  }
0x67: {  	[tilespmem:s15+$0xFFFFFFF0] =	vst v17;
	v10 =	vperm.xlane v17, v1;
	v16 =	vperm.xlane v17, v3;
	v18 =	vld [tilespmem:s15+$0xFFFFFFC0]  }
.Ltmp0:
0x68: {  	v19 =	vperm.xlane v17, v2;
	v11 =	vperm.xlane v17, v4;
	v13 =	vld [tilespmem:s15+$0xFFFFFFA0];
	(pc) =	sbr.rel @p0 .LBB2_3-.Ltmp0, $4  }
0x69: {  	v20 =	vperm.xlane v17, v5;
	v16 =	vmul.f32 v12, v16  }
0x6a: {  	v21 =	vperm.xlane v17, v6;
	v19 =	vmul.f32 v14, v19;
	v12 =	vld [tilespmem:s15+$0xFFFFFFE0]  }
0x6b: {  	v14 =	vperm.xlane v17, v7;
	[tilespmem:s15+$0xFFFFFF90] =	vst v16;
	v16 =	vmul.f32 v15, v20;
	v15 =	vld [tilespmem:s15+$0xFFFFFFD0]  }
0x6c: {  	v17 =	vperm.xlane v17, v8;
	[tilespmem:s15+$0xFFFFFF80] =	vst v19;
	v18 =	vmul.f32 v18, v21  }
0x6d: {  	v9 =	vmul.f32 v9, v10;
	[tilespmem:s10+$0xFFFFFFB0] =	vst v16  }
0x6e: {  	v10 =	vmul.f32 v13, v11;
	[tilespmem:s10+$0xFFFFFFC0] =	vst v18  }
0x6f: {  	[tilespmem:s10+$0xFFFFFF70] =	vst v9;
	v9 =	vmul.f32 v12, v17  }
0x70: {  	[tilespmem:s10+$0xFFFFFFA0] =	vst v10;
	v10 =	vmul.f32 v15, v14  }
0x71: {  	[tilespmem:s10+$0xFFFFFFE0] =	vst v9  }
0x72: {  	v9 =	vld [tilespmem:s10+$0x80];
	[tilespmem:s10+$0xFFFFFFD0] =	vst v10  }
0x73: {  	v10 =	vld [tilespmem:s11+$0x195A0];
	_ =	sdelay $0x4  }
0x74: {  	v9 =	vmul.f32 v10, v9;
	_ =	sdelay $0x1  }
0x75: {  	v12 =	vld [tilespmem:s10+$0x0];
	v11 =	vperm.xlane v9, v0  }
0x76: {  	v13 =	vld [tilespmem:s10+$0x20];
	vm0 =	vgt.f32 v9, $1.000000000e+00  }
0x77: {  	v10 =	vld [tilespmem:s10+$0x60];
	v9 =	vsel vm0, v9, v11  }
0x78: {  	v11 =	vld [tilespmem:s10+$0x10];
	v14 =	vperm.xlane v9, v1  }
0x79: {  	v15 =	vld [tilespmem:s10+$0x40];
	v16 =	vperm.xlane v9, v3  }
0x7a: {  	v18 =	vld [tilespmem:s10+$0x70];
	v19 =	vperm.xlane v9, v7;
	v12 =	vmul.f32 v12, v14  }
0x7b: {  	v17 =	vld [tilespmem:s10+$0x50];
	[tilespmem:s10+$0x80] =	vst v9;
	v14 =	vperm.xlane v9, v2;
	v13 =	vmul.f32 v13, v16  }
0x7c: {  	v20 =	vperm.xlane v9, v5;
	v16 =	vld [tilespmem:s10+$0x30];
	v10 =	vmul.f32 v10, v19;
	[tilespmem:s10+$0x0] =	vst v12  }
0x7d: {  	v11 =	vmul.f32 v11, v14;
	v12 =	vperm.xlane v9, v8;
	[tilespmem:s10+$0x20] =	vst v13  }
0x7e: {  	v13 =	vperm.xlane v9, v6;
	v14 =	vmul.f32 v15, v20;
	[tilespmem:s10+$0x60] =	vst v10  }
0x7f: {  	v9 =	vperm.xlane v9, v4;
	[tilespmem:s10+$0x10] =	vst v11;
	v10 =	vmul.f32 v18, v12  }
0x80: {  	v11 =	vmul.f32 v17, v13;
	[tilespmem:s10+$0x40] =	vst v14  }
0x81: {  	v9 =	vmul.f32 v16, v9;
	[tilespmem:s10+$0x70] =	vst v10  }
0x82: {  	[tilespmem:s10+$0x50] =	vst v11  }
0x83: {  	[tilespmem:s10+$0x30] =	vst v9  }
0x84: {  	[spmem:s1] =	stream.indirect.scatter.add.f32 [tilespmem:s21], [sflag:$0x5], $0x90, s19, s20, $0xb8;
	[tilespmem:$0x1CD40] =	vst v63  }
0x85: {  	s8 =	sadd.s32 s8, s13;
	_ =	swait.ge [sflag:s17], $0x2D00  }
0x86: {  	s8 =	sshrl.u32 s8, $0x3;
	[sflag:s17] =	ssyncset.done $0x0  }
0x87: {  	s9 =	sadd.s32 s6, s8;
	[sflag:s17] =	ssyncadd.s32 $0xFFFFD300  }
0x88: {  	[tilespmem:s18], [sflag:$0x5] =	stream.linear.gather [hbm4b:s9+s3], $0x50, $0x38;
	[tilespmem:$0x1CD40] =	vst v63  }
0x89: {  	_ =	swait.ge [sflag:s17], $0x50  }
0x8a: {  	[sflag:s17] =	ssyncset.done $0x0  }
0x8b: {  	s8 =	sadd.s32 s7, s8;
	[sflag:s17] =	ssyncadd.s32 $0xFFFFFFB0  }
0x8c: {  	[tilespmem:s19], [sflag:$0x5] =	stream.linear.gather [hbm4b:s8+s3], $0x50, $0x38;
	[tilespmem:$0x1CD40] =	vst v63  }
0x8d: {  	_ =	swait.ge [sflag:s17], $0x50  }
0x8e: {  	[sflag:s17] =	ssyncset.done $0x0  }
0x8f: {  	[sflag:s17] =	ssyncadd.s32 $0xFFFFFFB0  }
0x90: {  	[tilespmem:s21], [sflag:$0x1] =	stream.indirect.gather [hbm4b:s4+s20], $0x90, s18, s20, $0xb8;
	[tilespmem:$0x1CD40] =	vst v63  }
0x91: {  	_ = 	snop  }
0x92: {  	[tilespmem:s22], [sflag:$0x2] =	stream.indirect.gather [hbm4b:s5+s20], $0x10, s19, s20, $0xb8;
	[tilespmem:$0x1CD40] =	vst v63  }
0x93: {  	_ =	swait.ge [sflag:s30], $0x2D00  }
0x94: {  	[sflag:s30] =	ssyncset.done $0x0  }
0x95: {  	[sflag:s30] =	ssyncadd.s32 $0xFFFFD300  }
0x96: {  	_ =	swait.ge [sflag:s31], $0x500  }
0x97: {  	[sflag:s31] =	ssyncset.done $0x0  }
0x98: {  	s8 =	simm.s32 $0x19BD0;
	[sflag:s31] =	ssyncadd.s32 $0xFFFFFB00  }
0x99: {  	s10 =	simm.s32 $0x10;
	v9 =	vld [tilespmem:s8+$0xFFFFFFF0]  }
0x9a: {  	v10 =	vld [tilespmem:s10+$0x1C830];
	_ =	sdelay $0x4  }
0x9b: {  	v9 =	vmul.f32 v10, v9;
	_ =	sdelay $0x1  }
0x9c: {  	v12 =	vld [tilespmem:s8+$0xFFFFFF90];
	v10 =	vperm.xlane v9, v0  }
0x9d: {  	v14 =	vld [tilespmem:s8+$0xFFFFFF80];
	vm15 =	vgt.f32 v9, $1.000000000e+00  }
0x9e: {  	v15 =	vld [tilespmem:s8+$0xFFFFFFB0];
	v17 =	vsel vm15, v9, v10  }
0x9f: {  	v18 =	vld [tilespmem:s8+$0xFFFFFFC0];
	v10 =	vperm.xlane v17, v1;
	v13 =	vperm.xlane v17, v3  }
0xa0: {  	v9 =	vld [tilespmem:s8+$0xFFFFFF70];
	v16 =	vperm.xlane v17, v2;
	v11 =	vperm.xlane v17, v4  }
0xa1: {  	v20 =	vperm.xlane v17, v5;
	v19 =	vmul.f32 v12, v13;
	v13 =	vld [tilespmem:s8+$0xFFFFFFA0]  }
0xa2: {  	[tilespmem:s8+$0xFFFFFFF0] =	vst v17;
	v22 =	vperm.xlane v17, v6;
	v21 =	vmul.f32 v14, v16  }
0xa3: {  	v12 =	vld [tilespmem:s8+$0xFFFFFFE0];
	v16 =	vmul.f32 v15, v20;
	v14 =	vperm.xlane v17, v7;
	[tilespmem:s8+$0xFFFFFF90] =	vst v19  }
0xa4: {  	s14 =	simm.s32 $0x19BD0;
	s11 =	simm.s32 $0xC0;
	v15 =	vld [tilespmem:s8+$0xFFFFFFD0];
	v18 =	vmul.f32 v18, v22;
	v17 =	vperm.xlane v17, v8;
	[tilespmem:s8+$0xFFFFFF80] =	vst v21  }
.LBB2_5:
0xa5: {  	p0 =	sne.s32 s11, $0x13C0  }
0xa6: {  	v9 =	vmul.f32 v9, v10;
	v10 =	vmul.f32 v13, v11;
	[tilespmem:s8+$0xFFFFFFB0] =	vst v16;
	s14 =	sadd.s32 $0x120, s14;
	s9 =	smov.u32 s11;
	s11 =	sadd.s32 $0x80, s11  }
0xa7: {  	[tilespmem:s8+$0xFFFFFFC0] =	vst v18  }
0xa8: {  	[tilespmem:s8+$0xFFFFFF70] =	vst v9;
	v9 =	vmul.f32 v12, v17  }
0xa9: {  	[tilespmem:s8+$0xFFFFFFA0] =	vst v10;
	v10 =	vmul.f32 v15, v14  }
0xaa: {  	[tilespmem:s8+$0xFFFFFFE0] =	vst v9  }
0xab: {  	[tilespmem:s8+$0xFFFFFFD0] =	vst v10;
	v9 =	vld [tilespmem:s8+$0x80]  }
0xac: {  	v10 =	vld [tilespmem:s10+$0x1C840];
	_ =	sdelay $0x4  }
0xad: {  	v9 =	vmul.f32 v10, v9  }
0xae: {  	v10 =	vld [tilespmem:s8+$0x60]  }
0xaf: {  	v11 =	vperm.xlane v9, v0;
	v12 =	vld [tilespmem:s8+$0x0]  }
0xb0: {  	s10 =	sshra.s32 s9, $0x2;
	vm0 =	vgt.f32 v9, $1.000000000e+00;
	v13 =	vld [tilespmem:s8+$0x20]  }
0xb1: {  	v9 =	vsel vm0, v9, v11;
	v11 =	vld [tilespmem:s8+$0x10]  }
0xb2: {  	[tilespmem:s8+$0x80] =	vst v9;
	v14 =	vperm.xlane v9, v1;
	v15 =	vld [tilespmem:s8+$0x40];
	v16 =	vperm.xlane v9, v8  }
0xb3: {  	v17 =	vperm.xlane v9, v3;
	v19 =	vperm.xlane v9, v7;
	v18 =	vld [tilespmem:s8+$0x50]  }
0xb4: {  	v12 =	vmul.f32 v12, v14;
	v14 =	vperm.xlane v9, v2;
	v20 =	vld [tilespmem:s8+$0x70]  }
0xb5: {  	v21 =	vperm.xlane v9, v5;
	v13 =	vmul.f32 v13, v17;
	v17 =	vld [tilespmem:s8+$0x30]  }
0xb6: {  	[tilespmem:s8+$0x0] =	vst v12;
	v11 =	vmul.f32 v11, v14;
	v12 =	vperm.xlane v9, v6  }
0xb7: {  	v10 =	vmul.f32 v10, v19;
	[tilespmem:s8+$0x20] =	vst v13;
	v13 =	vmul.f32 v15, v21  }
0xb8: {  	v9 =	vperm.xlane v9, v4;
	[tilespmem:s8+$0x10] =	vst v11;
	v11 =	vmul.f32 v18, v12  }
0xb9: {  	[tilespmem:s8+$0x60] =	vst v10;
	v10 =	vmul.f32 v20, v16  }
0xba: {  	v9 =	vmul.f32 v17, v9;
	[tilespmem:s8+$0x40] =	vst v13  }
0xbb: {  	[tilespmem:s8+$0x70] =	vst v10  }
0xbc: {  	[tilespmem:s8+$0x50] =	vst v11  }
0xbd: {  	v10 =	vld [tilespmem:s14+$0xFFFFFFF0];
	[tilespmem:s8+$0x30] =	vst v9;
	s8 =	smov.u32 s14  }
0xbe: {  	v9 =	vld [tilespmem:s10+$0x1C830];
	_ =	sdelay $0x4  }
0xbf: {  	v10 =	vmul.f32 v9, v10  }
0xc0: {  	v9 =	vld [tilespmem:s14+$0xFFFFFF70]  }
0xc1: {  	v11 =	vperm.xlane v10, v0;
	vm0 =	vgt.f32 v10, $1.000000000e+00;
	v12 =	vld [tilespmem:s14+$0xFFFFFF90]  }
0xc2: {  	v14 =	vld [tilespmem:s14+$0xFFFFFF80]  }
0xc3: {  	v17 =	vsel vm0, v10, v11;
	v15 =	vld [tilespmem:s14+$0xFFFFFFB0]  }
0xc4: {  	[tilespmem:s14+$0xFFFFFFF0] =	vst v17;
	v10 =	vperm.xlane v17, v1;
	v16 =	vperm.xlane v17, v3;
	v18 =	vld [tilespmem:s14+$0xFFFFFFC0]  }
.Ltmp1:
0xc5: {  	v19 =	vperm.xlane v17, v2;
	v11 =	vperm.xlane v17, v4;
	v13 =	vld [tilespmem:s14+$0xFFFFFFA0];
	(pc) =	sbr.rel @p0 .LBB2_5-.Ltmp1, $4  }
0xc6: {  	v20 =	vperm.xlane v17, v5;
	v16 =	vmul.f32 v12, v16  }
0xc7: {  	v21 =	vperm.xlane v17, v6;
	v19 =	vmul.f32 v14, v19;
	v12 =	vld [tilespmem:s14+$0xFFFFFFE0]  }
0xc8: {  	v14 =	vperm.xlane v17, v7;
	[tilespmem:s14+$0xFFFFFF90] =	vst v16;
	v16 =	vmul.f32 v15, v20;
	v15 =	vld [tilespmem:s14+$0xFFFFFFD0]  }
0xc9: {  	v17 =	vperm.xlane v17, v8;
	[tilespmem:s14+$0xFFFFFF80] =	vst v19;
	v18 =	vmul.f32 v18, v21  }
0xca: {  	v9 =	vmul.f32 v9, v10;
	[tilespmem:s8+$0xFFFFFFB0] =	vst v16  }
0xcb: {  	v10 =	vmul.f32 v13, v11;
	[tilespmem:s8+$0xFFFFFFC0] =	vst v18  }
0xcc: {  	[tilespmem:s8+$0xFFFFFF70] =	vst v9;
	v9 =	vmul.f32 v12, v17  }
0xcd: {  	[tilespmem:s8+$0xFFFFFFA0] =	vst v10;
	v10 =	vmul.f32 v15, v14  }
0xce: {  	[tilespmem:s8+$0xFFFFFFE0] =	vst v9  }
0xcf: {  	v9 =	vld [tilespmem:s8+$0x80];
	[tilespmem:s8+$0xFFFFFFD0] =	vst v10  }
0xd0: {  	v10 =	vld [tilespmem:s10+$0x1C840];
	_ =	sdelay $0x4  }
0xd1: {  	v9 =	vmul.f32 v10, v9;
	_ =	sdelay $0x1  }
0xd2: {  	v11 =	vperm.xlane v9, v0  }
0xd3: {  	v52 =	vld [tilespmem:s8+$0x0];
	vm0 =	vgt.f32 v9, $1.000000000e+00  }
0xd4: {  	v53 =	vld [tilespmem:s8+$0x20];
	v9 =	vsel vm0, v9, v11  }
0xd5: {  	v10 =	vld [tilespmem:s8+$0x60];
	v54 =	vperm.xlane v9, v1  }
0xd6: {  	v55 =	vld [tilespmem:s8+$0x40];
	v56 =	vperm.xlane v9, v3;
	v58 =	vperm.xlane v9, v2  }
0xd7: {  	v60 =	vld [tilespmem:s8+$0x30];
	v19 =	vperm.xlane v9, v7;
	v20 =	vperm.xlane v9, v5  }
0xd8: {  	v11 =	vld [tilespmem:s8+$0x10];
	v61 =	vperm.xlane v9, v8;
	v12 =	vmul.f32 v52, v54  }
0xd9: {  	v59 =	vld [tilespmem:s8+$0x70];
	[tilespmem:s8+$0x80] =	vst v9;
	v62 =	vperm.xlane v9, v6;
	v13 =	vmul.f32 v53, v56  }
0xda: {  	v57 =	vld [tilespmem:s8+$0x50];
	v9 =	vperm.xlane v9, v4;
	v10 =	vmul.f32 v10, v19;
	[tilespmem:s8+$0x0] =	vst v12  }
0xdb: {  	v63 =	vmul.f32 v55, v20;
	[tilespmem:s8+$0x20] =	vst v13  }
0xdc: {  	v9 =	vmul.f32 v60, v9;
	[tilespmem:s8+$0x60] =	vst v10  }
0xdd: {  	v11 =	vmul.f32 v11, v58;
	[tilespmem:s8+$0x40] =	vst v63  }
0xde: {  	v10 =	vmul.f32 v59, v61;
	[tilespmem:s8+$0x30] =	vst v9  }
0xdf: {  	s2 =	sadd.s32 $0x1, s2;
	[tilespmem:s8+$0x10] =	vst v11;
	v11 =	vmul.f32 v57, v62  }
0xe0: {  	p0 =	sne.s32 s2, $0x3E;
	[tilespmem:s8+$0x70] =	vst v10  }
.Ltmp2:
0xe1: {  	[tilespmem:s8+$0x50] =	vst v11;
	(pc) =	sbr.rel @p0 .LBB2_2-.Ltmp2, $4  }
0xe2: {  	[spmem:s1] =	stream.indirect.scatter.add.f32 [tilespmem:s25], [sflag:$0x5], $0x90, s24, s20, $0xb8;
	[tilespmem:$0x1CD40] =	vst v63  }
0xe3: {  	_ =	swait.ge [sflag:s17], $0x2D00  }
0xe4: {  	[sflag:s17] =	ssyncset.done $0x0  }
0xe5: {  	[sflag:s17] =	ssyncadd.s32 $0xFFFFD300  }
0xe6: {  	_ =	swait.ge [sflag:s28], $0x2D00  }
0xe7: {  	[sflag:s28] =	ssyncset.done $0x0  }
0xe8: {  	[sflag:s28] =	ssyncadd.s32 $0xFFFFD300  }
0xe9: {  	_ =	swait.ge [sflag:s29], $0x500  }
0xea: {  	[sflag:s29] =	ssyncset.done $0x0  }
0xeb: {  	s2 =	simm.s32 $0x16930;
	[sflag:s29] =	ssyncadd.s32 $0xFFFFFB00  }
0xec: {  	s8 =	simm.s32 $0x10;
	v9 =	vld [tilespmem:s2+$0xFFFFFFF0]  }
0xed: {  	v10 =	vld [tilespmem:s8+$0x19590];
	_ =	sdelay $0x4  }
0xee: {  	v9 =	vmul.f32 v10, v9;
	_ =	sdelay $0x1  }
0xef: {  	v12 =	vld [tilespmem:s2+$0xFFFFFF90];
	v10 =	vperm.xlane v9, v0  }
0xf0: {  	v14 =	vld [tilespmem:s2+$0xFFFFFF80];
	vm0 =	vgt.f32 v9, $1.000000000e+00  }
0xf1: {  	v15 =	vld [tilespmem:s2+$0xFFFFFFB0];
	v17 =	vsel vm0, v9, v10  }
0xf2: {  	v18 =	vld [tilespmem:s2+$0xFFFFFFC0];
	v10 =	vperm.xlane v17, v1;
	v13 =	vperm.xlane v17, v3  }
0xf3: {  	v9 =	vld [tilespmem:s2+$0xFFFFFF70];
	v16 =	vperm.xlane v17, v2;
	v11 =	vperm.xlane v17, v4  }
0xf4: {  	v20 =	vperm.xlane v17, v5;
	v19 =	vmul.f32 v12, v13;
	v13 =	vld [tilespmem:s2+$0xFFFFFFA0]  }
0xf5: {  	[tilespmem:s2+$0xFFFFFFF0] =	vst v17;
	v22 =	vperm.xlane v17, v6;
	v21 =	vmul.f32 v14, v16  }
0xf6: {  	v12 =	vld [tilespmem:s2+$0xFFFFFFE0];
	v16 =	vmul.f32 v15, v20;
	v14 =	vperm.xlane v17, v7;
	[tilespmem:s2+$0xFFFFFF90] =	vst v19  }
0xf7: {  	s10 =	simm.s32 $0xC0;
	s11 =	simm.s32 $0x16930;
	v15 =	vld [tilespmem:s2+$0xFFFFFFD0];
	v18 =	vmul.f32 v18, v22;
	v17 =	vperm.xlane v17, v8;
	[tilespmem:s2+$0xFFFFFF80] =	vst v21  }
.LBB2_8:
0xf8: {  	p0 =	sne.s32 s10, $0x13C0  }
0xf9: {  	v9 =	vmul.f32 v9, v10;
	v10 =	vmul.f32 v13, v11;
	[tilespmem:s2+$0xFFFFFFB0] =	vst v16;
	s11 =	sadd.s32 $0x120, s11;
	s9 =	smov.u32 s10;
	s10 =	sadd.s32 $0x80, s10  }
0xfa: {  	[tilespmem:s2+$0xFFFFFFC0] =	vst v18  }
0xfb: {  	[tilespmem:s2+$0xFFFFFF70] =	vst v9;
	v9 =	vmul.f32 v12, v17  }
0xfc: {  	[tilespmem:s2+$0xFFFFFFA0] =	vst v10;
	v10 =	vmul.f32 v15, v14  }
0xfd: {  	[tilespmem:s2+$0xFFFFFFE0] =	vst v9  }
0xfe: {  	[tilespmem:s2+$0xFFFFFFD0] =	vst v10;
	v9 =	vld [tilespmem:s2+$0x80]  }
0xff: {  	v10 =	vld [tilespmem:s8+$0x195A0];
	_ =	sdelay $0x4  }
0x100: {  	v9 =	vmul.f32 v10, v9  }
0x101: {  	v10 =	vld [tilespmem:s2+$0x60]  }
0x102: {  	v11 =	vperm.xlane v9, v0;
	v12 =	vld [tilespmem:s2+$0x0]  }
0x103: {  	s8 =	sshra.s32 s9, $0x2;
	vm0 =	vgt.f32 v9, $1.000000000e+00;
	v13 =	vld [tilespmem:s2+$0x20]  }
0x104: {  	v9 =	vsel vm0, v9, v11;
	v11 =	vld [tilespmem:s2+$0x10]  }
0x105: {  	[tilespmem:s2+$0x80] =	vst v9;
	v14 =	vperm.xlane v9, v1;
	v15 =	vld [tilespmem:s2+$0x40];
	v16 =	vperm.xlane v9, v8  }
0x106: {  	v17 =	vperm.xlane v9, v3;
	v19 =	vperm.xlane v9, v7;
	v18 =	vld [tilespmem:s2+$0x50]  }
0x107: {  	v12 =	vmul.f32 v12, v14;
	v14 =	vperm.xlane v9, v2;
	v20 =	vld [tilespmem:s2+$0x70]  }
0x108: {  	v21 =	vperm.xlane v9, v5;
	v13 =	vmul.f32 v13, v17;
	v17 =	vld [tilespmem:s2+$0x30]  }
0x109: {  	[tilespmem:s2+$0x0] =	vst v12;
	v11 =	vmul.f32 v11, v14;
	v12 =	vperm.xlane v9, v6  }
0x10a: {  	v10 =	vmul.f32 v10, v19;
	[tilespmem:s2+$0x20] =	vst v13;
	v13 =	vmul.f32 v15, v21  }
0x10b: {  	v9 =	vperm.xlane v9, v4;
	[tilespmem:s2+$0x10] =	vst v11;
	v11 =	vmul.f32 v18, v12  }
0x10c: {  	[tilespmem:s2+$0x60] =	vst v10;
	v10 =	vmul.f32 v20, v16  }
0x10d: {  	v9 =	vmul.f32 v17, v9;
	[tilespmem:s2+$0x40] =	vst v13  }
0x10e: {  	[tilespmem:s2+$0x70] =	vst v10  }
0x10f: {  	[tilespmem:s2+$0x50] =	vst v11  }
0x110: {  	v10 =	vld [tilespmem:s11+$0xFFFFFFF0];
	[tilespmem:s2+$0x30] =	vst v9;
	s2 =	smov.u32 s11  }
0x111: {  	v9 =	vld [tilespmem:s8+$0x19590];
	_ =	sdelay $0x4  }
0x112: {  	v10 =	vmul.f32 v9, v10  }
0x113: {  	v9 =	vld [tilespmem:s11+$0xFFFFFF70]  }
0x114: {  	v11 =	vperm.xlane v10, v0;
	vm0 =	vgt.f32 v10, $1.000000000e+00;
	v12 =	vld [tilespmem:s11+$0xFFFFFF90]  }
0x115: {  	v14 =	vld [tilespmem:s11+$0xFFFFFF80]  }
0x116: {  	v17 =	vsel vm0, v10, v11;
	v15 =	vld [tilespmem:s11+$0xFFFFFFB0]  }
0x117: {  	[tilespmem:s11+$0xFFFFFFF0] =	vst v17;
	v10 =	vperm.xlane v17, v1;
	v16 =	vperm.xlane v17, v3;
	v18 =	vld [tilespmem:s11+$0xFFFFFFC0]  }
.Ltmp3:
0x118: {  	v19 =	vperm.xlane v17, v2;
	v11 =	vperm.xlane v17, v4;
	v13 =	vld [tilespmem:s11+$0xFFFFFFA0];
	(pc) =	sbr.rel @p0 .LBB2_8-.Ltmp3, $4  }
0x119: {  	v20 =	vperm.xlane v17, v5;
	v16 =	vmul.f32 v12, v16  }
0x11a: {  	v21 =	vperm.xlane v17, v6;
	v19 =	vmul.f32 v14, v19;
	v12 =	vld [tilespmem:s11+$0xFFFFFFE0]  }
0x11b: {  	v14 =	vperm.xlane v17, v7;
	[tilespmem:s11+$0xFFFFFF90] =	vst v16;
	v16 =	vmul.f32 v15, v20;
	v15 =	vld [tilespmem:s11+$0xFFFFFFD0]  }
0x11c: {  	v17 =	vperm.xlane v17, v8;
	[tilespmem:s11+$0xFFFFFF80] =	vst v19;
	v18 =	vmul.f32 v18, v21  }
0x11d: {  	v9 =	vmul.f32 v9, v10;
	[tilespmem:s2+$0xFFFFFFB0] =	vst v16  }
0x11e: {  	v10 =	vmul.f32 v13, v11;
	[tilespmem:s2+$0xFFFFFFC0] =	vst v18  }
0x11f: {  	[tilespmem:s2+$0xFFFFFF70] =	vst v9;
	v9 =	vmul.f32 v12, v17  }
0x120: {  	[tilespmem:s2+$0xFFFFFFA0] =	vst v10;
	v10 =	vmul.f32 v15, v14  }
0x121: {  	[tilespmem:s2+$0xFFFFFFE0] =	vst v9  }
0x122: {  	v9 =	vld [tilespmem:s2+$0x80];
	[tilespmem:s2+$0xFFFFFFD0] =	vst v10  }
0x123: {  	v10 =	vld [tilespmem:s8+$0x195A0];
	_ =	sdelay $0x4  }
0x124: {  	v9 =	vmul.f32 v10, v9;
	_ =	sdelay $0x1  }
0x125: {  	v11 =	vperm.xlane v9, v0  }
0x126: {  	v52 =	vld [tilespmem:s2+$0x0];
	vm0 =	vgt.f32 v9, $1.000000000e+00  }
0x127: {  	v53 =	vld [tilespmem:s2+$0x20];
	v9 =	vsel vm0, v9, v11  }
0x128: {  	v10 =	vld [tilespmem:s2+$0x60];
	v54 =	vperm.xlane v9, v1  }
0x129: {  	v55 =	vld [tilespmem:s2+$0x40];
	v56 =	vperm.xlane v9, v3;
	v58 =	vperm.xlane v9, v2  }
0x12a: {  	v60 =	vld [tilespmem:s2+$0x30];
	v19 =	vperm.xlane v9, v7;
	v20 =	vperm.xlane v9, v5  }
0x12b: {  	v11 =	vld [tilespmem:s2+$0x10];
	v61 =	vperm.xlane v9, v8;
	v12 =	vmul.f32 v52, v54  }
0x12c: {  	v59 =	vld [tilespmem:s2+$0x70];
	[tilespmem:s2+$0x80] =	vst v9;
	v62 =	vperm.xlane v9, v6;
	v13 =	vmul.f32 v53, v56  }
0x12d: {  	v57 =	vld [tilespmem:s2+$0x50];
	v9 =	vperm.xlane v9, v4;
	v10 =	vmul.f32 v10, v19;
	[tilespmem:s2+$0x0] =	vst v12  }
0x12e: {  	v63 =	vmul.f32 v55, v20;
	[tilespmem:s2+$0x20] =	vst v13  }
0x12f: {  	v9 =	vmul.f32 v60, v9;
	[tilespmem:s2+$0x60] =	vst v10  }
0x130: {  	v11 =	vmul.f32 v11, v58;
	[tilespmem:s2+$0x40] =	vst v63  }
0x131: {  	v10 =	vmul.f32 v59, v61;
	[tilespmem:s2+$0x30] =	vst v9  }
0x132: {  	[tilespmem:s2+$0x10] =	vst v11;
	v11 =	vmul.f32 v57, v62  }
0x133: {  	[tilespmem:s2+$0x70] =	vst v10  }
0x134: {  	[tilespmem:s2+$0x50] =	vst v11  }
0x135: {  	[spmem:s1] =	stream.indirect.scatter.add.f32 [tilespmem:s21], [sflag:$0x5], $0x90, s19, s20, $0xb8;
	[tilespmem:$0x1CD40] =	vst v63  }
0x136: {  	_ =	swait.ge [sflag:s17], $0x2D00  }
0x137: {  	[sflag:s17] =	ssyncset.done $0x0  }
0x138: {  	[sflag:s17] =	ssyncadd.s32 $0xFFFFD300  }
0x139: {  	[bflag:$0x0] =	sbarrier.arrive $0xFFFF  }
0x13a: {  	s15 =	rddreg [dreg:$0x6]  }
0x13b: {  	s8 =	rddreg [dreg:$0x8]  }
0x13c: {  	[hbm:s15], [sflag:s16] =	dma.local [spmem:s8], $0x2D00  }
0x13d: {  	_ =	swait.ge [sflag:s17], $0x2D00  }
0x13e: {  	s9 =	smov.u32 s16;
	s0 =	sadd.s32 $0x1, s0;
	s16 =	rddreg [dreg:$0x7]  }
0x13f: {  	p0 =	sne.s32 s0, s16  }
.Ltmp4:
0x140: {  	_ = 	snop;
	(pc) =	sbr.rel @p0 .LBB2_1-.Ltmp4, $3  }
0x141: {  	_ =	sdelay $0x1  }
0x142: {  	[sflag:s17] =	ssyncset.done $0x0  }
0x143: {  	[sflag:s17] =	ssyncadd.s32 $0xFFFFD300  }
0x144: {  	_ =	sfence.sel $0x180000  }
0x145: {  	[bflag:$0x0] =	sbarrier.arrive $0xFFFF  }
0x146: {  	_ =	strace $0x9000004A  }
0x147: {  	s0 =	stileid.u32;
	[bflag:$0x2] =	sbarrier.arrive $0xFFFF  }
0x148: {  	p0 =	sne.s32 s0, $0x0;
	s0 =	rddreg [dreg:$0x2]  }
0x149: {  	s0 =	sadd.s32 @!p0 $0x100000, s0  }
0x14a: {  	[sflag:s0] =	ssyncadd.tile.s32 @!p0 $0x1;
	_ =	shalt  }
.Lfunc_end2:
_tile_overlayer_lowered:
.L_overlay_start_2:
0x14b: {  	(tag) =	ssettag $0x2  }
0x14c: {  	s0 =	rddreg [dreg:$0x0];
	s2 =	stileid.u32  }
0x14d: {  	s1 =	rddreg [dreg:$0x1];
	p0 =	sne.s32 s2, $0x0  }
0x14e: {  	s3 =	rddreg [dreg:$0x2];
	[bflag:$0x3] =	sbarrier.arrive $0xFFFF;
	s2 =	simm.s32 @!p0 $0x1C05  }
0x14f: {  	[timem:s3], [sflag:s2] =	dma.local @!p0 [hbm:s0], s1  }
0x150: {  	s0 =	simm.s32 @!p0 $0x5  }
0x151: {  	_ =	swait.ge @!p0 [sflag:s0], s1  }
0x152: {  	s1 =	ssub.s32 @!p0 $0x0, s1;
	[sflag:s0] =	ssyncset.done @!p0 $0x0  }
0x153: {  	[sflag:s0] =	ssyncadd.s32 @!p0 s1  }
0x154: {  	[bflag:$0x3] =	sbarrier.arrive $0xFFFF  }
0x155: {  	_ =	shalt  }

// kernel: kernel.7.cloned.1.call-start
scs
__scs_entry_jumppad:
0x0: {  	(pc) =	sbr.rel $0x88, $3  }
0x1: {  	(tag) =	ssettag $0x0;
	lr =	simm.s32 $0x1  }
0x2: {  	[smem:$0x3F91] =	sst lr;
	_ =	strace $0xD0000000  }
0x3: {  	_ = 	snop  }
0x4: {  	_ = 	snop  }
0x5: {  	_ = 	snop  }
0x6: {  	_ = 	snop  }
0x7: {  	_ = 	snop  }
__scs_overlays_trampoline_lowered:
0x8: {  	[smem:$0x3FA0] =	sst s0  }
0x9: {  	[smem:$0x3FA1] =	sst s1  }
0xa: {  	[smem:$0x3FA2] =	sst s2  }
0xb: {  	[smem:$0x3FA3] =	sst s3  }
0xc: {  	[smem:$0x3FA4] =	sst s4  }
0xd: {  	[smem:$0x3FA5] =	sst s5  }
0xe: {  	[smem:$0x3FA6] =	sst s6  }
0xf: {  	[smem:$0x3FA7] =	sst s7  }
0x10: {  	[smem:$0x3FA8] =	sst s8  }
0x11: {  	[smem:$0x3FA9] =	sst s9;
	s0 =	simm.s32 @!p0 $0x0  }
0x12: {  	s1 =	sld [smem:$0x3F8F];
	s0 =	simm.s32 @p0 $0x1  }
0x13: {  	[smem:$0x3FAA] =	sst s0;
	s0 =	simm.s32 @!p1 $0x0  }
0x14: {  	s2 =	sld [smem:$0x3F8E];
	s0 =	simm.s32 @p1 $0x1  }
0x15: {  	[smem:$0x3FAB] =	sst s0;
	s0 =	simm.s32 @!p2 $0x0  }
0x16: {  	s3 =	sld [smem:$0x3FDB];
	s0 =	simm.s32 @p2 $0x1  }
0x17: {  	s4 =	simm.s32 $0x1BF5;
	[smem:$0x3FAD] =	sst s0  }
0x18: {  	s0 =	sld [smem:$0x3F90];
	_ =	swait.ge [sflag:s4], $0x0  }
0x19: {  	s7 =	sld [smem:$0x3F91]  }
0x1a: {  	s8 =	sadd.s32 $0xFFFFE003, lr  }
0x1b: {  	s9 =	sadd.s32 $0xFFFFFEF7, lr;
	s5 =	simm.s32 $0xFFFFFFFF;
	p2 =	slt.u32 s8, $0xFFFFF086  }
0x1c: {  	p1 =	slt.u32 s9, $0xF7A;
	s5 =	simm.s32 @!p2 $0x0  }
0x1d: {  	s5 =	simm.s32 @p1 $0x1;
	p0 =	seq.s32 s7, s2  }
0x1e: {  	s7 =	smul.u32 @!p0 $0xF7A, s2;
	p2 =	seq.s32 @!p0 s5, $0x0  }
0x1f: {  	s9 =	smul.u32 $0xF7A, s1;
	s8 =	simm.s32 @!p0 $0x1BF5;
	p2 =	por !p2, p0  }
0x20: {  	[sflag:s8] =	ssyncset.s32 @!p0 $0xFFFFF086;
	s6 =	sadd.s32 @!p0 s3, s7;
	s7 =	simm.s32 @!p0 $0x108  }
0x21: {  	s3 =	sadd.s32 s3, s9;
	s6 =	sadd.s32 @!p0 $0x88, s6;
	s7 =	simm.s32 @p2 $0x1082  }
0x22: {  	[simem:s7], [sflag:s8] =	dma.local @!p0 [hbm:s6], $0xF7A  }
0x23: {  	s9 =	sor.u32 $0xD0000000, s2;
	s6 =	simm.s32 $0x108;
	_ =	swait.ge @!p0 [sflag:s8], $0x0  }
0x24: {  	s3 =	sadd.s32 $0x88, s3;
	s6 =	simm.s32 @!p1 $0x1082;
	[sflag:s4] =	ssyncset.s32 $0xFFFFF086  }
0x25: {  	[simem:s6], [sflag:s4] =	dma.local [hbm:s3], $0xF7A  }
0x26: {  	[smem:$0x3F91] =	sst s1;
	(tag) =	ssettag s2;
	_ =	strace s9  }
0x27: {  	s1 =	sld [smem:$0x3FA1]  }
0x28: {  	s2 =	sld [smem:$0x3FA2]  }
0x29: {  	s4 =	sld [smem:$0x3FA4]  }
0x2a: {  	p0 =	seq.s32 s5, $0x0;
	s5 =	sld [smem:$0x3FA5]  }
0x2b: {  	s6 =	sld [smem:$0x3FA6]  }
0x2c: {  	s7 =	sld [smem:$0x3FA7]  }
0x2d: {  	s3 =	simm.s32 $0x108;
	s8 =	sld [smem:$0x3FA8]  }
0x2e: {  	s3 =	simm.s32 @!p0 $0x1082;
	s9 =	sld [smem:$0x3FA9]  }
0x2f: {  	lr =	sadd.s32 s0, s3;
	s0 =	sld [smem:$0x3FA0]  }
0x30: {  	s3 =	sld [smem:$0x3FA3]  }
0x31: {  	[smem:$0x3FAC] =	sst s10  }
0x32: {  	s10 =	sld [smem:$0x3FAA];
	_ =	sdelay $0x3  }
0x33: {  	p0 =	seq.s32 s10, $0x1;
	s10 =	sld [smem:$0x3FAC];
	_ =	sdelay $0x3  }
0x34: {  	[smem:$0x3FAC] =	sst s10  }
0x35: {  	s10 =	sld [smem:$0x3FAB];
	_ =	sdelay $0x3  }
0x36: {  	p1 =	seq.s32 s10, $0x1;
	s10 =	sld [smem:$0x3FAC];
	_ =	sdelay $0x3  }
0x37: {  	[smem:$0x3FAC] =	sst s10  }
0x38: {  	s10 =	sld [smem:$0x3FAD]  }
0x39: {  	_ = 	snop;
	(pc) =	sbr.ind lr, $3  }
0x3a: {  	_ = 	snop  }
0x3b: {  	_ = 	snop  }
0x3c: {  	p2 =	seq.s32 s10, $0x1;
	s10 =	sld [smem:$0x3FAC]  }
0x3d: {  	_ =	shalt  }
0x3e: {  	_ =	shalt  }
0x3f: {  	_ =	shalt  }
0x40: {  	_ =	shalt  }
0x41: {  	_ =	shalt  }
0x42: {  	_ =	shalt  }
0x43: {  	_ =	shalt  }
0x44: {  	_ =	shalt  }
0x45: {  	_ =	shalt  }
0x46: {  	_ =	shalt  }
0x47: {  	_ =	shalt  }
0x48: {  	_ =	shalt  }
0x49: {  	_ =	shalt  }
0x4a: {  	_ =	shalt  }
0x4b: {  	_ =	shalt  }
0x4c: {  	_ =	shalt  }
0x4d: {  	_ =	shalt  }
0x4e: {  	_ =	shalt  }
0x4f: {  	_ =	shalt  }
0x50: {  	_ =	shalt  }
0x51: {  	_ =	shalt  }
0x52: {  	_ =	shalt  }
0x53: {  	_ =	shalt  }
0x54: {  	_ =	shalt  }
0x55: {  	_ =	shalt  }
0x56: {  	_ =	shalt  }
0x57: {  	_ =	shalt  }
0x58: {  	_ =	shalt  }
0x59: {  	_ =	shalt  }
0x5a: {  	_ =	shalt  }
0x5b: {  	_ =	shalt  }
0x5c: {  	_ =	shalt  }
0x5d: {  	_ =	shalt  }
0x5e: {  	_ =	shalt  }
0x5f: {  	_ =	shalt  }
0x60: {  	_ =	shalt  }
0x61: {  	_ =	shalt  }
0x62: {  	_ =	shalt  }
0x63: {  	_ =	shalt  }
0x64: {  	_ =	shalt  }
0x65: {  	_ =	shalt  }
0x66: {  	_ =	shalt  }
0x67: {  	_ =	shalt  }
0x68: {  	_ =	shalt  }
0x69: {  	_ =	shalt  }
0x6a: {  	_ =	shalt  }
0x6b: {  	_ =	shalt  }
0x6c: {  	_ =	shalt  }
0x6d: {  	_ =	shalt  }
0x6e: {  	_ =	shalt  }
0x6f: {  	_ =	shalt  }
0x70: {  	_ =	shalt  }
0x71: {  	_ =	shalt  }
0x72: {  	_ =	shalt  }
0x73: {  	_ =	shalt  }
0x74: {  	_ =	shalt  }
0x75: {  	_ =	shalt  }
0x76: {  	_ =	shalt  }
0x77: {  	_ =	shalt  }
0x78: {  	_ =	shalt  }
0x79: {  	_ =	shalt  }
0x7a: {  	_ =	shalt  }
0x7b: {  	_ =	shalt  }
0x7c: {  	_ =	shalt  }
0x7d: {  	_ =	shalt  }
0x7e: {  	_ =	shalt  }
0x7f: {  	_ =	shalt  }
0x80: {  	_ =	shalt  }
0x81: {  	_ =	shalt  }
0x82: {  	_ =	shalt  }
0x83: {  	_ =	shalt  }
0x84: {  	_ =	shalt  }
0x85: {  	_ =	shalt  }
0x86: {  	_ =	shalt  }
0x87: {  	_ =	shalt  }
.Lfunc_end0:
.L_simem_size_0:
called_computation_lowered:
.L_overlay_start_0:
0x88: {  	s2 =	sld [smem:$0x3FD9]  }
0x89: {  	s3 =	sld [smem:$0x3FFE];
	_ =	sdelay $0x1  }
0x8a: {  	s1 =	srdreg.scid  }
0x8b: {  	s0 =	sand.u32 $0x1, s1  }
0x8c: {  	s16 =	sshll.u32 s0, $0xA;
	s2 =	sadd.s32 s3, s2  }
0x8d: {  	s2 =	sadd.s32 s2, s16  }
0x8e: {  	[smem:$0x3FB8] =	sst s2  }
0x8f: {  	_ = 	snop  }
0x90: {  	(tm) =	ssettm $0x1  }
0x91: {  	s17 =	sld [smem:$0x3FFB];
	_ =	sdelay $0x3  }
0x92: {  	_ =	strace s17  }
0x93: {  	s2 =	sld [smem:$0x3FFC];
	_ =	sdelay $0x3  }
0x94: {  	_ =	strace s2  }
0x95: {  	s2 =	sld [smem:$0x3FFD];
	_ =	sdelay $0x3  }
0x96: {  	_ =	strace s2  }
0x97: {  	_ =	strace $0x8FFFFFFF  }
0x98: {  	s18 =	sld [smem:$0x3FDB];
	_ =	sdelay $0x1  }
0x99: {  	s19 =	simm.s32 $_scs_section_size  }
0x9a: {  	s4 =	simm.s32 $_size__tile_overlayer_lowered;
	s5 =	simm.s32 $_tile_overlayer_lowered  }
0x9b: {  	s22 =	simm.s32 $0x1BFF;
	s21 =	sshll.u32 s5, $0x1;
	s2 =	sadd.s32 s19, s18  }
0x9c: {  	s6 =	simm.s32 $0x0;
	s20 =	sshll.u32 s4, $0x1;
	s4 =	sadd.s32 s21, s2  }
0x9d: {  	[timem:s6], [sflag:s22] =	dma.local [hbm:s4], s20  }
0x9e: {  	_ =	swait.ge [sflag:s22], s20  }
0x9f: {  	s3 =	ssub.s32 $0x0, s20;
	[sflag:s22] =	ssyncset.done $0x0  }
0xa0: {  	[sflag:s22] =	ssyncadd.s32 s3;
	_ =	sdelay $0x1  }
0xa1: {  	s23 =	simm.s32 $0x1B8B  }
0xa2: {  	_ =	swait.ge [sflag:s23], $0x1  }
0xa3: {  	[sflag:s23] =	ssyncset.done $0x0  }
0xa4: {  	s25 =	simm.s32 $0x1B8E;
	s24 =	sld [smem:$0x3FFE];
	[sflag:s23] =	ssyncadd.s32 $0xFFFFFFFF  }
0xa5: {  	s26 =	simm.s32 $execute0_lowered;
	[smem:$0x3FD2] =	sst s25  }
0xa6: {  	s4 =	sshll.u32 s26, $0x1;
	_ =	strace $0x80000046;
	[dreg:$0x1] =	wrdreg $0xFFFFFFFF  }
0xa7: {  	s28 =	simm.s32 $_size_execute0_lowered;
	s2 =	sadd.s32 s2, s4;
	[dreg:$0x0] =	wrdreg $0x0  }
0xa8: {  	s4 =	sshll.u32 s28, $0x1;
	[dreg:$0x2] =	wrdreg s2  }
0xa9: {  	[dreg:$0x3] =	wrdreg s4  }
0xaa: {  	[dreg:$0x4] =	wrdreg $0xC0  }
0xab: {  	_ =	task [dreg:s6], $0x5FFFF  }
0xac: {  	[dreg:$0x1] =	wrdreg $0xFFFFFFFF  }
0xad: {  	[dreg:$0x0] =	wrdreg $0x60  }
0xae: {  	[dreg:$0x2] =	wrdreg s24  }
0xaf: {  	[dreg:$0x3] =	wrdreg $0x0  }
0xb0: {  	[dreg:$0x4] =	wrdreg $0x9  }
0xb1: {  	_ =	task.clear_ibuf [dreg:s6], $0x5FFFF;
	_ =	strace $0x90000046  }
0xb2: {  	s29 =	simm.s32 $0x9;
	_ =	strace $0x80000048  }
0xb3: {  	_ =	swait.ge [sflag:s29], $0x1  }
0xb4: {  	[sflag:s29] =	ssyncadd.s32 $0xFFFFFFFF  }
0xb5: {  	_ =	strace $0x90000048  }
0xb6: {  	_ =	sfence  }
0xb7: {  	s30 =	sld [smem:$0x0];
	_ =	sdelay $0x2  }
0xb8: {  	s31 =	sshll.u32 s1, $0xD;
	s1 =	sshrl.u32 s1, $0x2  }
0xb9: {  	s3 =	sand.u32 $0x4000, s31;
	s1 =	sadd.s32 s1, s30  }
0xba: {  	s0 =	sor.u32 s3, s0;
	s1 =	sshll.u32 s1, $0x11  }
0xbb: {  	s0 =	sor.u32 s1, s0  }
0xbc: {  	s0 =	sadd.s32 $0x8F2B, s0  }
0xbd: {  	[sflag:s0] =	ssyncadd.remote.s32 $0x1  }
0xbe: {  	_ =	sfence.sel $0xFFFF  }
0xbf: {  	[dreg:$0x0] =	wrdreg $0xFFFFFFFF;
	(pc) =	sbr.abs _section_cstart, $3  }
0xc0: {  	[dreg:$0x1] =	wrdreg $0xFFFFFFFF  }
0xc1: {  	_ =	task.clear_ibuf [dreg:s6], $0x2FFFF;
	_ =	strace $0x9FFFFFFF  }
0xc2: {  	(tm) =	ssettm $0x7FFFFFFF  }
0xc3: {  	_ =	shalt  }
tec
execute0_lowered:
.L_overlay_start_1:
0x0: {  	(tag) =	ssettag $0x1  }
0x1: {  	s0 =	rddreg [dreg:$0x0]  }
0x2: {  	s1 =	rddreg [dreg:$0x1];
	s3 =	simm.s32 $0x0;
	s13 =	stileid.u32  }
0x3: {  	s2 =	srdreg.scid;
	s17 =	simm.s32 $0x5;
	s18 =	simm.s32 $0x16800  }
0x4: {  	s19 =	simm.s32 $0x16850;
	s20 =	simm.s32 $0x50;
	s21 =	simm.s32 $0x168A0  }
0x5: {  	s28 =	simm.s32 $0x1;
	s29 =	simm.s32 $0x2;
	s30 =	simm.s32 $0x3  }
0x6: {  	s31 =	simm.s32 $0x4;
	[smem:$0x7FF] =	sst s3;
	s4 =	sadd.s32 $0x2EC00, s0  }
0x7: {  	s8 =	smul.u32 $0x16800, s13;
	s2 =	sand.u32 $0x1, s2;
	s5 =	sadd.s32 $0x5AC00, s0  }
0x8: {  	s6 =	sadd.s32 $0x69A00, s0;
	s7 =	sadd.s32 $0x5FC00, s0;
	s22 =	sshll.u32 s13, $0x6  }
0x9: {  	_ =	strace $0x80000047;
	s9 =	smul.u32 $0x168000, s2;
	s11 =	sshll.u32 s2, $0x4  }
0xa: {  	s2 =	ssub.s32 $0x2, s2;
	s10 =	sshrl.u32 s8, $0x3;
	s11 =	sor.u32 s13, s11  }
0xb: {  	s12 =	sshrl.u32 s2, $0x1;
	s9 =	sadd.s32 s8, s9;
	s11 =	smul.u32 $0x2710, s11  }
0xc: {  	s10 =	sadd.s32 s10, s0;
	s2 =	ssub.s32 s2, s12;
	s8 =	sadd.s32 s8, s1  }
0xd: {  	s9 =	sshrl.u32 s9, $0x3;
	s10 =	sadd.s32 $0x1C00, s10;
	s26 =	smax.u32 s2, $0x1  }
0xe: {  	s8 =	sshrl.u32 s8, $0x3;
	s0 =	sadd.s32 s9, s0;
	[dreg:$0x3] =	wrdreg s10  }
0xf: {  	s23 =	sshrl.u32 s11, $0x3;
	s9 =	sor.u32 $0x1C05, s22;
	[dreg:$0x7] =	wrdreg s26  }
0x10: {  	s12 =	sadd.s32 $0x50, s11;
	[dreg:$0x8] =	wrdreg s8;
	s24 =	sadd.s32 s6, s23  }
0x11: {  	v0 =	vlaneseq.u32;
	s13 =	sadd.s32 $0xA0, s11;
	s25 =	sadd.s32 s7, s23;
	[dreg:$0x4] =	wrdreg s24  }
0x12: {  	v1 =	vimm.s32 $0x0;
	v2 =	vimm.s32 $0x1;
	v3 =	vimm.s32 $0x2;
	s22 =	simm.s32 $0x195A0;
	s0 =	sadd.s32 $0x73800, s0;
	[dreg:$0x5] =	wrdreg s25  }
0x13: {  	v4 =	vimm.s32 $0x3;
	v5 =	vimm.s32 $0x4;
	v6 =	vimm.s32 $0x5;
	s26 =	simm.s32 $0x1C840;
	s23 =	simm.s32 $0x19AA0;
	[dreg:$0x6] =	wrdreg s0  }
0x14: {  	v7 =	vimm.s32 $0x6;
	v8 =	vimm.s32 $0x7;
	v0 =	vor.u32 $0x8, v0;
	s24 =	simm.s32 $0x19AF0;
	s25 =	simm.s32 $0x19B40;
	s0 =	simm.s32 $0x0  }
.LBB2_1:
0x15: {  	s2 =	rddreg [dreg:$0x3]  }
0x16: {  	[spmem:s8], [sflag:s9] =	dma.local [hbm:s2], $0x2D00  }
0x17: {  	_ =	swait.ge [sflag:s17], $0x2D00  }
0x18: {  	[sflag:s17] =	ssyncset.done $0x0  }
0x19: {  	[sflag:s17] =	ssyncadd.s32 $0xFFFFD300  }
0x1a: {  	[bflag:$0x0] =	sbarrier.arrive $0xFFFF  }
0x1b: {  	s14 =	rddreg [dreg:$0x4]  }
0x1c: {  	[tilespmem:s18], [sflag:$0x5] =	stream.linear.gather [hbm4b:s14+s3], $0x50, $0x38;
	[tilespmem:$0x1CD40] =	vst v63  }
0x1d: {  	_ =	swait.ge [sflag:s17], $0x50  }
0x1e: {  	[sflag:s17] =	ssyncset.done $0x0  }
0x1f: {  	s15 =	rddreg [dreg:$0x5];
	[sflag:s17] =	ssyncadd.s32 $0xFFFFFFB0  }
0x20: {  	[tilespmem:s19], [sflag:$0x5] =	stream.linear.gather [hbm4b:s15+s3], $0x50, $0x38;
	[tilespmem:$0x1CD40] =	vst v63  }
0x21: {  	_ =	swait.ge [sflag:s17], $0x50  }
0x22: {  	[sflag:s17] =	ssyncset.done $0x0  }
0x23: {  	[sflag:s17] =	ssyncadd.s32 $0xFFFFFFB0  }
0x24: {  	[tilespmem:s21], [sflag:$0x1] =	stream.indirect.gather [hbm4b:s4+s20], $0x90, s18, s20, $0xb8;
	[tilespmem:$0x1CD40] =	vst v63  }
0x25: {  	s16 =	smov.u32 s9;
	s2 =	simm.s32 $0x0  }
0x26: {  	[tilespmem:s22], [sflag:$0x2] =	stream.indirect.gather [hbm4b:s5+s20], $0x10, s19, s20, $0xb8;
	[tilespmem:$0x1CD40] =	vst v63  }
.LBB2_2:
0x27: {  	s8 =	smul.u32 $0xA0, s2;
	_ =	sdelay $0x1  }
0x28: {  	s10 =	sadd.s32 s8, s12  }
0x29: {  	s10 =	sshrl.u32 s10, $0x3  }
0x2a: {  	s11 =	sadd.s32 s6, s10  }
0x2b: {  	[tilespmem:s23], [sflag:$0x5] =	stream.linear.gather [hbm4b:s11+s3], $0x50, $0x38;
	[tilespmem:$0x1CD40] =	vst v63  }
0x2c: {  	_ =	swait.ge [sflag:s17], $0x50  }
0x2d: {  	[sflag:s17] =	ssyncset.done $0x0  }
0x2e: {  	s10 =	sadd.s32 s7, s10;
	[sflag:s17] =	ssyncadd.s32 $0xFFFFFFB0  }
0x2f: {  	[tilespmem:s24], [sflag:$0x5] =	stream.linear.gather [hbm4b:s10+s3], $0x50, $0x38;
	[tilespmem:$0x1CD40] =	vst v63  }
0x30: {  	_ =	swait.ge [sflag:s17], $0x50  }
0x31: {  	[sflag:s17] =	ssyncset.done $0x0  }
0x32: {  	[sflag:s17] =	ssyncadd.s32 $0xFFFFFFB0  }
0x33: {  	[tilespmem:s25], [sflag:$0x3] =	stream.indirect.gather [hbm4b:s4+s20], $0x90, s23, s20, $0xb8;
	[tilespmem:$0x1CD40] =	vst v63  }
0x34: {  	_ = 	snop  }
0x35: {  	[tilespmem:s26], [sflag:$0x4] =	stream.indirect.gather [hbm4b:s5+s20], $0x10, s24, s20, $0xb8;
	[tilespmem:$0x1CD40] =	vst v63  }
0x36: {  	_ =	swait.ge [sflag:s28], $0x2D00  }
0x37: {  	[sflag:s28] =	ssyncset.done $0x0  }
0x38: {  	[sflag:s28] =	ssyncadd.s32 $0xFFFFD300  }
0x39: {  	_ =	swait.ge [sflag:s29], $0x500  }
0x3a: {  	[sflag:s29] =	ssyncset.done $0x0  }
0x3b: {  	s10 =	simm.s32 $0x16930;
	[sflag:s29] =	ssyncadd.s32 $0xFFFFFB00  }
0x3c: {  	s11 =	simm.s32 $0x10;
	v9 =	vld [tilespmem:s10+$0xFFFFFFF0]  }
0x3d: {  	v10 =	vld [tilespmem:s11+$0x19590];
	_ =	sdelay $0x4  }
0x3e: {  	v9 =	vmul.f32 v10, v9;
	_ =	sdelay $0x1  }
0x3f: {  	v12 =	vld [tilespmem:s10+$0xFFFFFF90];
	v10 =	vperm.xlane v9, v0  }
0x40: {  	v14 =	vld [tilespmem:s10+$0xFFFFFF80];
	vm0 =	vgt.f32 v9, $1.000000000e+00  }
0x41: {  	v15 =	vld [tilespmem:s10+$0xFFFFFFB0];
	v17 =	vsel vm0, v9, v10  }
0x42: {  	v18 =	vld [tilespmem:s10+$0xFFFFFFC0];
	v10 =	vperm.xlane v17, v1;
	v13 =	vperm.xlane v17, v3  }
0x43: {  	v9 =	vld [tilespmem:s10+$0xFFFFFF70];
	v16 =	vperm.xlane v17, v2;
	v11 =	vperm.xlane v17, v4  }
0x44: {  	v20 =	vperm.xlane v17, v5;
	v19 =	vmul.f32 v12, v13;
	v13 =	vld [tilespmem:s10+$0xFFFFFFA0]  }
0x45: {  	[tilespmem:s10+$0xFFFFFFF0] =	vst v17;
	v22 =	vperm.xlane v17, v6;
	v21 =	vmul.f32 v14, v16  }
0x46: {  	v12 =	vld [tilespmem:s10+$0xFFFFFFE0];
	v16 =	vmul.f32 v15, v20;
	v14 =	vperm.xlane v17, v7;
	[tilespmem:s10+$0xFFFFFF90] =	vst v19  }
0x47: {  	s14 =	simm.s32 $0xC0;
	s15 =	simm.s32 $0x16930;
	v15 =	vld [tilespmem:s10+$0xFFFFFFD0];
	v18 =	vmul.f32 v18, v22;
	v17 =	vperm.xlane v17, v8;
	[tilespmem:s10+$0xFFFFFF80] =	vst v21  }
.LBB2_3:
0x48: {  	p0 =	sne.s32 s14, $0x13C0  }
0x49: {  	v9 =	vmul.f32 v9, v10;
	v10 =	vmul.f32 v13, v11;
	[tilespmem:s10+$0xFFFFFFB0] =	vst v16;
	s15 =	sadd.s32 $0x120, s15;
	s9 =	smov.u32 s14;
	s14 =	sadd.s32 $0x80, s14  }
0x4a: {  	[tilespmem:s10+$0xFFFFFFC0] =	vst v18  }
0x4b: {  	[tilespmem:s10+$0xFFFFFF70] =	vst v9;
	v9 =	vmul.f32 v12, v17  }
0x4c: {  	[tilespmem:s10+$0xFFFFFFA0] =	vst v10;
	v10 =	vmul.f32 v15, v14  }
0x4d: {  	[tilespmem:s10+$0xFFFFFFE0] =	vst v9  }
0x4e: {  	[tilespmem:s10+$0xFFFFFFD0] =	vst v10;
	v9 =	vld [tilespmem:s10+$0x80]  }
0x4f: {  	v10 =	vld [tilespmem:s11+$0x195A0];
	_ =	sdelay $0x4  }
0x50: {  	v9 =	vmul.f32 v10, v9  }
0x51: {  	v10 =	vld [tilespmem:s10+$0x60]  }
0x52: {  	v11 =	vperm.xlane v9, v0;
	v12 =	vld [tilespmem:s10+$0x0]  }
0x53: {  	s11 =	sshra.s32 s9, $0x2;
	vm0 =	vgt.f32 v9, $1.000000000e+00;
	v13 =	vld [tilespmem:s10+$0x20]  }
0x54: {  	v9 =	vsel vm0, v9, v11;
	v11 =	vld [tilespmem:s10+$0x10]  }
0x55: {  	[tilespmem:s10+$0x80] =	vst v9;
	v14 =	vperm.xlane v9, v1;
	v15 =	vld [tilespmem:s10+$0x40];
	v16 =	vperm.xlane v9, v8  }
0x56: {  	v17 =	vperm.xlane v9, v3;
	v19 =	vperm.xlane v9, v7;
	v18 =	vld [tilespmem:s10+$0x50]  }
0x57: {  	v12 =	vmul.f32 v12, v14;
	v14 =	vperm.xlane v9, v2;
	v20 =	vld [tilespmem:s10+$0x70]  }
0x58: {  	v21 =	vperm.xlane v9, v5;
	v13 =	vmul.f32 v13, v17;
	v17 =	vld [tilespmem:s10+$0x30]  }
0x59: {  	[tilespmem:s10+$0x0] =	vst v12;
	v11 =	vmul.f32 v11, v14;
	v12 =	vperm.xlane v9, v6  }
0x5a: {  	v10 =	vmul.f32 v10, v19;
	[tilespmem:s10+$0x20] =	vst v13;
	v13 =	vmul.f32 v15, v21  }
0x5b: {  	v9 =	vperm.xlane v9, v4;
	[tilespmem:s10+$0x10] =	vst v11;
	v11 =	vmul.f32 v18, v12  }
0x5c: {  	[tilespmem:s10+$0x60] =	vst v10;
	v10 =	vmul.f32 v20, v16  }
0x5d: {  	v9 =	vmul.f32 v17, v9;
	[tilespmem:s10+$0x40] =	vst v13  }
0x5e: {  	[tilespmem:s10+$0x70] =	vst v10  }
0x5f: {  	[tilespmem:s10+$0x50] =	vst v11  }
0x60: {  	v10 =	vld [tilespmem:s15+$0xFFFFFFF0];
	[tilespmem:s10+$0x30] =	vst v9;
	s10 =	smov.u32 s15  }
0x61: {  	v9 =	vld [tilespmem:s11+$0x19590];
	_ =	sdelay $0x4  }
0x62: {  	v10 =	vmul.f32 v9, v10  }
0x63: {  	v9 =	vld [tilespmem:s15+$0xFFFFFF70]  }
0x64: {  	v11 =	vperm.xlane v10, v0;
	vm0 =	vgt.f32 v10, $1.000000000e+00;
	v12 =	vld [tilespmem:s15+$0xFFFFFF90]  }
0x65: {  	v14 =	vld [tilespmem:s15+$0xFFFFFF80]  }
0x66: {  	v17 =	vsel vm0, v10, v11;
	v15 =	vld [tilespmem:s15+$0xFFFFFFB0]  }
0x67: {  	[tilespmem:s15+$0xFFFFFFF0] =	vst v17;
	v10 =	vperm.xlane v17, v1;
	v16 =	vperm.xlane v17, v3;
	v18 =	vld [tilespmem:s15+$0xFFFFFFC0]  }
.Ltmp0:
0x68: {  	v19 =	vperm.xlane v17, v2;
	v11 =	vperm.xlane v17, v4;
	v13 =	vld [tilespmem:s15+$0xFFFFFFA0];
	(pc) =	sbr.rel @p0 .LBB2_3-.Ltmp0, $4  }
0x69: {  	v20 =	vperm.xlane v17, v5;
	v16 =	vmul.f32 v12, v16  }
0x6a: {  	v21 =	vperm.xlane v17, v6;
	v19 =	vmul.f32 v14, v19;
	v12 =	vld [tilespmem:s15+$0xFFFFFFE0]  }
0x6b: {  	v14 =	vperm.xlane v17, v7;
	[tilespmem:s15+$0xFFFFFF90] =	vst v16;
	v16 =	vmul.f32 v15, v20;
	v15 =	vld [tilespmem:s15+$0xFFFFFFD0]  }
0x6c: {  	v17 =	vperm.xlane v17, v8;
	[tilespmem:s15+$0xFFFFFF80] =	vst v19;
	v18 =	vmul.f32 v18, v21  }
0x6d: {  	v9 =	vmul.f32 v9, v10;
	[tilespmem:s10+$0xFFFFFFB0] =	vst v16  }
0x6e: {  	v10 =	vmul.f32 v13, v11;
	[tilespmem:s10+$0xFFFFFFC0] =	vst v18  }
0x6f: {  	[tilespmem:s10+$0xFFFFFF70] =	vst v9;
	v9 =	vmul.f32 v12, v17  }
0x70: {  	[tilespmem:s10+$0xFFFFFFA0] =	vst v10;
	v10 =	vmul.f32 v15, v14  }
0x71: {  	[tilespmem:s10+$0xFFFFFFE0] =	vst v9  }
0x72: {  	v9 =	vld [tilespmem:s10+$0x80];
	[tilespmem:s10+$0xFFFFFFD0] =	vst v10  }
0x73: {  	v10 =	vld [tilespmem:s11+$0x195A0];
	_ =	sdelay $0x4  }
0x74: {  	v9 =	vmul.f32 v10, v9;
	_ =	sdelay $0x1  }
0x75: {  	v12 =	vld [tilespmem:s10+$0x0];
	v11 =	vperm.xlane v9, v0  }
0x76: {  	v13 =	vld [tilespmem:s10+$0x20];
	vm0 =	vgt.f32 v9, $1.000000000e+00  }
0x77: {  	v10 =	vld [tilespmem:s10+$0x60];
	v9 =	vsel vm0, v9, v11  }
0x78: {  	v11 =	vld [tilespmem:s10+$0x10];
	v14 =	vperm.xlane v9, v1  }
0x79: {  	v15 =	vld [tilespmem:s10+$0x40];
	v16 =	vperm.xlane v9, v3  }
0x7a: {  	v18 =	vld [tilespmem:s10+$0x70];
	v19 =	vperm.xlane v9, v7;
	v12 =	vmul.f32 v12, v14  }
0x7b: {  	v17 =	vld [tilespmem:s10+$0x50];
	[tilespmem:s10+$0x80] =	vst v9;
	v14 =	vperm.xlane v9, v2;
	v13 =	vmul.f32 v13, v16  }
0x7c: {  	v20 =	vperm.xlane v9, v5;
	v16 =	vld [tilespmem:s10+$0x30];
	v10 =	vmul.f32 v10, v19;
	[tilespmem:s10+$0x0] =	vst v12  }
0x7d: {  	v11 =	vmul.f32 v11, v14;
	v12 =	vperm.xlane v9, v8;
	[tilespmem:s10+$0x20] =	vst v13  }
0x7e: {  	v13 =	vperm.xlane v9, v6;
	v14 =	vmul.f32 v15, v20;
	[tilespmem:s10+$0x60] =	vst v10  }
0x7f: {  	v9 =	vperm.xlane v9, v4;
	[tilespmem:s10+$0x10] =	vst v11;
	v10 =	vmul.f32 v18, v12  }
0x80: {  	v11 =	vmul.f32 v17, v13;
	[tilespmem:s10+$0x40] =	vst v14  }
0x81: {  	v9 =	vmul.f32 v16, v9;
	[tilespmem:s10+$0x70] =	vst v10  }
0x82: {  	[tilespmem:s10+$0x50] =	vst v11  }
0x83: {  	[tilespmem:s10+$0x30] =	vst v9  }
0x84: {  	[spmem:s1] =	stream.indirect.scatter.add.f32 [tilespmem:s21], [sflag:$0x5], $0x90, s19, s20, $0xb8;
	[tilespmem:$0x1CD40] =	vst v63  }
0x85: {  	s8 =	sadd.s32 s8, s13;
	_ =	swait.ge [sflag:s17], $0x2D00  }
0x86: {  	s8 =	sshrl.u32 s8, $0x3;
	[sflag:s17] =	ssyncset.done $0x0  }
0x87: {  	s9 =	sadd.s32 s6, s8;
	[sflag:s17] =	ssyncadd.s32 $0xFFFFD300  }
0x88: {  	[tilespmem:s18], [sflag:$0x5] =	stream.linear.gather [hbm4b:s9+s3], $0x50, $0x38;
	[tilespmem:$0x1CD40] =	vst v63  }
0x89: {  	_ =	swait.ge [sflag:s17], $0x50  }
0x8a: {  	[sflag:s17] =	ssyncset.done $0x0  }
0x8b: {  	s8 =	sadd.s32 s7, s8;
	[sflag:s17] =	ssyncadd.s32 $0xFFFFFFB0  }
0x8c: {  	[tilespmem:s19], [sflag:$0x5] =	stream.linear.gather [hbm4b:s8+s3], $0x50, $0x38;
	[tilespmem:$0x1CD40] =	vst v63  }
0x8d: {  	_ =	swait.ge [sflag:s17], $0x50  }
0x8e: {  	[sflag:s17] =	ssyncset.done $0x0  }
0x8f: {  	[sflag:s17] =	ssyncadd.s32 $0xFFFFFFB0  }
0x90: {  	[tilespmem:s21], [sflag:$0x1] =	stream.indirect.gather [hbm4b:s4+s20], $0x90, s18, s20, $0xb8;
	[tilespmem:$0x1CD40] =	vst v63  }
0x91: {  	_ = 	snop  }
0x92: {  	[tilespmem:s22], [sflag:$0x2] =	stream.indirect.gather [hbm4b:s5+s20], $0x10, s19, s20, $0xb8;
	[tilespmem:$0x1CD40] =	vst v63  }
0x93: {  	_ =	swait.ge [sflag:s30], $0x2D00  }
0x94: {  	[sflag:s30] =	ssyncset.done $0x0  }
0x95: {  	[sflag:s30] =	ssyncadd.s32 $0xFFFFD300  }
0x96: {  	_ =	swait.ge [sflag:s31], $0x500  }
0x97: {  	[sflag:s31] =	ssyncset.done $0x0  }
0x98: {  	s8 =	simm.s32 $0x19BD0;
	[sflag:s31] =	ssyncadd.s32 $0xFFFFFB00  }
0x99: {  	s10 =	simm.s32 $0x10;
	v9 =	vld [tilespmem:s8+$0xFFFFFFF0]  }
0x9a: {  	v10 =	vld [tilespmem:s10+$0x1C830];
	_ =	sdelay $0x4  }
0x9b: {  	v9 =	vmul.f32 v10, v9;
	_ =	sdelay $0x1  }
0x9c: {  	v12 =	vld [tilespmem:s8+$0xFFFFFF90];
	v10 =	vperm.xlane v9, v0  }
0x9d: {  	v14 =	vld [tilespmem:s8+$0xFFFFFF80];
	vm15 =	vgt.f32 v9, $1.000000000e+00  }
0x9e: {  	v15 =	vld [tilespmem:s8+$0xFFFFFFB0];
	v17 =	vsel vm15, v9, v10  }
0x9f: {  	v18 =	vld [tilespmem:s8+$0xFFFFFFC0];
	v10 =	vperm.xlane v17, v1;
	v13 =	vperm.xlane v17, v3  }
0xa0: {  	v9 =	vld [tilespmem:s8+$0xFFFFFF70];
	v16 =	vperm.xlane v17, v2;
	v11 =	vperm.xlane v17, v4  }
0xa1: {  	v20 =	vperm.xlane v17, v5;
	v19 =	vmul.f32 v12, v13;
	v13 =	vld [tilespmem:s8+$0xFFFFFFA0]  }
0xa2: {  	[tilespmem:s8+$0xFFFFFFF0] =	vst v17;
	v22 =	vperm.xlane v17, v6;
	v21 =	vmul.f32 v14, v16  }
0xa3: {  	v12 =	vld [tilespmem:s8+$0xFFFFFFE0];
	v16 =	vmul.f32 v15, v20;
	v14 =	vperm.xlane v17, v7;
	[tilespmem:s8+$0xFFFFFF90] =	vst v19  }
0xa4: {  	s14 =	simm.s32 $0x19BD0;
	s11 =	simm.s32 $0xC0;
	v15 =	vld [tilespmem:s8+$0xFFFFFFD0];
	v18 =	vmul.f32 v18, v22;
	v17 =	vperm.xlane v17, v8;
	[tilespmem:s8+$0xFFFFFF80] =	vst v21  }
.LBB2_5:
0xa5: {  	p0 =	sne.s32 s11, $0x13C0  }
0xa6: {  	v9 =	vmul.f32 v9, v10;
	v10 =	vmul.f32 v13, v11;
	[tilespmem:s8+$0xFFFFFFB0] =	vst v16;
	s14 =	sadd.s32 $0x120, s14;
	s9 =	smov.u32 s11;
	s11 =	sadd.s32 $0x80, s11  }
0xa7: {  	[tilespmem:s8+$0xFFFFFFC0] =	vst v18  }
0xa8: {  	[tilespmem:s8+$0xFFFFFF70] =	vst v9;
	v9 =	vmul.f32 v12, v17  }
0xa9: {  	[tilespmem:s8+$0xFFFFFFA0] =	vst v10;
	v10 =	vmul.f32 v15, v14  }
0xaa: {  	[tilespmem:s8+$0xFFFFFFE0] =	vst v9  }
0xab: {  	[tilespmem:s8+$0xFFFFFFD0] =	vst v10;
	v9 =	vld [tilespmem:s8+$0x80]  }
0xac: {  	v10 =	vld [tilespmem:s10+$0x1C840];
	_ =	sdelay $0x4  }
0xad: {  	v9 =	vmul.f32 v10, v9  }
0xae: {  	v10 =	vld [tilespmem:s8+$0x60]  }
0xaf: {  	v11 =	vperm.xlane v9, v0;
	v12 =	vld [tilespmem:s8+$0x0]  }
0xb0: {  	s10 =	sshra.s32 s9, $0x2;
	vm0 =	vgt.f32 v9, $1.000000000e+00;
	v13 =	vld [tilespmem:s8+$0x20]  }
0xb1: {  	v9 =	vsel vm0, v9, v11;
	v11 =	vld [tilespmem:s8+$0x10]  }
0xb2: {  	[tilespmem:s8+$0x80] =	vst v9;
	v14 =	vperm.xlane v9, v1;
	v15 =	vld [tilespmem:s8+$0x40];
	v16 =	vperm.xlane v9, v8  }
0xb3: {  	v17 =	vperm.xlane v9, v3;
	v19 =	vperm.xlane v9, v7;
	v18 =	vld [tilespmem:s8+$0x50]  }
0xb4: {  	v12 =	vmul.f32 v12, v14;
	v14 =	vperm.xlane v9, v2;
	v20 =	vld [tilespmem:s8+$0x70]  }
0xb5: {  	v21 =	vperm.xlane v9, v5;
	v13 =	vmul.f32 v13, v17;
	v17 =	vld [tilespmem:s8+$0x30]  }
0xb6: {  	[tilespmem:s8+$0x0] =	vst v12;
	v11 =	vmul.f32 v11, v14;
	v12 =	vperm.xlane v9, v6  }
0xb7: {  	v10 =	vmul.f32 v10, v19;
	[tilespmem:s8+$0x20] =	vst v13;
	v13 =	vmul.f32 v15, v21  }
0xb8: {  	v9 =	vperm.xlane v9, v4;
	[tilespmem:s8+$0x10] =	vst v11;
	v11 =	vmul.f32 v18, v12  }
0xb9: {  	[tilespmem:s8+$0x60] =	vst v10;
	v10 =	vmul.f32 v20, v16  }
0xba: {  	v9 =	vmul.f32 v17, v9;
	[tilespmem:s8+$0x40] =	vst v13  }
0xbb: {  	[tilespmem:s8+$0x70] =	vst v10  }
0xbc: {  	[tilespmem:s8+$0x50] =	vst v11  }
0xbd: {  	v10 =	vld [tilespmem:s14+$0xFFFFFFF0];
	[tilespmem:s8+$0x30] =	vst v9;
	s8 =	smov.u32 s14  }
0xbe: {  	v9 =	vld [tilespmem:s10+$0x1C830];
	_ =	sdelay $0x4  }
0xbf: {  	v10 =	vmul.f32 v9, v10  }
0xc0: {  	v9 =	vld [tilespmem:s14+$0xFFFFFF70]  }
0xc1: {  	v11 =	vperm.xlane v10, v0;
	vm0 =	vgt.f32 v10, $1.000000000e+00;
	v12 =	vld [tilespmem:s14+$0xFFFFFF90]  }
0xc2: {  	v14 =	vld [tilespmem:s14+$0xFFFFFF80]  }
0xc3: {  	v17 =	vsel vm0, v10, v11;
	v15 =	vld [tilespmem:s14+$0xFFFFFFB0]  }
0xc4: {  	[tilespmem:s14+$0xFFFFFFF0] =	vst v17;
	v10 =	vperm.xlane v17, v1;
	v16 =	vperm.xlane v17, v3;
	v18 =	vld [tilespmem:s14+$0xFFFFFFC0]  }
.Ltmp1:
0xc5: {  	v19 =	vperm.xlane v17, v2;
	v11 =	vperm.xlane v17, v4;
	v13 =	vld [tilespmem:s14+$0xFFFFFFA0];
	(pc) =	sbr.rel @p0 .LBB2_5-.Ltmp1, $4  }
0xc6: {  	v20 =	vperm.xlane v17, v5;
	v16 =	vmul.f32 v12, v16  }
0xc7: {  	v21 =	vperm.xlane v17, v6;
	v19 =	vmul.f32 v14, v19;
	v12 =	vld [tilespmem:s14+$0xFFFFFFE0]  }
0xc8: {  	v14 =	vperm.xlane v17, v7;
	[tilespmem:s14+$0xFFFFFF90] =	vst v16;
	v16 =	vmul.f32 v15, v20;
	v15 =	vld [tilespmem:s14+$0xFFFFFFD0]  }
0xc9: {  	v17 =	vperm.xlane v17, v8;
	[tilespmem:s14+$0xFFFFFF80] =	vst v19;
	v18 =	vmul.f32 v18, v21  }
0xca: {  	v9 =	vmul.f32 v9, v10;
	[tilespmem:s8+$0xFFFFFFB0] =	vst v16  }
0xcb: {  	v10 =	vmul.f32 v13, v11;
	[tilespmem:s8+$0xFFFFFFC0] =	vst v18  }
0xcc: {  	[tilespmem:s8+$0xFFFFFF70] =	vst v9;
	v9 =	vmul.f32 v12, v17  }
0xcd: {  	[tilespmem:s8+$0xFFFFFFA0] =	vst v10;
	v10 =	vmul.f32 v15, v14  }
0xce: {  	[tilespmem:s8+$0xFFFFFFE0] =	vst v9  }
0xcf: {  	v9 =	vld [tilespmem:s8+$0x80];
	[tilespmem:s8+$0xFFFFFFD0] =	vst v10  }
0xd0: {  	v10 =	vld [tilespmem:s10+$0x1C840];
	_ =	sdelay $0x4  }
0xd1: {  	v9 =	vmul.f32 v10, v9;
	_ =	sdelay $0x1  }
0xd2: {  	v11 =	vperm.xlane v9, v0  }
0xd3: {  	v52 =	vld [tilespmem:s8+$0x0];
	vm0 =	vgt.f32 v9, $1.000000000e+00  }
0xd4: {  	v53 =	vld [tilespmem:s8+$0x20];
	v9 =	vsel vm0, v9, v11  }
0xd5: {  	v10 =	vld [tilespmem:s8+$0x60];
	v54 =	vperm.xlane v9, v1  }
0xd6: {  	v55 =	vld [tilespmem:s8+$0x40];
	v56 =	vperm.xlane v9, v3;
	v58 =	vperm.xlane v9, v2  }
0xd7: {  	v60 =	vld [tilespmem:s8+$0x30];
	v19 =	vperm.xlane v9, v7;
	v20 =	vperm.xlane v9, v5  }
0xd8: {  	v11 =	vld [tilespmem:s8+$0x10];
	v61 =	vperm.xlane v9, v8;
	v12 =	vmul.f32 v52, v54  }
0xd9: {  	v59 =	vld [tilespmem:s8+$0x70];
	[tilespmem:s8+$0x80] =	vst v9;
	v62 =	vperm.xlane v9, v6;
	v13 =	vmul.f32 v53, v56  }
0xda: {  	v57 =	vld [tilespmem:s8+$0x50];
	v9 =	vperm.xlane v9, v4;
	v10 =	vmul.f32 v10, v19;
	[tilespmem:s8+$0x0] =	vst v12  }
0xdb: {  	v63 =	vmul.f32 v55, v20;
	[tilespmem:s8+$0x20] =	vst v13  }
0xdc: {  	v9 =	vmul.f32 v60, v9;
	[tilespmem:s8+$0x60] =	vst v10  }
0xdd: {  	v11 =	vmul.f32 v11, v58;
	[tilespmem:s8+$0x40] =	vst v63  }
0xde: {  	v10 =	vmul.f32 v59, v61;
	[tilespmem:s8+$0x30] =	vst v9  }
0xdf: {  	s2 =	sadd.s32 $0x1, s2;
	[tilespmem:s8+$0x10] =	vst v11;
	v11 =	vmul.f32 v57, v62  }
0xe0: {  	p0 =	sne.s32 s2, $0x3E;
	[tilespmem:s8+$0x70] =	vst v10  }
.Ltmp2:
0xe1: {  	[tilespmem:s8+$0x50] =	vst v11;
	(pc) =	sbr.rel @p0 .LBB2_2-.Ltmp2, $4  }
0xe2: {  	[spmem:s1] =	stream.indirect.scatter.add.f32 [tilespmem:s25], [sflag:$0x5], $0x90, s24, s20, $0xb8;
	[tilespmem:$0x1CD40] =	vst v63  }
0xe3: {  	_ =	swait.ge [sflag:s17], $0x2D00  }
0xe4: {  	[sflag:s17] =	ssyncset.done $0x0  }
0xe5: {  	[sflag:s17] =	ssyncadd.s32 $0xFFFFD300  }
0xe6: {  	_ =	swait.ge [sflag:s28], $0x2D00  }
0xe7: {  	[sflag:s28] =	ssyncset.done $0x0  }
0xe8: {  	[sflag:s28] =	ssyncadd.s32 $0xFFFFD300  }
0xe9: {  	_ =	swait.ge [sflag:s29], $0x500  }
0xea: {  	[sflag:s29] =	ssyncset.done $0x0  }
0xeb: {  	s2 =	simm.s32 $0x16930;
	[sflag:s29] =	ssyncadd.s32 $0xFFFFFB00  }
0xec: {  	s8 =	simm.s32 $0x10;
	v9 =	vld [tilespmem:s2+$0xFFFFFFF0]  }
0xed: {  	v10 =	vld [tilespmem:s8+$0x19590];
	_ =	sdelay $0x4  }
0xee: {  	v9 =	vmul.f32 v10, v9;
	_ =	sdelay $0x1  }
0xef: {  	v12 =	vld [tilespmem:s2+$0xFFFFFF90];
	v10 =	vperm.xlane v9, v0  }
0xf0: {  	v14 =	vld [tilespmem:s2+$0xFFFFFF80];
	vm0 =	vgt.f32 v9, $1.000000000e+00  }
0xf1: {  	v15 =	vld [tilespmem:s2+$0xFFFFFFB0];
	v17 =	vsel vm0, v9, v10  }
0xf2: {  	v18 =	vld [tilespmem:s2+$0xFFFFFFC0];
	v10 =	vperm.xlane v17, v1;
	v13 =	vperm.xlane v17, v3  }
0xf3: {  	v9 =	vld [tilespmem:s2+$0xFFFFFF70];
	v16 =	vperm.xlane v17, v2;
	v11 =	vperm.xlane v17, v4  }
0xf4: {  	v20 =	vperm.xlane v17, v5;
	v19 =	vmul.f32 v12, v13;
	v13 =	vld [tilespmem:s2+$0xFFFFFFA0]  }
0xf5: {  	[tilespmem:s2+$0xFFFFFFF0] =	vst v17;
	v22 =	vperm.xlane v17, v6;
	v21 =	vmul.f32 v14, v16  }
0xf6: {  	v12 =	vld [tilespmem:s2+$0xFFFFFFE0];
	v16 =	vmul.f32 v15, v20;
	v14 =	vperm.xlane v17, v7;
	[tilespmem:s2+$0xFFFFFF90] =	vst v19  }
0xf7: {  	s10 =	simm.s32 $0xC0;
	s11 =	simm.s32 $0x16930;
	v15 =	vld [tilespmem:s2+$0xFFFFFFD0];
	v18 =	vmul.f32 v18, v22;
	v17 =	vperm.xlane v17, v8;
	[tilespmem:s2+$0xFFFFFF80] =	vst v21  }
.LBB2_8:
0xf8: {  	p0 =	sne.s32 s10, $0x13C0  }
0xf9: {  	v9 =	vmul.f32 v9, v10;
	v10 =	vmul.f32 v13, v11;
	[tilespmem:s2+$0xFFFFFFB0] =	vst v16;
	s11 =	sadd.s32 $0x120, s11;
	s9 =	smov.u32 s10;
	s10 =	sadd.s32 $0x80, s10  }
0xfa: {  	[tilespmem:s2+$0xFFFFFFC0] =	vst v18  }
0xfb: {  	[tilespmem:s2+$0xFFFFFF70] =	vst v9;
	v9 =	vmul.f32 v12, v17  }
0xfc: {  	[tilespmem:s2+$0xFFFFFFA0] =	vst v10;
	v10 =	vmul.f32 v15, v14  }
0xfd: {  	[tilespmem:s2+$0xFFFFFFE0] =	vst v9  }
0xfe: {  	[tilespmem:s2+$0xFFFFFFD0] =	vst v10;
	v9 =	vld [tilespmem:s2+$0x80]  }
0xff: {  	v10 =	vld [tilespmem:s8+$0x195A0];
	_ =	sdelay $0x4  }
0x100: {  	v9 =	vmul.f32 v10, v9  }
0x101: {  	v10 =	vld [tilespmem:s2+$0x60]  }
0x102: {  	v11 =	vperm.xlane v9, v0;
	v12 =	vld [tilespmem:s2+$0x0]  }
0x103: {  	s8 =	sshra.s32 s9, $0x2;
	vm0 =	vgt.f32 v9, $1.000000000e+00;
	v13 =	vld [tilespmem:s2+$0x20]  }
0x104: {  	v9 =	vsel vm0, v9, v11;
	v11 =	vld [tilespmem:s2+$0x10]  }
0x105: {  	[tilespmem:s2+$0x80] =	vst v9;
	v14 =	vperm.xlane v9, v1;
	v15 =	vld [tilespmem:s2+$0x40];
	v16 =	vperm.xlane v9, v8  }
0x106: {  	v17 =	vperm.xlane v9, v3;
	v19 =	vperm.xlane v9, v7;
	v18 =	vld [tilespmem:s2+$0x50]  }
0x107: {  	v12 =	vmul.f32 v12, v14;
	v14 =	vperm.xlane v9, v2;
	v20 =	vld [tilespmem:s2+$0x70]  }
0x108: {  	v21 =	vperm.xlane v9, v5;
	v13 =	vmul.f32 v13, v17;
	v17 =	vld [tilespmem:s2+$0x30]  }
0x109: {  	[tilespmem:s2+$0x0] =	vst v12;
	v11 =	vmul.f32 v11, v14;
	v12 =	vperm.xlane v9, v6  }
0x10a: {  	v10 =	vmul.f32 v10, v19;
	[tilespmem:s2+$0x20] =	vst v13;
	v13 =	vmul.f32 v15, v21  }
0x10b: {  	v9 =	vperm.xlane v9, v4;
	[tilespmem:s2+$0x10] =	vst v11;
	v11 =	vmul.f32 v18, v12  }
0x10c: {  	[tilespmem:s2+$0x60] =	vst v10;
	v10 =	vmul.f32 v20, v16  }
0x10d: {  	v9 =	vmul.f32 v17, v9;
	[tilespmem:s2+$0x40] =	vst v13  }
0x10e: {  	[tilespmem:s2+$0x70] =	vst v10  }
0x10f: {  	[tilespmem:s2+$0x50] =	vst v11  }
0x110: {  	v10 =	vld [tilespmem:s11+$0xFFFFFFF0];
	[tilespmem:s2+$0x30] =	vst v9;
	s2 =	smov.u32 s11  }
0x111: {  	v9 =	vld [tilespmem:s8+$0x19590];
	_ =	sdelay $0x4  }
0x112: {  	v10 =	vmul.f32 v9, v10  }
0x113: {  	v9 =	vld [tilespmem:s11+$0xFFFFFF70]  }
0x114: {  	v11 =	vperm.xlane v10, v0;
	vm0 =	vgt.f32 v10, $1.000000000e+00;
	v12 =	vld [tilespmem:s11+$0xFFFFFF90]  }
0x115: {  	v14 =	vld [tilespmem:s11+$0xFFFFFF80]  }
0x116: {  	v17 =	vsel vm0, v10, v11;
	v15 =	vld [tilespmem:s11+$0xFFFFFFB0]  }
0x117: {  	[tilespmem:s11+$0xFFFFFFF0] =	vst v17;
	v10 =	vperm.xlane v17, v1;
	v16 =	vperm.xlane v17, v3;
	v18 =	vld [tilespmem:s11+$0xFFFFFFC0]  }
.Ltmp3:
0x118: {  	v19 =	vperm.xlane v17, v2;
	v11 =	vperm.xlane v17, v4;
	v13 =	vld [tilespmem:s11+$0xFFFFFFA0];
	(pc) =	sbr.rel @p0 .LBB2_8-.Ltmp3, $4  }
0x119: {  	v20 =	vperm.xlane v17, v5;
	v16 =	vmul.f32 v12, v16  }
0x11a: {  	v21 =	vperm.xlane v17, v6;
	v19 =	vmul.f32 v14, v19;
	v12 =	vld [tilespmem:s11+$0xFFFFFFE0]  }
0x11b: {  	v14 =	vperm.xlane v17, v7;
	[tilespmem:s11+$0xFFFFFF90] =	vst v16;
	v16 =	vmul.f32 v15, v20;
	v15 =	vld [tilespmem:s11+$0xFFFFFFD0]  }
0x11c: {  	v17 =	vperm.xlane v17, v8;
	[tilespmem:s11+$0xFFFFFF80] =	vst v19;
	v18 =	vmul.f32 v18, v21  }
0x11d: {  	v9 =	vmul.f32 v9, v10;
	[tilespmem:s2+$0xFFFFFFB0] =	vst v16  }
0x11e: {  	v10 =	vmul.f32 v13, v11;
	[tilespmem:s2+$0xFFFFFFC0] =	vst v18  }
0x11f: {  	[tilespmem:s2+$0xFFFFFF70] =	vst v9;
	v9 =	vmul.f32 v12, v17  }
0x120: {  	[tilespmem:s2+$0xFFFFFFA0] =	vst v10;
	v10 =	vmul.f32 v15, v14  }
0x121: {  	[tilespmem:s2+$0xFFFFFFE0] =	vst v9  }
0x122: {  	v9 =	vld [tilespmem:s2+$0x80];
	[tilespmem:s2+$0xFFFFFFD0] =	vst v10  }
0x123: {  	v10 =	vld [tilespmem:s8+$0x195A0];
	_ =	sdelay $0x4  }
0x124: {  	v9 =	vmul.f32 v10, v9;
	_ =	sdelay $0x1  }
0x125: {  	v11 =	vperm.xlane v9, v0  }
0x126: {  	v52 =	vld [tilespmem:s2+$0x0];
	vm0 =	vgt.f32 v9, $1.000000000e+00  }
0x127: {  	v53 =	vld [tilespmem:s2+$0x20];
	v9 =	vsel vm0, v9, v11  }
0x128: {  	v10 =	vld [tilespmem:s2+$0x60];
	v54 =	vperm.xlane v9, v1  }
0x129: {  	v55 =	vld [tilespmem:s2+$0x40];
	v56 =	vperm.xlane v9, v3;
	v58 =	vperm.xlane v9, v2  }
0x12a: {  	v60 =	vld [tilespmem:s2+$0x30];
	v19 =	vperm.xlane v9, v7;
	v20 =	vperm.xlane v9, v5  }
0x12b: {  	v11 =	vld [tilespmem:s2+$0x10];
	v61 =	vperm.xlane v9, v8;
	v12 =	vmul.f32 v52, v54  }
0x12c: {  	v59 =	vld [tilespmem:s2+$0x70];
	[tilespmem:s2+$0x80] =	vst v9;
	v62 =	vperm.xlane v9, v6;
	v13 =	vmul.f32 v53, v56  }
0x12d: {  	v57 =	vld [tilespmem:s2+$0x50];
	v9 =	vperm.xlane v9, v4;
	v10 =	vmul.f32 v10, v19;
	[tilespmem:s2+$0x0] =	vst v12  }
0x12e: {  	v63 =	vmul.f32 v55, v20;
	[tilespmem:s2+$0x20] =	vst v13  }
0x12f: {  	v9 =	vmul.f32 v60, v9;
	[tilespmem:s2+$0x60] =	vst v10  }
0x130: {  	v11 =	vmul.f32 v11, v58;
	[tilespmem:s2+$0x40] =	vst v63  }
0x131: {  	v10 =	vmul.f32 v59, v61;
	[tilespmem:s2+$0x30] =	vst v9  }
0x132: {  	[tilespmem:s2+$0x10] =	vst v11;
	v11 =	vmul.f32 v57, v62  }
0x133: {  	[tilespmem:s2+$0x70] =	vst v10  }
0x134: {  	[tilespmem:s2+$0x50] =	vst v11  }
0x135: {  	[spmem:s1] =	stream.indirect.scatter.add.f32 [tilespmem:s21], [sflag:$0x5], $0x90, s19, s20, $0xb8;
	[tilespmem:$0x1CD40] =	vst v63  }
0x136: {  	_ =	swait.ge [sflag:s17], $0x2D00  }
0x137: {  	[sflag:s17] =	ssyncset.done $0x0  }
0x138: {  	[sflag:s17] =	ssyncadd.s32 $0xFFFFD300  }
0x139: {  	[bflag:$0x0] =	sbarrier.arrive $0xFFFF  }
0x13a: {  	s15 =	rddreg [dreg:$0x6]  }
0x13b: {  	s8 =	rddreg [dreg:$0x8]  }
0x13c: {  	[hbm:s15], [sflag:s16] =	dma.local [spmem:s8], $0x2D00  }
0x13d: {  	_ =	swait.ge [sflag:s17], $0x2D00  }
0x13e: {  	s9 =	smov.u32 s16;
	s0 =	sadd.s32 $0x1, s0;
	s16 =	rddreg [dreg:$0x7]  }
0x13f: {  	p0 =	sne.s32 s0, s16  }
.Ltmp4:
0x140: {  	_ = 	snop;
	(pc) =	sbr.rel @p0 .LBB2_1-.Ltmp4, $3  }
0x141: {  	_ =	sdelay $0x1  }
0x142: {  	[sflag:s17] =	ssyncset.done $0x0  }
0x143: {  	[sflag:s17] =	ssyncadd.s32 $0xFFFFD300  }
0x144: {  	_ =	sfence.sel $0x180000  }
0x145: {  	[bflag:$0x0] =	sbarrier.arrive $0xFFFF  }
0x146: {  	_ =	strace $0x90000047  }
0x147: {  	s0 =	stileid.u32;
	[bflag:$0x2] =	sbarrier.arrive $0xFFFF  }
0x148: {  	p0 =	sne.s32 s0, $0x0;
	s0 =	rddreg [dreg:$0x2]  }
0x149: {  	s0 =	sadd.s32 @!p0 $0x100000, s0  }
0x14a: {  	[sflag:s0] =	ssyncadd.tile.s32 @!p0 $0x1;
	_ =	shalt  }
.Lfunc_end2:
_tile_overlayer_lowered:
.L_overlay_start_2:
0x14b: {  	(tag) =	ssettag $0x2  }
0x14c: {  	s0 =	rddreg [dreg:$0x0];
	s2 =	stileid.u32  }
0x14d: {  	s1 =	rddreg [dreg:$0x1];
	p0 =	sne.s32 s2, $0x0  }
0x14e: {  	s3 =	rddreg [dreg:$0x2];
	[bflag:$0x3] =	sbarrier.arrive $0xFFFF;
	s2 =	simm.s32 @!p0 $0x1C05  }
0x14f: {  	[timem:s3], [sflag:s2] =	dma.local @!p0 [hbm:s0], s1  }
0x150: {  	s0 =	simm.s32 @!p0 $0x5  }
0x151: {  	_ =	swait.ge @!p0 [sflag:s0], s1  }
0x152: {  	s1 =	ssub.s32 @!p0 $0x0, s1;
	[sflag:s0] =	ssyncset.done @!p0 $0x0  }
0x153: {  	[sflag:s0] =	ssyncadd.s32 @!p0 s1  }
0x154: {  	[bflag:$0x3] =	sbarrier.arrive $0xFFFF  }
0x155: {  	_ =	shalt  }

</sc_bundles>
